<compile_context>
chip_gen: v7x
topology: tpu7x:2x2x1
jax: 0.10.2.dev20260603
libtpu: 0.0.44.dev20260713+nightly
codegen_flags: <defaults>
</compile_context>

<pallas_src>
import functools

import jax
import jax.numpy as jnp
from jax import lax
from jax.experimental import pallas as pl
from jax.experimental.pallas import tpu as pltpu
from jax.experimental.pallas import tpu_sc as plsc

N = 10000
D = 256
H = 128
E = 160000
NS = 16
CHUNK = 128
CPT = 80
GC = 40
EPT = CPT * CHUNK
E_PER_TILE_REAL = E // NS
PAD_PER_TILE = EPT - E_PER_TILE_REAL
ROWS_PT = 632
N_PAD = NS * ROWS_PT

_mesh = plsc.VectorSubcoreMesh(core_axis_name="c", subcore_axis_name="s")


@functools.partial(
    pl.kernel,
    mesh=_mesh,
    out_type=[
        jax.ShapeDtypeStruct((N_PAD,), jnp.float32),
        jax.ShapeDtypeStruct((N_PAD,), jnp.float32),
    ],
    scratch_types=[
        pltpu.VMEM((CPT, CHUNK), jnp.int32),
        pltpu.VMEM((CPT, CHUNK), jnp.float32),
        pltpu.VMEM((ROWS_PT,), jnp.float32),
        pltpu.VMEM_SHARED((N_PAD,), jnp.float32),
    ],
)
def _deg_kernel(dst0_hbm, dst1_hbm, deg0_hbm, deg1_hbm, dstv, onesv, degv,
                acc):
    c = lax.axis_index("c")
    s = lax.axis_index("s")

    def orow(i, carry):
        for k in range(CHUNK // 16):
            onesv[i, pl.ds(k * 16, 16)] = jnp.ones((16,), jnp.float32)
        return carry

    lax.fori_loop(0, CPT, orow, 0)
    base = s * ROWS_PT
    for k in range(ROWS_PT // CHUNK):
        pltpu.sync_copy(onesv.at[0], acc.at[pl.ds(base + k * CHUNK, CHUNK)])
    rem = ROWS_PT - (ROWS_PT // CHUNK) * CHUNK
    if rem:
        pltpu.sync_copy(
            onesv.at[0, pl.ds(0, rem)],
            acc.at[pl.ds(base + (ROWS_PT // CHUNK) * CHUNK, rem)],
        )
    plsc.subcore_barrier()

    def _histogram(dst_hbm):
        pltpu.sync_copy(dst_hbm.at[s], dstv)

        def body(j, carry):
            pltpu.sync_copy(onesv.at[j], acc.at[dstv.at[j]], add=True)
            return carry

        lax.fori_loop(0, CPT, body, 0)

    @pl.when(c == 0)
    def _():
        _histogram(dst0_hbm)

    @pl.when(c == 1)
    def _():
        _histogram(dst1_hbm)

    plsc.subcore_barrier()

    pltpu.sync_copy(acc.at[pl.ds(base, ROWS_PT)], degv)

    @pl.when(c == 0)
    def _():
        pltpu.sync_copy(degv, deg0_hbm.at[pl.ds(base, ROWS_PT)])

    @pl.when(c == 1)
    def _():
        pltpu.sync_copy(degv, deg1_hbm.at[pl.ds(base, ROWS_PT)])


@functools.partial(
    pl.kernel,
    mesh=_mesh,
    out_type=[
        jax.ShapeDtypeStruct((N_PAD, H), jnp.float32),
        jax.ShapeDtypeStruct((N_PAD, H), jnp.float32),
    ],
    scratch_types=[
        pltpu.VMEM((GC, CHUNK), jnp.int32),
        pltpu.VMEM((GC, CHUNK), jnp.int32),
        pltpu.VMEM((CHUNK, H), jnp.float32),
        pltpu.VMEM((CHUNK, H), jnp.float32),
        pltpu.VMEM_SHARED((N_PAD, H), jnp.float32),
        pltpu.SemaphoreType.DMA,
        pltpu.SemaphoreType.DMA,
        pltpu.SemaphoreType.DMA,
        pltpu.SemaphoreType.DMA,
    ],
)
def _scatter_kernel(hlo_hbm, hhi_hbm, src_hbm, dst_hbm, outlo_hbm, outhi_hbm,
                    srcv, dstv, buf0, buf1, acc, sg0, sg1, ss0, ss1):
    c = lax.axis_index("c")
    s = lax.axis_index("s")
    base = s * ROWS_PT

    def zrow(i, carry):
        for k in range(H // 16):
            buf0[i, pl.ds(k * 16, 16)] = jnp.zeros((16,), jnp.float32)
        return carry

    pltpu.async_copy(src_hbm.at[s, pl.ds(0, GC)], srcv, sg0)
    pltpu.async_copy(dst_hbm.at[s, pl.ds(0, GC)], dstv, sg1)
    lax.fori_loop(0, CHUNK, zrow, 0)
    for k in range(ROWS_PT // CHUNK):
        pltpu.sync_copy(buf0, acc.at[pl.ds(base + k * CHUNK, CHUNK)])
    rem = ROWS_PT - (ROWS_PT // CHUNK) * CHUNK
    if rem:
        pltpu.sync_copy(
            buf0.at[pl.ds(0, rem)],
            acc.at[pl.ds(base + (ROWS_PT // CHUNK) * CHUNK, rem)],
        )
    pltpu.make_async_copy(src_hbm.at[s, pl.ds(0, GC)], srcv, sg0).wait()
    pltpu.make_async_copy(dst_hbm.at[s, pl.ds(0, GC)], dstv, sg1).wait()
    plsc.subcore_barrier()

    def run(h_ref):
        def gather(j, buf, sem):
            return pltpu.async_copy(h_ref.at[srcv.at[j]], buf, sem)

        def scat(j, buf, sem):
            return pltpu.async_copy(buf, acc.at[dstv.at[j]], sem, add=True)

        def wait_g(j, buf, sem):
            pltpu.make_async_copy(h_ref.at[srcv.at[j]], buf, sem).wait()

        def wait_s(j, buf, sem):
            pltpu.make_async_copy(buf, acc.at[dstv.at[j]], sem).wait()

        def group(g, carry):
            @pl.when(g > 0)
            def _():
                pltpu.sync_copy(src_hbm.at[s, pl.ds(g * GC, GC)], srcv)
                pltpu.sync_copy(dst_hbm.at[s, pl.ds(g * GC, GC)], dstv)

            gather(0, buf0, sg0)

            def body(i, carry2):
                j0 = 2 * i
                gather(j0 + 1, buf1, sg1)
                wait_g(j0, buf0, sg0)
                pltpu.sync_copy(buf0, acc.at[dstv.at[j0]], add=True)

                @pl.when(j0 + 2 < GC)
                def _():
                    gather(j0 + 2, buf0, sg0)

                wait_g(j0 + 1, buf1, sg1)
                pltpu.sync_copy(buf1, acc.at[dstv.at[j0 + 1]], add=True)
                return carry2

            lax.fori_loop(0, GC // 2, body, 0)
            return carry

        lax.fori_loop(0, CPT // GC, group, 0)

    @pl.when(c == 0)
    def _():
        run(hlo_hbm)

    @pl.when(c == 1)
    def _():
        run(hhi_hbm)

    plsc.subcore_barrier()

    def drain(out_hbm):
        hops = [(k * CHUNK, CHUNK) for k in range(ROWS_PT // CHUNK)]
        rem2 = ROWS_PT - (ROWS_PT // CHUNK) * CHUNK
        if rem2:
            hops.append(((ROWS_PT // CHUNK) * CHUNK, rem2))
        pend = [None, None]
        for k, (off, sz) in enumerate(hops):
            buf = (buf0 if k % 2 == 0 else buf1).at[pl.ds(0, sz)]
            sem = sg0 if k % 2 == 0 else sg1
            if pend[k % 2] is not None:
                pend[k % 2].wait()
            pltpu.sync_copy(acc.at[pl.ds(base + off, sz)], buf)
            pltpu.async_copy(buf, out_hbm.at[pl.ds(base + off, sz)], sem)
            pend[k % 2] = pltpu.make_async_copy(
                buf, out_hbm.at[pl.ds(base + off, sz)], sem)
        for p in pend:
            if p is not None:
                p.wait()

    @pl.when(c == 0)
    def _():
        drain(outlo_hbm)

    @pl.when(c == 1)
    def _():
        drain(outhi_hbm)


_RB = 2000
_GRID = N // _RB


def _b0_body(x_ref, w_ref, deg_ref, lo_ref, hi_ref):
    a = lax.rsqrt(deg_ref[...])
    h = jnp.dot(x_ref[...], w_ref[...], preferred_element_type=jnp.float32) * a
    lo_ref[...] = h[:, :H]
    hi_ref[...] = h[:, H:]


def _mm_scale(x, w, deg):
    return pl.pallas_call(
        _b0_body,
        grid=(_GRID,),
        in_specs=[
            pl.BlockSpec((_RB, D), lambda i: (i, 0)),
            pl.BlockSpec((D, D), lambda i: (0, 0)),
            pl.BlockSpec((_RB, 1), lambda i: (i, 0)),
        ],
        out_specs=[
            pl.BlockSpec((_RB, H), lambda i: (i, 0)),
            pl.BlockSpec((_RB, H), lambda i: (i, 0)),
        ],
        out_shape=[
            jax.ShapeDtypeStruct((N, H), jnp.float32),
            jax.ShapeDtypeStruct((N, H), jnp.float32),
        ],
    )(x, w, deg)


def _b1_body(slo_ref, shi_ref, hlo_ref, hhi_ref, deg0_ref, b_ref, w_ref,
             deg1_ref, lo_ref, hi_ref):
    a0 = lax.rsqrt(deg0_ref[...])
    sfull = jnp.concatenate([slo_ref[...], shi_ref[...]], axis=1)
    hfull = jnp.concatenate([hlo_ref[...], hhi_ref[...]], axis=1)
    z = jnp.maximum(a0 * (sfull + hfull) + b_ref[...], 0.0)
    h1 = jnp.dot(z, w_ref[...], preferred_element_type=jnp.float32)
    h1 = h1 * lax.rsqrt(deg1_ref[...])
    lo_ref[...] = h1[:, :H]
    hi_ref[...] = h1[:, H:]


def _fused_mid(slo, shi, hlo, hhi, deg0, b0, w1, deg1):
    return pl.pallas_call(
        _b1_body,
        grid=(_GRID,),
        in_specs=[
            pl.BlockSpec((_RB, H), lambda i: (i, 0)),
            pl.BlockSpec((_RB, H), lambda i: (i, 0)),
            pl.BlockSpec((_RB, H), lambda i: (i, 0)),
            pl.BlockSpec((_RB, H), lambda i: (i, 0)),
            pl.BlockSpec((_RB, 1), lambda i: (i, 0)),
            pl.BlockSpec((1, D), lambda i: (0, 0)),
            pl.BlockSpec((D, D), lambda i: (0, 0)),
            pl.BlockSpec((_RB, 1), lambda i: (i, 0)),
        ],
        out_specs=[
            pl.BlockSpec((_RB, H), lambda i: (i, 0)),
            pl.BlockSpec((_RB, H), lambda i: (i, 0)),
        ],
        out_shape=[
            jax.ShapeDtypeStruct((N, H), jnp.float32),
            jax.ShapeDtypeStruct((N, H), jnp.float32),
        ],
    )(slo, shi, hlo, hhi, deg0, b0, w1, deg1)


def _b2_body(slo_ref, shi_ref, hlo_ref, hhi_ref, deg_ref, b_ref, out_ref):
    a = lax.rsqrt(deg_ref[...])
    sfull = jnp.concatenate([slo_ref[...], shi_ref[...]], axis=1)
    hfull = jnp.concatenate([hlo_ref[...], hhi_ref[...]], axis=1)
    out_ref[...] = a * (sfull + hfull) + b_ref[...]


def _final(slo, shi, hlo, hhi, deg, b):
    return pl.pallas_call(
        _b2_body,
        grid=(_GRID,),
        in_specs=[
            pl.BlockSpec((_RB, H), lambda i: (i, 0)),
            pl.BlockSpec((_RB, H), lambda i: (i, 0)),
            pl.BlockSpec((_RB, H), lambda i: (i, 0)),
            pl.BlockSpec((_RB, H), lambda i: (i, 0)),
            pl.BlockSpec((_RB, 1), lambda i: (i, 0)),
            pl.BlockSpec((1, D), lambda i: (0, 0)),
        ],
        out_specs=pl.BlockSpec((_RB, D), lambda i: (i, 0)),
        out_shape=jax.ShapeDtypeStruct((N, D), jnp.float32),
    )(slo, shi, hlo, hhi, deg, b)


def _prep_edges(src, dst):
    pad_src = (jnp.arange(NS * PAD_PER_TILE, dtype=jnp.int32) * 37) % N
    pad_dst = jnp.full((NS * PAD_PER_TILE,), N, jnp.int32)
    src_t = jnp.concatenate(
        [src.reshape(NS, E_PER_TILE_REAL), pad_src.reshape(NS, PAD_PER_TILE)],
        axis=1).reshape(NS, CPT, CHUNK)
    dst_t = jnp.concatenate(
        [dst.reshape(NS, E_PER_TILE_REAL), pad_dst.reshape(NS, PAD_PER_TILE)],
        axis=1).reshape(NS, CPT, CHUNK)
    return src_t, dst_t


def kernel(x, edge_index_list, W0, b0, W1, b1):
    e = edge_index_list.astype(jnp.int32)
    src0, dst0 = _prep_edges(e[0, 0], e[0, 1])
    src1, dst1 = _prep_edges(e[1, 0], e[1, 1])

    deg0, deg1 = _deg_kernel(dst0, dst1)
    deg0 = deg0.reshape(N_PAD, 1)
    deg1 = deg1.reshape(N_PAD, 1)

    h0lo, h0hi = _mm_scale(x, W0, deg0)
    s0lo, s0hi = _scatter_kernel(h0lo, h0hi, src0, dst0)
    h1lo, h1hi = _fused_mid(s0lo, s0hi, h0lo, h0hi, deg0,
                            b0.reshape(1, D), W1, deg1)
    s1lo, s1hi = _scatter_kernel(h1lo, h1hi, src1, dst1)
    return _final(s1lo, s1hi, h1lo, h1hi, deg1, b1.reshape(1, D))

# --- scband reference (transcript-rebuilt; emitter-appended) ---
"""Pipeline reference for scband-peabase-channel-32487132627491 (READ-ONLY COPY).

The authoritative reference and input builder live on the scoring server;
editing this copy changes nothing except your own understanding.
"""

import jax, jax.numpy as jnp
import numpy as np

N_NODES = 10000
E_EDGES = 160000
D = 256
NUM_STEPS = 2


def gcn_conv(x, edge_index, W, b):
    # Faithful GCNConv: add self-loops, symmetric degree normalization,
    # linear transform, scatter-add aggregation by dst, add bias.
    N = x.shape[0]
    loop = jnp.arange(N, dtype=edge_index.dtype)
    src = jnp.concatenate([edge_index[0], loop])
    dst = jnp.concatenate([edge_index[1], loop])
    deg = jnp.zeros((N,), dtype=x.dtype).at[dst].add(1.0)
    deg_inv_sqrt = jax.lax.rsqrt(deg)  # deg >= 1 due to self-loops
    norm = deg_inv_sqrt[src] * deg_inv_sqrt[dst]
    h = x @ W
    msg = h[src] * norm[:, None]
    out = jnp.zeros_like(h).at[dst].add(msg)
    return out + b


def setup_inputs(seed: int = 0) -> dict:
    key = jax.random.key(seed)
    k_x, k_e, k_w0, k_w1 = jax.random.split(key, 4)
    x = jax.random.normal(k_x, (N_NODES, D), dtype=jnp.float32)
    edge_index_list = jax.random.randint(k_e, (NUM_STEPS, 2, E_EDGES), 0, N_NODES, dtype=jnp.int64)
    scale = 1.0 / np.sqrt(D)
    W0 = jax.random.normal(k_w0, (D, D), dtype=jnp.float32) * scale
    b0 = jnp.zeros((D,), dtype=jnp.float32)
    W1 = jax.random.normal(k_w1, (D, D), dtype=jnp.float32) * scale
    b1 = jnp.zeros((D,), dtype=jnp.float32)
    return {"x": x, "edge_index_list": edge_index_list, "W0": W0, "b0": b0, "W1": W1, "b1": b1}


def reference(x, edge_index_list, W0, b0, W1, b1):
    # PEABaseChannel.forward: relu after all layers except the last.
    h = jax.nn.relu(gcn_conv(x, edge_index_list[0], W0, b0))
    out = gcn_conv(h, edge_index_list[1], W1, b1)
    return out

if __name__ == "__main__":
    import jax
    _d = setup_inputs()
    print(jax.jit(kernel)(*tuple(_d.values())))

</pallas_src>

<mosaic_0001>
#map = affine_map<(d0, d1) -> (0, 0, 0)>
#map1 = affine_map<(d0, d1) -> (0)>
module attributes {stable_mosaic.version = 14 : i64} {
  func.func @_deg_kernel(%arg0: i32, %arg1: i32, %arg2: memref<16x80x128xi32, #tpu.memory_space<hbm>>, %arg3: memref<16x80x128xi32, #tpu.memory_space<hbm>>, %arg4: memref<10112xf32, #tpu.memory_space<hbm>>, %arg5: memref<10112xf32, #tpu.memory_space<hbm>>, %arg6: memref<80x128xi32, #tpu.memory_space<vmem>>, %arg7: memref<80x128xf32, #tpu.memory_space<vmem>>, %arg8: memref<632xf32, #tpu.memory_space<vmem>>, %arg9: memref<10112xf32, #tpu.memory_space<vmem_shared>>) attributes {dimension_semantics = [#tpu.dimension_semantics<core_parallel>, #tpu.dimension_semantics<subcore_parallel>], iteration_bounds = array<i64: 2, 16>, scalar_prefetch = 0 : i64, scratch_operands = 4 : i64, tpu.core_type = #tpu.core_type<sc_vector_subcore>, window_params = [{transform_indices = #map}, {transform_indices = #map}, {transform_indices = #map1}, {transform_indices = #map1}]} {
    %scan3A = arith.constant 0 : i32
    %scan3A_0 = arith.constant 0 : i32
    %scan3A_1 = arith.constant 80 : i32
    %scan3A_2 = arith.addi %scan3A_0, %scan3A_1 : i32
    %scan3A_3 = arith.constant 1 : i32
    scf.for %scan3A_37 = %scan3A_0 to %scan3A_2 step %scan3A_3  : i32 {
      %broadcast_in_dim3A = arith.constant 1.000000e+00 : f32
      %broadcast_in_dim3A_38 = vector.broadcast %broadcast_in_dim3A : f32 to vector<16xf32>
      %swap3A = arith.index_cast %scan3A_37 : i32 to index
      %swap3A_39 = arith.constant 0 : index
      %swap3A_40 = tpu.vector_load %arg7[%swap3A, %swap3A_39] {strides = array<i32>} : memref<80x128xf32, #tpu.memory_space<vmem>>, vector<1x16xf32>,
      %swap3A_41 = vector.shape_cast %swap3A_40 : vector<1x16xf32> to vector<16xf32>
      %swap3A_42 = vector.shape_cast %broadcast_in_dim3A_38 : vector<16xf32> to vector<1x16xf32>
      tpu.vector_store %arg7[%swap3A, %swap3A_39], %swap3A_42 {strides = array<i32>} : memref<80x128xf32, #tpu.memory_space<vmem>>, vector<1x16xf32>,
      %broadcast_in_dim3A_43 = arith.constant 1.000000e+00 : f32
      %broadcast_in_dim3A_44 = vector.broadcast %broadcast_in_dim3A_43 : f32 to vector<16xf32>
      %swap3A_45 = arith.index_cast %scan3A_37 : i32 to index
      %swap3A_46 = arith.constant 16 : index
      %swap3A_47 = tpu.vector_load %arg7[%swap3A_45, %swap3A_46] {strides = array<i32>} : memref<80x128xf32, #tpu.memory_space<vmem>>, vector<1x16xf32>,
      %swap3A_48 = vector.shape_cast %swap3A_47 : vector<1x16xf32> to vector<16xf32>
      %swap3A_49 = vector.shape_cast %broadcast_in_dim3A_44 : vector<16xf32> to vector<1x16xf32>
      tpu.vector_store %arg7[%swap3A_45, %swap3A_46], %swap3A_49 {strides = array<i32>} : memref<80x128xf32, #tpu.memory_space<vmem>>, vector<1x16xf32>,
      %broadcast_in_dim3A_50 = arith.constant 1.000000e+00 : f32
      %broadcast_in_dim3A_51 = vector.broadcast %broadcast_in_dim3A_50 : f32 to vector<16xf32>
      %swap3A_52 = arith.index_cast %scan3A_37 : i32 to index
      %swap3A_53 = arith.constant 32 : index
      %swap3A_54 = tpu.vector_load %arg7[%swap3A_52, %swap3A_53] {strides = array<i32>} : memref<80x128xf32, #tpu.memory_space<vmem>>, vector<1x16xf32>,
      %swap3A_55 = vector.shape_cast %swap3A_54 : vector<1x16xf32> to vector<16xf32>
      %swap3A_56 = vector.shape_cast %broadcast_in_dim3A_51 : vector<16xf32> to vector<1x16xf32>
      tpu.vector_store %arg7[%swap3A_52, %swap3A_53], %swap3A_56 {strides = array<i32>} : memref<80x128xf32, #tpu.memory_space<vmem>>, vector<1x16xf32>,
      %broadcast_in_dim3A_57 = arith.constant 1.000000e+00 : f32
      %broadcast_in_dim3A_58 = vector.broadcast %broadcast_in_dim3A_57 : f32 to vector<16xf32>
      %swap3A_59 = arith.index_cast %scan3A_37 : i32 to index
      %swap3A_60 = arith.constant 48 : index
      %swap3A_61 = tpu.vector_load %arg7[%swap3A_59, %swap3A_60] {strides = array<i32>} : memref<80x128xf32, #tpu.memory_space<vmem>>, vector<1x16xf32>,
      %swap3A_62 = vector.shape_cast %swap3A_61 : vector<1x16xf32> to vector<16xf32>
      %swap3A_63 = vector.shape_cast %broadcast_in_dim3A_58 : vector<16xf32> to vector<1x16xf32>
      tpu.vector_store %arg7[%swap3A_59, %swap3A_60], %swap3A_63 {strides = array<i32>} : memref<80x128xf32, #tpu.memory_space<vmem>>, vector<1x16xf32>,
      %broadcast_in_dim3A_64 = arith.constant 1.000000e+00 : f32
      %broadcast_in_dim3A_65 = vector.broadcast %broadcast_in_dim3A_64 : f32 to vector<16xf32>
      %swap3A_66 = arith.index_cast %scan3A_37 : i32 to index
      %swap3A_67 = arith.constant 64 : index
      %swap3A_68 = tpu.vector_load %arg7[%swap3A_66, %swap3A_67] {strides = array<i32>} : memref<80x128xf32, #tpu.memory_space<vmem>>, vector<1x16xf32>,
      %swap3A_69 = vector.shape_cast %swap3A_68 : vector<1x16xf32> to vector<16xf32>
      %swap3A_70 = vector.shape_cast %broadcast_in_dim3A_65 : vector<16xf32> to vector<1x16xf32>
      tpu.vector_store %arg7[%swap3A_66, %swap3A_67], %swap3A_70 {strides = array<i32>} : memref<80x128xf32, #tpu.memory_space<vmem>>, vector<1x16xf32>,
      %broadcast_in_dim3A_71 = arith.constant 1.000000e+00 : f32
      %broadcast_in_dim3A_72 = vector.broadcast %broadcast_in_dim3A_71 : f32 to vector<16xf32>
      %swap3A_73 = arith.index_cast %scan3A_37 : i32 to index
      %swap3A_74 = arith.constant 80 : index
      %swap3A_75 = tpu.vector_load %arg7[%swap3A_73, %swap3A_74] {strides = array<i32>} : memref<80x128xf32, #tpu.memory_space<vmem>>, vector<1x16xf32>,
      %swap3A_76 = vector.shape_cast %swap3A_75 : vector<1x16xf32> to vector<16xf32>
      %swap3A_77 = vector.shape_cast %broadcast_in_dim3A_72 : vector<16xf32> to vector<1x16xf32>
      tpu.vector_store %arg7[%swap3A_73, %swap3A_74], %swap3A_77 {strides = array<i32>} : memref<80x128xf32, #tpu.memory_space<vmem>>, vector<1x16xf32>,
      %broadcast_in_dim3A_78 = arith.constant 1.000000e+00 : f32
      %broadcast_in_dim3A_79 = vector.broadcast %broadcast_in_dim3A_78 : f32 to vector<16xf32>
      %swap3A_80 = arith.index_cast %scan3A_37 : i32 to index
      %swap3A_81 = arith.constant 96 : index
      %swap3A_82 = tpu.vector_load %arg7[%swap3A_80, %swap3A_81] {strides = array<i32>} : memref<80x128xf32, #tpu.memory_space<vmem>>, vector<1x16xf32>,
      %swap3A_83 = vector.shape_cast %swap3A_82 : vector<1x16xf32> to vector<16xf32>
      %swap3A_84 = vector.shape_cast %broadcast_in_dim3A_79 : vector<16xf32> to vector<1x16xf32>
      tpu.vector_store %arg7[%swap3A_80, %swap3A_81], %swap3A_84 {strides = array<i32>} : memref<80x128xf32, #tpu.memory_space<vmem>>, vector<1x16xf32>,
      %broadcast_in_dim3A_85 = arith.constant 1.000000e+00 : f32
      %broadcast_in_dim3A_86 = vector.broadcast %broadcast_in_dim3A_85 : f32 to vector<16xf32>
      %swap3A_87 = arith.index_cast %scan3A_37 : i32 to index
      %swap3A_88 = arith.constant 112 : index
      %swap3A_89 = tpu.vector_load %arg7[%swap3A_87, %swap3A_88] {strides = array<i32>} : memref<80x128xf32, #tpu.memory_space<vmem>>, vector<1x16xf32>,
      %swap3A_90 = vector.shape_cast %swap3A_89 : vector<1x16xf32> to vector<16xf32>
      %swap3A_91 = vector.shape_cast %broadcast_in_dim3A_86 : vector<16xf32> to vector<1x16xf32>
      tpu.vector_store %arg7[%swap3A_87, %swap3A_88], %swap3A_91 {strides = array<i32>} : memref<80x128xf32, #tpu.memory_space<vmem>>, vector<1x16xf32>,
    }
    %scan3A_4 = arith.constant 80 : i32
    %mul3A = arith.constant 632 : i32
    %mul3A_5 = arith.muli %arg1, %mul3A : i32
    %add3A = arith.constant 0 : i32
    %add3A_6 = arith.addi %mul3A_5, %add3A : i32
    %run_scoped3A = arith.constant 0 : i32
    "tpu.region"() ({
      %run_scoped3A_37 = tpu.sem_alloc : memref<!tpu.dma_semaphore, #tpu.memory_space<semaphore_mem>>
      %dma_start3A = arith.constant 0 : i32
      %dma_start3A_38 = tpu.memref_slice %arg7[%run_scoped3A, %dma_start3A] : memref<80x128xf32, #tpu.memory_space<vmem>> -> memref<1x128xf32, #tpu.memory_space<vmem>>
      %dma_start3A_39 = tpu.memref_squeeze %dma_start3A_38 : memref<1x128xf32, #tpu.memory_space<vmem>> -> memref<128xf32, #tpu.memory_space<vmem>>
      %dma_start3A_40 = tpu.memref_slice %arg9[%add3A_6] : memref<10112xf32, #tpu.memory_space<vmem_shared>> -> memref<128xf32, #tpu.memory_space<vmem_shared>>
      %dma_start3A_41 = tpu.memref_slice %arg9[%add3A_6] : memref<10112xf32, #tpu.memory_space<vmem_shared>> -> memref<128xf32, #tpu.memory_space<vmem_shared>>
      %dma_start3A_42 = arith.constant 0 : i32
      %dma_start3A_43 = tpu.memref_slice %arg7[%run_scoped3A, %dma_start3A_42] : memref<80x128xf32, #tpu.memory_space<vmem>> -> memref<1x128xf32, #tpu.memory_space<vmem>>
      %dma_start3A_44 = tpu.memref_squeeze %dma_start3A_43 : memref<1x128xf32, #tpu.memory_space<vmem>> -> memref<128xf32, #tpu.memory_space<vmem>>
      tpu.enqueue_dma source(%dma_start3A_44 : memref<128xf32, #tpu.memory_space<vmem>>) target(%dma_start3A_41 : memref<128xf32, #tpu.memory_space<vmem_shared>>) target_semaphore(%run_scoped3A_37 : memref<!tpu.dma_semaphore, #tpu.memory_space<semaphore_mem>>)
      %dma_wait3A = arith.constant 0 : i32
      %dma_wait3A_45 = tpu.memref_slice %arg7[%run_scoped3A, %dma_wait3A] : memref<80x128xf32, #tpu.memory_space<vmem>> -> memref<1x128xf32, #tpu.memory_space<vmem>>
      %dma_wait3A_46 = tpu.memref_squeeze %dma_wait3A_45 : memref<1x128xf32, #tpu.memory_space<vmem>> -> memref<128xf32, #tpu.memory_space<vmem>>
      %dma_wait3A_47 = tpu.memref_slice %arg9[%add3A_6] : memref<10112xf32, #tpu.memory_space<vmem_shared>> -> memref<128xf32, #tpu.memory_space<vmem_shared>>
      %dma_wait3A_48 = tpu.memref_slice %arg9[%add3A_6] : memref<10112xf32, #tpu.memory_space<vmem_shared>> -> memref<128xf32, #tpu.memory_space<vmem_shared>>
      %dma_wait3A_49 = arith.constant 0 : i32
      %dma_wait3A_50 = tpu.memref_slice %arg7[%run_scoped3A, %dma_wait3A_49] : memref<80x128xf32, #tpu.memory_space<vmem>> -> memref<1x128xf32, #tpu.memory_space<vmem>>
      %dma_wait3A_51 = tpu.memref_squeeze %dma_wait3A_50 : memref<1x128xf32, #tpu.memory_space<vmem>> -> memref<128xf32, #tpu.memory_space<vmem>>
      tpu.wait_dma2 semaphore(%run_scoped3A_37 : memref<!tpu.dma_semaphore, #tpu.memory_space<semaphore_mem>>) src(%dma_wait3A_51 : memref<128xf32, #tpu.memory_space<vmem>>) dst(%dma_wait3A_48 : memref<128xf32, #tpu.memory_space<vmem_shared>>)
      tpu.yield
    }) : () -> ()
    %add3A_7 = arith.constant 128 : i32
    %add3A_8 = arith.addi %mul3A_5, %add3A_7 : i32
    %run_scoped3A_9 = arith.constant 0 : i32
    "tpu.region"() ({
      %run_scoped3A_37 = tpu.sem_alloc : memref<!tpu.dma_semaphore, #tpu.memory_space<semaphore_mem>>
      %dma_start3A = arith.constant 0 : i32
      %dma_start3A_38 = tpu.memref_slice %arg7[%run_scoped3A_9, %dma_start3A] : memref<80x128xf32, #tpu.memory_space<vmem>> -> memref<1x128xf32, #tpu.memory_space<vmem>>
      %dma_start3A_39 = tpu.memref_squeeze %dma_start3A_38 : memref<1x128xf32, #tpu.memory_space<vmem>> -> memref<128xf32, #tpu.memory_space<vmem>>
      %dma_start3A_40 = tpu.memref_slice %arg9[%add3A_8] : memref<10112xf32, #tpu.memory_space<vmem_shared>> -> memref<128xf32, #tpu.memory_space<vmem_shared>>
      %dma_start3A_41 = tpu.memref_slice %arg9[%add3A_8] : memref<10112xf32, #tpu.memory_space<vmem_shared>> -> memref<128xf32, #tpu.memory_space<vmem_shared>>
      %dma_start3A_42 = arith.constant 0 : i32
      %dma_start3A_43 = tpu.memref_slice %arg7[%run_scoped3A_9, %dma_start3A_42] : memref<80x128xf32, #tpu.memory_space<vmem>> -> memref<1x128xf32, #tpu.memory_space<vmem>>
      %dma_start3A_44 = tpu.memref_squeeze %dma_start3A_43 : memref<1x128xf32, #tpu.memory_space<vmem>> -> memref<128xf32, #tpu.memory_space<vmem>>
      tpu.enqueue_dma source(%dma_start3A_44 : memref<128xf32, #tpu.memory_space<vmem>>) target(%dma_start3A_41 : memref<128xf32, #tpu.memory_space<vmem_shared>>) target_semaphore(%run_scoped3A_37 : memref<!tpu.dma_semaphore, #tpu.memory_space<semaphore_mem>>)
      %dma_wait3A = arith.constant 0 : i32
      %dma_wait3A_45 = tpu.memref_slice %arg7[%run_scoped3A_9, %dma_wait3A] : memref<80x128xf32, #tpu.memory_space<vmem>> -> memref<1x128xf32, #tpu.memory_space<vmem>>
      %dma_wait3A_46 = tpu.memref_squeeze %dma_wait3A_45 : memref<1x128xf32, #tpu.memory_space<vmem>> -> memref<128xf32, #tpu.memory_space<vmem>>
      %dma_wait3A_47 = tpu.memref_slice %arg9[%add3A_8] : memref<10112xf32, #tpu.memory_space<vmem_shared>> -> memref<128xf32, #tpu.memory_space<vmem_shared>>
      %dma_wait3A_48 = tpu.memref_slice %arg9[%add3A_8] : memref<10112xf32, #tpu.memory_space<vmem_shared>> -> memref<128xf32, #tpu.memory_space<vmem_shared>>
      %dma_wait3A_49 = arith.constant 0 : i32
      %dma_wait3A_50 = tpu.memref_slice %arg7[%run_scoped3A_9, %dma_wait3A_49] : memref<80x128xf32, #tpu.memory_space<vmem>> -> memref<1x128xf32, #tpu.memory_space<vmem>>
      %dma_wait3A_51 = tpu.memref_squeeze %dma_wait3A_50 : memref<1x128xf32, #tpu.memory_space<vmem>> -> memref<128xf32, #tpu.memory_space<vmem>>
      tpu.wait_dma2 semaphore(%run_scoped3A_37 : memref<!tpu.dma_semaphore, #tpu.memory_space<semaphore_mem>>) src(%dma_wait3A_51 : memref<128xf32, #tpu.memory_space<vmem>>) dst(%dma_wait3A_48 : memref<128xf32, #tpu.memory_space<vmem_shared>>)
      tpu.yield
    }) : () -> ()
    %add3A_10 = arith.constant 256 : i32
    %add3A_11 = arith.addi %mul3A_5, %add3A_10 : i32
    %run_scoped3A_12 = arith.constant 0 : i32
    "tpu.region"() ({
      %run_scoped3A_37 = tpu.sem_alloc : memref<!tpu.dma_semaphore, #tpu.memory_space<semaphore_mem>>
      %dma_start3A = arith.constant 0 : i32
      %dma_start3A_38 = tpu.memref_slice %arg7[%run_scoped3A_12, %dma_start3A] : memref<80x128xf32, #tpu.memory_space<vmem>> -> memref<1x128xf32, #tpu.memory_space<vmem>>
      %dma_start3A_39 = tpu.memref_squeeze %dma_start3A_38 : memref<1x128xf32, #tpu.memory_space<vmem>> -> memref<128xf32, #tpu.memory_space<vmem>>
      %dma_start3A_40 = tpu.memref_slice %arg9[%add3A_11] : memref<10112xf32, #tpu.memory_space<vmem_shared>> -> memref<128xf32, #tpu.memory_space<vmem_shared>>
      %dma_start3A_41 = tpu.memref_slice %arg9[%add3A_11] : memref<10112xf32, #tpu.memory_space<vmem_shared>> -> memref<128xf32, #tpu.memory_space<vmem_shared>>
      %dma_start3A_42 = arith.constant 0 : i32
      %dma_start3A_43 = tpu.memref_slice %arg7[%run_scoped3A_12, %dma_start3A_42] : memref<80x128xf32, #tpu.memory_space<vmem>> -> memref<1x128xf32, #tpu.memory_space<vmem>>
      %dma_start3A_44 = tpu.memref_squeeze %dma_start3A_43 : memref<1x128xf32, #tpu.memory_space<vmem>> -> memref<128xf32, #tpu.memory_space<vmem>>
      tpu.enqueue_dma source(%dma_start3A_44 : memref<128xf32, #tpu.memory_space<vmem>>) target(%dma_start3A_41 : memref<128xf32, #tpu.memory_space<vmem_shared>>) target_semaphore(%run_scoped3A_37 : memref<!tpu.dma_semaphore, #tpu.memory_space<semaphore_mem>>)
      %dma_wait3A = arith.constant 0 : i32
      %dma_wait3A_45 = tpu.memref_slice %arg7[%run_scoped3A_12, %dma_wait3A] : memref<80x128xf32, #tpu.memory_space<vmem>> -> memref<1x128xf32, #tpu.memory_space<vmem>>
      %dma_wait3A_46 = tpu.memref_squeeze %dma_wait3A_45 : memref<1x128xf32, #tpu.memory_space<vmem>> -> memref<128xf32, #tpu.memory_space<vmem>>
      %dma_wait3A_47 = tpu.memref_slice %arg9[%add3A_11] : memref<10112xf32, #tpu.memory_space<vmem_shared>> -> memref<128xf32, #tpu.memory_space<vmem_shared>>
      %dma_wait3A_48 = tpu.memref_slice %arg9[%add3A_11] : memref<10112xf32, #tpu.memory_space<vmem_shared>> -> memref<128xf32, #tpu.memory_space<vmem_shared>>
      %dma_wait3A_49 = arith.constant 0 : i32
      %dma_wait3A_50 = tpu.memref_slice %arg7[%run_scoped3A_12, %dma_wait3A_49] : memref<80x128xf32, #tpu.memory_space<vmem>> -> memref<1x128xf32, #tpu.memory_space<vmem>>
      %dma_wait3A_51 = tpu.memref_squeeze %dma_wait3A_50 : memref<1x128xf32, #tpu.memory_space<vmem>> -> memref<128xf32, #tpu.memory_space<vmem>>
      tpu.wait_dma2 semaphore(%run_scoped3A_37 : memref<!tpu.dma_semaphore, #tpu.memory_space<semaphore_mem>>) src(%dma_wait3A_51 : memref<128xf32, #tpu.memory_space<vmem>>) dst(%dma_wait3A_48 : memref<128xf32, #tpu.memory_space<vmem_shared>>)
      tpu.yield
    }) : () -> ()
    %add3A_13 = arith.constant 384 : i32
    %add3A_14 = arith.addi %mul3A_5, %add3A_13 : i32
    %run_scoped3A_15 = arith.constant 0 : i32
    "tpu.region"() ({
      %run_scoped3A_37 = tpu.sem_alloc : memref<!tpu.dma_semaphore, #tpu.memory_space<semaphore_mem>>
      %dma_start3A = arith.constant 0 : i32
      %dma_start3A_38 = tpu.memref_slice %arg7[%run_scoped3A_15, %dma_start3A] : memref<80x128xf32, #tpu.memory_space<vmem>> -> memref<1x128xf32, #tpu.memory_space<vmem>>
      %dma_start3A_39 = tpu.memref_squeeze %dma_start3A_38 : memref<1x128xf32, #tpu.memory_space<vmem>> -> memref<128xf32, #tpu.memory_space<vmem>>
      %dma_start3A_40 = tpu.memref_slice %arg9[%add3A_14] : memref<10112xf32, #tpu.memory_space<vmem_shared>> -> memref<128xf32, #tpu.memory_space<vmem_shared>>
      %dma_start3A_41 = tpu.memref_slice %arg9[%add3A_14] : memref<10112xf32, #tpu.memory_space<vmem_shared>> -> memref<128xf32, #tpu.memory_space<vmem_shared>>
      %dma_start3A_42 = arith.constant 0 : i32
      %dma_start3A_43 = tpu.memref_slice %arg7[%run_scoped3A_15, %dma_start3A_42] : memref<80x128xf32, #tpu.memory_space<vmem>> -> memref<1x128xf32, #tpu.memory_space<vmem>>
      %dma_start3A_44 = tpu.memref_squeeze %dma_start3A_43 : memref<1x128xf32, #tpu.memory_space<vmem>> -> memref<128xf32, #tpu.memory_space<vmem>>
      tpu.enqueue_dma source(%dma_start3A_44 : memref<128xf32, #tpu.memory_space<vmem>>) target(%dma_start3A_41 : memref<128xf32, #tpu.memory_space<vmem_shared>>) target_semaphore(%run_scoped3A_37 : memref<!tpu.dma_semaphore, #tpu.memory_space<semaphore_mem>>)
      %dma_wait3A = arith.constant 0 : i32
      %dma_wait3A_45 = tpu.memref_slice %arg7[%run_scoped3A_15, %dma_wait3A] : memref<80x128xf32, #tpu.memory_space<vmem>> -> memref<1x128xf32, #tpu.memory_space<vmem>>
      %dma_wait3A_46 = tpu.memref_squeeze %dma_wait3A_45 : memref<1x128xf32, #tpu.memory_space<vmem>> -> memref<128xf32, #tpu.memory_space<vmem>>
      %dma_wait3A_47 = tpu.memref_slice %arg9[%add3A_14] : memref<10112xf32, #tpu.memory_space<vmem_shared>> -> memref<128xf32, #tpu.memory_space<vmem_shared>>
      %dma_wait3A_48 = tpu.memref_slice %arg9[%add3A_14] : memref<10112xf32, #tpu.memory_space<vmem_shared>> -> memref<128xf32, #tpu.memory_space<vmem_shared>>
      %dma_wait3A_49 = arith.constant 0 : i32
      %dma_wait3A_50 = tpu.memref_slice %arg7[%run_scoped3A_15, %dma_wait3A_49] : memref<80x128xf32, #tpu.memory_space<vmem>> -> memref<1x128xf32, #tpu.memory_space<vmem>>
      %dma_wait3A_51 = tpu.memref_squeeze %dma_wait3A_50 : memref<1x128xf32, #tpu.memory_space<vmem>> -> memref<128xf32, #tpu.memory_space<vmem>>
      tpu.wait_dma2 semaphore(%run_scoped3A_37 : memref<!tpu.dma_semaphore, #tpu.memory_space<semaphore_mem>>) src(%dma_wait3A_51 : memref<128xf32, #tpu.memory_space<vmem>>) dst(%dma_wait3A_48 : memref<128xf32, #tpu.memory_space<vmem_shared>>)
      tpu.yield
    }) : () -> ()
    %add3A_16 = arith.constant 512 : i32
    %add3A_17 = arith.addi %mul3A_5, %add3A_16 : i32
    %run_scoped3A_18 = arith.constant 0 : i32
    "tpu.region"() ({
      %run_scoped3A_37 = tpu.sem_alloc : memref<!tpu.dma_semaphore, #tpu.memory_space<semaphore_mem>>
      %dma_start3A = arith.constant 0 : i32
      %dma_start3A_38 = tpu.memref_slice %arg7[%run_scoped3A_18, %dma_start3A] : memref<80x128xf32, #tpu.memory_space<vmem>> -> memref<1x120xf32, #tpu.memory_space<vmem>>
      %dma_start3A_39 = tpu.memref_squeeze %dma_start3A_38 : memref<1x120xf32, #tpu.memory_space<vmem>> -> memref<120xf32, #tpu.memory_space<vmem>>
      %dma_start3A_40 = tpu.memref_slice %arg9[%add3A_17] : memref<10112xf32, #tpu.memory_space<vmem_shared>> -> memref<120xf32, #tpu.memory_space<vmem_shared>>
      %dma_start3A_41 = tpu.memref_slice %arg9[%add3A_17] : memref<10112xf32, #tpu.memory_space<vmem_shared>> -> memref<120xf32, #tpu.memory_space<vmem_shared>>
      %dma_start3A_42 = arith.constant 0 : i32
      %dma_start3A_43 = tpu.memref_slice %arg7[%run_scoped3A_18, %dma_start3A_42] : memref<80x128xf32, #tpu.memory_space<vmem>> -> memref<1x120xf32, #tpu.memory_space<vmem>>
      %dma_start3A_44 = tpu.memref_squeeze %dma_start3A_43 : memref<1x120xf32, #tpu.memory_space<vmem>> -> memref<120xf32, #tpu.memory_space<vmem>>
      tpu.enqueue_dma source(%dma_start3A_44 : memref<120xf32, #tpu.memory_space<vmem>>) target(%dma_start3A_41 : memref<120xf32, #tpu.memory_space<vmem_shared>>) target_semaphore(%run_scoped3A_37 : memref<!tpu.dma_semaphore, #tpu.memory_space<semaphore_mem>>)
      %dma_wait3A = arith.constant 0 : i32
      %dma_wait3A_45 = tpu.memref_slice %arg7[%run_scoped3A_18, %dma_wait3A] : memref<80x128xf32, #tpu.memory_space<vmem>> -> memref<1x120xf32, #tpu.memory_space<vmem>>
      %dma_wait3A_46 = tpu.memref_squeeze %dma_wait3A_45 : memref<1x120xf32, #tpu.memory_space<vmem>> -> memref<120xf32, #tpu.memory_space<vmem>>
      %dma_wait3A_47 = tpu.memref_slice %arg9[%add3A_17] : memref<10112xf32, #tpu.memory_space<vmem_shared>> -> memref<120xf32, #tpu.memory_space<vmem_shared>>
      %dma_wait3A_48 = tpu.memref_slice %arg9[%add3A_17] : memref<10112xf32, #tpu.memory_space<vmem_shared>> -> memref<120xf32, #tpu.memory_space<vmem_shared>>
      %dma_wait3A_49 = arith.constant 0 : i32
      %dma_wait3A_50 = tpu.memref_slice %arg7[%run_scoped3A_18, %dma_wait3A_49] : memref<80x128xf32, #tpu.memory_space<vmem>> -> memref<1x120xf32, #tpu.memory_space<vmem>>
      %dma_wait3A_51 = tpu.memref_squeeze %dma_wait3A_50 : memref<1x120xf32, #tpu.memory_space<vmem>> -> memref<120xf32, #tpu.memory_space<vmem>>
      tpu.wait_dma2 semaphore(%run_scoped3A_37 : memref<!tpu.dma_semaphore, #tpu.memory_space<semaphore_mem>>) src(%dma_wait3A_51 : memref<120xf32, #tpu.memory_space<vmem>>) dst(%dma_wait3A_48 : memref<120xf32, #tpu.memory_space<vmem_shared>>)
      tpu.yield
    }) : () -> ()
    %barrier3A = arith.constant 0 : index
    tpu.barrier barrier_id(%barrier3A)
    %eq3A = arith.constant 0 : i32
    %eq3A_19 = arith.cmpi eq, %arg0, %eq3A : i32
    %convert_element_type3A = arith.extui %eq3A_19 : i1 to i32
    %cond3A = arith.constant 0 : i32
    %cond3A_20 = arith.cmpi ne, %convert_element_type3A, %cond3A : i32
    scf.if %cond3A_20 {
      "tpu.region"() ({
        %run_scoped3A_43 = tpu.sem_alloc : memref<!tpu.dma_semaphore, #tpu.memory_space<semaphore_mem>>
        %dma_start3A = arith.constant 0 : i32
        %dma_start3A_44 = arith.constant 0 : i32
        %dma_start3A_45 = tpu.memref_slice %arg2[%arg1, %dma_start3A, %dma_start3A_44] : memref<16x80x128xi32, #tpu.memory_space<hbm>> -> memref<1x80x128xi32, #tpu.memory_space<hbm>>
        %dma_start3A_46 = tpu.memref_squeeze %dma_start3A_45 : memref<1x80x128xi32, #tpu.memory_space<hbm>> -> memref<80x128xi32, #tpu.memory_space<hbm>>
        %dma_start3A_47 = arith.constant 0 : i32
        %dma_start3A_48 = arith.constant 0 : i32
        %dma_start3A_49 = tpu.memref_slice %arg2[%arg1, %dma_start3A_47, %dma_start3A_48] : memref<16x80x128xi32, #tpu.memory_space<hbm>> -> memref<1x80x128xi32, #tpu.memory_space<hbm>>
        %dma_start3A_50 = tpu.memref_squeeze %dma_start3A_49 : memref<1x80x128xi32, #tpu.memory_space<hbm>> -> memref<80x128xi32, #tpu.memory_space<hbm>>
        tpu.enqueue_dma source(%dma_start3A_50 : memref<80x128xi32, #tpu.memory_space<hbm>>) target(%arg6 : memref<80x128xi32, #tpu.memory_space<vmem>>) target_semaphore(%run_scoped3A_43 : memref<!tpu.dma_semaphore, #tpu.memory_space<semaphore_mem>>)
        %dma_wait3A = arith.constant 0 : i32
        %dma_wait3A_51 = arith.constant 0 : i32
        %dma_wait3A_52 = tpu.memref_slice %arg2[%arg1, %dma_wait3A, %dma_wait3A_51] : memref<16x80x128xi32, #tpu.memory_space<hbm>> -> memref<1x80x128xi32, #tpu.memory_space<hbm>>
        %dma_wait3A_53 = tpu.memref_squeeze %dma_wait3A_52 : memref<1x80x128xi32, #tpu.memory_space<hbm>> -> memref<80x128xi32, #tpu.memory_space<hbm>>
        %dma_wait3A_54 = arith.constant 0 : i32
        %dma_wait3A_55 = arith.constant 0 : i32
        %dma_wait3A_56 = tpu.memref_slice %arg2[%arg1, %dma_wait3A_54, %dma_wait3A_55] : memref<16x80x128xi32, #tpu.memory_space<hbm>> -> memref<1x80x128xi32, #tpu.memory_space<hbm>>
        %dma_wait3A_57 = tpu.memref_squeeze %dma_wait3A_56 : memref<1x80x128xi32, #tpu.memory_space<hbm>> -> memref<80x128xi32, #tpu.memory_space<hbm>>
        tpu.wait_dma2 semaphore(%run_scoped3A_43 : memref<!tpu.dma_semaphore, #tpu.memory_space<semaphore_mem>>) src(%dma_wait3A_57 : memref<80x128xi32, #tpu.memory_space<hbm>>) dst(%arg6 : memref<80x128xi32, #tpu.memory_space<vmem>>)
        tpu.yield
      }) : () -> ()
      %scan3A_37 = arith.constant 0 : i32
      %scan3A_38 = arith.constant 0 : i32
      %scan3A_39 = arith.constant 80 : i32
      %scan3A_40 = arith.addi %scan3A_38, %scan3A_39 : i32
      %scan3A_41 = arith.constant 1 : i32
      scf.for %scan3A_43 = %scan3A_38 to %scan3A_40 step %scan3A_41  : i32 {
        "tpu.region"() ({
          %run_scoped3A_44 = tpu.sem_alloc : memref<!tpu.dma_semaphore, #tpu.memory_space<semaphore_mem>>
          %dma_start3A = arith.constant 0 : i32
          %dma_start3A_45 = tpu.memref_slice %arg7[%scan3A_43, %dma_start3A] : memref<80x128xf32, #tpu.memory_space<vmem>> -> memref<1x128xf32, #tpu.memory_space<vmem>>
          %dma_start3A_46 = tpu.memref_squeeze %dma_start3A_45 : memref<1x128xf32, #tpu.memory_space<vmem>> -> memref<128xf32, #tpu.memory_space<vmem>>
          %dma_start3A_47 = arith.constant 0 : i32
          %dma_start3A_48 = tpu.memref_slice %arg6[%scan3A_43, %dma_start3A_47] : memref<80x128xi32, #tpu.memory_space<vmem>> -> memref<1x128xi32, #tpu.memory_space<vmem>>
          %dma_start3A_49 = tpu.memref_squeeze %dma_start3A_48 : memref<1x128xi32, #tpu.memory_space<vmem>> -> memref<128xi32, #tpu.memory_space<vmem>>
          %dma_start3A_50 = arith.constant 0 : i32
          %dma_start3A_51 = tpu.memref_slice %arg9[%dma_start3A_50] : memref<10112xf32, #tpu.memory_space<vmem_shared>> -> memref<10112xf32, #tpu.memory_space<vmem_shared>>
          tpu.enqueue_indirect_dma source(%dma_start3A_46 : memref<128xf32, #tpu.memory_space<vmem>>) target(%dma_start3A_51 : memref<10112xf32, #tpu.memory_space<vmem_shared>>) offsets(%dma_start3A_49 : memref<128xi32, #tpu.memory_space<vmem>>) semaphore(%run_scoped3A_44 : memref<!tpu.dma_semaphore, #tpu.memory_space<semaphore_mem>>) {add = true}
          %dma_wait3A = arith.constant 0 : i32
          %dma_wait3A_52 = tpu.memref_slice %arg7[%scan3A_43, %dma_wait3A] : memref<80x128xf32, #tpu.memory_space<vmem>> -> memref<1x128xf32, #tpu.memory_space<vmem>>
          %dma_wait3A_53 = tpu.memref_squeeze %dma_wait3A_52 : memref<1x128xf32, #tpu.memory_space<vmem>> -> memref<128xf32, #tpu.memory_space<vmem>>
          %dma_wait3A_54 = arith.constant 0 : i32
          %dma_wait3A_55 = tpu.memref_slice %arg6[%scan3A_43, %dma_wait3A_54] : memref<80x128xi32, #tpu.memory_space<vmem>> -> memref<1x128xi32, #tpu.memory_space<vmem>>
          %dma_wait3A_56 = tpu.memref_squeeze %dma_wait3A_55 : memref<1x128xi32, #tpu.memory_space<vmem>> -> memref<128xi32, #tpu.memory_space<vmem>>
          %dma_wait3A_57 = arith.constant 0 : i32
          %dma_wait3A_58 = tpu.memref_slice %arg9[%dma_wait3A_57] : memref<10112xf32, #tpu.memory_space<vmem_shared>> -> memref<10112xf32, #tpu.memory_space<vmem_shared>>
          tpu.wait_indirect_dma semaphore(%run_scoped3A_44 : memref<!tpu.dma_semaphore, #tpu.memory_space<semaphore_mem>>) src(%dma_wait3A_53 : memref<128xf32, #tpu.memory_space<vmem>>) dst(%dma_wait3A_58 : memref<10112xf32, #tpu.memory_space<vmem_shared>>)
          tpu.yield
        }) : () -> ()
      }
      %scan3A_42 = arith.constant 80 : i32
    } else {
    }
    %eq3A_21 = arith.constant 1 : i32
    %eq3A_22 = arith.cmpi eq, %arg0, %eq3A_21 : i32
    %convert_element_type3A_23 = arith.extui %eq3A_22 : i1 to i32
    %cond3A_24 = arith.constant 0 : i32
    %cond3A_25 = arith.cmpi ne, %convert_element_type3A_23, %cond3A_24 : i32
    scf.if %cond3A_25 {
      "tpu.region"() ({
        %run_scoped3A_43 = tpu.sem_alloc : memref<!tpu.dma_semaphore, #tpu.memory_space<semaphore_mem>>
        %dma_start3A = arith.constant 0 : i32
        %dma_start3A_44 = arith.constant 0 : i32
        %dma_start3A_45 = tpu.memref_slice %arg3[%arg1, %dma_start3A, %dma_start3A_44] : memref<16x80x128xi32, #tpu.memory_space<hbm>> -> memref<1x80x128xi32, #tpu.memory_space<hbm>>
        %dma_start3A_46 = tpu.memref_squeeze %dma_start3A_45 : memref<1x80x128xi32, #tpu.memory_space<hbm>> -> memref<80x128xi32, #tpu.memory_space<hbm>>
        %dma_start3A_47 = arith.constant 0 : i32
        %dma_start3A_48 = arith.constant 0 : i32
        %dma_start3A_49 = tpu.memref_slice %arg3[%arg1, %dma_start3A_47, %dma_start3A_48] : memref<16x80x128xi32, #tpu.memory_space<hbm>> -> memref<1x80x128xi32, #tpu.memory_space<hbm>>
        %dma_start3A_50 = tpu.memref_squeeze %dma_start3A_49 : memref<1x80x128xi32, #tpu.memory_space<hbm>> -> memref<80x128xi32, #tpu.memory_space<hbm>>
        tpu.enqueue_dma source(%dma_start3A_50 : memref<80x128xi32, #tpu.memory_space<hbm>>) target(%arg6 : memref<80x128xi32, #tpu.memory_space<vmem>>) target_semaphore(%run_scoped3A_43 : memref<!tpu.dma_semaphore, #tpu.memory_space<semaphore_mem>>)
        %dma_wait3A = arith.constant 0 : i32
        %dma_wait3A_51 = arith.constant 0 : i32
        %dma_wait3A_52 = tpu.memref_slice %arg3[%arg1, %dma_wait3A, %dma_wait3A_51] : memref<16x80x128xi32, #tpu.memory_space<hbm>> -> memref<1x80x128xi32, #tpu.memory_space<hbm>>
        %dma_wait3A_53 = tpu.memref_squeeze %dma_wait3A_52 : memref<1x80x128xi32, #tpu.memory_space<hbm>> -> memref<80x128xi32, #tpu.memory_space<hbm>>
        %dma_wait3A_54 = arith.constant 0 : i32
        %dma_wait3A_55 = arith.constant 0 : i32
        %dma_wait3A_56 = tpu.memref_slice %arg3[%arg1, %dma_wait3A_54, %dma_wait3A_55] : memref<16x80x128xi32, #tpu.memory_space<hbm>> -> memref<1x80x128xi32, #tpu.memory_space<hbm>>
        %dma_wait3A_57 = tpu.memref_squeeze %dma_wait3A_56 : memref<1x80x128xi32, #tpu.memory_space<hbm>> -> memref<80x128xi32, #tpu.memory_space<hbm>>
        tpu.wait_dma2 semaphore(%run_scoped3A_43 : memref<!tpu.dma_semaphore, #tpu.memory_space<semaphore_mem>>) src(%dma_wait3A_57 : memref<80x128xi32, #tpu.memory_space<hbm>>) dst(%arg6 : memref<80x128xi32, #tpu.memory_space<vmem>>)
        tpu.yield
      }) : () -> ()
      %scan3A_37 = arith.constant 0 : i32
      %scan3A_38 = arith.constant 0 : i32
      %scan3A_39 = arith.constant 80 : i32
      %scan3A_40 = arith.addi %scan3A_38, %scan3A_39 : i32
      %scan3A_41 = arith.constant 1 : i32
      scf.for %scan3A_43 = %scan3A_38 to %scan3A_40 step %scan3A_41  : i32 {
        "tpu.region"() ({
          %run_scoped3A_44 = tpu.sem_alloc : memref<!tpu.dma_semaphore, #tpu.memory_space<semaphore_mem>>
          %dma_start3A = arith.constant 0 : i32
          %dma_start3A_45 = tpu.memref_slice %arg7[%scan3A_43, %dma_start3A] : memref<80x128xf32, #tpu.memory_space<vmem>> -> memref<1x128xf32, #tpu.memory_space<vmem>>
          %dma_start3A_46 = tpu.memref_squeeze %dma_start3A_45 : memref<1x128xf32, #tpu.memory_space<vmem>> -> memref<128xf32, #tpu.memory_space<vmem>>
          %dma_start3A_47 = arith.constant 0 : i32
          %dma_start3A_48 = tpu.memref_slice %arg6[%scan3A_43, %dma_start3A_47] : memref<80x128xi32, #tpu.memory_space<vmem>> -> memref<1x128xi32, #tpu.memory_space<vmem>>
          %dma_start3A_49 = tpu.memref_squeeze %dma_start3A_48 : memref<1x128xi32, #tpu.memory_space<vmem>> -> memref<128xi32, #tpu.memory_space<vmem>>
          %dma_start3A_50 = arith.constant 0 : i32
          %dma_start3A_51 = tpu.memref_slice %arg9[%dma_start3A_50] : memref<10112xf32, #tpu.memory_space<vmem_shared>> -> memref<10112xf32, #tpu.memory_space<vmem_shared>>
          tpu.enqueue_indirect_dma source(%dma_start3A_46 : memref<128xf32, #tpu.memory_space<vmem>>) target(%dma_start3A_51 : memref<10112xf32, #tpu.memory_space<vmem_shared>>) offsets(%dma_start3A_49 : memref<128xi32, #tpu.memory_space<vmem>>) semaphore(%run_scoped3A_44 : memref<!tpu.dma_semaphore, #tpu.memory_space<semaphore_mem>>) {add = true}
          %dma_wait3A = arith.constant 0 : i32
          %dma_wait3A_52 = tpu.memref_slice %arg7[%scan3A_43, %dma_wait3A] : memref<80x128xf32, #tpu.memory_space<vmem>> -> memref<1x128xf32, #tpu.memory_space<vmem>>
          %dma_wait3A_53 = tpu.memref_squeeze %dma_wait3A_52 : memref<1x128xf32, #tpu.memory_space<vmem>> -> memref<128xf32, #tpu.memory_space<vmem>>
          %dma_wait3A_54 = arith.constant 0 : i32
          %dma_wait3A_55 = tpu.memref_slice %arg6[%scan3A_43, %dma_wait3A_54] : memref<80x128xi32, #tpu.memory_space<vmem>> -> memref<1x128xi32, #tpu.memory_space<vmem>>
          %dma_wait3A_56 = tpu.memref_squeeze %dma_wait3A_55 : memref<1x128xi32, #tpu.memory_space<vmem>> -> memref<128xi32, #tpu.memory_space<vmem>>
          %dma_wait3A_57 = arith.constant 0 : i32
          %dma_wait3A_58 = tpu.memref_slice %arg9[%dma_wait3A_57] : memref<10112xf32, #tpu.memory_space<vmem_shared>> -> memref<10112xf32, #tpu.memory_space<vmem_shared>>
          tpu.wait_indirect_dma semaphore(%run_scoped3A_44 : memref<!tpu.dma_semaphore, #tpu.memory_space<semaphore_mem>>) src(%dma_wait3A_53 : memref<128xf32, #tpu.memory_space<vmem>>) dst(%dma_wait3A_58 : memref<10112xf32, #tpu.memory_space<vmem_shared>>)
          tpu.yield
        }) : () -> ()
      }
      %scan3A_42 = arith.constant 80 : i32
    } else {
    }
    %barrier3A_26 = arith.constant 0 : index
    tpu.barrier barrier_id(%barrier3A_26)
    "tpu.region"() ({
      %run_scoped3A_37 = tpu.sem_alloc : memref<!tpu.dma_semaphore, #tpu.memory_space<semaphore_mem>>
      %dma_start3A = tpu.memref_slice %arg9[%mul3A_5] : memref<10112xf32, #tpu.memory_space<vmem_shared>> -> memref<632xf32, #tpu.memory_space<vmem_shared>>
      %dma_start3A_38 = tpu.memref_slice %arg9[%mul3A_5] : memref<10112xf32, #tpu.memory_space<vmem_shared>> -> memref<632xf32, #tpu.memory_space<vmem_shared>>
      tpu.enqueue_dma source(%dma_start3A_38 : memref<632xf32, #tpu.memory_space<vmem_shared>>) target(%arg8 : memref<632xf32, #tpu.memory_space<vmem>>) target_semaphore(%run_scoped3A_37 : memref<!tpu.dma_semaphore, #tpu.memory_space<semaphore_mem>>)
      %dma_wait3A = tpu.memref_slice %arg9[%mul3A_5] : memref<10112xf32, #tpu.memory_space<vmem_shared>> -> memref<632xf32, #tpu.memory_space<vmem_shared>>
      %dma_wait3A_39 = tpu.memref_slice %arg9[%mul3A_5] : memref<10112xf32, #tpu.memory_space<vmem_shared>> -> memref<632xf32, #tpu.memory_space<vmem_shared>>
      tpu.wait_dma2 semaphore(%run_scoped3A_37 : memref<!tpu.dma_semaphore, #tpu.memory_space<semaphore_mem>>) src(%dma_wait3A_39 : memref<632xf32, #tpu.memory_space<vmem_shared>>) dst(%arg8 : memref<632xf32, #tpu.memory_space<vmem>>)
      tpu.yield
    }) : () -> ()
    %eq3A_27 = arith.constant 0 : i32
    %eq3A_28 = arith.cmpi eq, %arg0, %eq3A_27 : i32
    %convert_element_type3A_29 = arith.extui %eq3A_28 : i1 to i32
    %cond3A_30 = arith.constant 0 : i32
    %cond3A_31 = arith.cmpi ne, %convert_element_type3A_29, %cond3A_30 : i32
    scf.if %cond3A_31 {
      "tpu.region"() ({
        %run_scoped3A_37 = tpu.sem_alloc : memref<!tpu.dma_semaphore, #tpu.memory_space<semaphore_mem>>
        %dma_start3A = tpu.memref_slice %arg4[%mul3A_5] : memref<10112xf32, #tpu.memory_space<hbm>> -> memref<632xf32, #tpu.memory_space<hbm>>
        %dma_start3A_38 = tpu.memref_slice %arg4[%mul3A_5] : memref<10112xf32, #tpu.memory_space<hbm>> -> memref<632xf32, #tpu.memory_space<hbm>>
        tpu.enqueue_dma source(%arg8 : memref<632xf32, #tpu.memory_space<vmem>>) target(%dma_start3A_38 : memref<632xf32, #tpu.memory_space<hbm>>) target_semaphore(%run_scoped3A_37 : memref<!tpu.dma_semaphore, #tpu.memory_space<semaphore_mem>>)
        %dma_wait3A = tpu.memref_slice %arg4[%mul3A_5] : memref<10112xf32, #tpu.memory_space<hbm>> -> memref<632xf32, #tpu.memory_space<hbm>>
        %dma_wait3A_39 = tpu.memref_slice %arg4[%mul3A_5] : memref<10112xf32, #tpu.memory_space<hbm>> -> memref<632xf32, #tpu.memory_space<hbm>>
        tpu.wait_dma2 semaphore(%run_scoped3A_37 : memref<!tpu.dma_semaphore, #tpu.memory_space<semaphore_mem>>) src(%arg8 : memref<632xf32, #tpu.memory_space<vmem>>) dst(%dma_wait3A_39 : memref<632xf32, #tpu.memory_space<hbm>>)
        tpu.yield
      }) : () -> ()
    } else {
    }
    %eq3A_32 = arith.constant 1 : i32
    %eq3A_33 = arith.cmpi eq, %arg0, %eq3A_32 : i32
    %convert_element_type3A_34 = arith.extui %eq3A_33 : i1 to i32
    %cond3A_35 = arith.constant 0 : i32
    %cond3A_36 = arith.cmpi ne, %convert_element_type3A_34, %cond3A_35 : i32
    scf.if %cond3A_36 {
      "tpu.region"() ({
        %run_scoped3A_37 = tpu.sem_alloc : memref<!tpu.dma_semaphore, #tpu.memory_space<semaphore_mem>>
        %dma_start3A = tpu.memref_slice %arg5[%mul3A_5] : memref<10112xf32, #tpu.memory_space<hbm>> -> memref<632xf32, #tpu.memory_space<hbm>>
        %dma_start3A_38 = tpu.memref_slice %arg5[%mul3A_5] : memref<10112xf32, #tpu.memory_space<hbm>> -> memref<632xf32, #tpu.memory_space<hbm>>
        tpu.enqueue_dma source(%arg8 : memref<632xf32, #tpu.memory_space<vmem>>) target(%dma_start3A_38 : memref<632xf32, #tpu.memory_space<hbm>>) target_semaphore(%run_scoped3A_37 : memref<!tpu.dma_semaphore, #tpu.memory_space<semaphore_mem>>)
        %dma_wait3A = tpu.memref_slice %arg5[%mul3A_5] : memref<10112xf32, #tpu.memory_space<hbm>> -> memref<632xf32, #tpu.memory_space<hbm>>
        %dma_wait3A_39 = tpu.memref_slice %arg5[%mul3A_5] : memref<10112xf32, #tpu.memory_space<hbm>> -> memref<632xf32, #tpu.memory_space<hbm>>
        tpu.wait_dma2 semaphore(%run_scoped3A_37 : memref<!tpu.dma_semaphore, #tpu.memory_space<semaphore_mem>>) src(%arg8 : memref<632xf32, #tpu.memory_space<vmem>>) dst(%dma_wait3A_39 : memref<632xf32, #tpu.memory_space<hbm>>)
        tpu.yield
      }) : () -> ()
    } else {
    }
    return
  }
}

#map = affine_map<(d0, d1) -> (0, 0)>
#map1 = affine_map<(d0, d1) -> (0, 0, 0)>
module attributes {stable_mosaic.version = 14 : i64} {
  func.func @_scatter_kernel(%arg0: i32, %arg1: i32, %arg2: memref<10000x128xf32, #tpu.memory_space<hbm>>, %arg3: memref<10000x128xf32, #tpu.memory_space<hbm>>, %arg4: memref<16x80x128xi32, #tpu.memory_space<hbm>>, %arg5: memref<16x80x128xi32, #tpu.memory_space<hbm>>, %arg6: memref<10112x128xf32, #tpu.memory_space<hbm>>, %arg7: memref<10112x128xf32, #tpu.memory_space<hbm>>, %arg8: memref<40x128xi32, #tpu.memory_space<vmem>>, %arg9: memref<40x128xi32, #tpu.memory_space<vmem>>, %arg10: memref<128x128xf32, #tpu.memory_space<vmem>>, %arg11: memref<128x128xf32, #tpu.memory_space<vmem>>, %arg12: memref<10112x128xf32, #tpu.memory_space<vmem_shared>>, %arg13: memref<!tpu.dma_semaphore, #tpu.memory_space<semaphore_mem>>, %arg14: memref<!tpu.dma_semaphore, #tpu.memory_space<semaphore_mem>>, %arg15: memref<!tpu.dma_semaphore, #tpu.memory_space<semaphore_mem>>, %arg16: memref<!tpu.dma_semaphore, #tpu.memory_space<semaphore_mem>>) attributes {dimension_semantics = [#tpu.dimension_semantics<core_parallel>, #tpu.dimension_semantics<subcore_parallel>], iteration_bounds = array<i64: 2, 16>, scalar_prefetch = 0 : i64, scratch_operands = 9 : i64, tpu.core_type = #tpu.core_type<sc_vector_subcore>, window_params = [{transform_indices = #map}, {transform_indices = #map}, {transform_indices = #map1}, {transform_indices = #map1}, {transform_indices = #map}, {transform_indices = #map}]} {
    %mul3A = arith.constant 632 : i32
    %mul3A_0 = arith.muli %arg1, %mul3A : i32
    %dma_start3A = arith.constant 0 : i32
    %dma_start3A_1 = arith.constant 0 : i32
    %dma_start3A_2 = tpu.memref_slice %arg4[%arg1, %dma_start3A, %dma_start3A_1] : memref<16x80x128xi32, #tpu.memory_space<hbm>> -> memref<1x40x128xi32, #tpu.memory_space<hbm>>
    %dma_start3A_3 = tpu.memref_squeeze %dma_start3A_2 : memref<1x40x128xi32, #tpu.memory_space<hbm>> -> memref<40x128xi32, #tpu.memory_space<hbm>>
    %dma_start3A_4 = arith.constant 0 : i32
    %dma_start3A_5 = arith.constant 0 : i32
    %dma_start3A_6 = tpu.memref_slice %arg4[%arg1, %dma_start3A_4, %dma_start3A_5] : memref<16x80x128xi32, #tpu.memory_space<hbm>> -> memref<1x40x128xi32, #tpu.memory_space<hbm>>
    %dma_start3A_7 = tpu.memref_squeeze %dma_start3A_6 : memref<1x40x128xi32, #tpu.memory_space<hbm>> -> memref<40x128xi32, #tpu.memory_space<hbm>>
    tpu.enqueue_dma source(%dma_start3A_7 : memref<40x128xi32, #tpu.memory_space<hbm>>) target(%arg8 : memref<40x128xi32, #tpu.memory_space<vmem>>) target_semaphore(%arg13 : memref<!tpu.dma_semaphore, #tpu.memory_space<semaphore_mem>>)
    %dma_start3A_8 = arith.constant 0 : i32
    %dma_start3A_9 = arith.constant 0 : i32
    %dma_start3A_10 = tpu.memref_slice %arg5[%arg1, %dma_start3A_8, %dma_start3A_9] : memref<16x80x128xi32, #tpu.memory_space<hbm>> -> memref<1x40x128xi32, #tpu.memory_space<hbm>>
    %dma_start3A_11 = tpu.memref_squeeze %dma_start3A_10 : memref<1x40x128xi32, #tpu.memory_space<hbm>> -> memref<40x128xi32, #tpu.memory_space<hbm>>
    %dma_start3A_12 = arith.constant 0 : i32
    %dma_start3A_13 = arith.constant 0 : i32
    %dma_start3A_14 = tpu.memref_slice %arg5[%arg1, %dma_start3A_12, %dma_start3A_13] : memref<16x80x128xi32, #tpu.memory_space<hbm>> -> memref<1x40x128xi32, #tpu.memory_space<hbm>>
    %dma_start3A_15 = tpu.memref_squeeze %dma_start3A_14 : memref<1x40x128xi32, #tpu.memory_space<hbm>> -> memref<40x128xi32, #tpu.memory_space<hbm>>
    tpu.enqueue_dma source(%dma_start3A_15 : memref<40x128xi32, #tpu.memory_space<hbm>>) target(%arg9 : memref<40x128xi32, #tpu.memory_space<vmem>>) target_semaphore(%arg14 : memref<!tpu.dma_semaphore, #tpu.memory_space<semaphore_mem>>)
    %scan3A = arith.constant 0 : i32
    %scan3A_16 = arith.constant 0 : i32
    %scan3A_17 = arith.constant 128 : i32
    %scan3A_18 = arith.addi %scan3A_16, %scan3A_17 : i32
    %scan3A_19 = arith.constant 1 : i32
    scf.for %scan3A_63 = %scan3A_16 to %scan3A_18 step %scan3A_19  : i32 {
      %broadcast_in_dim3A = arith.constant 0.000000e+00 : f32
      %broadcast_in_dim3A_64 = vector.broadcast %broadcast_in_dim3A : f32 to vector<16xf32>
      %swap3A = arith.index_cast %scan3A_63 : i32 to index
      %swap3A_65 = arith.constant 0 : index
      %swap3A_66 = tpu.vector_load %arg10[%swap3A, %swap3A_65] {strides = array<i32>} : memref<128x128xf32, #tpu.memory_space<vmem>>, vector<1x16xf32>,
      %swap3A_67 = vector.shape_cast %swap3A_66 : vector<1x16xf32> to vector<16xf32>
      %swap3A_68 = vector.shape_cast %broadcast_in_dim3A_64 : vector<16xf32> to vector<1x16xf32>
      tpu.vector_store %arg10[%swap3A, %swap3A_65], %swap3A_68 {strides = array<i32>} : memref<128x128xf32, #tpu.memory_space<vmem>>, vector<1x16xf32>,
      %broadcast_in_dim3A_69 = arith.constant 0.000000e+00 : f32
      %broadcast_in_dim3A_70 = vector.broadcast %broadcast_in_dim3A_69 : f32 to vector<16xf32>
      %swap3A_71 = arith.index_cast %scan3A_63 : i32 to index
      %swap3A_72 = arith.constant 16 : index
      %swap3A_73 = tpu.vector_load %arg10[%swap3A_71, %swap3A_72] {strides = array<i32>} : memref<128x128xf32, #tpu.memory_space<vmem>>, vector<1x16xf32>,
      %swap3A_74 = vector.shape_cast %swap3A_73 : vector<1x16xf32> to vector<16xf32>
      %swap3A_75 = vector.shape_cast %broadcast_in_dim3A_70 : vector<16xf32> to vector<1x16xf32>
      tpu.vector_store %arg10[%swap3A_71, %swap3A_72], %swap3A_75 {strides = array<i32>} : memref<128x128xf32, #tpu.memory_space<vmem>>, vector<1x16xf32>,
      %broadcast_in_dim3A_76 = arith.constant 0.000000e+00 : f32
      %broadcast_in_dim3A_77 = vector.broadcast %broadcast_in_dim3A_76 : f32 to vector<16xf32>
      %swap3A_78 = arith.index_cast %scan3A_63 : i32 to index
      %swap3A_79 = arith.constant 32 : index
      %swap3A_80 = tpu.vector_load %arg10[%swap3A_78, %swap3A_79] {strides = array<i32>} : memref<128x128xf32, #tpu.memory_space<vmem>>, vector<1x16xf32>,
      %swap3A_81 = vector.shape_cast %swap3A_80 : vector<1x16xf32> to vector<16xf32>
      %swap3A_82 = vector.shape_cast %broadcast_in_dim3A_77 : vector<16xf32> to vector<1x16xf32>
      tpu.vector_store %arg10[%swap3A_78, %swap3A_79], %swap3A_82 {strides = array<i32>} : memref<128x128xf32, #tpu.memory_space<vmem>>, vector<1x16xf32>,
      %broadcast_in_dim3A_83 = arith.constant 0.000000e+00 : f32
      %broadcast_in_dim3A_84 = vector.broadcast %broadcast_in_dim3A_83 : f32 to vector<16xf32>
      %swap3A_85 = arith.index_cast %scan3A_63 : i32 to index
      %swap3A_86 = arith.constant 48 : index
      %swap3A_87 = tpu.vector_load %arg10[%swap3A_85, %swap3A_86] {strides = array<i32>} : memref<128x128xf32, #tpu.memory_space<vmem>>, vector<1x16xf32>,
      %swap3A_88 = vector.shape_cast %swap3A_87 : vector<1x16xf32> to vector<16xf32>
      %swap3A_89 = vector.shape_cast %broadcast_in_dim3A_84 : vector<16xf32> to vector<1x16xf32>
      tpu.vector_store %arg10[%swap3A_85, %swap3A_86], %swap3A_89 {strides = array<i32>} : memref<128x128xf32, #tpu.memory_space<vmem>>, vector<1x16xf32>,
      %broadcast_in_dim3A_90 = arith.constant 0.000000e+00 : f32
      %broadcast_in_dim3A_91 = vector.broadcast %broadcast_in_dim3A_90 : f32 to vector<16xf32>
      %swap3A_92 = arith.index_cast %scan3A_63 : i32 to index
      %swap3A_93 = arith.constant 64 : index
      %swap3A_94 = tpu.vector_load %arg10[%swap3A_92, %swap3A_93] {strides = array<i32>} : memref<128x128xf32, #tpu.memory_space<vmem>>, vector<1x16xf32>,
      %swap3A_95 = vector.shape_cast %swap3A_94 : vector<1x16xf32> to vector<16xf32>
      %swap3A_96 = vector.shape_cast %broadcast_in_dim3A_91 : vector<16xf32> to vector<1x16xf32>
      tpu.vector_store %arg10[%swap3A_92, %swap3A_93], %swap3A_96 {strides = array<i32>} : memref<128x128xf32, #tpu.memory_space<vmem>>, vector<1x16xf32>,
      %broadcast_in_dim3A_97 = arith.constant 0.000000e+00 : f32
      %broadcast_in_dim3A_98 = vector.broadcast %broadcast_in_dim3A_97 : f32 to vector<16xf32>
      %swap3A_99 = arith.index_cast %scan3A_63 : i32 to index
      %swap3A_100 = arith.constant 80 : index
      %swap3A_101 = tpu.vector_load %arg10[%swap3A_99, %swap3A_100] {strides = array<i32>} : memref<128x128xf32, #tpu.memory_space<vmem>>, vector<1x16xf32>,
      %swap3A_102 = vector.shape_cast %swap3A_101 : vector<1x16xf32> to vector<16xf32>
      %swap3A_103 = vector.shape_cast %broadcast_in_dim3A_98 : vector<16xf32> to vector<1x16xf32>
      tpu.vector_store %arg10[%swap3A_99, %swap3A_100], %swap3A_103 {strides = array<i32>} : memref<128x128xf32, #tpu.memory_space<vmem>>, vector<1x16xf32>,
      %broadcast_in_dim3A_104 = arith.constant 0.000000e+00 : f32
      %broadcast_in_dim3A_105 = vector.broadcast %broadcast_in_dim3A_104 : f32 to vector<16xf32>
      %swap3A_106 = arith.index_cast %scan3A_63 : i32 to index
      %swap3A_107 = arith.constant 96 : index
      %swap3A_108 = tpu.vector_load %arg10[%swap3A_106, %swap3A_107] {strides = array<i32>} : memref<128x128xf32, #tpu.memory_space<vmem>>, vector<1x16xf32>,
      %swap3A_109 = vector.shape_cast %swap3A_108 : vector<1x16xf32> to vector<16xf32>
      %swap3A_110 = vector.shape_cast %broadcast_in_dim3A_105 : vector<16xf32> to vector<1x16xf32>
      tpu.vector_store %arg10[%swap3A_106, %swap3A_107], %swap3A_110 {strides = array<i32>} : memref<128x128xf32, #tpu.memory_space<vmem>>, vector<1x16xf32>,
      %broadcast_in_dim3A_111 = arith.constant 0.000000e+00 : f32
      %broadcast_in_dim3A_112 = vector.broadcast %broadcast_in_dim3A_111 : f32 to vector<16xf32>
      %swap3A_113 = arith.index_cast %scan3A_63 : i32 to index
      %swap3A_114 = arith.constant 112 : index
      %swap3A_115 = tpu.vector_load %arg10[%swap3A_113, %swap3A_114] {strides = array<i32>} : memref<128x128xf32, #tpu.memory_space<vmem>>, vector<1x16xf32>,
      %swap3A_116 = vector.shape_cast %swap3A_115 : vector<1x16xf32> to vector<16xf32>
      %swap3A_117 = vector.shape_cast %broadcast_in_dim3A_112 : vector<16xf32> to vector<1x16xf32>
      tpu.vector_store %arg10[%swap3A_113, %swap3A_114], %swap3A_117 {strides = array<i32>} : memref<128x128xf32, #tpu.memory_space<vmem>>, vector<1x16xf32>,
    }
    %scan3A_20 = arith.constant 128 : i32
    %add3A = arith.constant 0 : i32
    %add3A_21 = arith.addi %mul3A_0, %add3A : i32
    "tpu.region"() ({
      %run_scoped3A = tpu.sem_alloc : memref<!tpu.dma_semaphore, #tpu.memory_space<semaphore_mem>>
      %dma_start3A_63 = arith.constant 0 : i32
      %dma_start3A_64 = tpu.memref_slice %arg12[%add3A_21, %dma_start3A_63] : memref<10112x128xf32, #tpu.memory_space<vmem_shared>> -> memref<128x128xf32, #tpu.memory_space<vmem_shared>>
      %dma_start3A_65 = arith.constant 0 : i32
      %dma_start3A_66 = tpu.memref_slice %arg12[%add3A_21, %dma_start3A_65] : memref<10112x128xf32, #tpu.memory_space<vmem_shared>> -> memref<128x128xf32, #tpu.memory_space<vmem_shared>>
      tpu.enqueue_dma source(%arg10 : memref<128x128xf32, #tpu.memory_space<vmem>>) target(%dma_start3A_66 : memref<128x128xf32, #tpu.memory_space<vmem_shared>>) target_semaphore(%run_scoped3A : memref<!tpu.dma_semaphore, #tpu.memory_space<semaphore_mem>>)
      %dma_wait3A_67 = arith.constant 0 : i32
      %dma_wait3A_68 = tpu.memref_slice %arg12[%add3A_21, %dma_wait3A_67] : memref<10112x128xf32, #tpu.memory_space<vmem_shared>> -> memref<128x128xf32, #tpu.memory_space<vmem_shared>>
      %dma_wait3A_69 = arith.constant 0 : i32
      %dma_wait3A_70 = tpu.memref_slice %arg12[%add3A_21, %dma_wait3A_69] : memref<10112x128xf32, #tpu.memory_space<vmem_shared>> -> memref<128x128xf32, #tpu.memory_space<vmem_shared>>
      tpu.wait_dma2 semaphore(%run_scoped3A : memref<!tpu.dma_semaphore, #tpu.memory_space<semaphore_mem>>) src(%arg10 : memref<128x128xf32, #tpu.memory_space<vmem>>) dst(%dma_wait3A_70 : memref<128x128xf32, #tpu.memory_space<vmem_shared>>)
      tpu.yield
    }) : () -> ()
    %add3A_22 = arith.constant 128 : i32
    %add3A_23 = arith.addi %mul3A_0, %add3A_22 : i32
    "tpu.region"() ({
      %run_scoped3A = tpu.sem_alloc : memref<!tpu.dma_semaphore, #tpu.memory_space<semaphore_mem>>
      %dma_start3A_63 = arith.constant 0 : i32
      %dma_start3A_64 = tpu.memref_slice %arg12[%add3A_23, %dma_start3A_63] : memref<10112x128xf32, #tpu.memory_space<vmem_shared>> -> memref<128x128xf32, #tpu.memory_space<vmem_shared>>
      %dma_start3A_65 = arith.constant 0 : i32
      %dma_start3A_66 = tpu.memref_slice %arg12[%add3A_23, %dma_start3A_65] : memref<10112x128xf32, #tpu.memory_space<vmem_shared>> -> memref<128x128xf32, #tpu.memory_space<vmem_shared>>
      tpu.enqueue_dma source(%arg10 : memref<128x128xf32, #tpu.memory_space<vmem>>) target(%dma_start3A_66 : memref<128x128xf32, #tpu.memory_space<vmem_shared>>) target_semaphore(%run_scoped3A : memref<!tpu.dma_semaphore, #tpu.memory_space<semaphore_mem>>)
      %dma_wait3A_67 = arith.constant 0 : i32
      %dma_wait3A_68 = tpu.memref_slice %arg12[%add3A_23, %dma_wait3A_67] : memref<10112x128xf32, #tpu.memory_space<vmem_shared>> -> memref<128x128xf32, #tpu.memory_space<vmem_shared>>
      %dma_wait3A_69 = arith.constant 0 : i32
      %dma_wait3A_70 = tpu.memref_slice %arg12[%add3A_23, %dma_wait3A_69] : memref<10112x128xf32, #tpu.memory_space<vmem_shared>> -> memref<128x128xf32, #tpu.memory_space<vmem_shared>>
      tpu.wait_dma2 semaphore(%run_scoped3A : memref<!tpu.dma_semaphore, #tpu.memory_space<semaphore_mem>>) src(%arg10 : memref<128x128xf32, #tpu.memory_space<vmem>>) dst(%dma_wait3A_70 : memref<128x128xf32, #tpu.memory_space<vmem_shared>>)
      tpu.yield
    }) : () -> ()
    %add3A_24 = arith.constant 256 : i32
    %add3A_25 = arith.addi %mul3A_0, %add3A_24 : i32
    "tpu.region"() ({
      %run_scoped3A = tpu.sem_alloc : memref<!tpu.dma_semaphore, #tpu.memory_space<semaphore_mem>>
      %dma_start3A_63 = arith.constant 0 : i32
      %dma_start3A_64 = tpu.memref_slice %arg12[%add3A_25, %dma_start3A_63] : memref<10112x128xf32, #tpu.memory_space<vmem_shared>> -> memref<128x128xf32, #tpu.memory_space<vmem_shared>>
      %dma_start3A_65 = arith.constant 0 : i32
      %dma_start3A_66 = tpu.memref_slice %arg12[%add3A_25, %dma_start3A_65] : memref<10112x128xf32, #tpu.memory_space<vmem_shared>> -> memref<128x128xf32, #tpu.memory_space<vmem_shared>>
      tpu.enqueue_dma source(%arg10 : memref<128x128xf32, #tpu.memory_space<vmem>>) target(%dma_start3A_66 : memref<128x128xf32, #tpu.memory_space<vmem_shared>>) target_semaphore(%run_scoped3A : memref<!tpu.dma_semaphore, #tpu.memory_space<semaphore_mem>>)
      %dma_wait3A_67 = arith.constant 0 : i32
      %dma_wait3A_68 = tpu.memref_slice %arg12[%add3A_25, %dma_wait3A_67] : memref<10112x128xf32, #tpu.memory_space<vmem_shared>> -> memref<128x128xf32, #tpu.memory_space<vmem_shared>>
      %dma_wait3A_69 = arith.constant 0 : i32
      %dma_wait3A_70 = tpu.memref_slice %arg12[%add3A_25, %dma_wait3A_69] : memref<10112x128xf32, #tpu.memory_space<vmem_shared>> -> memref<128x128xf32, #tpu.memory_space<vmem_shared>>
      tpu.wait_dma2 semaphore(%run_scoped3A : memref<!tpu.dma_semaphore, #tpu.memory_space<semaphore_mem>>) src(%arg10 : memref<128x128xf32, #tpu.memory_space<vmem>>) dst(%dma_wait3A_70 : memref<128x128xf32, #tpu.memory_space<vmem_shared>>)
      tpu.yield
    }) : () -> ()
    %add3A_26 = arith.constant 384 : i32
    %add3A_27 = arith.addi %mul3A_0, %add3A_26 : i32
    "tpu.region"() ({
      %run_scoped3A = tpu.sem_alloc : memref<!tpu.dma_semaphore, #tpu.memory_space<semaphore_mem>>
      %dma_start3A_63 = arith.constant 0 : i32
      %dma_start3A_64 = tpu.memref_slice %arg12[%add3A_27, %dma_start3A_63] : memref<10112x128xf32, #tpu.memory_space<vmem_shared>> -> memref<128x128xf32, #tpu.memory_space<vmem_shared>>
      %dma_start3A_65 = arith.constant 0 : i32
      %dma_start3A_66 = tpu.memref_slice %arg12[%add3A_27, %dma_start3A_65] : memref<10112x128xf32, #tpu.memory_space<vmem_shared>> -> memref<128x128xf32, #tpu.memory_space<vmem_shared>>
      tpu.enqueue_dma source(%arg10 : memref<128x128xf32, #tpu.memory_space<vmem>>) target(%dma_start3A_66 : memref<128x128xf32, #tpu.memory_space<vmem_shared>>) target_semaphore(%run_scoped3A : memref<!tpu.dma_semaphore, #tpu.memory_space<semaphore_mem>>)
      %dma_wait3A_67 = arith.constant 0 : i32
      %dma_wait3A_68 = tpu.memref_slice %arg12[%add3A_27, %dma_wait3A_67] : memref<10112x128xf32, #tpu.memory_space<vmem_shared>> -> memref<128x128xf32, #tpu.memory_space<vmem_shared>>
      %dma_wait3A_69 = arith.constant 0 : i32
      %dma_wait3A_70 = tpu.memref_slice %arg12[%add3A_27, %dma_wait3A_69] : memref<10112x128xf32, #tpu.memory_space<vmem_shared>> -> memref<128x128xf32, #tpu.memory_space<vmem_shared>>
      tpu.wait_dma2 semaphore(%run_scoped3A : memref<!tpu.dma_semaphore, #tpu.memory_space<semaphore_mem>>) src(%arg10 : memref<128x128xf32, #tpu.memory_space<vmem>>) dst(%dma_wait3A_70 : memref<128x128xf32, #tpu.memory_space<vmem_shared>>)
      tpu.yield
    }) : () -> ()
    %add3A_28 = arith.constant 512 : i32
    %add3A_29 = arith.addi %mul3A_0, %add3A_28 : i32
    "tpu.region"() ({
      %run_scoped3A = tpu.sem_alloc : memref<!tpu.dma_semaphore, #tpu.memory_space<semaphore_mem>>
      %dma_start3A_63 = arith.constant 0 : i32
      %dma_start3A_64 = arith.constant 0 : i32
      %dma_start3A_65 = tpu.memref_slice %arg10[%dma_start3A_63, %dma_start3A_64] : memref<128x128xf32, #tpu.memory_space<vmem>> -> memref<120x128xf32, #tpu.memory_space<vmem>>
      %dma_start3A_66 = arith.constant 0 : i32
      %dma_start3A_67 = tpu.memref_slice %arg12[%add3A_29, %dma_start3A_66] : memref<10112x128xf32, #tpu.memory_space<vmem_shared>> -> memref<120x128xf32, #tpu.memory_space<vmem_shared>>
      %dma_start3A_68 = arith.constant 0 : i32
      %dma_start3A_69 = tpu.memref_slice %arg12[%add3A_29, %dma_start3A_68] : memref<10112x128xf32, #tpu.memory_space<vmem_shared>> -> memref<120x128xf32, #tpu.memory_space<vmem_shared>>
      %dma_start3A_70 = arith.constant 0 : i32
      %dma_start3A_71 = arith.constant 0 : i32
      %dma_start3A_72 = tpu.memref_slice %arg10[%dma_start3A_70, %dma_start3A_71] : memref<128x128xf32, #tpu.memory_space<vmem>> -> memref<120x128xf32, #tpu.memory_space<vmem>>
      tpu.enqueue_dma source(%dma_start3A_72 : memref<120x128xf32, #tpu.memory_space<vmem>>) target(%dma_start3A_69 : memref<120x128xf32, #tpu.memory_space<vmem_shared>>) target_semaphore(%run_scoped3A : memref<!tpu.dma_semaphore, #tpu.memory_space<semaphore_mem>>)
      %dma_wait3A_73 = arith.constant 0 : i32
      %dma_wait3A_74 = arith.constant 0 : i32
      %dma_wait3A_75 = tpu.memref_slice %arg10[%dma_wait3A_73, %dma_wait3A_74] : memref<128x128xf32, #tpu.memory_space<vmem>> -> memref<120x128xf32, #tpu.memory_space<vmem>>
      %dma_wait3A_76 = arith.constant 0 : i32
      %dma_wait3A_77 = tpu.memref_slice %arg12[%add3A_29, %dma_wait3A_76] : memref<10112x128xf32, #tpu.memory_space<vmem_shared>> -> memref<120x128xf32, #tpu.memory_space<vmem_shared>>
      %dma_wait3A_78 = arith.constant 0 : i32
      %dma_wait3A_79 = tpu.memref_slice %arg12[%add3A_29, %dma_wait3A_78] : memref<10112x128xf32, #tpu.memory_space<vmem_shared>> -> memref<120x128xf32, #tpu.memory_space<vmem_shared>>
      %dma_wait3A_80 = arith.constant 0 : i32
      %dma_wait3A_81 = arith.constant 0 : i32
      %dma_wait3A_82 = tpu.memref_slice %arg10[%dma_wait3A_80, %dma_wait3A_81] : memref<128x128xf32, #tpu.memory_space<vmem>> -> memref<120x128xf32, #tpu.memory_space<vmem>>
      tpu.wait_dma2 semaphore(%run_scoped3A : memref<!tpu.dma_semaphore, #tpu.memory_space<semaphore_mem>>) src(%dma_wait3A_82 : memref<120x128xf32, #tpu.memory_space<vmem>>) dst(%dma_wait3A_79 : memref<120x128xf32, #tpu.memory_space<vmem_shared>>)
      tpu.yield
    }) : () -> ()
    %dma_wait3A = arith.constant 0 : i32
    %dma_wait3A_30 = arith.constant 0 : i32
    %dma_wait3A_31 = tpu.memref_slice %arg4[%arg1, %dma_wait3A, %dma_wait3A_30] : memref<16x80x128xi32, #tpu.memory_space<hbm>> -> memref<1x40x128xi32, #tpu.memory_space<hbm>>
    %dma_wait3A_32 = tpu.memref_squeeze %dma_wait3A_31 : memref<1x40x128xi32, #tpu.memory_space<hbm>> -> memref<40x128xi32, #tpu.memory_space<hbm>>
    %dma_wait3A_33 = arith.constant 0 : i32
    %dma_wait3A_34 = arith.constant 0 : i32
    %dma_wait3A_35 = tpu.memref_slice %arg4[%arg1, %dma_wait3A_33, %dma_wait3A_34] : memref<16x80x128xi32, #tpu.memory_space<hbm>> -> memref<1x40x128xi32, #tpu.memory_space<hbm>>
    %dma_wait3A_36 = tpu.memref_squeeze %dma_wait3A_35 : memref<1x40x128xi32, #tpu.memory_space<hbm>> -> memref<40x128xi32, #tpu.memory_space<hbm>>
    tpu.wait_dma2 semaphore(%arg13 : memref<!tpu.dma_semaphore, #tpu.memory_space<semaphore_mem>>) src(%dma_wait3A_36 : memref<40x128xi32, #tpu.memory_space<hbm>>) dst(%arg8 : memref<40x128xi32, #tpu.memory_space<vmem>>)
    %dma_wait3A_37 = arith.constant 0 : i32
    %dma_wait3A_38 = arith.constant 0 : i32
    %dma_wait3A_39 = tpu.memref_slice %arg5[%arg1, %dma_wait3A_37, %dma_wait3A_38] : memref<16x80x128xi32, #tpu.memory_space<hbm>> -> memref<1x40x128xi32, #tpu.memory_space<hbm>>
    %dma_wait3A_40 = tpu.memref_squeeze %dma_wait3A_39 : memref<1x40x128xi32, #tpu.memory_space<hbm>> -> memref<40x128xi32, #tpu.memory_space<hbm>>
    %dma_wait3A_41 = arith.constant 0 : i32
    %dma_wait3A_42 = arith.constant 0 : i32
    %dma_wait3A_43 = tpu.memref_slice %arg5[%arg1, %dma_wait3A_41, %dma_wait3A_42] : memref<16x80x128xi32, #tpu.memory_space<hbm>> -> memref<1x40x128xi32, #tpu.memory_space<hbm>>
    %dma_wait3A_44 = tpu.memref_squeeze %dma_wait3A_43 : memref<1x40x128xi32, #tpu.memory_space<hbm>> -> memref<40x128xi32, #tpu.memory_space<hbm>>
    tpu.wait_dma2 semaphore(%arg14 : memref<!tpu.dma_semaphore, #tpu.memory_space<semaphore_mem>>) src(%dma_wait3A_44 : memref<40x128xi32, #tpu.memory_space<hbm>>) dst(%arg9 : memref<40x128xi32, #tpu.memory_space<vmem>>)
    %barrier3A = arith.constant 0 : index
    tpu.barrier barrier_id(%barrier3A)
    %eq3A = arith.constant 0 : i32
    %eq3A_45 = arith.cmpi eq, %arg0, %eq3A : i32
    %convert_element_type3A = arith.extui %eq3A_45 : i1 to i32
    %cond3A = arith.constant 0 : i32
    %cond3A_46 = arith.cmpi ne, %convert_element_type3A, %cond3A : i32
    scf.if %cond3A_46 {
      %scan3A_63 = arith.constant 0 : i32
      %scan3A_64 = arith.constant 0 : i32
      %scan3A_65 = arith.constant 2 : i32
      %scan3A_66 = arith.addi %scan3A_64, %scan3A_65 : i32
      %scan3A_67 = arith.constant 1 : i32
      scf.for %scan3A_69 = %scan3A_64 to %scan3A_66 step %scan3A_67  : i32 {
        %gt3A = arith.constant 0 : i32
        %gt3A_70 = arith.cmpi sgt, %scan3A_69, %gt3A : i32
        %convert_element_type3A_71 = arith.extui %gt3A_70 : i1 to i32
        %cond3A_72 = arith.constant 0 : i32
        %cond3A_73 = arith.cmpi ne, %convert_element_type3A_71, %cond3A_72 : i32
        scf.if %cond3A_73 {
          %mul3A_87 = arith.constant 40 : i32
          %mul3A_88 = arith.muli %scan3A_69, %mul3A_87 : i32
          "tpu.region"() ({
            %run_scoped3A = tpu.sem_alloc : memref<!tpu.dma_semaphore, #tpu.memory_space<semaphore_mem>>
            %dma_start3A_91 = arith.constant 0 : i32
            %dma_start3A_92 = tpu.memref_slice %arg4[%arg1, %mul3A_88, %dma_start3A_91] : memref<16x80x128xi32, #tpu.memory_space<hbm>> -> memref<1x40x128xi32, #tpu.memory_space<hbm>>
            %dma_start3A_93 = tpu.memref_squeeze %dma_start3A_92 : memref<1x40x128xi32, #tpu.memory_space<hbm>> -> memref<40x128xi32, #tpu.memory_space<hbm>>
            %dma_start3A_94 = arith.constant 0 : i32
            %dma_start3A_95 = tpu.memref_slice %arg4[%arg1, %mul3A_88, %dma_start3A_94] : memref<16x80x128xi32, #tpu.memory_space<hbm>> -> memref<1x40x128xi32, #tpu.memory_space<hbm>>
            %dma_start3A_96 = tpu.memref_squeeze %dma_start3A_95 : memref<1x40x128xi32, #tpu.memory_space<hbm>> -> memref<40x128xi32, #tpu.memory_space<hbm>>
            tpu.enqueue_dma source(%dma_start3A_96 : memref<40x128xi32, #tpu.memory_space<hbm>>) target(%arg8 : memref<40x128xi32, #tpu.memory_space<vmem>>) target_semaphore(%run_scoped3A : memref<!tpu.dma_semaphore, #tpu.memory_space<semaphore_mem>>)
            %dma_wait3A_97 = arith.constant 0 : i32
            %dma_wait3A_98 = tpu.memref_slice %arg4[%arg1, %mul3A_88, %dma_wait3A_97] : memref<16x80x128xi32, #tpu.memory_space<hbm>> -> memref<1x40x128xi32, #tpu.memory_space<hbm>>
            %dma_wait3A_99 = tpu.memref_squeeze %dma_wait3A_98 : memref<1x40x128xi32, #tpu.memory_space<hbm>> -> memref<40x128xi32, #tpu.memory_space<hbm>>
            %dma_wait3A_100 = arith.constant 0 : i32
            %dma_wait3A_101 = tpu.memref_slice %arg4[%arg1, %mul3A_88, %dma_wait3A_100] : memref<16x80x128xi32, #tpu.memory_space<hbm>> -> memref<1x40x128xi32, #tpu.memory_space<hbm>>
            %dma_wait3A_102 = tpu.memref_squeeze %dma_wait3A_101 : memref<1x40x128xi32, #tpu.memory_space<hbm>> -> memref<40x128xi32, #tpu.memory_space<hbm>>
            tpu.wait_dma2 semaphore(%run_scoped3A : memref<!tpu.dma_semaphore, #tpu.memory_space<semaphore_mem>>) src(%dma_wait3A_102 : memref<40x128xi32, #tpu.memory_space<hbm>>) dst(%arg8 : memref<40x128xi32, #tpu.memory_space<vmem>>)
            tpu.yield
          }) : () -> ()
          %mul3A_89 = arith.constant 40 : i32
          %mul3A_90 = arith.muli %scan3A_69, %mul3A_89 : i32
          "tpu.region"() ({
            %run_scoped3A = tpu.sem_alloc : memref<!tpu.dma_semaphore, #tpu.memory_space<semaphore_mem>>
            %dma_start3A_91 = arith.constant 0 : i32
            %dma_start3A_92 = tpu.memref_slice %arg5[%arg1, %mul3A_90, %dma_start3A_91] : memref<16x80x128xi32, #tpu.memory_space<hbm>> -> memref<1x40x128xi32, #tpu.memory_space<hbm>>
            %dma_start3A_93 = tpu.memref_squeeze %dma_start3A_92 : memref<1x40x128xi32, #tpu.memory_space<hbm>> -> memref<40x128xi32, #tpu.memory_space<hbm>>
            %dma_start3A_94 = arith.constant 0 : i32
            %dma_start3A_95 = tpu.memref_slice %arg5[%arg1, %mul3A_90, %dma_start3A_94] : memref<16x80x128xi32, #tpu.memory_space<hbm>> -> memref<1x40x128xi32, #tpu.memory_space<hbm>>
            %dma_start3A_96 = tpu.memref_squeeze %dma_start3A_95 : memref<1x40x128xi32, #tpu.memory_space<hbm>> -> memref<40x128xi32, #tpu.memory_space<hbm>>
            tpu.enqueue_dma source(%dma_start3A_96 : memref<40x128xi32, #tpu.memory_space<hbm>>) target(%arg9 : memref<40x128xi32, #tpu.memory_space<vmem>>) target_semaphore(%run_scoped3A : memref<!tpu.dma_semaphore, #tpu.memory_space<semaphore_mem>>)
            %dma_wait3A_97 = arith.constant 0 : i32
            %dma_wait3A_98 = tpu.memref_slice %arg5[%arg1, %mul3A_90, %dma_wait3A_97] : memref<16x80x128xi32, #tpu.memory_space<hbm>> -> memref<1x40x128xi32, #tpu.memory_space<hbm>>
            %dma_wait3A_99 = tpu.memref_squeeze %dma_wait3A_98 : memref<1x40x128xi32, #tpu.memory_space<hbm>> -> memref<40x128xi32, #tpu.memory_space<hbm>>
            %dma_wait3A_100 = arith.constant 0 : i32
            %dma_wait3A_101 = tpu.memref_slice %arg5[%arg1, %mul3A_90, %dma_wait3A_100] : memref<16x80x128xi32, #tpu.memory_space<hbm>> -> memref<1x40x128xi32, #tpu.memory_space<hbm>>
            %dma_wait3A_102 = tpu.memref_squeeze %dma_wait3A_101 : memref<1x40x128xi32, #tpu.memory_space<hbm>> -> memref<40x128xi32, #tpu.memory_space<hbm>>
            tpu.wait_dma2 semaphore(%run_scoped3A : memref<!tpu.dma_semaphore, #tpu.memory_space<semaphore_mem>>) src(%dma_wait3A_102 : memref<40x128xi32, #tpu.memory_space<hbm>>) dst(%arg9 : memref<40x128xi32, #tpu.memory_space<vmem>>)
            tpu.yield
          }) : () -> ()
        } else {
        }
        %dma_start3A_74 = arith.constant 0 : i32
        %dma_start3A_75 = arith.constant 0 : i32
        %dma_start3A_76 = tpu.memref_slice %arg8[%dma_start3A_74, %dma_start3A_75] : memref<40x128xi32, #tpu.memory_space<vmem>> -> memref<1x128xi32, #tpu.memory_space<vmem>>
        %dma_start3A_77 = tpu.memref_squeeze %dma_start3A_76 : memref<1x128xi32, #tpu.memory_space<vmem>> -> memref<128xi32, #tpu.memory_space<vmem>>
        %dma_start3A_78 = arith.constant 0 : i32
        %dma_start3A_79 = arith.constant 0 : i32
        %dma_start3A_80 = tpu.memref_slice %arg2[%dma_start3A_78, %dma_start3A_79] : memref<10000x128xf32, #tpu.memory_space<hbm>> -> memref<10000x128xf32, #tpu.memory_space<hbm>>
        tpu.enqueue_indirect_dma source(%dma_start3A_80 : memref<10000x128xf32, #tpu.memory_space<hbm>>) target(%arg10 : memref<128x128xf32, #tpu.memory_space<vmem>>) offsets(%dma_start3A_77 : memref<128xi32, #tpu.memory_space<vmem>>) semaphore(%arg13 : memref<!tpu.dma_semaphore, #tpu.memory_space<semaphore_mem>>)
        %scan3A_81 = arith.constant 0 : i32
        %scan3A_82 = arith.constant 0 : i32
        %scan3A_83 = arith.constant 20 : i32
        %scan3A_84 = arith.addi %scan3A_82, %scan3A_83 : i32
        %scan3A_85 = arith.constant 1 : i32
        scf.for %scan3A_87 = %scan3A_82 to %scan3A_84 step %scan3A_85  : i32 {
          %mul3A_88 = arith.constant 2 : i32
          %mul3A_89 = arith.muli %mul3A_88, %scan3A_87 : i32
          %add3A_90 = arith.constant 1 : i32
          %add3A_91 = arith.addi %mul3A_89, %add3A_90 : i32
          %dma_start3A_92 = arith.constant 0 : i32
          %dma_start3A_93 = tpu.memref_slice %arg8[%add3A_91, %dma_start3A_92] : memref<40x128xi32, #tpu.memory_space<vmem>> -> memref<1x128xi32, #tpu.memory_space<vmem>>
          %dma_start3A_94 = tpu.memref_squeeze %dma_start3A_93 : memref<1x128xi32, #tpu.memory_space<vmem>> -> memref<128xi32, #tpu.memory_space<vmem>>
          %dma_start3A_95 = arith.constant 0 : i32
          %dma_start3A_96 = arith.constant 0 : i32
          %dma_start3A_97 = tpu.memref_slice %arg2[%dma_start3A_95, %dma_start3A_96] : memref<10000x128xf32, #tpu.memory_space<hbm>> -> memref<10000x128xf32, #tpu.memory_space<hbm>>
          tpu.enqueue_indirect_dma source(%dma_start3A_97 : memref<10000x128xf32, #tpu.memory_space<hbm>>) target(%arg11 : memref<128x128xf32, #tpu.memory_space<vmem>>) offsets(%dma_start3A_94 : memref<128xi32, #tpu.memory_space<vmem>>) semaphore(%arg14 : memref<!tpu.dma_semaphore, #tpu.memory_space<semaphore_mem>>)
          %dma_wait3A_98 = arith.constant 0 : i32
          %dma_wait3A_99 = tpu.memref_slice %arg8[%mul3A_89, %dma_wait3A_98] : memref<40x128xi32, #tpu.memory_space<vmem>> -> memref<1x128xi32, #tpu.memory_space<vmem>>
          %dma_wait3A_100 = tpu.memref_squeeze %dma_wait3A_99 : memref<1x128xi32, #tpu.memory_space<vmem>> -> memref<128xi32, #tpu.memory_space<vmem>>
          %dma_wait3A_101 = arith.constant 0 : i32
          %dma_wait3A_102 = arith.constant 0 : i32
          %dma_wait3A_103 = tpu.memref_slice %arg2[%dma_wait3A_101, %dma_wait3A_102] : memref<10000x128xf32, #tpu.memory_space<hbm>> -> memref<10000x128xf32, #tpu.memory_space<hbm>>
          tpu.wait_indirect_dma semaphore(%arg13 : memref<!tpu.dma_semaphore, #tpu.memory_space<semaphore_mem>>) src(%dma_wait3A_103 : memref<10000x128xf32, #tpu.memory_space<hbm>>) dst(%arg10 : memref<128x128xf32, #tpu.memory_space<vmem>>)
          "tpu.region"() ({
            %run_scoped3A = tpu.sem_alloc : memref<!tpu.dma_semaphore, #tpu.memory_space<semaphore_mem>>
            %dma_start3A_120 = arith.constant 0 : i32
            %dma_start3A_121 = tpu.memref_slice %arg9[%mul3A_89, %dma_start3A_120] : memref<40x128xi32, #tpu.memory_space<vmem>> -> memref<1x128xi32, #tpu.memory_space<vmem>>
            %dma_start3A_122 = tpu.memref_squeeze %dma_start3A_121 : memref<1x128xi32, #tpu.memory_space<vmem>> -> memref<128xi32, #tpu.memory_space<vmem>>
            %dma_start3A_123 = arith.constant 0 : i32
            %dma_start3A_124 = arith.constant 0 : i32
            %dma_start3A_125 = tpu.memref_slice %arg12[%dma_start3A_123, %dma_start3A_124] : memref<10112x128xf32, #tpu.memory_space<vmem_shared>> -> memref<10112x128xf32, #tpu.memory_space<vmem_shared>>
            tpu.enqueue_indirect_dma source(%arg10 : memref<128x128xf32, #tpu.memory_space<vmem>>) target(%dma_start3A_125 : memref<10112x128xf32, #tpu.memory_space<vmem_shared>>) offsets(%dma_start3A_122 : memref<128xi32, #tpu.memory_space<vmem>>) semaphore(%run_scoped3A : memref<!tpu.dma_semaphore, #tpu.memory_space<semaphore_mem>>) {add = true}
            %dma_wait3A_126 = arith.constant 0 : i32
            %dma_wait3A_127 = tpu.memref_slice %arg9[%mul3A_89, %dma_wait3A_126] : memref<40x128xi32, #tpu.memory_space<vmem>> -> memref<1x128xi32, #tpu.memory_space<vmem>>
            %dma_wait3A_128 = tpu.memref_squeeze %dma_wait3A_127 : memref<1x128xi32, #tpu.memory_space<vmem>> -> memref<128xi32, #tpu.memory_space<vmem>>
            %dma_wait3A_129 = arith.constant 0 : i32
            %dma_wait3A_130 = arith.constant 0 : i32
            %dma_wait3A_131 = tpu.memref_slice %arg12[%dma_wait3A_129, %dma_wait3A_130] : memref<10112x128xf32, #tpu.memory_space<vmem_shared>> -> memref<10112x128xf32, #tpu.memory_space<vmem_shared>>
            tpu.wait_indirect_dma semaphore(%run_scoped3A : memref<!tpu.dma_semaphore, #tpu.memory_space<semaphore_mem>>) src(%arg10 : memref<128x128xf32, #tpu.memory_space<vmem>>) dst(%dma_wait3A_131 : memref<10112x128xf32, #tpu.memory_space<vmem_shared>>)
            tpu.yield
          }) : () -> ()
          %add3A_104 = arith.constant 2 : i32
          %add3A_105 = arith.addi %mul3A_89, %add3A_104 : i32
          %lt3A = arith.constant 40 : i32
          %lt3A_106 = arith.cmpi slt, %add3A_105, %lt3A : i32
          %convert_element_type3A_107 = arith.extui %lt3A_106 : i1 to i32
          %cond3A_108 = arith.constant 0 : i32
          %cond3A_109 = arith.cmpi ne, %convert_element_type3A_107, %cond3A_108 : i32
          scf.if %cond3A_109 {
            %add3A_120 = arith.constant 2 : i32
            %add3A_121 = arith.addi %mul3A_89, %add3A_120 : i32
            %dma_start3A_122 = arith.constant 0 : i32
            %dma_start3A_123 = tpu.memref_slice %arg8[%add3A_121, %dma_start3A_122] : memref<40x128xi32, #tpu.memory_space<vmem>> -> memref<1x128xi32, #tpu.memory_space<vmem>>
            %dma_start3A_124 = tpu.memref_squeeze %dma_start3A_123 : memref<1x128xi32, #tpu.memory_space<vmem>> -> memref<128xi32, #tpu.memory_space<vmem>>
            %dma_start3A_125 = arith.constant 0 : i32
            %dma_start3A_126 = arith.constant 0 : i32
            %dma_start3A_127 = tpu.memref_slice %arg2[%dma_start3A_125, %dma_start3A_126] : memref<10000x128xf32, #tpu.memory_space<hbm>> -> memref<10000x128xf32, #tpu.memory_space<hbm>>
            tpu.enqueue_indirect_dma source(%dma_start3A_127 : memref<10000x128xf32, #tpu.memory_space<hbm>>) target(%arg10 : memref<128x128xf32, #tpu.memory_space<vmem>>) offsets(%dma_start3A_124 : memref<128xi32, #tpu.memory_space<vmem>>) semaphore(%arg13 : memref<!tpu.dma_semaphore, #tpu.memory_space<semaphore_mem>>)
          } else {
          }
          %add3A_110 = arith.constant 1 : i32
          %add3A_111 = arith.addi %mul3A_89, %add3A_110 : i32
          %dma_wait3A_112 = arith.constant 0 : i32
          %dma_wait3A_113 = tpu.memref_slice %arg8[%add3A_111, %dma_wait3A_112] : memref<40x128xi32, #tpu.memory_space<vmem>> -> memref<1x128xi32, #tpu.memory_space<vmem>>
          %dma_wait3A_114 = tpu.memref_squeeze %dma_wait3A_113 : memref<1x128xi32, #tpu.memory_space<vmem>> -> memref<128xi32, #tpu.memory_space<vmem>>
          %dma_wait3A_115 = arith.constant 0 : i32
          %dma_wait3A_116 = arith.constant 0 : i32
          %dma_wait3A_117 = tpu.memref_slice %arg2[%dma_wait3A_115, %dma_wait3A_116] : memref<10000x128xf32, #tpu.memory_space<hbm>> -> memref<10000x128xf32, #tpu.memory_space<hbm>>
          tpu.wait_indirect_dma semaphore(%arg14 : memref<!tpu.dma_semaphore, #tpu.memory_space<semaphore_mem>>) src(%dma_wait3A_117 : memref<10000x128xf32, #tpu.memory_space<hbm>>) dst(%arg11 : memref<128x128xf32, #tpu.memory_space<vmem>>)
          %add3A_118 = arith.constant 1 : i32
          %add3A_119 = arith.addi %mul3A_89, %add3A_118 : i32
          "tpu.region"() ({
            %run_scoped3A = tpu.sem_alloc : memref<!tpu.dma_semaphore, #tpu.memory_space<semaphore_mem>>
            %dma_start3A_120 = arith.constant 0 : i32
            %dma_start3A_121 = tpu.memref_slice %arg9[%add3A_119, %dma_start3A_120] : memref<40x128xi32, #tpu.memory_space<vmem>> -> memref<1x128xi32, #tpu.memory_space<vmem>>
            %dma_start3A_122 = tpu.memref_squeeze %dma_start3A_121 : memref<1x128xi32, #tpu.memory_space<vmem>> -> memref<128xi32, #tpu.memory_space<vmem>>
            %dma_start3A_123 = arith.constant 0 : i32
            %dma_start3A_124 = arith.constant 0 : i32
            %dma_start3A_125 = tpu.memref_slice %arg12[%dma_start3A_123, %dma_start3A_124] : memref<10112x128xf32, #tpu.memory_space<vmem_shared>> -> memref<10112x128xf32, #tpu.memory_space<vmem_shared>>
            tpu.enqueue_indirect_dma source(%arg11 : memref<128x128xf32, #tpu.memory_space<vmem>>) target(%dma_start3A_125 : memref<10112x128xf32, #tpu.memory_space<vmem_shared>>) offsets(%dma_start3A_122 : memref<128xi32, #tpu.memory_space<vmem>>) semaphore(%run_scoped3A : memref<!tpu.dma_semaphore, #tpu.memory_space<semaphore_mem>>) {add = true}
            %dma_wait3A_126 = arith.constant 0 : i32
            %dma_wait3A_127 = tpu.memref_slice %arg9[%add3A_119, %dma_wait3A_126] : memref<40x128xi32, #tpu.memory_space<vmem>> -> memref<1x128xi32, #tpu.memory_space<vmem>>
            %dma_wait3A_128 = tpu.memref_squeeze %dma_wait3A_127 : memref<1x128xi32, #tpu.memory_space<vmem>> -> memref<128xi32, #tpu.memory_space<vmem>>
            %dma_wait3A_129 = arith.constant 0 : i32
            %dma_wait3A_130 = arith.constant 0 : i32
            %dma_wait3A_131 = tpu.memref_slice %arg12[%dma_wait3A_129, %dma_wait3A_130] : memref<10112x128xf32, #tpu.memory_space<vmem_shared>> -> memref<10112x128xf32, #tpu.memory_space<vmem_shared>>
            tpu.wait_indirect_dma semaphore(%run_scoped3A : memref<!tpu.dma_semaphore, #tpu.memory_space<semaphore_mem>>) src(%arg11 : memref<128x128xf32, #tpu.memory_space<vmem>>) dst(%dma_wait3A_131 : memref<10112x128xf32, #tpu.memory_space<vmem_shared>>)
            tpu.yield
          }) : () -> ()
        }
        %scan3A_86 = arith.constant 20 : i32
      }
      %scan3A_68 = arith.constant 2 : i32
    } else {
    }
    %eq3A_47 = arith.constant 1 : i32
    %eq3A_48 = arith.cmpi eq, %arg0, %eq3A_47 : i32
    %convert_element_type3A_49 = arith.extui %eq3A_48 : i1 to i32
    %cond3A_50 = arith.constant 0 : i32
    %cond3A_51 = arith.cmpi ne, %convert_element_type3A_49, %cond3A_50 : i32
    scf.if %cond3A_51 {
      %scan3A_63 = arith.constant 0 : i32
      %scan3A_64 = arith.constant 0 : i32
      %scan3A_65 = arith.constant 2 : i32
      %scan3A_66 = arith.addi %scan3A_64, %scan3A_65 : i32
      %scan3A_67 = arith.constant 1 : i32
      scf.for %scan3A_69 = %scan3A_64 to %scan3A_66 step %scan3A_67  : i32 {
        %gt3A = arith.constant 0 : i32
        %gt3A_70 = arith.cmpi sgt, %scan3A_69, %gt3A : i32
        %convert_element_type3A_71 = arith.extui %gt3A_70 : i1 to i32
        %cond3A_72 = arith.constant 0 : i32
        %cond3A_73 = arith.cmpi ne, %convert_element_type3A_71, %cond3A_72 : i32
        scf.if %cond3A_73 {
          %mul3A_87 = arith.constant 40 : i32
          %mul3A_88 = arith.muli %scan3A_69, %mul3A_87 : i32
          "tpu.region"() ({
            %run_scoped3A = tpu.sem_alloc : memref<!tpu.dma_semaphore, #tpu.memory_space<semaphore_mem>>
            %dma_start3A_91 = arith.constant 0 : i32
            %dma_start3A_92 = tpu.memref_slice %arg4[%arg1, %mul3A_88, %dma_start3A_91] : memref<16x80x128xi32, #tpu.memory_space<hbm>> -> memref<1x40x128xi32, #tpu.memory_space<hbm>>
            %dma_start3A_93 = tpu.memref_squeeze %dma_start3A_92 : memref<1x40x128xi32, #tpu.memory_space<hbm>> -> memref<40x128xi32, #tpu.memory_space<hbm>>
            %dma_start3A_94 = arith.constant 0 : i32
            %dma_start3A_95 = tpu.memref_slice %arg4[%arg1, %mul3A_88, %dma_start3A_94] : memref<16x80x128xi32, #tpu.memory_space<hbm>> -> memref<1x40x128xi32, #tpu.memory_space<hbm>>
            %dma_start3A_96 = tpu.memref_squeeze %dma_start3A_95 : memref<1x40x128xi32, #tpu.memory_space<hbm>> -> memref<40x128xi32, #tpu.memory_space<hbm>>
            tpu.enqueue_dma source(%dma_start3A_96 : memref<40x128xi32, #tpu.memory_space<hbm>>) target(%arg8 : memref<40x128xi32, #tpu.memory_space<vmem>>) target_semaphore(%run_scoped3A : memref<!tpu.dma_semaphore, #tpu.memory_space<semaphore_mem>>)
            %dma_wait3A_97 = arith.constant 0 : i32
            %dma_wait3A_98 = tpu.memref_slice %arg4[%arg1, %mul3A_88, %dma_wait3A_97] : memref<16x80x128xi32, #tpu.memory_space<hbm>> -> memref<1x40x128xi32, #tpu.memory_space<hbm>>
            %dma_wait3A_99 = tpu.memref_squeeze %dma_wait3A_98 : memref<1x40x128xi32, #tpu.memory_space<hbm>> -> memref<40x128xi32, #tpu.memory_space<hbm>>
            %dma_wait3A_100 = arith.constant 0 : i32
            %dma_wait3A_101 = tpu.memref_slice %arg4[%arg1, %mul3A_88, %dma_wait3A_100] : memref<16x80x128xi32, #tpu.memory_space<hbm>> -> memref<1x40x128xi32, #tpu.memory_space<hbm>>
            %dma_wait3A_102 = tpu.memref_squeeze %dma_wait3A_101 : memref<1x40x128xi32, #tpu.memory_space<hbm>> -> memref<40x128xi32, #tpu.memory_space<hbm>>
            tpu.wait_dma2 semaphore(%run_scoped3A : memref<!tpu.dma_semaphore, #tpu.memory_space<semaphore_mem>>) src(%dma_wait3A_102 : memref<40x128xi32, #tpu.memory_space<hbm>>) dst(%arg8 : memref<40x128xi32, #tpu.memory_space<vmem>>)
            tpu.yield
          }) : () -> ()
          %mul3A_89 = arith.constant 40 : i32
          %mul3A_90 = arith.muli %scan3A_69, %mul3A_89 : i32
          "tpu.region"() ({
            %run_scoped3A = tpu.sem_alloc : memref<!tpu.dma_semaphore, #tpu.memory_space<semaphore_mem>>
            %dma_start3A_91 = arith.constant 0 : i32
            %dma_start3A_92 = tpu.memref_slice %arg5[%arg1, %mul3A_90, %dma_start3A_91] : memref<16x80x128xi32, #tpu.memory_space<hbm>> -> memref<1x40x128xi32, #tpu.memory_space<hbm>>
            %dma_start3A_93 = tpu.memref_squeeze %dma_start3A_92 : memref<1x40x128xi32, #tpu.memory_space<hbm>> -> memref<40x128xi32, #tpu.memory_space<hbm>>
            %dma_start3A_94 = arith.constant 0 : i32
            %dma_start3A_95 = tpu.memref_slice %arg5[%arg1, %mul3A_90, %dma_start3A_94] : memref<16x80x128xi32, #tpu.memory_space<hbm>> -> memref<1x40x128xi32, #tpu.memory_space<hbm>>
            %dma_start3A_96 = tpu.memref_squeeze %dma_start3A_95 : memref<1x40x128xi32, #tpu.memory_space<hbm>> -> memref<40x128xi32, #tpu.memory_space<hbm>>
            tpu.enqueue_dma source(%dma_start3A_96 : memref<40x128xi32, #tpu.memory_space<hbm>>) target(%arg9 : memref<40x128xi32, #tpu.memory_space<vmem>>) target_semaphore(%run_scoped3A : memref<!tpu.dma_semaphore, #tpu.memory_space<semaphore_mem>>)
            %dma_wait3A_97 = arith.constant 0 : i32
            %dma_wait3A_98 = tpu.memref_slice %arg5[%arg1, %mul3A_90, %dma_wait3A_97] : memref<16x80x128xi32, #tpu.memory_space<hbm>> -> memref<1x40x128xi32, #tpu.memory_space<hbm>>
            %dma_wait3A_99 = tpu.memref_squeeze %dma_wait3A_98 : memref<1x40x128xi32, #tpu.memory_space<hbm>> -> memref<40x128xi32, #tpu.memory_space<hbm>>
            %dma_wait3A_100 = arith.constant 0 : i32
            %dma_wait3A_101 = tpu.memref_slice %arg5[%arg1, %mul3A_90, %dma_wait3A_100] : memref<16x80x128xi32, #tpu.memory_space<hbm>> -> memref<1x40x128xi32, #tpu.memory_space<hbm>>
            %dma_wait3A_102 = tpu.memref_squeeze %dma_wait3A_101 : memref<1x40x128xi32, #tpu.memory_space<hbm>> -> memref<40x128xi32, #tpu.memory_space<hbm>>
            tpu.wait_dma2 semaphore(%run_scoped3A : memref<!tpu.dma_semaphore, #tpu.memory_space<semaphore_mem>>) src(%dma_wait3A_102 : memref<40x128xi32, #tpu.memory_space<hbm>>) dst(%arg9 : memref<40x128xi32, #tpu.memory_space<vmem>>)
            tpu.yield
          }) : () -> ()
        } else {
        }
        %dma_start3A_74 = arith.constant 0 : i32
        %dma_start3A_75 = arith.constant 0 : i32
        %dma_start3A_76 = tpu.memref_slice %arg8[%dma_start3A_74, %dma_start3A_75] : memref<40x128xi32, #tpu.memory_space<vmem>> -> memref<1x128xi32, #tpu.memory_space<vmem>>
        %dma_start3A_77 = tpu.memref_squeeze %dma_start3A_76 : memref<1x128xi32, #tpu.memory_space<vmem>> -> memref<128xi32, #tpu.memory_space<vmem>>
        %dma_start3A_78 = arith.constant 0 : i32
        %dma_start3A_79 = arith.constant 0 : i32
        %dma_start3A_80 = tpu.memref_slice %arg3[%dma_start3A_78, %dma_start3A_79] : memref<10000x128xf32, #tpu.memory_space<hbm>> -> memref<10000x128xf32, #tpu.memory_space<hbm>>
        tpu.enqueue_indirect_dma source(%dma_start3A_80 : memref<10000x128xf32, #tpu.memory_space<hbm>>) target(%arg10 : memref<128x128xf32, #tpu.memory_space<vmem>>) offsets(%dma_start3A_77 : memref<128xi32, #tpu.memory_space<vmem>>) semaphore(%arg13 : memref<!tpu.dma_semaphore, #tpu.memory_space<semaphore_mem>>)
        %scan3A_81 = arith.constant 0 : i32
        %scan3A_82 = arith.constant 0 : i32
        %scan3A_83 = arith.constant 20 : i32
        %scan3A_84 = arith.addi %scan3A_82, %scan3A_83 : i32
        %scan3A_85 = arith.constant 1 : i32
        scf.for %scan3A_87 = %scan3A_82 to %scan3A_84 step %scan3A_85  : i32 {
          %mul3A_88 = arith.constant 2 : i32
          %mul3A_89 = arith.muli %mul3A_88, %scan3A_87 : i32
          %add3A_90 = arith.constant 1 : i32
          %add3A_91 = arith.addi %mul3A_89, %add3A_90 : i32
          %dma_start3A_92 = arith.constant 0 : i32
          %dma_start3A_93 = tpu.memref_slice %arg8[%add3A_91, %dma_start3A_92] : memref<40x128xi32, #tpu.memory_space<vmem>> -> memref<1x128xi32, #tpu.memory_space<vmem>>
          %dma_start3A_94 = tpu.memref_squeeze %dma_start3A_93 : memref<1x128xi32, #tpu.memory_space<vmem>> -> memref<128xi32, #tpu.memory_space<vmem>>
          %dma_start3A_95 = arith.constant 0 : i32
          %dma_start3A_96 = arith.constant 0 : i32
          %dma_start3A_97 = tpu.memref_slice %arg3[%dma_start3A_95, %dma_start3A_96] : memref<10000x128xf32, #tpu.memory_space<hbm>> -> memref<10000x128xf32, #tpu.memory_space<hbm>>
          tpu.enqueue_indirect_dma source(%dma_start3A_97 : memref<10000x128xf32, #tpu.memory_space<hbm>>) target(%arg11 : memref<128x128xf32, #tpu.memory_space<vmem>>) offsets(%dma_start3A_94 : memref<128xi32, #tpu.memory_space<vmem>>) semaphore(%arg14 : memref<!tpu.dma_semaphore, #tpu.memory_space<semaphore_mem>>)
          %dma_wait3A_98 = arith.constant 0 : i32
          %dma_wait3A_99 = tpu.memref_slice %arg8[%mul3A_89, %dma_wait3A_98] : memref<40x128xi32, #tpu.memory_space<vmem>> -> memref<1x128xi32, #tpu.memory_space<vmem>>
          %dma_wait3A_100 = tpu.memref_squeeze %dma_wait3A_99 : memref<1x128xi32, #tpu.memory_space<vmem>> -> memref<128xi32, #tpu.memory_space<vmem>>
          %dma_wait3A_101 = arith.constant 0 : i32
          %dma_wait3A_102 = arith.constant 0 : i32
          %dma_wait3A_103 = tpu.memref_slice %arg3[%dma_wait3A_101, %dma_wait3A_102] : memref<10000x128xf32, #tpu.memory_space<hbm>> -> memref<10000x128xf32, #tpu.memory_space<hbm>>
          tpu.wait_indirect_dma semaphore(%arg13 : memref<!tpu.dma_semaphore, #tpu.memory_space<semaphore_mem>>) src(%dma_wait3A_103 : memref<10000x128xf32, #tpu.memory_space<hbm>>) dst(%arg10 : memref<128x128xf32, #tpu.memory_space<vmem>>)
          "tpu.region"() ({
            %run_scoped3A = tpu.sem_alloc : memref<!tpu.dma_semaphore, #tpu.memory_space<semaphore_mem>>
            %dma_start3A_120 = arith.constant 0 : i32
            %dma_start3A_121 = tpu.memref_slice %arg9[%mul3A_89, %dma_start3A_120] : memref<40x128xi32, #tpu.memory_space<vmem>> -> memref<1x128xi32, #tpu.memory_space<vmem>>
            %dma_start3A_122 = tpu.memref_squeeze %dma_start3A_121 : memref<1x128xi32, #tpu.memory_space<vmem>> -> memref<128xi32, #tpu.memory_space<vmem>>
            %dma_start3A_123 = arith.constant 0 : i32
            %dma_start3A_124 = arith.constant 0 : i32
            %dma_start3A_125 = tpu.memref_slice %arg12[%dma_start3A_123, %dma_start3A_124] : memref<10112x128xf32, #tpu.memory_space<vmem_shared>> -> memref<10112x128xf32, #tpu.memory_space<vmem_shared>>
            tpu.enqueue_indirect_dma source(%arg10 : memref<128x128xf32, #tpu.memory_space<vmem>>) target(%dma_start3A_125 : memref<10112x128xf32, #tpu.memory_space<vmem_shared>>) offsets(%dma_start3A_122 : memref<128xi32, #tpu.memory_space<vmem>>) semaphore(%run_scoped3A : memref<!tpu.dma_semaphore, #tpu.memory_space<semaphore_mem>>) {add = true}
            %dma_wait3A_126 = arith.constant 0 : i32
            %dma_wait3A_127 = tpu.memref_slice %arg9[%mul3A_89, %dma_wait3A_126] : memref<40x128xi32, #tpu.memory_space<vmem>> -> memref<1x128xi32, #tpu.memory_space<vmem>>
            %dma_wait3A_128 = tpu.memref_squeeze %dma_wait3A_127 : memref<1x128xi32, #tpu.memory_space<vmem>> -> memref<128xi32, #tpu.memory_space<vmem>>
            %dma_wait3A_129 = arith.constant 0 : i32
            %dma_wait3A_130 = arith.constant 0 : i32
            %dma_wait3A_131 = tpu.memref_slice %arg12[%dma_wait3A_129, %dma_wait3A_130] : memref<10112x128xf32, #tpu.memory_space<vmem_shared>> -> memref<10112x128xf32, #tpu.memory_space<vmem_shared>>
            tpu.wait_indirect_dma semaphore(%run_scoped3A : memref<!tpu.dma_semaphore, #tpu.memory_space<semaphore_mem>>) src(%arg10 : memref<128x128xf32, #tpu.memory_space<vmem>>) dst(%dma_wait3A_131 : memref<10112x128xf32, #tpu.memory_space<vmem_shared>>)
            tpu.yield
          }) : () -> ()
          %add3A_104 = arith.constant 2 : i32
          %add3A_105 = arith.addi %mul3A_89, %add3A_104 : i32
          %lt3A = arith.constant 40 : i32
          %lt3A_106 = arith.cmpi slt, %add3A_105, %lt3A : i32
          %convert_element_type3A_107 = arith.extui %lt3A_106 : i1 to i32
          %cond3A_108 = arith.constant 0 : i32
          %cond3A_109 = arith.cmpi ne, %convert_element_type3A_107, %cond3A_108 : i32
          scf.if %cond3A_109 {
            %add3A_120 = arith.constant 2 : i32
            %add3A_121 = arith.addi %mul3A_89, %add3A_120 : i32
            %dma_start3A_122 = arith.constant 0 : i32
            %dma_start3A_123 = tpu.memref_slice %arg8[%add3A_121, %dma_start3A_122] : memref<40x128xi32, #tpu.memory_space<vmem>> -> memref<1x128xi32, #tpu.memory_space<vmem>>
            %dma_start3A_124 = tpu.memref_squeeze %dma_start3A_123 : memref<1x128xi32, #tpu.memory_space<vmem>> -> memref<128xi32, #tpu.memory_space<vmem>>
            %dma_start3A_125 = arith.constant 0 : i32
            %dma_start3A_126 = arith.constant 0 : i32
            %dma_start3A_127 = tpu.memref_slice %arg3[%dma_start3A_125, %dma_start3A_126] : memref<10000x128xf32, #tpu.memory_space<hbm>> -> memref<10000x128xf32, #tpu.memory_space<hbm>>
            tpu.enqueue_indirect_dma source(%dma_start3A_127 : memref<10000x128xf32, #tpu.memory_space<hbm>>) target(%arg10 : memref<128x128xf32, #tpu.memory_space<vmem>>) offsets(%dma_start3A_124 : memref<128xi32, #tpu.memory_space<vmem>>) semaphore(%arg13 : memref<!tpu.dma_semaphore, #tpu.memory_space<semaphore_mem>>)
          } else {
          }
          %add3A_110 = arith.constant 1 : i32
          %add3A_111 = arith.addi %mul3A_89, %add3A_110 : i32
          %dma_wait3A_112 = arith.constant 0 : i32
          %dma_wait3A_113 = tpu.memref_slice %arg8[%add3A_111, %dma_wait3A_112] : memref<40x128xi32, #tpu.memory_space<vmem>> -> memref<1x128xi32, #tpu.memory_space<vmem>>
          %dma_wait3A_114 = tpu.memref_squeeze %dma_wait3A_113 : memref<1x128xi32, #tpu.memory_space<vmem>> -> memref<128xi32, #tpu.memory_space<vmem>>
          %dma_wait3A_115 = arith.constant 0 : i32
          %dma_wait3A_116 = arith.constant 0 : i32
          %dma_wait3A_117 = tpu.memref_slice %arg3[%dma_wait3A_115, %dma_wait3A_116] : memref<10000x128xf32, #tpu.memory_space<hbm>> -> memref<10000x128xf32, #tpu.memory_space<hbm>>
          tpu.wait_indirect_dma semaphore(%arg14 : memref<!tpu.dma_semaphore, #tpu.memory_space<semaphore_mem>>) src(%dma_wait3A_117 : memref<10000x128xf32, #tpu.memory_space<hbm>>) dst(%arg11 : memref<128x128xf32, #tpu.memory_space<vmem>>)
          %add3A_118 = arith.constant 1 : i32
          %add3A_119 = arith.addi %mul3A_89, %add3A_118 : i32
          "tpu.region"() ({
            %run_scoped3A = tpu.sem_alloc : memref<!tpu.dma_semaphore, #tpu.memory_space<semaphore_mem>>
            %dma_start3A_120 = arith.constant 0 : i32
            %dma_start3A_121 = tpu.memref_slice %arg9[%add3A_119, %dma_start3A_120] : memref<40x128xi32, #tpu.memory_space<vmem>> -> memref<1x128xi32, #tpu.memory_space<vmem>>
            %dma_start3A_122 = tpu.memref_squeeze %dma_start3A_121 : memref<1x128xi32, #tpu.memory_space<vmem>> -> memref<128xi32, #tpu.memory_space<vmem>>
            %dma_start3A_123 = arith.constant 0 : i32
            %dma_start3A_124 = arith.constant 0 : i32
            %dma_start3A_125 = tpu.memref_slice %arg12[%dma_start3A_123, %dma_start3A_124] : memref<10112x128xf32, #tpu.memory_space<vmem_shared>> -> memref<10112x128xf32, #tpu.memory_space<vmem_shared>>
            tpu.enqueue_indirect_dma source(%arg11 : memref<128x128xf32, #tpu.memory_space<vmem>>) target(%dma_start3A_125 : memref<10112x128xf32, #tpu.memory_space<vmem_shared>>) offsets(%dma_start3A_122 : memref<128xi32, #tpu.memory_space<vmem>>) semaphore(%run_scoped3A : memref<!tpu.dma_semaphore, #tpu.memory_space<semaphore_mem>>) {add = true}
            %dma_wait3A_126 = arith.constant 0 : i32
            %dma_wait3A_127 = tpu.memref_slice %arg9[%add3A_119, %dma_wait3A_126] : memref<40x128xi32, #tpu.memory_space<vmem>> -> memref<1x128xi32, #tpu.memory_space<vmem>>
            %dma_wait3A_128 = tpu.memref_squeeze %dma_wait3A_127 : memref<1x128xi32, #tpu.memory_space<vmem>> -> memref<128xi32, #tpu.memory_space<vmem>>
            %dma_wait3A_129 = arith.constant 0 : i32
            %dma_wait3A_130 = arith.constant 0 : i32
            %dma_wait3A_131 = tpu.memref_slice %arg12[%dma_wait3A_129, %dma_wait3A_130] : memref<10112x128xf32, #tpu.memory_space<vmem_shared>> -> memref<10112x128xf32, #tpu.memory_space<vmem_shared>>
            tpu.wait_indirect_dma semaphore(%run_scoped3A : memref<!tpu.dma_semaphore, #tpu.memory_space<semaphore_mem>>) src(%arg11 : memref<128x128xf32, #tpu.memory_space<vmem>>) dst(%dma_wait3A_131 : memref<10112x128xf32, #tpu.memory_space<vmem_shared>>)
            tpu.yield
          }) : () -> ()
        }
        %scan3A_86 = arith.constant 20 : i32
      }
      %scan3A_68 = arith.constant 2 : i32
    } else {
    }
    %barrier3A_52 = arith.constant 0 : index
    tpu.barrier barrier_id(%barrier3A_52)
    %eq3A_53 = arith.constant 0 : i32
    %eq3A_54 = arith.cmpi eq, %arg0, %eq3A_53 : i32
    %convert_element_type3A_55 = arith.extui %eq3A_54 : i1 to i32
    %cond3A_56 = arith.constant 0 : i32
    %cond3A_57 = arith.cmpi ne, %convert_element_type3A_55, %cond3A_56 : i32
    scf.if %cond3A_57 {
      %add3A_63 = arith.constant 0 : i32
      %add3A_64 = arith.addi %mul3A_0, %add3A_63 : i32
      "tpu.region"() ({
        %run_scoped3A = tpu.sem_alloc : memref<!tpu.dma_semaphore, #tpu.memory_space<semaphore_mem>>
        %dma_start3A_193 = arith.constant 0 : i32
        %dma_start3A_194 = arith.constant 0 : i32
        %dma_start3A_195 = tpu.memref_slice %arg10[%dma_start3A_193, %dma_start3A_194] : memref<128x128xf32, #tpu.memory_space<vmem>> -> memref<128x128xf32, #tpu.memory_space<vmem>>
        %dma_start3A_196 = arith.constant 0 : i32
        %dma_start3A_197 = tpu.memref_slice %arg12[%add3A_64, %dma_start3A_196] : memref<10112x128xf32, #tpu.memory_space<vmem_shared>> -> memref<128x128xf32, #tpu.memory_space<vmem_shared>>
        %dma_start3A_198 = arith.constant 0 : i32
        %dma_start3A_199 = arith.constant 0 : i32
        %dma_start3A_200 = tpu.memref_slice %arg10[%dma_start3A_198, %dma_start3A_199] : memref<128x128xf32, #tpu.memory_space<vmem>> -> memref<128x128xf32, #tpu.memory_space<vmem>>
        %dma_start3A_201 = arith.constant 0 : i32
        %dma_start3A_202 = tpu.memref_slice %arg12[%add3A_64, %dma_start3A_201] : memref<10112x128xf32, #tpu.memory_space<vmem_shared>> -> memref<128x128xf32, #tpu.memory_space<vmem_shared>>
        tpu.enqueue_dma source(%dma_start3A_202 : memref<128x128xf32, #tpu.memory_space<vmem_shared>>) target(%dma_start3A_200 : memref<128x128xf32, #tpu.memory_space<vmem>>) target_semaphore(%run_scoped3A : memref<!tpu.dma_semaphore, #tpu.memory_space<semaphore_mem>>)
        %dma_wait3A_203 = arith.constant 0 : i32
        %dma_wait3A_204 = arith.constant 0 : i32
        %dma_wait3A_205 = tpu.memref_slice %arg10[%dma_wait3A_203, %dma_wait3A_204] : memref<128x128xf32, #tpu.memory_space<vmem>> -> memref<128x128xf32, #tpu.memory_space<vmem>>
        %dma_wait3A_206 = arith.constant 0 : i32
        %dma_wait3A_207 = tpu.memref_slice %arg12[%add3A_64, %dma_wait3A_206] : memref<10112x128xf32, #tpu.memory_space<vmem_shared>> -> memref<128x128xf32, #tpu.memory_space<vmem_shared>>
        %dma_wait3A_208 = arith.constant 0 : i32
        %dma_wait3A_209 = arith.constant 0 : i32
        %dma_wait3A_210 = tpu.memref_slice %arg10[%dma_wait3A_208, %dma_wait3A_209] : memref<128x128xf32, #tpu.memory_space<vmem>> -> memref<128x128xf32, #tpu.memory_space<vmem>>
        %dma_wait3A_211 = arith.constant 0 : i32
        %dma_wait3A_212 = tpu.memref_slice %arg12[%add3A_64, %dma_wait3A_211] : memref<10112x128xf32, #tpu.memory_space<vmem_shared>> -> memref<128x128xf32, #tpu.memory_space<vmem_shared>>
        tpu.wait_dma2 semaphore(%run_scoped3A : memref<!tpu.dma_semaphore, #tpu.memory_space<semaphore_mem>>) src(%dma_wait3A_212 : memref<128x128xf32, #tpu.memory_space<vmem_shared>>) dst(%dma_wait3A_210 : memref<128x128xf32, #tpu.memory_space<vmem>>)
        tpu.yield
      }) : () -> ()
      %add3A_65 = arith.constant 0 : i32
      %add3A_66 = arith.addi %mul3A_0, %add3A_65 : i32
      %dma_start3A_67 = arith.constant 0 : i32
      %dma_start3A_68 = arith.constant 0 : i32
      %dma_start3A_69 = tpu.memref_slice %arg10[%dma_start3A_67, %dma_start3A_68] : memref<128x128xf32, #tpu.memory_space<vmem>> -> memref<128x128xf32, #tpu.memory_space<vmem>>
      %dma_start3A_70 = arith.constant 0 : i32
      %dma_start3A_71 = tpu.memref_slice %arg6[%add3A_66, %dma_start3A_70] : memref<10112x128xf32, #tpu.memory_space<hbm>> -> memref<128x128xf32, #tpu.memory_space<hbm>>
      %dma_start3A_72 = arith.constant 0 : i32
      %dma_start3A_73 = tpu.memref_slice %arg6[%add3A_66, %dma_start3A_72] : memref<10112x128xf32, #tpu.memory_space<hbm>> -> memref<128x128xf32, #tpu.memory_space<hbm>>
      %dma_start3A_74 = arith.constant 0 : i32
      %dma_start3A_75 = arith.constant 0 : i32
      %dma_start3A_76 = tpu.memref_slice %arg10[%dma_start3A_74, %dma_start3A_75] : memref<128x128xf32, #tpu.memory_space<vmem>> -> memref<128x128xf32, #tpu.memory_space<vmem>>
      tpu.enqueue_dma source(%dma_start3A_76 : memref<128x128xf32, #tpu.memory_space<vmem>>) target(%dma_start3A_73 : memref<128x128xf32, #tpu.memory_space<hbm>>) target_semaphore(%arg13 : memref<!tpu.dma_semaphore, #tpu.memory_space<semaphore_mem>>)
      %add3A_77 = arith.constant 0 : i32
      %add3A_78 = arith.addi %mul3A_0, %add3A_77 : i32
      %add3A_79 = arith.constant 128 : i32
      %add3A_80 = arith.addi %mul3A_0, %add3A_79 : i32
      "tpu.region"() ({
        %run_scoped3A = tpu.sem_alloc : memref<!tpu.dma_semaphore, #tpu.memory_space<semaphore_mem>>
        %dma_start3A_193 = arith.constant 0 : i32
        %dma_start3A_194 = arith.constant 0 : i32
        %dma_start3A_195 = tpu.memref_slice %arg11[%dma_start3A_193, %dma_start3A_194] : memref<128x128xf32, #tpu.memory_space<vmem>> -> memref<128x128xf32, #tpu.memory_space<vmem>>
        %dma_start3A_196 = arith.constant 0 : i32
        %dma_start3A_197 = tpu.memref_slice %arg12[%add3A_80, %dma_start3A_196] : memref<10112x128xf32, #tpu.memory_space<vmem_shared>> -> memref<128x128xf32, #tpu.memory_space<vmem_shared>>
        %dma_start3A_198 = arith.constant 0 : i32
        %dma_start3A_199 = arith.constant 0 : i32
        %dma_start3A_200 = tpu.memref_slice %arg11[%dma_start3A_198, %dma_start3A_199] : memref<128x128xf32, #tpu.memory_space<vmem>> -> memref<128x128xf32, #tpu.memory_space<vmem>>
        %dma_start3A_201 = arith.constant 0 : i32
        %dma_start3A_202 = tpu.memref_slice %arg12[%add3A_80, %dma_start3A_201] : memref<10112x128xf32, #tpu.memory_space<vmem_shared>> -> memref<128x128xf32, #tpu.memory_space<vmem_shared>>
        tpu.enqueue_dma source(%dma_start3A_202 : memref<128x128xf32, #tpu.memory_space<vmem_shared>>) target(%dma_start3A_200 : memref<128x128xf32, #tpu.memory_space<vmem>>) target_semaphore(%run_scoped3A : memref<!tpu.dma_semaphore, #tpu.memory_space<semaphore_mem>>)
        %dma_wait3A_203 = arith.constant 0 : i32
        %dma_wait3A_204 = arith.constant 0 : i32
        %dma_wait3A_205 = tpu.memref_slice %arg11[%dma_wait3A_203, %dma_wait3A_204] : memref<128x128xf32, #tpu.memory_space<vmem>> -> memref<128x128xf32, #tpu.memory_space<vmem>>
        %dma_wait3A_206 = arith.constant 0 : i32
        %dma_wait3A_207 = tpu.memref_slice %arg12[%add3A_80, %dma_wait3A_206] : memref<10112x128xf32, #tpu.memory_space<vmem_shared>> -> memref<128x128xf32, #tpu.memory_space<vmem_shared>>
        %dma_wait3A_208 = arith.constant 0 : i32
        %dma_wait3A_209 = arith.constant 0 : i32
        %dma_wait3A_210 = tpu.memref_slice %arg11[%dma_wait3A_208, %dma_wait3A_209] : memref<128x128xf32, #tpu.memory_space<vmem>> -> memref<128x128xf32, #tpu.memory_space<vmem>>
        %dma_wait3A_211 = arith.constant 0 : i32
        %dma_wait3A_212 = tpu.memref_slice %arg12[%add3A_80, %dma_wait3A_211] : memref<10112x128xf32, #tpu.memory_space<vmem_shared>> -> memref<128x128xf32, #tpu.memory_space<vmem_shared>>
        tpu.wait_dma2 semaphore(%run_scoped3A : memref<!tpu.dma_semaphore, #tpu.memory_space<semaphore_mem>>) src(%dma_wait3A_212 : memref<128x128xf32, #tpu.memory_space<vmem_shared>>) dst(%dma_wait3A_210 : memref<128x128xf32, #tpu.memory_space<vmem>>)
        tpu.yield
      }) : () -> ()
      %add3A_81 = arith.constant 128 : i32
      %add3A_82 = arith.addi %mul3A_0, %add3A_81 : i32
      %dma_start3A_83 = arith.constant 0 : i32
      %dma_start3A_84 = arith.constant 0 : i32
      %dma_start3A_85 = tpu.memref_slice %arg11[%dma_start3A_83, %dma_start3A_84] : memref<128x128xf32, #tpu.memory_space<vmem>> -> memref<128x128xf32, #tpu.memory_space<vmem>>
      %dma_start3A_86 = arith.constant 0 : i32
      %dma_start3A_87 = tpu.memref_slice %arg6[%add3A_82, %dma_start3A_86] : memref<10112x128xf32, #tpu.memory_space<hbm>> -> memref<128x128xf32, #tpu.memory_space<hbm>>
      %dma_start3A_88 = arith.constant 0 : i32
      %dma_start3A_89 = tpu.memref_slice %arg6[%add3A_82, %dma_start3A_88] : memref<10112x128xf32, #tpu.memory_space<hbm>> -> memref<128x128xf32, #tpu.memory_space<hbm>>
      %dma_start3A_90 = arith.constant 0 : i32
      %dma_start3A_91 = arith.constant 0 : i32
      %dma_start3A_92 = tpu.memref_slice %arg11[%dma_start3A_90, %dma_start3A_91] : memref<128x128xf32, #tpu.memory_space<vmem>> -> memref<128x128xf32, #tpu.memory_space<vmem>>
      tpu.enqueue_dma source(%dma_start3A_92 : memref<128x128xf32, #tpu.memory_space<vmem>>) target(%dma_start3A_89 : memref<128x128xf32, #tpu.memory_space<hbm>>) target_semaphore(%arg14 : memref<!tpu.dma_semaphore, #tpu.memory_space<semaphore_mem>>)
      %add3A_93 = arith.constant 128 : i32
      %add3A_94 = arith.addi %mul3A_0, %add3A_93 : i32
      %dma_wait3A_95 = arith.constant 0 : i32
      %dma_wait3A_96 = arith.constant 0 : i32
      %dma_wait3A_97 = tpu.memref_slice %arg10[%dma_wait3A_95, %dma_wait3A_96] : memref<128x128xf32, #tpu.memory_space<vmem>> -> memref<128x128xf32, #tpu.memory_space<vmem>>
      %dma_wait3A_98 = arith.constant 0 : i32
      %dma_wait3A_99 = tpu.memref_slice %arg6[%add3A_78, %dma_wait3A_98] : memref<10112x128xf32, #tpu.memory_space<hbm>> -> memref<128x128xf32, #tpu.memory_space<hbm>>
      %dma_wait3A_100 = arith.constant 0 : i32
      %dma_wait3A_101 = tpu.memref_slice %arg6[%add3A_78, %dma_wait3A_100] : memref<10112x128xf32, #tpu.memory_space<hbm>> -> memref<128x128xf32, #tpu.memory_space<hbm>>
      %dma_wait3A_102 = arith.constant 0 : i32
      %dma_wait3A_103 = arith.constant 0 : i32
      %dma_wait3A_104 = tpu.memref_slice %arg10[%dma_wait3A_102, %dma_wait3A_103] : memref<128x128xf32, #tpu.memory_space<vmem>> -> memref<128x128xf32, #tpu.memory_space<vmem>>
      tpu.wait_dma2 semaphore(%arg13 : memref<!tpu.dma_semaphore, #tpu.memory_space<semaphore_mem>>) src(%dma_wait3A_104 : memref<128x128xf32, #tpu.memory_space<vmem>>) dst(%dma_wait3A_101 : memref<128x128xf32, #tpu.memory_space<hbm>>)
      %add3A_105 = arith.constant 256 : i32
      %add3A_106 = arith.addi %mul3A_0, %add3A_105 : i32
      "tpu.region"() ({
        %run_scoped3A = tpu.sem_alloc : memref<!tpu.dma_semaphore, #tpu.memory_space<semaphore_mem>>
        %dma_start3A_193 = arith.constant 0 : i32
        %dma_start3A_194 = arith.constant 0 : i32
        %dma_start3A_195 = tpu.memref_slice %arg10[%dma_start3A_193, %dma_start3A_194] : memref<128x128xf32, #tpu.memory_space<vmem>> -> memref<128x128xf32, #tpu.memory_space<vmem>>
        %dma_start3A_196 = arith.constant 0 : i32
        %dma_start3A_197 = tpu.memref_slice %arg12[%add3A_106, %dma_start3A_196] : memref<10112x128xf32, #tpu.memory_space<vmem_shared>> -> memref<128x128xf32, #tpu.memory_space<vmem_shared>>
        %dma_start3A_198 = arith.constant 0 : i32
        %dma_start3A_199 = arith.constant 0 : i32
        %dma_start3A_200 = tpu.memref_slice %arg10[%dma_start3A_198, %dma_start3A_199] : memref<128x128xf32, #tpu.memory_space<vmem>> -> memref<128x128xf32, #tpu.memory_space<vmem>>
        %dma_start3A_201 = arith.constant 0 : i32
        %dma_start3A_202 = tpu.memref_slice %arg12[%add3A_106, %dma_start3A_201] : memref<10112x128xf32, #tpu.memory_space<vmem_shared>> -> memref<128x128xf32, #tpu.memory_space<vmem_shared>>
        tpu.enqueue_dma source(%dma_start3A_202 : memref<128x128xf32, #tpu.memory_space<vmem_shared>>) target(%dma_start3A_200 : memref<128x128xf32, #tpu.memory_space<vmem>>) target_semaphore(%run_scoped3A : memref<!tpu.dma_semaphore, #tpu.memory_space<semaphore_mem>>)
        %dma_wait3A_203 = arith.constant 0 : i32
        %dma_wait3A_204 = arith.constant 0 : i32
        %dma_wait3A_205 = tpu.memref_slice %arg10[%dma_wait3A_203, %dma_wait3A_204] : memref<128x128xf32, #tpu.memory_space<vmem>> -> memref<128x128xf32, #tpu.memory_space<vmem>>
        %dma_wait3A_206 = arith.constant 0 : i32
        %dma_wait3A_207 = tpu.memref_slice %arg12[%add3A_106, %dma_wait3A_206] : memref<10112x128xf32, #tpu.memory_space<vmem_shared>> -> memref<128x128xf32, #tpu.memory_space<vmem_shared>>
        %dma_wait3A_208 = arith.constant 0 : i32
        %dma_wait3A_209 = arith.constant 0 : i32
        %dma_wait3A_210 = tpu.memref_slice %arg10[%dma_wait3A_208, %dma_wait3A_209] : memref<128x128xf32, #tpu.memory_space<vmem>> -> memref<128x128xf32, #tpu.memory_space<vmem>>
        %dma_wait3A_211 = arith.constant 0 : i32
        %dma_wait3A_212 = tpu.memref_slice %arg12[%add3A_106, %dma_wait3A_211] : memref<10112x128xf32, #tpu.memory_space<vmem_shared>> -> memref<128x128xf32, #tpu.memory_space<vmem_shared>>
        tpu.wait_dma2 semaphore(%run_scoped3A : memref<!tpu.dma_semaphore, #tpu.memory_space<semaphore_mem>>) src(%dma_wait3A_212 : memref<128x128xf32, #tpu.memory_space<vmem_shared>>) dst(%dma_wait3A_210 : memref<128x128xf32, #tpu.memory_space<vmem>>)
        tpu.yield
      }) : () -> ()
      %add3A_107 = arith.constant 256 : i32
      %add3A_108 = arith.addi %mul3A_0, %add3A_107 : i32
      %dma_start3A_109 = arith.constant 0 : i32
      %dma_start3A_110 = arith.constant 0 : i32
      %dma_start3A_111 = tpu.memref_slice %arg10[%dma_start3A_109, %dma_start3A_110] : memref<128x128xf32, #tpu.memory_space<vmem>> -> memref<128x128xf32, #tpu.memory_space<vmem>>
      %dma_start3A_112 = arith.constant 0 : i32
      %dma_start3A_113 = tpu.memref_slice %arg6[%add3A_108, %dma_start3A_112] : memref<10112x128xf32, #tpu.memory_space<hbm>> -> memref<128x128xf32, #tpu.memory_space<hbm>>
      %dma_start3A_114 = arith.constant 0 : i32
      %dma_start3A_115 = tpu.memref_slice %arg6[%add3A_108, %dma_start3A_114] : memref<10112x128xf32, #tpu.memory_space<hbm>> -> memref<128x128xf32, #tpu.memory_space<hbm>>
      %dma_start3A_116 = arith.constant 0 : i32
      %dma_start3A_117 = arith.constant 0 : i32
      %dma_start3A_118 = tpu.memref_slice %arg10[%dma_start3A_116, %dma_start3A_117] : memref<128x128xf32, #tpu.memory_space<vmem>> -> memref<128x128xf32, #tpu.memory_space<vmem>>
      tpu.enqueue_dma source(%dma_start3A_118 : memref<128x128xf32, #tpu.memory_space<vmem>>) target(%dma_start3A_115 : memref<128x128xf32, #tpu.memory_space<hbm>>) target_semaphore(%arg13 : memref<!tpu.dma_semaphore, #tpu.memory_space<semaphore_mem>>)
      %add3A_119 = arith.constant 256 : i32
      %add3A_120 = arith.addi %mul3A_0, %add3A_119 : i32
      %dma_wait3A_121 = arith.constant 0 : i32
      %dma_wait3A_122 = arith.constant 0 : i32
      %dma_wait3A_123 = tpu.memref_slice %arg11[%dma_wait3A_121, %dma_wait3A_122] : memref<128x128xf32, #tpu.memory_space<vmem>> -> memref<128x128xf32, #tpu.memory_space<vmem>>
      %dma_wait3A_124 = arith.constant 0 : i32
      %dma_wait3A_125 = tpu.memref_slice %arg6[%add3A_94, %dma_wait3A_124] : memref<10112x128xf32, #tpu.memory_space<hbm>> -> memref<128x128xf32, #tpu.memory_space<hbm>>
      %dma_wait3A_126 = arith.constant 0 : i32
      %dma_wait3A_127 = tpu.memref_slice %arg6[%add3A_94, %dma_wait3A_126] : memref<10112x128xf32, #tpu.memory_space<hbm>> -> memref<128x128xf32, #tpu.memory_space<hbm>>
      %dma_wait3A_128 = arith.constant 0 : i32
      %dma_wait3A_129 = arith.constant 0 : i32
      %dma_wait3A_130 = tpu.memref_slice %arg11[%dma_wait3A_128, %dma_wait3A_129] : memref<128x128xf32, #tpu.memory_space<vmem>> -> memref<128x128xf32, #tpu.memory_space<vmem>>
      tpu.wait_dma2 semaphore(%arg14 : memref<!tpu.dma_semaphore, #tpu.memory_space<semaphore_mem>>) src(%dma_wait3A_130 : memref<128x128xf32, #tpu.memory_space<vmem>>) dst(%dma_wait3A_127 : memref<128x128xf32, #tpu.memory_space<hbm>>)
      %add3A_131 = arith.constant 384 : i32
      %add3A_132 = arith.addi %mul3A_0, %add3A_131 : i32
      "tpu.region"() ({
        %run_scoped3A = tpu.sem_alloc : memref<!tpu.dma_semaphore, #tpu.memory_space<semaphore_mem>>
        %dma_start3A_193 = arith.constant 0 : i32
        %dma_start3A_194 = arith.constant 0 : i32
        %dma_start3A_195 = tpu.memref_slice %arg11[%dma_start3A_193, %dma_start3A_194] : memref<128x128xf32, #tpu.memory_space<vmem>> -> memref<128x128xf32, #tpu.memory_space<vmem>>
        %dma_start3A_196 = arith.constant 0 : i32
        %dma_start3A_197 = tpu.memref_slice %arg12[%add3A_132, %dma_start3A_196] : memref<10112x128xf32, #tpu.memory_space<vmem_shared>> -> memref<128x128xf32, #tpu.memory_space<vmem_shared>>
        %dma_start3A_198 = arith.constant 0 : i32
        %dma_start3A_199 = arith.constant 0 : i32
        %dma_start3A_200 = tpu.memref_slice %arg11[%dma_start3A_198, %dma_start3A_199] : memref<128x128xf32, #tpu.memory_space<vmem>> -> memref<128x128xf32, #tpu.memory_space<vmem>>
        %dma_start3A_201 = arith.constant 0 : i32
        %dma_start3A_202 = tpu.memref_slice %arg12[%add3A_132, %dma_start3A_201] : memref<10112x128xf32, #tpu.memory_space<vmem_shared>> -> memref<128x128xf32, #tpu.memory_space<vmem_shared>>
        tpu.enqueue_dma source(%dma_start3A_202 : memref<128x128xf32, #tpu.memory_space<vmem_shared>>) target(%dma_start3A_200 : memref<128x128xf32, #tpu.memory_space<vmem>>) target_semaphore(%run_scoped3A : memref<!tpu.dma_semaphore, #tpu.memory_space<semaphore_mem>>)
        %dma_wait3A_203 = arith.constant 0 : i32
        %dma_wait3A_204 = arith.constant 0 : i32
        %dma_wait3A_205 = tpu.memref_slice %arg11[%dma_wait3A_203, %dma_wait3A_204] : memref<128x128xf32, #tpu.memory_space<vmem>> -> memref<128x128xf32, #tpu.memory_space<vmem>>
        %dma_wait3A_206 = arith.constant 0 : i32
        %dma_wait3A_207 = tpu.memref_slice %arg12[%add3A_132, %dma_wait3A_206] : memref<10112x128xf32, #tpu.memory_space<vmem_shared>> -> memref<128x128xf32, #tpu.memory_space<vmem_shared>>
        %dma_wait3A_208 = arith.constant 0 : i32
        %dma_wait3A_209 = arith.constant 0 : i32
        %dma_wait3A_210 = tpu.memref_slice %arg11[%dma_wait3A_208, %dma_wait3A_209] : memref<128x128xf32, #tpu.memory_space<vmem>> -> memref<128x128xf32, #tpu.memory_space<vmem>>
        %dma_wait3A_211 = arith.constant 0 : i32
        %dma_wait3A_212 = tpu.memref_slice %arg12[%add3A_132, %dma_wait3A_211] : memref<10112x128xf32, #tpu.memory_space<vmem_shared>> -> memref<128x128xf32, #tpu.memory_space<vmem_shared>>
        tpu.wait_dma2 semaphore(%run_scoped3A : memref<!tpu.dma_semaphore, #tpu.memory_space<semaphore_mem>>) src(%dma_wait3A_212 : memref<128x128xf32, #tpu.memory_space<vmem_shared>>) dst(%dma_wait3A_210 : memref<128x128xf32, #tpu.memory_space<vmem>>)
        tpu.yield
      }) : () -> ()
      %add3A_133 = arith.constant 384 : i32
      %add3A_134 = arith.addi %mul3A_0, %add3A_133 : i32
      %dma_start3A_135 = arith.constant 0 : i32
      %dma_start3A_136 = arith.constant 0 : i32
      %dma_start3A_137 = tpu.memref_slice %arg11[%dma_start3A_135, %dma_start3A_136] : memref<128x128xf32, #tpu.memory_space<vmem>> -> memref<128x128xf32, #tpu.memory_space<vmem>>
      %dma_start3A_138 = arith.constant 0 : i32
      %dma_start3A_139 = tpu.memref_slice %arg6[%add3A_134, %dma_start3A_138] : memref<10112x128xf32, #tpu.memory_space<hbm>> -> memref<128x128xf32, #tpu.memory_space<hbm>>
      %dma_start3A_140 = arith.constant 0 : i32
      %dma_start3A_141 = tpu.memref_slice %arg6[%add3A_134, %dma_start3A_140] : memref<10112x128xf32, #tpu.memory_space<hbm>> -> memref<128x128xf32, #tpu.memory_space<hbm>>
      %dma_start3A_142 = arith.constant 0 : i32
      %dma_start3A_143 = arith.constant 0 : i32
      %dma_start3A_144 = tpu.memref_slice %arg11[%dma_start3A_142, %dma_start3A_143] : memref<128x128xf32, #tpu.memory_space<vmem>> -> memref<128x128xf32, #tpu.memory_space<vmem>>
      tpu.enqueue_dma source(%dma_start3A_144 : memref<128x128xf32, #tpu.memory_space<vmem>>) target(%dma_start3A_141 : memref<128x128xf32, #tpu.memory_space<hbm>>) target_semaphore(%arg14 : memref<!tpu.dma_semaphore, #tpu.memory_space<semaphore_mem>>)
      %add3A_145 = arith.constant 384 : i32
      %add3A_146 = arith.addi %mul3A_0, %add3A_145 : i32
      %dma_wait3A_147 = arith.constant 0 : i32
      %dma_wait3A_148 = arith.constant 0 : i32
      %dma_wait3A_149 = tpu.memref_slice %arg10[%dma_wait3A_147, %dma_wait3A_148] : memref<128x128xf32, #tpu.memory_space<vmem>> -> memref<128x128xf32, #tpu.memory_space<vmem>>
      %dma_wait3A_150 = arith.constant 0 : i32
      %dma_wait3A_151 = tpu.memref_slice %arg6[%add3A_120, %dma_wait3A_150] : memref<10112x128xf32, #tpu.memory_space<hbm>> -> memref<128x128xf32, #tpu.memory_space<hbm>>
      %dma_wait3A_152 = arith.constant 0 : i32
      %dma_wait3A_153 = tpu.memref_slice %arg6[%add3A_120, %dma_wait3A_152] : memref<10112x128xf32, #tpu.memory_space<hbm>> -> memref<128x128xf32, #tpu.memory_space<hbm>>
      %dma_wait3A_154 = arith.constant 0 : i32
      %dma_wait3A_155 = arith.constant 0 : i32
      %dma_wait3A_156 = tpu.memref_slice %arg10[%dma_wait3A_154, %dma_wait3A_155] : memref<128x128xf32, #tpu.memory_space<vmem>> -> memref<128x128xf32, #tpu.memory_space<vmem>>
      tpu.wait_dma2 semaphore(%arg13 : memref<!tpu.dma_semaphore, #tpu.memory_space<semaphore_mem>>) src(%dma_wait3A_156 : memref<128x128xf32, #tpu.memory_space<vmem>>) dst(%dma_wait3A_153 : memref<128x128xf32, #tpu.memory_space<hbm>>)
      %add3A_157 = arith.constant 512 : i32
      %add3A_158 = arith.addi %mul3A_0, %add3A_157 : i32
      "tpu.region"() ({
        %run_scoped3A = tpu.sem_alloc : memref<!tpu.dma_semaphore, #tpu.memory_space<semaphore_mem>>
        %dma_start3A_193 = arith.constant 0 : i32
        %dma_start3A_194 = arith.constant 0 : i32
        %dma_start3A_195 = tpu.memref_slice %arg10[%dma_start3A_193, %dma_start3A_194] : memref<128x128xf32, #tpu.memory_space<vmem>> -> memref<120x128xf32, #tpu.memory_space<vmem>>
        %dma_start3A_196 = arith.constant 0 : i32
        %dma_start3A_197 = tpu.memref_slice %arg12[%add3A_158, %dma_start3A_196] : memref<10112x128xf32, #tpu.memory_space<vmem_shared>> -> memref<120x128xf32, #tpu.memory_space<vmem_shared>>
        %dma_start3A_198 = arith.constant 0 : i32
        %dma_start3A_199 = arith.constant 0 : i32
        %dma_start3A_200 = tpu.memref_slice %arg10[%dma_start3A_198, %dma_start3A_199] : memref<128x128xf32, #tpu.memory_space<vmem>> -> memref<120x128xf32, #tpu.memory_space<vmem>>
        %dma_start3A_201 = arith.constant 0 : i32
        %dma_start3A_202 = tpu.memref_slice %arg12[%add3A_158, %dma_start3A_201] : memref<10112x128xf32, #tpu.memory_space<vmem_shared>> -> memref<120x128xf32, #tpu.memory_space<vmem_shared>>
        tpu.enqueue_dma source(%dma_start3A_202 : memref<120x128xf32, #tpu.memory_space<vmem_shared>>) target(%dma_start3A_200 : memref<120x128xf32, #tpu.memory_space<vmem>>) target_semaphore(%run_scoped3A : memref<!tpu.dma_semaphore, #tpu.memory_space<semaphore_mem>>)
        %dma_wait3A_203 = arith.constant 0 : i32
        %dma_wait3A_204 = arith.constant 0 : i32
        %dma_wait3A_205 = tpu.memref_slice %arg10[%dma_wait3A_203, %dma_wait3A_204] : memref<128x128xf32, #tpu.memory_space<vmem>> -> memref<120x128xf32, #tpu.memory_space<vmem>>
        %dma_wait3A_206 = arith.constant 0 : i32
        %dma_wait3A_207 = tpu.memref_slice %arg12[%add3A_158, %dma_wait3A_206] : memref<10112x128xf32, #tpu.memory_space<vmem_shared>> -> memref<120x128xf32, #tpu.memory_space<vmem_shared>>
        %dma_wait3A_208 = arith.constant 0 : i32
        %dma_wait3A_209 = arith.constant 0 : i32
        %dma_wait3A_210 = tpu.memref_slice %arg10[%dma_wait3A_208, %dma_wait3A_209] : memref<128x128xf32, #tpu.memory_space<vmem>> -> memref<120x128xf32, #tpu.memory_space<vmem>>
        %dma_wait3A_211 = arith.constant 0 : i32
        %dma_wait3A_212 = tpu.memref_slice %arg12[%add3A_158, %dma_wait3A_211] : memref<10112x128xf32, #tpu.memory_space<vmem_shared>> -> memref<120x128xf32, #tpu.memory_space<vmem_shared>>
        tpu.wait_dma2 semaphore(%run_scoped3A : memref<!tpu.dma_semaphore, #tpu.memory_space<semaphore_mem>>) src(%dma_wait3A_212 : memref<120x128xf32, #tpu.memory_space<vmem_shared>>) dst(%dma_wait3A_210 : memref<120x128xf32, #tpu.memory_space<vmem>>)
        tpu.yield
      }) : () -> ()
      %add3A_159 = arith.constant 512 : i32
      %add3A_160 = arith.addi %mul3A_0, %add3A_159 : i32
      %dma_start3A_161 = arith.constant 0 : i32
      %dma_start3A_162 = arith.constant 0 : i32
      %dma_start3A_163 = tpu.memref_slice %arg10[%dma_start3A_161, %dma_start3A_162] : memref<128x128xf32, #tpu.memory_space<vmem>> -> memref<120x128xf32, #tpu.memory_space<vmem>>
      %dma_start3A_164 = arith.constant 0 : i32
      %dma_start3A_165 = tpu.memref_slice %arg6[%add3A_160, %dma_start3A_164] : memref<10112x128xf32, #tpu.memory_space<hbm>> -> memref<120x128xf32, #tpu.memory_space<hbm>>
      %dma_start3A_166 = arith.constant 0 : i32
      %dma_start3A_167 = tpu.memref_slice %arg6[%add3A_160, %dma_start3A_166] : memref<10112x128xf32, #tpu.memory_space<hbm>> -> memref<120x128xf32, #tpu.memory_space<hbm>>
      %dma_start3A_168 = arith.constant 0 : i32
      %dma_start3A_169 = arith.constant 0 : i32
      %dma_start3A_170 = tpu.memref_slice %arg10[%dma_start3A_168, %dma_start3A_169] : memref<128x128xf32, #tpu.memory_space<vmem>> -> memref<120x128xf32, #tpu.memory_space<vmem>>
      tpu.enqueue_dma source(%dma_start3A_170 : memref<120x128xf32, #tpu.memory_space<vmem>>) target(%dma_start3A_167 : memref<120x128xf32, #tpu.memory_space<hbm>>) target_semaphore(%arg13 : memref<!tpu.dma_semaphore, #tpu.memory_space<semaphore_mem>>)
      %add3A_171 = arith.constant 512 : i32
      %add3A_172 = arith.addi %mul3A_0, %add3A_171 : i32
      %dma_wait3A_173 = arith.constant 0 : i32
      %dma_wait3A_174 = arith.constant 0 : i32
      %dma_wait3A_175 = tpu.memref_slice %arg10[%dma_wait3A_173, %dma_wait3A_174] : memref<128x128xf32, #tpu.memory_space<vmem>> -> memref<120x128xf32, #tpu.memory_space<vmem>>
      %dma_wait3A_176 = arith.constant 0 : i32
      %dma_wait3A_177 = tpu.memref_slice %arg6[%add3A_172, %dma_wait3A_176] : memref<10112x128xf32, #tpu.memory_space<hbm>> -> memref<120x128xf32, #tpu.memory_space<hbm>>
      %dma_wait3A_178 = arith.constant 0 : i32
      %dma_wait3A_179 = tpu.memref_slice %arg6[%add3A_172, %dma_wait3A_178] : memref<10112x128xf32, #tpu.memory_space<hbm>> -> memref<120x128xf32, #tpu.memory_space<hbm>>
      %dma_wait3A_180 = arith.constant 0 : i32
      %dma_wait3A_181 = arith.constant 0 : i32
      %dma_wait3A_182 = tpu.memref_slice %arg10[%dma_wait3A_180, %dma_wait3A_181] : memref<128x128xf32, #tpu.memory_space<vmem>> -> memref<120x128xf32, #tpu.memory_space<vmem>>
      tpu.wait_dma2 semaphore(%arg13 : memref<!tpu.dma_semaphore, #tpu.memory_space<semaphore_mem>>) src(%dma_wait3A_182 : memref<120x128xf32, #tpu.memory_space<vmem>>) dst(%dma_wait3A_179 : memref<120x128xf32, #tpu.memory_space<hbm>>)
      %dma_wait3A_183 = arith.constant 0 : i32
      %dma_wait3A_184 = arith.constant 0 : i32
      %dma_wait3A_185 = tpu.memref_slice %arg11[%dma_wait3A_183, %dma_wait3A_184] : memref<128x128xf32, #tpu.memory_space<vmem>> -> memref<128x128xf32, #tpu.memory_space<vmem>>
      %dma_wait3A_186 = arith.constant 0 : i32
      %dma_wait3A_187 = tpu.memref_slice %arg6[%add3A_146, %dma_wait3A_186] : memref<10112x128xf32, #tpu.memory_space<hbm>> -> memref<128x128xf32, #tpu.memory_space<hbm>>
      %dma_wait3A_188 = arith.constant 0 : i32
      %dma_wait3A_189 = tpu.memref_slice %arg6[%add3A_146, %dma_wait3A_188] : memref<10112x128xf32, #tpu.memory_space<hbm>> -> memref<128x128xf32, #tpu.memory_space<hbm>>
      %dma_wait3A_190 = arith.constant 0 : i32
      %dma_wait3A_191 = arith.constant 0 : i32
      %dma_wait3A_192 = tpu.memref_slice %arg11[%dma_wait3A_190, %dma_wait3A_191] : memref<128x128xf32, #tpu.memory_space<vmem>> -> memref<128x128xf32, #tpu.memory_space<vmem>>
      tpu.wait_dma2 semaphore(%arg14 : memref<!tpu.dma_semaphore, #tpu.memory_space<semaphore_mem>>) src(%dma_wait3A_192 : memref<128x128xf32, #tpu.memory_space<vmem>>) dst(%dma_wait3A_189 : memref<128x128xf32, #tpu.memory_space<hbm>>)
    } else {
    }
    %eq3A_58 = arith.constant 1 : i32
    %eq3A_59 = arith.cmpi eq, %arg0, %eq3A_58 : i32
    %convert_element_type3A_60 = arith.extui %eq3A_59 : i1 to i32
    %cond3A_61 = arith.constant 0 : i32
    %cond3A_62 = arith.cmpi ne, %convert_element_type3A_60, %cond3A_61 : i32
    scf.if %cond3A_62 {
      %add3A_63 = arith.constant 0 : i32
      %add3A_64 = arith.addi %mul3A_0, %add3A_63 : i32
      "tpu.region"() ({
        %run_scoped3A = tpu.sem_alloc : memref<!tpu.dma_semaphore, #tpu.memory_space<semaphore_mem>>
        %dma_start3A_193 = arith.constant 0 : i32
        %dma_start3A_194 = arith.constant 0 : i32
        %dma_start3A_195 = tpu.memref_slice %arg10[%dma_start3A_193, %dma_start3A_194] : memref<128x128xf32, #tpu.memory_space<vmem>> -> memref<128x128xf32, #tpu.memory_space<vmem>>
        %dma_start3A_196 = arith.constant 0 : i32
        %dma_start3A_197 = tpu.memref_slice %arg12[%add3A_64, %dma_start3A_196] : memref<10112x128xf32, #tpu.memory_space<vmem_shared>> -> memref<128x128xf32, #tpu.memory_space<vmem_shared>>
        %dma_start3A_198 = arith.constant 0 : i32
        %dma_start3A_199 = arith.constant 0 : i32
        %dma_start3A_200 = tpu.memref_slice %arg10[%dma_start3A_198, %dma_start3A_199] : memref<128x128xf32, #tpu.memory_space<vmem>> -> memref<128x128xf32, #tpu.memory_space<vmem>>
        %dma_start3A_201 = arith.constant 0 : i32
        %dma_start3A_202 = tpu.memref_slice %arg12[%add3A_64, %dma_start3A_201] : memref<10112x128xf32, #tpu.memory_space<vmem_shared>> -> memref<128x128xf32, #tpu.memory_space<vmem_shared>>
        tpu.enqueue_dma source(%dma_start3A_202 : memref<128x128xf32, #tpu.memory_space<vmem_shared>>) target(%dma_start3A_200 : memref<128x128xf32, #tpu.memory_space<vmem>>) target_semaphore(%run_scoped3A : memref<!tpu.dma_semaphore, #tpu.memory_space<semaphore_mem>>)
        %dma_wait3A_203 = arith.constant 0 : i32
        %dma_wait3A_204 = arith.constant 0 : i32
        %dma_wait3A_205 = tpu.memref_slice %arg10[%dma_wait3A_203, %dma_wait3A_204] : memref<128x128xf32, #tpu.memory_space<vmem>> -> memref<128x128xf32, #tpu.memory_space<vmem>>
        %dma_wait3A_206 = arith.constant 0 : i32
        %dma_wait3A_207 = tpu.memref_slice %arg12[%add3A_64, %dma_wait3A_206] : memref<10112x128xf32, #tpu.memory_space<vmem_shared>> -> memref<128x128xf32, #tpu.memory_space<vmem_shared>>
        %dma_wait3A_208 = arith.constant 0 : i32
        %dma_wait3A_209 = arith.constant 0 : i32
        %dma_wait3A_210 = tpu.memref_slice %arg10[%dma_wait3A_208, %dma_wait3A_209] : memref<128x128xf32, #tpu.memory_space<vmem>> -> memref<128x128xf32, #tpu.memory_space<vmem>>
        %dma_wait3A_211 = arith.constant 0 : i32
        %dma_wait3A_212 = tpu.memref_slice %arg12[%add3A_64, %dma_wait3A_211] : memref<10112x128xf32, #tpu.memory_space<vmem_shared>> -> memref<128x128xf32, #tpu.memory_space<vmem_shared>>
        tpu.wait_dma2 semaphore(%run_scoped3A : memref<!tpu.dma_semaphore, #tpu.memory_space<semaphore_mem>>) src(%dma_wait3A_212 : memref<128x128xf32, #tpu.memory_space<vmem_shared>>) dst(%dma_wait3A_210 : memref<128x128xf32, #tpu.memory_space<vmem>>)
        tpu.yield
      }) : () -> ()
      %add3A_65 = arith.constant 0 : i32
      %add3A_66 = arith.addi %mul3A_0, %add3A_65 : i32
      %dma_start3A_67 = arith.constant 0 : i32
      %dma_start3A_68 = arith.constant 0 : i32
      %dma_start3A_69 = tpu.memref_slice %arg10[%dma_start3A_67, %dma_start3A_68] : memref<128x128xf32, #tpu.memory_space<vmem>> -> memref<128x128xf32, #tpu.memory_space<vmem>>
      %dma_start3A_70 = arith.constant 0 : i32
      %dma_start3A_71 = tpu.memref_slice %arg7[%add3A_66, %dma_start3A_70] : memref<10112x128xf32, #tpu.memory_space<hbm>> -> memref<128x128xf32, #tpu.memory_space<hbm>>
      %dma_start3A_72 = arith.constant 0 : i32
      %dma_start3A_73 = tpu.memref_slice %arg7[%add3A_66, %dma_start3A_72] : memref<10112x128xf32, #tpu.memory_space<hbm>> -> memref<128x128xf32, #tpu.memory_space<hbm>>
      %dma_start3A_74 = arith.constant 0 : i32
      %dma_start3A_75 = arith.constant 0 : i32
      %dma_start3A_76 = tpu.memref_slice %arg10[%dma_start3A_74, %dma_start3A_75] : memref<128x128xf32, #tpu.memory_space<vmem>> -> memref<128x128xf32, #tpu.memory_space<vmem>>
      tpu.enqueue_dma source(%dma_start3A_76 : memref<128x128xf32, #tpu.memory_space<vmem>>) target(%dma_start3A_73 : memref<128x128xf32, #tpu.memory_space<hbm>>) target_semaphore(%arg13 : memref<!tpu.dma_semaphore, #tpu.memory_space<semaphore_mem>>)
      %add3A_77 = arith.constant 0 : i32
      %add3A_78 = arith.addi %mul3A_0, %add3A_77 : i32
      %add3A_79 = arith.constant 128 : i32
      %add3A_80 = arith.addi %mul3A_0, %add3A_79 : i32
      "tpu.region"() ({
        %run_scoped3A = tpu.sem_alloc : memref<!tpu.dma_semaphore, #tpu.memory_space<semaphore_mem>>
        %dma_start3A_193 = arith.constant 0 : i32
        %dma_start3A_194 = arith.constant 0 : i32
        %dma_start3A_195 = tpu.memref_slice %arg11[%dma_start3A_193, %dma_start3A_194] : memref<128x128xf32, #tpu.memory_space<vmem>> -> memref<128x128xf32, #tpu.memory_space<vmem>>
        %dma_start3A_196 = arith.constant 0 : i32
        %dma_start3A_197 = tpu.memref_slice %arg12[%add3A_80, %dma_start3A_196] : memref<10112x128xf32, #tpu.memory_space<vmem_shared>> -> memref<128x128xf32, #tpu.memory_space<vmem_shared>>
        %dma_start3A_198 = arith.constant 0 : i32
        %dma_start3A_199 = arith.constant 0 : i32
        %dma_start3A_200 = tpu.memref_slice %arg11[%dma_start3A_198, %dma_start3A_199] : memref<128x128xf32, #tpu.memory_space<vmem>> -> memref<128x128xf32, #tpu.memory_space<vmem>>
        %dma_start3A_201 = arith.constant 0 : i32
        %dma_start3A_202 = tpu.memref_slice %arg12[%add3A_80, %dma_start3A_201] : memref<10112x128xf32, #tpu.memory_space<vmem_shared>> -> memref<128x128xf32, #tpu.memory_space<vmem_shared>>
        tpu.enqueue_dma source(%dma_start3A_202 : memref<128x128xf32, #tpu.memory_space<vmem_shared>>) target(%dma_start3A_200 : memref<128x128xf32, #tpu.memory_space<vmem>>) target_semaphore(%run_scoped3A : memref<!tpu.dma_semaphore, #tpu.memory_space<semaphore_mem>>)
        %dma_wait3A_203 = arith.constant 0 : i32
        %dma_wait3A_204 = arith.constant 0 : i32
        %dma_wait3A_205 = tpu.memref_slice %arg11[%dma_wait3A_203, %dma_wait3A_204] : memref<128x128xf32, #tpu.memory_space<vmem>> -> memref<128x128xf32, #tpu.memory_space<vmem>>
        %dma_wait3A_206 = arith.constant 0 : i32
        %dma_wait3A_207 = tpu.memref_slice %arg12[%add3A_80, %dma_wait3A_206] : memref<10112x128xf32, #tpu.memory_space<vmem_shared>> -> memref<128x128xf32, #tpu.memory_space<vmem_shared>>
        %dma_wait3A_208 = arith.constant 0 : i32
        %dma_wait3A_209 = arith.constant 0 : i32
        %dma_wait3A_210 = tpu.memref_slice %arg11[%dma_wait3A_208, %dma_wait3A_209] : memref<128x128xf32, #tpu.memory_space<vmem>> -> memref<128x128xf32, #tpu.memory_space<vmem>>
        %dma_wait3A_211 = arith.constant 0 : i32
        %dma_wait3A_212 = tpu.memref_slice %arg12[%add3A_80, %dma_wait3A_211] : memref<10112x128xf32, #tpu.memory_space<vmem_shared>> -> memref<128x128xf32, #tpu.memory_space<vmem_shared>>
        tpu.wait_dma2 semaphore(%run_scoped3A : memref<!tpu.dma_semaphore, #tpu.memory_space<semaphore_mem>>) src(%dma_wait3A_212 : memref<128x128xf32, #tpu.memory_space<vmem_shared>>) dst(%dma_wait3A_210 : memref<128x128xf32, #tpu.memory_space<vmem>>)
        tpu.yield
      }) : () -> ()
      %add3A_81 = arith.constant 128 : i32
      %add3A_82 = arith.addi %mul3A_0, %add3A_81 : i32
      %dma_start3A_83 = arith.constant 0 : i32
      %dma_start3A_84 = arith.constant 0 : i32
      %dma_start3A_85 = tpu.memref_slice %arg11[%dma_start3A_83, %dma_start3A_84] : memref<128x128xf32, #tpu.memory_space<vmem>> -> memref<128x128xf32, #tpu.memory_space<vmem>>
      %dma_start3A_86 = arith.constant 0 : i32
      %dma_start3A_87 = tpu.memref_slice %arg7[%add3A_82, %dma_start3A_86] : memref<10112x128xf32, #tpu.memory_space<hbm>> -> memref<128x128xf32, #tpu.memory_space<hbm>>
      %dma_start3A_88 = arith.constant 0 : i32
      %dma_start3A_89 = tpu.memref_slice %arg7[%add3A_82, %dma_start3A_88] : memref<10112x128xf32, #tpu.memory_space<hbm>> -> memref<128x128xf32, #tpu.memory_space<hbm>>
      %dma_start3A_90 = arith.constant 0 : i32
      %dma_start3A_91 = arith.constant 0 : i32
      %dma_start3A_92 = tpu.memref_slice %arg11[%dma_start3A_90, %dma_start3A_91] : memref<128x128xf32, #tpu.memory_space<vmem>> -> memref<128x128xf32, #tpu.memory_space<vmem>>
      tpu.enqueue_dma source(%dma_start3A_92 : memref<128x128xf32, #tpu.memory_space<vmem>>) target(%dma_start3A_89 : memref<128x128xf32, #tpu.memory_space<hbm>>) target_semaphore(%arg14 : memref<!tpu.dma_semaphore, #tpu.memory_space<semaphore_mem>>)
      %add3A_93 = arith.constant 128 : i32
      %add3A_94 = arith.addi %mul3A_0, %add3A_93 : i32
      %dma_wait3A_95 = arith.constant 0 : i32
      %dma_wait3A_96 = arith.constant 0 : i32
      %dma_wait3A_97 = tpu.memref_slice %arg10[%dma_wait3A_95, %dma_wait3A_96] : memref<128x128xf32, #tpu.memory_space<vmem>> -> memref<128x128xf32, #tpu.memory_space<vmem>>
      %dma_wait3A_98 = arith.constant 0 : i32
      %dma_wait3A_99 = tpu.memref_slice %arg7[%add3A_78, %dma_wait3A_98] : memref<10112x128xf32, #tpu.memory_space<hbm>> -> memref<128x128xf32, #tpu.memory_space<hbm>>
      %dma_wait3A_100 = arith.constant 0 : i32
      %dma_wait3A_101 = tpu.memref_slice %arg7[%add3A_78, %dma_wait3A_100] : memref<10112x128xf32, #tpu.memory_space<hbm>> -> memref<128x128xf32, #tpu.memory_space<hbm>>
      %dma_wait3A_102 = arith.constant 0 : i32
      %dma_wait3A_103 = arith.constant 0 : i32
      %dma_wait3A_104 = tpu.memref_slice %arg10[%dma_wait3A_102, %dma_wait3A_103] : memref<128x128xf32, #tpu.memory_space<vmem>> -> memref<128x128xf32, #tpu.memory_space<vmem>>
      tpu.wait_dma2 semaphore(%arg13 : memref<!tpu.dma_semaphore, #tpu.memory_space<semaphore_mem>>) src(%dma_wait3A_104 : memref<128x128xf32, #tpu.memory_space<vmem>>) dst(%dma_wait3A_101 : memref<128x128xf32, #tpu.memory_space<hbm>>)
      %add3A_105 = arith.constant 256 : i32
      %add3A_106 = arith.addi %mul3A_0, %add3A_105 : i32
      "tpu.region"() ({
        %run_scoped3A = tpu.sem_alloc : memref<!tpu.dma_semaphore, #tpu.memory_space<semaphore_mem>>
        %dma_start3A_193 = arith.constant 0 : i32
        %dma_start3A_194 = arith.constant 0 : i32
        %dma_start3A_195 = tpu.memref_slice %arg10[%dma_start3A_193, %dma_start3A_194] : memref<128x128xf32, #tpu.memory_space<vmem>> -> memref<128x128xf32, #tpu.memory_space<vmem>>
        %dma_start3A_196 = arith.constant 0 : i32
        %dma_start3A_197 = tpu.memref_slice %arg12[%add3A_106, %dma_start3A_196] : memref<10112x128xf32, #tpu.memory_space<vmem_shared>> -> memref<128x128xf32, #tpu.memory_space<vmem_shared>>
        %dma_start3A_198 = arith.constant 0 : i32
        %dma_start3A_199 = arith.constant 0 : i32
        %dma_start3A_200 = tpu.memref_slice %arg10[%dma_start3A_198, %dma_start3A_199] : memref<128x128xf32, #tpu.memory_space<vmem>> -> memref<128x128xf32, #tpu.memory_space<vmem>>
        %dma_start3A_201 = arith.constant 0 : i32
        %dma_start3A_202 = tpu.memref_slice %arg12[%add3A_106, %dma_start3A_201] : memref<10112x128xf32, #tpu.memory_space<vmem_shared>> -> memref<128x128xf32, #tpu.memory_space<vmem_shared>>
        tpu.enqueue_dma source(%dma_start3A_202 : memref<128x128xf32, #tpu.memory_space<vmem_shared>>) target(%dma_start3A_200 : memref<128x128xf32, #tpu.memory_space<vmem>>) target_semaphore(%run_scoped3A : memref<!tpu.dma_semaphore, #tpu.memory_space<semaphore_mem>>)
        %dma_wait3A_203 = arith.constant 0 : i32
        %dma_wait3A_204 = arith.constant 0 : i32
        %dma_wait3A_205 = tpu.memref_slice %arg10[%dma_wait3A_203, %dma_wait3A_204] : memref<128x128xf32, #tpu.memory_space<vmem>> -> memref<128x128xf32, #tpu.memory_space<vmem>>
        %dma_wait3A_206 = arith.constant 0 : i32
        %dma_wait3A_207 = tpu.memref_slice %arg12[%add3A_106, %dma_wait3A_206] : memref<10112x128xf32, #tpu.memory_space<vmem_shared>> -> memref<128x128xf32, #tpu.memory_space<vmem_shared>>
        %dma_wait3A_208 = arith.constant 0 : i32
        %dma_wait3A_209 = arith.constant 0 : i32
        %dma_wait3A_210 = tpu.memref_slice %arg10[%dma_wait3A_208, %dma_wait3A_209] : memref<128x128xf32, #tpu.memory_space<vmem>> -> memref<128x128xf32, #tpu.memory_space<vmem>>
        %dma_wait3A_211 = arith.constant 0 : i32
        %dma_wait3A_212 = tpu.memref_slice %arg12[%add3A_106, %dma_wait3A_211] : memref<10112x128xf32, #tpu.memory_space<vmem_shared>> -> memref<128x128xf32, #tpu.memory_space<vmem_shared>>
        tpu.wait_dma2 semaphore(%run_scoped3A : memref<!tpu.dma_semaphore, #tpu.memory_space<semaphore_mem>>) src(%dma_wait3A_212 : memref<128x128xf32, #tpu.memory_space<vmem_shared>>) dst(%dma_wait3A_210 : memref<128x128xf32, #tpu.memory_space<vmem>>)
        tpu.yield
      }) : () -> ()
      %add3A_107 = arith.constant 256 : i32
      %add3A_108 = arith.addi %mul3A_0, %add3A_107 : i32
      %dma_start3A_109 = arith.constant 0 : i32
      %dma_start3A_110 = arith.constant 0 : i32
      %dma_start3A_111 = tpu.memref_slice %arg10[%dma_start3A_109, %dma_start3A_110] : memref<128x128xf32, #tpu.memory_space<vmem>> -> memref<128x128xf32, #tpu.memory_space<vmem>>
      %dma_start3A_112 = arith.constant 0 : i32
      %dma_start3A_113 = tpu.memref_slice %arg7[%add3A_108, %dma_start3A_112] : memref<10112x128xf32, #tpu.memory_space<hbm>> -> memref<128x128xf32, #tpu.memory_space<hbm>>
      %dma_start3A_114 = arith.constant 0 : i32
      %dma_start3A_115 = tpu.memref_slice %arg7[%add3A_108, %dma_start3A_114] : memref<10112x128xf32, #tpu.memory_space<hbm>> -> memref<128x128xf32, #tpu.memory_space<hbm>>
      %dma_start3A_116 = arith.constant 0 : i32
      %dma_start3A_117 = arith.constant 0 : i32
      %dma_start3A_118 = tpu.memref_slice %arg10[%dma_start3A_116, %dma_start3A_117] : memref<128x128xf32, #tpu.memory_space<vmem>> -> memref<128x128xf32, #tpu.memory_space<vmem>>
      tpu.enqueue_dma source(%dma_start3A_118 : memref<128x128xf32, #tpu.memory_space<vmem>>) target(%dma_start3A_115 : memref<128x128xf32, #tpu.memory_space<hbm>>) target_semaphore(%arg13 : memref<!tpu.dma_semaphore, #tpu.memory_space<semaphore_mem>>)
      %add3A_119 = arith.constant 256 : i32
      %add3A_120 = arith.addi %mul3A_0, %add3A_119 : i32
      %dma_wait3A_121 = arith.constant 0 : i32
      %dma_wait3A_122 = arith.constant 0 : i32
      %dma_wait3A_123 = tpu.memref_slice %arg11[%dma_wait3A_121, %dma_wait3A_122] : memref<128x128xf32, #tpu.memory_space<vmem>> -> memref<128x128xf32, #tpu.memory_space<vmem>>
      %dma_wait3A_124 = arith.constant 0 : i32
      %dma_wait3A_125 = tpu.memref_slice %arg7[%add3A_94, %dma_wait3A_124] : memref<10112x128xf32, #tpu.memory_space<hbm>> -> memref<128x128xf32, #tpu.memory_space<hbm>>
      %dma_wait3A_126 = arith.constant 0 : i32
      %dma_wait3A_127 = tpu.memref_slice %arg7[%add3A_94, %dma_wait3A_126] : memref<10112x128xf32, #tpu.memory_space<hbm>> -> memref<128x128xf32, #tpu.memory_space<hbm>>
      %dma_wait3A_128 = arith.constant 0 : i32
      %dma_wait3A_129 = arith.constant 0 : i32
      %dma_wait3A_130 = tpu.memref_slice %arg11[%dma_wait3A_128, %dma_wait3A_129] : memref<128x128xf32, #tpu.memory_space<vmem>> -> memref<128x128xf32, #tpu.memory_space<vmem>>
      tpu.wait_dma2 semaphore(%arg14 : memref<!tpu.dma_semaphore, #tpu.memory_space<semaphore_mem>>) src(%dma_wait3A_130 : memref<128x128xf32, #tpu.memory_space<vmem>>) dst(%dma_wait3A_127 : memref<128x128xf32, #tpu.memory_space<hbm>>)
      %add3A_131 = arith.constant 384 : i32
      %add3A_132 = arith.addi %mul3A_0, %add3A_131 : i32
      "tpu.region"() ({
        %run_scoped3A = tpu.sem_alloc : memref<!tpu.dma_semaphore, #tpu.memory_space<semaphore_mem>>
        %dma_start3A_193 = arith.constant 0 : i32
        %dma_start3A_194 = arith.constant 0 : i32
        %dma_start3A_195 = tpu.memref_slice %arg11[%dma_start3A_193, %dma_start3A_194] : memref<128x128xf32, #tpu.memory_space<vmem>> -> memref<128x128xf32, #tpu.memory_space<vmem>>
        %dma_start3A_196 = arith.constant 0 : i32
        %dma_start3A_197 = tpu.memref_slice %arg12[%add3A_132, %dma_start3A_196] : memref<10112x128xf32, #tpu.memory_space<vmem_shared>> -> memref<128x128xf32, #tpu.memory_space<vmem_shared>>
        %dma_start3A_198 = arith.constant 0 : i32
        %dma_start3A_199 = arith.constant 0 : i32
        %dma_start3A_200 = tpu.memref_slice %arg11[%dma_start3A_198, %dma_start3A_199] : memref<128x128xf32, #tpu.memory_space<vmem>> -> memref<128x128xf32, #tpu.memory_space<vmem>>
        %dma_start3A_201 = arith.constant 0 : i32
        %dma_start3A_202 = tpu.memref_slice %arg12[%add3A_132, %dma_start3A_201] : memref<10112x128xf32, #tpu.memory_space<vmem_shared>> -> memref<128x128xf32, #tpu.memory_space<vmem_shared>>
        tpu.enqueue_dma source(%dma_start3A_202 : memref<128x128xf32, #tpu.memory_space<vmem_shared>>) target(%dma_start3A_200 : memref<128x128xf32, #tpu.memory_space<vmem>>) target_semaphore(%run_scoped3A : memref<!tpu.dma_semaphore, #tpu.memory_space<semaphore_mem>>)
        %dma_wait3A_203 = arith.constant 0 : i32
        %dma_wait3A_204 = arith.constant 0 : i32
        %dma_wait3A_205 = tpu.memref_slice %arg11[%dma_wait3A_203, %dma_wait3A_204] : memref<128x128xf32, #tpu.memory_space<vmem>> -> memref<128x128xf32, #tpu.memory_space<vmem>>
        %dma_wait3A_206 = arith.constant 0 : i32
        %dma_wait3A_207 = tpu.memref_slice %arg12[%add3A_132, %dma_wait3A_206] : memref<10112x128xf32, #tpu.memory_space<vmem_shared>> -> memref<128x128xf32, #tpu.memory_space<vmem_shared>>
        %dma_wait3A_208 = arith.constant 0 : i32
        %dma_wait3A_209 = arith.constant 0 : i32
        %dma_wait3A_210 = tpu.memref_slice %arg11[%dma_wait3A_208, %dma_wait3A_209] : memref<128x128xf32, #tpu.memory_space<vmem>> -> memref<128x128xf32, #tpu.memory_space<vmem>>
        %dma_wait3A_211 = arith.constant 0 : i32
        %dma_wait3A_212 = tpu.memref_slice %arg12[%add3A_132, %dma_wait3A_211] : memref<10112x128xf32, #tpu.memory_space<vmem_shared>> -> memref<128x128xf32, #tpu.memory_space<vmem_shared>>
        tpu.wait_dma2 semaphore(%run_scoped3A : memref<!tpu.dma_semaphore, #tpu.memory_space<semaphore_mem>>) src(%dma_wait3A_212 : memref<128x128xf32, #tpu.memory_space<vmem_shared>>) dst(%dma_wait3A_210 : memref<128x128xf32, #tpu.memory_space<vmem>>)
        tpu.yield
      }) : () -> ()
      %add3A_133 = arith.constant 384 : i32
      %add3A_134 = arith.addi %mul3A_0, %add3A_133 : i32
      %dma_start3A_135 = arith.constant 0 : i32
      %dma_start3A_136 = arith.constant 0 : i32
      %dma_start3A_137 = tpu.memref_slice %arg11[%dma_start3A_135, %dma_start3A_136] : memref<128x128xf32, #tpu.memory_space<vmem>> -> memref<128x128xf32, #tpu.memory_space<vmem>>
      %dma_start3A_138 = arith.constant 0 : i32
      %dma_start3A_139 = tpu.memref_slice %arg7[%add3A_134, %dma_start3A_138] : memref<10112x128xf32, #tpu.memory_space<hbm>> -> memref<128x128xf32, #tpu.memory_space<hbm>>
      %dma_start3A_140 = arith.constant 0 : i32
      %dma_start3A_141 = tpu.memref_slice %arg7[%add3A_134, %dma_start3A_140] : memref<10112x128xf32, #tpu.memory_space<hbm>> -> memref<128x128xf32, #tpu.memory_space<hbm>>
      %dma_start3A_142 = arith.constant 0 : i32
      %dma_start3A_143 = arith.constant 0 : i32
      %dma_start3A_144 = tpu.memref_slice %arg11[%dma_start3A_142, %dma_start3A_143] : memref<128x128xf32, #tpu.memory_space<vmem>> -> memref<128x128xf32, #tpu.memory_space<vmem>>
      tpu.enqueue_dma source(%dma_start3A_144 : memref<128x128xf32, #tpu.memory_space<vmem>>) target(%dma_start3A_141 : memref<128x128xf32, #tpu.memory_space<hbm>>) target_semaphore(%arg14 : memref<!tpu.dma_semaphore, #tpu.memory_space<semaphore_mem>>)
      %add3A_145 = arith.constant 384 : i32
      %add3A_146 = arith.addi %mul3A_0, %add3A_145 : i32
      %dma_wait3A_147 = arith.constant 0 : i32
      %dma_wait3A_148 = arith.constant 0 : i32
      %dma_wait3A_149 = tpu.memref_slice %arg10[%dma_wait3A_147, %dma_wait3A_148] : memref<128x128xf32, #tpu.memory_space<vmem>> -> memref<128x128xf32, #tpu.memory_space<vmem>>
      %dma_wait3A_150 = arith.constant 0 : i32
      %dma_wait3A_151 = tpu.memref_slice %arg7[%add3A_120, %dma_wait3A_150] : memref<10112x128xf32, #tpu.memory_space<hbm>> -> memref<128x128xf32, #tpu.memory_space<hbm>>
      %dma_wait3A_152 = arith.constant 0 : i32
      %dma_wait3A_153 = tpu.memref_slice %arg7[%add3A_120, %dma_wait3A_152] : memref<10112x128xf32, #tpu.memory_space<hbm>> -> memref<128x128xf32, #tpu.memory_space<hbm>>
      %dma_wait3A_154 = arith.constant 0 : i32
      %dma_wait3A_155 = arith.constant 0 : i32
      %dma_wait3A_156 = tpu.memref_slice %arg10[%dma_wait3A_154, %dma_wait3A_155] : memref<128x128xf32, #tpu.memory_space<vmem>> -> memref<128x128xf32, #tpu.memory_space<vmem>>
      tpu.wait_dma2 semaphore(%arg13 : memref<!tpu.dma_semaphore, #tpu.memory_space<semaphore_mem>>) src(%dma_wait3A_156 : memref<128x128xf32, #tpu.memory_space<vmem>>) dst(%dma_wait3A_153 : memref<128x128xf32, #tpu.memory_space<hbm>>)
      %add3A_157 = arith.constant 512 : i32
      %add3A_158 = arith.addi %mul3A_0, %add3A_157 : i32
      "tpu.region"() ({
        %run_scoped3A = tpu.sem_alloc : memref<!tpu.dma_semaphore, #tpu.memory_space<semaphore_mem>>
        %dma_start3A_193 = arith.constant 0 : i32
        %dma_start3A_194 = arith.constant 0 : i32
        %dma_start3A_195 = tpu.memref_slice %arg10[%dma_start3A_193, %dma_start3A_194] : memref<128x128xf32, #tpu.memory_space<vmem>> -> memref<120x128xf32, #tpu.memory_space<vmem>>
        %dma_start3A_196 = arith.constant 0 : i32
        %dma_start3A_197 = tpu.memref_slice %arg12[%add3A_158, %dma_start3A_196] : memref<10112x128xf32, #tpu.memory_space<vmem_shared>> -> memref<120x128xf32, #tpu.memory_space<vmem_shared>>
        %dma_start3A_198 = arith.constant 0 : i32
        %dma_start3A_199 = arith.constant 0 : i32
        %dma_start3A_200 = tpu.memref_slice %arg10[%dma_start3A_198, %dma_start3A_199] : memref<128x128xf32, #tpu.memory_space<vmem>> -> memref<120x128xf32, #tpu.memory_space<vmem>>
        %dma_start3A_201 = arith.constant 0 : i32
        %dma_start3A_202 = tpu.memref_slice %arg12[%add3A_158, %dma_start3A_201] : memref<10112x128xf32, #tpu.memory_space<vmem_shared>> -> memref<120x128xf32, #tpu.memory_space<vmem_shared>>
        tpu.enqueue_dma source(%dma_start3A_202 : memref<120x128xf32, #tpu.memory_space<vmem_shared>>) target(%dma_start3A_200 : memref<120x128xf32, #tpu.memory_space<vmem>>) target_semaphore(%run_scoped3A : memref<!tpu.dma_semaphore, #tpu.memory_space<semaphore_mem>>)
        %dma_wait3A_203 = arith.constant 0 : i32
        %dma_wait3A_204 = arith.constant 0 : i32
        %dma_wait3A_205 = tpu.memref_slice %arg10[%dma_wait3A_203, %dma_wait3A_204] : memref<128x128xf32, #tpu.memory_space<vmem>> -> memref<120x128xf32, #tpu.memory_space<vmem>>
        %dma_wait3A_206 = arith.constant 0 : i32
        %dma_wait3A_207 = tpu.memref_slice %arg12[%add3A_158, %dma_wait3A_206] : memref<10112x128xf32, #tpu.memory_space<vmem_shared>> -> memref<120x128xf32, #tpu.memory_space<vmem_shared>>
        %dma_wait3A_208 = arith.constant 0 : i32
        %dma_wait3A_209 = arith.constant 0 : i32
        %dma_wait3A_210 = tpu.memref_slice %arg10[%dma_wait3A_208, %dma_wait3A_209] : memref<128x128xf32, #tpu.memory_space<vmem>> -> memref<120x128xf32, #tpu.memory_space<vmem>>
        %dma_wait3A_211 = arith.constant 0 : i32
        %dma_wait3A_212 = tpu.memref_slice %arg12[%add3A_158, %dma_wait3A_211] : memref<10112x128xf32, #tpu.memory_space<vmem_shared>> -> memref<120x128xf32, #tpu.memory_space<vmem_shared>>
        tpu.wait_dma2 semaphore(%run_scoped3A : memref<!tpu.dma_semaphore, #tpu.memory_space<semaphore_mem>>) src(%dma_wait3A_212 : memref<120x128xf32, #tpu.memory_space<vmem_shared>>) dst(%dma_wait3A_210 : memref<120x128xf32, #tpu.memory_space<vmem>>)
        tpu.yield
      }) : () -> ()
      %add3A_159 = arith.constant 512 : i32
      %add3A_160 = arith.addi %mul3A_0, %add3A_159 : i32
      %dma_start3A_161 = arith.constant 0 : i32
      %dma_start3A_162 = arith.constant 0 : i32
      %dma_start3A_163 = tpu.memref_slice %arg10[%dma_start3A_161, %dma_start3A_162] : memref<128x128xf32, #tpu.memory_space<vmem>> -> memref<120x128xf32, #tpu.memory_space<vmem>>
      %dma_start3A_164 = arith.constant 0 : i32
      %dma_start3A_165 = tpu.memref_slice %arg7[%add3A_160, %dma_start3A_164] : memref<10112x128xf32, #tpu.memory_space<hbm>> -> memref<120x128xf32, #tpu.memory_space<hbm>>
      %dma_start3A_166 = arith.constant 0 : i32
      %dma_start3A_167 = tpu.memref_slice %arg7[%add3A_160, %dma_start3A_166] : memref<10112x128xf32, #tpu.memory_space<hbm>> -> memref<120x128xf32, #tpu.memory_space<hbm>>
      %dma_start3A_168 = arith.constant 0 : i32
      %dma_start3A_169 = arith.constant 0 : i32
      %dma_start3A_170 = tpu.memref_slice %arg10[%dma_start3A_168, %dma_start3A_169] : memref<128x128xf32, #tpu.memory_space<vmem>> -> memref<120x128xf32, #tpu.memory_space<vmem>>
      tpu.enqueue_dma source(%dma_start3A_170 : memref<120x128xf32, #tpu.memory_space<vmem>>) target(%dma_start3A_167 : memref<120x128xf32, #tpu.memory_space<hbm>>) target_semaphore(%arg13 : memref<!tpu.dma_semaphore, #tpu.memory_space<semaphore_mem>>)
      %add3A_171 = arith.constant 512 : i32
      %add3A_172 = arith.addi %mul3A_0, %add3A_171 : i32
      %dma_wait3A_173 = arith.constant 0 : i32
      %dma_wait3A_174 = arith.constant 0 : i32
      %dma_wait3A_175 = tpu.memref_slice %arg10[%dma_wait3A_173, %dma_wait3A_174] : memref<128x128xf32, #tpu.memory_space<vmem>> -> memref<120x128xf32, #tpu.memory_space<vmem>>
      %dma_wait3A_176 = arith.constant 0 : i32
      %dma_wait3A_177 = tpu.memref_slice %arg7[%add3A_172, %dma_wait3A_176] : memref<10112x128xf32, #tpu.memory_space<hbm>> -> memref<120x128xf32, #tpu.memory_space<hbm>>
      %dma_wait3A_178 = arith.constant 0 : i32
      %dma_wait3A_179 = tpu.memref_slice %arg7[%add3A_172, %dma_wait3A_178] : memref<10112x128xf32, #tpu.memory_space<hbm>> -> memref<120x128xf32, #tpu.memory_space<hbm>>
      %dma_wait3A_180 = arith.constant 0 : i32
      %dma_wait3A_181 = arith.constant 0 : i32
      %dma_wait3A_182 = tpu.memref_slice %arg10[%dma_wait3A_180, %dma_wait3A_181] : memref<128x128xf32, #tpu.memory_space<vmem>> -> memref<120x128xf32, #tpu.memory_space<vmem>>
      tpu.wait_dma2 semaphore(%arg13 : memref<!tpu.dma_semaphore, #tpu.memory_space<semaphore_mem>>) src(%dma_wait3A_182 : memref<120x128xf32, #tpu.memory_space<vmem>>) dst(%dma_wait3A_179 : memref<120x128xf32, #tpu.memory_space<hbm>>)
      %dma_wait3A_183 = arith.constant 0 : i32
      %dma_wait3A_184 = arith.constant 0 : i32
      %dma_wait3A_185 = tpu.memref_slice %arg11[%dma_wait3A_183, %dma_wait3A_184] : memref<128x128xf32, #tpu.memory_space<vmem>> -> memref<128x128xf32, #tpu.memory_space<vmem>>
      %dma_wait3A_186 = arith.constant 0 : i32
      %dma_wait3A_187 = tpu.memref_slice %arg7[%add3A_146, %dma_wait3A_186] : memref<10112x128xf32, #tpu.memory_space<hbm>> -> memref<128x128xf32, #tpu.memory_space<hbm>>
      %dma_wait3A_188 = arith.constant 0 : i32
      %dma_wait3A_189 = tpu.memref_slice %arg7[%add3A_146, %dma_wait3A_188] : memref<10112x128xf32, #tpu.memory_space<hbm>> -> memref<128x128xf32, #tpu.memory_space<hbm>>
      %dma_wait3A_190 = arith.constant 0 : i32
      %dma_wait3A_191 = arith.constant 0 : i32
      %dma_wait3A_192 = tpu.memref_slice %arg11[%dma_wait3A_190, %dma_wait3A_191] : memref<128x128xf32, #tpu.memory_space<vmem>> -> memref<128x128xf32, #tpu.memory_space<vmem>>
      tpu.wait_dma2 semaphore(%arg14 : memref<!tpu.dma_semaphore, #tpu.memory_space<semaphore_mem>>) src(%dma_wait3A_192 : memref<128x128xf32, #tpu.memory_space<vmem>>) dst(%dma_wait3A_189 : memref<128x128xf32, #tpu.memory_space<hbm>>)
    } else {
    }
    return
  }
}

#map = affine_map<(d0, d1) -> (0, 0)>
#map1 = affine_map<(d0, d1) -> (0, 0, 0)>
module attributes {stable_mosaic.version = 14 : i64} {
  func.func @_scatter_kernel(%arg0: i32, %arg1: i32, %arg2: memref<10000x128xf32, #tpu.memory_space<hbm>>, %arg3: memref<10000x128xf32, #tpu.memory_space<hbm>>, %arg4: memref<16x80x128xi32, #tpu.memory_space<hbm>>, %arg5: memref<16x80x128xi32, #tpu.memory_space<hbm>>, %arg6: memref<10112x128xf32, #tpu.memory_space<hbm>>, %arg7: memref<10112x128xf32, #tpu.memory_space<hbm>>, %arg8: memref<40x128xi32, #tpu.memory_space<vmem>>, %arg9: memref<40x128xi32, #tpu.memory_space<vmem>>, %arg10: memref<128x128xf32, #tpu.memory_space<vmem>>, %arg11: memref<128x128xf32, #tpu.memory_space<vmem>>, %arg12: memref<10112x128xf32, #tpu.memory_space<vmem_shared>>, %arg13: memref<!tpu.dma_semaphore, #tpu.memory_space<semaphore_mem>>, %arg14: memref<!tpu.dma_semaphore, #tpu.memory_space<semaphore_mem>>, %arg15: memref<!tpu.dma_semaphore, #tpu.memory_space<semaphore_mem>>, %arg16: memref<!tpu.dma_semaphore, #tpu.memory_space<semaphore_mem>>) attributes {dimension_semantics = [#tpu.dimension_semantics<core_parallel>, #tpu.dimension_semantics<subcore_parallel>], iteration_bounds = array<i64: 2, 16>, scalar_prefetch = 0 : i64, scratch_operands = 9 : i64, tpu.core_type = #tpu.core_type<sc_vector_subcore>, window_params = [{transform_indices = #map}, {transform_indices = #map}, {transform_indices = #map1}, {transform_indices = #map1}, {transform_indices = #map}, {transform_indices = #map}]} {
    %mul3A = arith.constant 632 : i32
    %mul3A_0 = arith.muli %arg1, %mul3A : i32
    %dma_start3A = arith.constant 0 : i32
    %dma_start3A_1 = arith.constant 0 : i32
    %dma_start3A_2 = tpu.memref_slice %arg4[%arg1, %dma_start3A, %dma_start3A_1] : memref<16x80x128xi32, #tpu.memory_space<hbm>> -> memref<1x40x128xi32, #tpu.memory_space<hbm>>
    %dma_start3A_3 = tpu.memref_squeeze %dma_start3A_2 : memref<1x40x128xi32, #tpu.memory_space<hbm>> -> memref<40x128xi32, #tpu.memory_space<hbm>>
    %dma_start3A_4 = arith.constant 0 : i32
    %dma_start3A_5 = arith.constant 0 : i32
    %dma_start3A_6 = tpu.memref_slice %arg4[%arg1, %dma_start3A_4, %dma_start3A_5] : memref<16x80x128xi32, #tpu.memory_space<hbm>> -> memref<1x40x128xi32, #tpu.memory_space<hbm>>
    %dma_start3A_7 = tpu.memref_squeeze %dma_start3A_6 : memref<1x40x128xi32, #tpu.memory_space<hbm>> -> memref<40x128xi32, #tpu.memory_space<hbm>>
    tpu.enqueue_dma source(%dma_start3A_7 : memref<40x128xi32, #tpu.memory_space<hbm>>) target(%arg8 : memref<40x128xi32, #tpu.memory_space<vmem>>) target_semaphore(%arg13 : memref<!tpu.dma_semaphore, #tpu.memory_space<semaphore_mem>>)
    %dma_start3A_8 = arith.constant 0 : i32
    %dma_start3A_9 = arith.constant 0 : i32
    %dma_start3A_10 = tpu.memref_slice %arg5[%arg1, %dma_start3A_8, %dma_start3A_9] : memref<16x80x128xi32, #tpu.memory_space<hbm>> -> memref<1x40x128xi32, #tpu.memory_space<hbm>>
    %dma_start3A_11 = tpu.memref_squeeze %dma_start3A_10 : memref<1x40x128xi32, #tpu.memory_space<hbm>> -> memref<40x128xi32, #tpu.memory_space<hbm>>
    %dma_start3A_12 = arith.constant 0 : i32
    %dma_start3A_13 = arith.constant 0 : i32
    %dma_start3A_14 = tpu.memref_slice %arg5[%arg1, %dma_start3A_12, %dma_start3A_13] : memref<16x80x128xi32, #tpu.memory_space<hbm>> -> memref<1x40x128xi32, #tpu.memory_space<hbm>>
    %dma_start3A_15 = tpu.memref_squeeze %dma_start3A_14 : memref<1x40x128xi32, #tpu.memory_space<hbm>> -> memref<40x128xi32, #tpu.memory_space<hbm>>
    tpu.enqueue_dma source(%dma_start3A_15 : memref<40x128xi32, #tpu.memory_space<hbm>>) target(%arg9 : memref<40x128xi32, #tpu.memory_space<vmem>>) target_semaphore(%arg14 : memref<!tpu.dma_semaphore, #tpu.memory_space<semaphore_mem>>)
    %scan3A = arith.constant 0 : i32
    %scan3A_16 = arith.constant 0 : i32
    %scan3A_17 = arith.constant 128 : i32
    %scan3A_18 = arith.addi %scan3A_16, %scan3A_17 : i32
    %scan3A_19 = arith.constant 1 : i32
    scf.for %scan3A_63 = %scan3A_16 to %scan3A_18 step %scan3A_19  : i32 {
      %broadcast_in_dim3A = arith.constant 0.000000e+00 : f32
      %broadcast_in_dim3A_64 = vector.broadcast %broadcast_in_dim3A : f32 to vector<16xf32>
      %swap3A = arith.index_cast %scan3A_63 : i32 to index
      %swap3A_65 = arith.constant 0 : index
      %swap3A_66 = tpu.vector_load %arg10[%swap3A, %swap3A_65] {strides = array<i32>} : memref<128x128xf32, #tpu.memory_space<vmem>>, vector<1x16xf32>,
      %swap3A_67 = vector.shape_cast %swap3A_66 : vector<1x16xf32> to vector<16xf32>
      %swap3A_68 = vector.shape_cast %broadcast_in_dim3A_64 : vector<16xf32> to vector<1x16xf32>
      tpu.vector_store %arg10[%swap3A, %swap3A_65], %swap3A_68 {strides = array<i32>} : memref<128x128xf32, #tpu.memory_space<vmem>>, vector<1x16xf32>,
      %broadcast_in_dim3A_69 = arith.constant 0.000000e+00 : f32
      %broadcast_in_dim3A_70 = vector.broadcast %broadcast_in_dim3A_69 : f32 to vector<16xf32>
      %swap3A_71 = arith.index_cast %scan3A_63 : i32 to index
      %swap3A_72 = arith.constant 16 : index
      %swap3A_73 = tpu.vector_load %arg10[%swap3A_71, %swap3A_72] {strides = array<i32>} : memref<128x128xf32, #tpu.memory_space<vmem>>, vector<1x16xf32>,
      %swap3A_74 = vector.shape_cast %swap3A_73 : vector<1x16xf32> to vector<16xf32>
      %swap3A_75 = vector.shape_cast %broadcast_in_dim3A_70 : vector<16xf32> to vector<1x16xf32>
      tpu.vector_store %arg10[%swap3A_71, %swap3A_72], %swap3A_75 {strides = array<i32>} : memref<128x128xf32, #tpu.memory_space<vmem>>, vector<1x16xf32>,
      %broadcast_in_dim3A_76 = arith.constant 0.000000e+00 : f32
      %broadcast_in_dim3A_77 = vector.broadcast %broadcast_in_dim3A_76 : f32 to vector<16xf32>
      %swap3A_78 = arith.index_cast %scan3A_63 : i32 to index
      %swap3A_79 = arith.constant 32 : index
      %swap3A_80 = tpu.vector_load %arg10[%swap3A_78, %swap3A_79] {strides = array<i32>} : memref<128x128xf32, #tpu.memory_space<vmem>>, vector<1x16xf32>,
      %swap3A_81 = vector.shape_cast %swap3A_80 : vector<1x16xf32> to vector<16xf32>
      %swap3A_82 = vector.shape_cast %broadcast_in_dim3A_77 : vector<16xf32> to vector<1x16xf32>
      tpu.vector_store %arg10[%swap3A_78, %swap3A_79], %swap3A_82 {strides = array<i32>} : memref<128x128xf32, #tpu.memory_space<vmem>>, vector<1x16xf32>,
      %broadcast_in_dim3A_83 = arith.constant 0.000000e+00 : f32
      %broadcast_in_dim3A_84 = vector.broadcast %broadcast_in_dim3A_83 : f32 to vector<16xf32>
      %swap3A_85 = arith.index_cast %scan3A_63 : i32 to index
      %swap3A_86 = arith.constant 48 : index
      %swap3A_87 = tpu.vector_load %arg10[%swap3A_85, %swap3A_86] {strides = array<i32>} : memref<128x128xf32, #tpu.memory_space<vmem>>, vector<1x16xf32>,
      %swap3A_88 = vector.shape_cast %swap3A_87 : vector<1x16xf32> to vector<16xf32>
      %swap3A_89 = vector.shape_cast %broadcast_in_dim3A_84 : vector<16xf32> to vector<1x16xf32>
      tpu.vector_store %arg10[%swap3A_85, %swap3A_86], %swap3A_89 {strides = array<i32>} : memref<128x128xf32, #tpu.memory_space<vmem>>, vector<1x16xf32>,
      %broadcast_in_dim3A_90 = arith.constant 0.000000e+00 : f32
      %broadcast_in_dim3A_91 = vector.broadcast %broadcast_in_dim3A_90 : f32 to vector<16xf32>
      %swap3A_92 = arith.index_cast %scan3A_63 : i32 to index
      %swap3A_93 = arith.constant 64 : index
      %swap3A_94 = tpu.vector_load %arg10[%swap3A_92, %swap3A_93] {strides = array<i32>} : memref<128x128xf32, #tpu.memory_space<vmem>>, vector<1x16xf32>,
      %swap3A_95 = vector.shape_cast %swap3A_94 : vector<1x16xf32> to vector<16xf32>
      %swap3A_96 = vector.shape_cast %broadcast_in_dim3A_91 : vector<16xf32> to vector<1x16xf32>
      tpu.vector_store %arg10[%swap3A_92, %swap3A_93], %swap3A_96 {strides = array<i32>} : memref<128x128xf32, #tpu.memory_space<vmem>>, vector<1x16xf32>,
      %broadcast_in_dim3A_97 = arith.constant 0.000000e+00 : f32
      %broadcast_in_dim3A_98 = vector.broadcast %broadcast_in_dim3A_97 : f32 to vector<16xf32>
      %swap3A_99 = arith.index_cast %scan3A_63 : i32 to index
      %swap3A_100 = arith.constant 80 : index
      %swap3A_101 = tpu.vector_load %arg10[%swap3A_99, %swap3A_100] {strides = array<i32>} : memref<128x128xf32, #tpu.memory_space<vmem>>, vector<1x16xf32>,
      %swap3A_102 = vector.shape_cast %swap3A_101 : vector<1x16xf32> to vector<16xf32>
      %swap3A_103 = vector.shape_cast %broadcast_in_dim3A_98 : vector<16xf32> to vector<1x16xf32>
      tpu.vector_store %arg10[%swap3A_99, %swap3A_100], %swap3A_103 {strides = array<i32>} : memref<128x128xf32, #tpu.memory_space<vmem>>, vector<1x16xf32>,
      %broadcast_in_dim3A_104 = arith.constant 0.000000e+00 : f32
      %broadcast_in_dim3A_105 = vector.broadcast %broadcast_in_dim3A_104 : f32 to vector<16xf32>
      %swap3A_106 = arith.index_cast %scan3A_63 : i32 to index
      %swap3A_107 = arith.constant 96 : index
      %swap3A_108 = tpu.vector_load %arg10[%swap3A_106, %swap3A_107] {strides = array<i32>} : memref<128x128xf32, #tpu.memory_space<vmem>>, vector<1x16xf32>,
      %swap3A_109 = vector.shape_cast %swap3A_108 : vector<1x16xf32> to vector<16xf32>
      %swap3A_110 = vector.shape_cast %broadcast_in_dim3A_105 : vector<16xf32> to vector<1x16xf32>
      tpu.vector_store %arg10[%swap3A_106, %swap3A_107], %swap3A_110 {strides = array<i32>} : memref<128x128xf32, #tpu.memory_space<vmem>>, vector<1x16xf32>,
      %broadcast_in_dim3A_111 = arith.constant 0.000000e+00 : f32
      %broadcast_in_dim3A_112 = vector.broadcast %broadcast_in_dim3A_111 : f32 to vector<16xf32>
      %swap3A_113 = arith.index_cast %scan3A_63 : i32 to index
      %swap3A_114 = arith.constant 112 : index
      %swap3A_115 = tpu.vector_load %arg10[%swap3A_113, %swap3A_114] {strides = array<i32>} : memref<128x128xf32, #tpu.memory_space<vmem>>, vector<1x16xf32>,
      %swap3A_116 = vector.shape_cast %swap3A_115 : vector<1x16xf32> to vector<16xf32>
      %swap3A_117 = vector.shape_cast %broadcast_in_dim3A_112 : vector<16xf32> to vector<1x16xf32>
      tpu.vector_store %arg10[%swap3A_113, %swap3A_114], %swap3A_117 {strides = array<i32>} : memref<128x128xf32, #tpu.memory_space<vmem>>, vector<1x16xf32>,
    }
    %scan3A_20 = arith.constant 128 : i32
    %add3A = arith.constant 0 : i32
    %add3A_21 = arith.addi %mul3A_0, %add3A : i32
    "tpu.region"() ({
      %run_scoped3A = tpu.sem_alloc : memref<!tpu.dma_semaphore, #tpu.memory_space<semaphore_mem>>
      %dma_start3A_63 = arith.constant 0 : i32
      %dma_start3A_64 = tpu.memref_slice %arg12[%add3A_21, %dma_start3A_63] : memref<10112x128xf32, #tpu.memory_space<vmem_shared>> -> memref<128x128xf32, #tpu.memory_space<vmem_shared>>
      %dma_start3A_65 = arith.constant 0 : i32
      %dma_start3A_66 = tpu.memref_slice %arg12[%add3A_21, %dma_start3A_65] : memref<10112x128xf32, #tpu.memory_space<vmem_shared>> -> memref<128x128xf32, #tpu.memory_space<vmem_shared>>
      tpu.enqueue_dma source(%arg10 : memref<128x128xf32, #tpu.memory_space<vmem>>) target(%dma_start3A_66 : memref<128x128xf32, #tpu.memory_space<vmem_shared>>) target_semaphore(%run_scoped3A : memref<!tpu.dma_semaphore, #tpu.memory_space<semaphore_mem>>)
      %dma_wait3A_67 = arith.constant 0 : i32
      %dma_wait3A_68 = tpu.memref_slice %arg12[%add3A_21, %dma_wait3A_67] : memref<10112x128xf32, #tpu.memory_space<vmem_shared>> -> memref<128x128xf32, #tpu.memory_space<vmem_shared>>
      %dma_wait3A_69 = arith.constant 0 : i32
      %dma_wait3A_70 = tpu.memref_slice %arg12[%add3A_21, %dma_wait3A_69] : memref<10112x128xf32, #tpu.memory_space<vmem_shared>> -> memref<128x128xf32, #tpu.memory_space<vmem_shared>>
      tpu.wait_dma2 semaphore(%run_scoped3A : memref<!tpu.dma_semaphore, #tpu.memory_space<semaphore_mem>>) src(%arg10 : memref<128x128xf32, #tpu.memory_space<vmem>>) dst(%dma_wait3A_70 : memref<128x128xf32, #tpu.memory_space<vmem_shared>>)
      tpu.yield
    }) : () -> ()
    %add3A_22 = arith.constant 128 : i32
    %add3A_23 = arith.addi %mul3A_0, %add3A_22 : i32
    "tpu.region"() ({
      %run_scoped3A = tpu.sem_alloc : memref<!tpu.dma_semaphore, #tpu.memory_space<semaphore_mem>>
      %dma_start3A_63 = arith.constant 0 : i32
      %dma_start3A_64 = tpu.memref_slice %arg12[%add3A_23, %dma_start3A_63] : memref<10112x128xf32, #tpu.memory_space<vmem_shared>> -> memref<128x128xf32, #tpu.memory_space<vmem_shared>>
      %dma_start3A_65 = arith.constant 0 : i32
      %dma_start3A_66 = tpu.memref_slice %arg12[%add3A_23, %dma_start3A_65] : memref<10112x128xf32, #tpu.memory_space<vmem_shared>> -> memref<128x128xf32, #tpu.memory_space<vmem_shared>>
      tpu.enqueue_dma source(%arg10 : memref<128x128xf32, #tpu.memory_space<vmem>>) target(%dma_start3A_66 : memref<128x128xf32, #tpu.memory_space<vmem_shared>>) target_semaphore(%run_scoped3A : memref<!tpu.dma_semaphore, #tpu.memory_space<semaphore_mem>>)
      %dma_wait3A_67 = arith.constant 0 : i32
      %dma_wait3A_68 = tpu.memref_slice %arg12[%add3A_23, %dma_wait3A_67] : memref<10112x128xf32, #tpu.memory_space<vmem_shared>> -> memref<128x128xf32, #tpu.memory_space<vmem_shared>>
      %dma_wait3A_69 = arith.constant 0 : i32
      %dma_wait3A_70 = tpu.memref_slice %arg12[%add3A_23, %dma_wait3A_69] : memref<10112x128xf32, #tpu.memory_space<vmem_shared>> -> memref<128x128xf32, #tpu.memory_space<vmem_shared>>
      tpu.wait_dma2 semaphore(%run_scoped3A : memref<!tpu.dma_semaphore, #tpu.memory_space<semaphore_mem>>) src(%arg10 : memref<128x128xf32, #tpu.memory_space<vmem>>) dst(%dma_wait3A_70 : memref<128x128xf32, #tpu.memory_space<vmem_shared>>)
      tpu.yield
    }) : () -> ()
    %add3A_24 = arith.constant 256 : i32
    %add3A_25 = arith.addi %mul3A_0, %add3A_24 : i32
    "tpu.region"() ({
      %run_scoped3A = tpu.sem_alloc : memref<!tpu.dma_semaphore, #tpu.memory_space<semaphore_mem>>
      %dma_start3A_63 = arith.constant 0 : i32
      %dma_start3A_64 = tpu.memref_slice %arg12[%add3A_25, %dma_start3A_63] : memref<10112x128xf32, #tpu.memory_space<vmem_shared>> -> memref<128x128xf32, #tpu.memory_space<vmem_shared>>
      %dma_start3A_65 = arith.constant 0 : i32
      %dma_start3A_66 = tpu.memref_slice %arg12[%add3A_25, %dma_start3A_65] : memref<10112x128xf32, #tpu.memory_space<vmem_shared>> -> memref<128x128xf32, #tpu.memory_space<vmem_shared>>
      tpu.enqueue_dma source(%arg10 : memref<128x128xf32, #tpu.memory_space<vmem>>) target(%dma_start3A_66 : memref<128x128xf32, #tpu.memory_space<vmem_shared>>) target_semaphore(%run_scoped3A : memref<!tpu.dma_semaphore, #tpu.memory_space<semaphore_mem>>)
      %dma_wait3A_67 = arith.constant 0 : i32
      %dma_wait3A_68 = tpu.memref_slice %arg12[%add3A_25, %dma_wait3A_67] : memref<10112x128xf32, #tpu.memory_space<vmem_shared>> -> memref<128x128xf32, #tpu.memory_space<vmem_shared>>
      %dma_wait3A_69 = arith.constant 0 : i32
      %dma_wait3A_70 = tpu.memref_slice %arg12[%add3A_25, %dma_wait3A_69] : memref<10112x128xf32, #tpu.memory_space<vmem_shared>> -> memref<128x128xf32, #tpu.memory_space<vmem_shared>>
      tpu.wait_dma2 semaphore(%run_scoped3A : memref<!tpu.dma_semaphore, #tpu.memory_space<semaphore_mem>>) src(%arg10 : memref<128x128xf32, #tpu.memory_space<vmem>>) dst(%dma_wait3A_70 : memref<128x128xf32, #tpu.memory_space<vmem_shared>>)
      tpu.yield
    }) : () -> ()
    %add3A_26 = arith.constant 384 : i32
    %add3A_27 = arith.addi %mul3A_0, %add3A_26 : i32
    "tpu.region"() ({
      %run_scoped3A = tpu.sem_alloc : memref<!tpu.dma_semaphore, #tpu.memory_space<semaphore_mem>>
      %dma_start3A_63 = arith.constant 0 : i32
      %dma_start3A_64 = tpu.memref_slice %arg12[%add3A_27, %dma_start3A_63] : memref<10112x128xf32, #tpu.memory_space<vmem_shared>> -> memref<128x128xf32, #tpu.memory_space<vmem_shared>>
      %dma_start3A_65 = arith.constant 0 : i32
      %dma_start3A_66 = tpu.memref_slice %arg12[%add3A_27, %dma_start3A_65] : memref<10112x128xf32, #tpu.memory_space<vmem_shared>> -> memref<128x128xf32, #tpu.memory_space<vmem_shared>>
      tpu.enqueue_dma source(%arg10 : memref<128x128xf32, #tpu.memory_space<vmem>>) target(%dma_start3A_66 : memref<128x128xf32, #tpu.memory_space<vmem_shared>>) target_semaphore(%run_scoped3A : memref<!tpu.dma_semaphore, #tpu.memory_space<semaphore_mem>>)
      %dma_wait3A_67 = arith.constant 0 : i32
      %dma_wait3A_68 = tpu.memref_slice %arg12[%add3A_27, %dma_wait3A_67] : memref<10112x128xf32, #tpu.memory_space<vmem_shared>> -> memref<128x128xf32, #tpu.memory_space<vmem_shared>>
      %dma_wait3A_69 = arith.constant 0 : i32
      %dma_wait3A_70 = tpu.memref_slice %arg12[%add3A_27, %dma_wait3A_69] : memref<10112x128xf32, #tpu.memory_space<vmem_shared>> -> memref<128x128xf32, #tpu.memory_space<vmem_shared>>
      tpu.wait_dma2 semaphore(%run_scoped3A : memref<!tpu.dma_semaphore, #tpu.memory_space<semaphore_mem>>) src(%arg10 : memref<128x128xf32, #tpu.memory_space<vmem>>) dst(%dma_wait3A_70 : memref<128x128xf32, #tpu.memory_space<vmem_shared>>)
      tpu.yield
    }) : () -> ()
    %add3A_28 = arith.constant 512 : i32
    %add3A_29 = arith.addi %mul3A_0, %add3A_28 : i32
    "tpu.region"() ({
      %run_scoped3A = tpu.sem_alloc : memref<!tpu.dma_semaphore, #tpu.memory_space<semaphore_mem>>
      %dma_start3A_63 = arith.constant 0 : i32
      %dma_start3A_64 = arith.constant 0 : i32
      %dma_start3A_65 = tpu.memref_slice %arg10[%dma_start3A_63, %dma_start3A_64] : memref<128x128xf32, #tpu.memory_space<vmem>> -> memref<120x128xf32, #tpu.memory_space<vmem>>
      %dma_start3A_66 = arith.constant 0 : i32
      %dma_start3A_67 = tpu.memref_slice %arg12[%add3A_29, %dma_start3A_66] : memref<10112x128xf32, #tpu.memory_space<vmem_shared>> -> memref<120x128xf32, #tpu.memory_space<vmem_shared>>
      %dma_start3A_68 = arith.constant 0 : i32
      %dma_start3A_69 = tpu.memref_slice %arg12[%add3A_29, %dma_start3A_68] : memref<10112x128xf32, #tpu.memory_space<vmem_shared>> -> memref<120x128xf32, #tpu.memory_space<vmem_shared>>
      %dma_start3A_70 = arith.constant 0 : i32
      %dma_start3A_71 = arith.constant 0 : i32
      %dma_start3A_72 = tpu.memref_slice %arg10[%dma_start3A_70, %dma_start3A_71] : memref<128x128xf32, #tpu.memory_space<vmem>> -> memref<120x128xf32, #tpu.memory_space<vmem>>
      tpu.enqueue_dma source(%dma_start3A_72 : memref<120x128xf32, #tpu.memory_space<vmem>>) target(%dma_start3A_69 : memref<120x128xf32, #tpu.memory_space<vmem_shared>>) target_semaphore(%run_scoped3A : memref<!tpu.dma_semaphore, #tpu.memory_space<semaphore_mem>>)
      %dma_wait3A_73 = arith.constant 0 : i32
      %dma_wait3A_74 = arith.constant 0 : i32
      %dma_wait3A_75 = tpu.memref_slice %arg10[%dma_wait3A_73, %dma_wait3A_74] : memref<128x128xf32, #tpu.memory_space<vmem>> -> memref<120x128xf32, #tpu.memory_space<vmem>>
      %dma_wait3A_76 = arith.constant 0 : i32
      %dma_wait3A_77 = tpu.memref_slice %arg12[%add3A_29, %dma_wait3A_76] : memref<10112x128xf32, #tpu.memory_space<vmem_shared>> -> memref<120x128xf32, #tpu.memory_space<vmem_shared>>
      %dma_wait3A_78 = arith.constant 0 : i32
      %dma_wait3A_79 = tpu.memref_slice %arg12[%add3A_29, %dma_wait3A_78] : memref<10112x128xf32, #tpu.memory_space<vmem_shared>> -> memref<120x128xf32, #tpu.memory_space<vmem_shared>>
      %dma_wait3A_80 = arith.constant 0 : i32
      %dma_wait3A_81 = arith.constant 0 : i32
      %dma_wait3A_82 = tpu.memref_slice %arg10[%dma_wait3A_80, %dma_wait3A_81] : memref<128x128xf32, #tpu.memory_space<vmem>> -> memref<120x128xf32, #tpu.memory_space<vmem>>
      tpu.wait_dma2 semaphore(%run_scoped3A : memref<!tpu.dma_semaphore, #tpu.memory_space<semaphore_mem>>) src(%dma_wait3A_82 : memref<120x128xf32, #tpu.memory_space<vmem>>) dst(%dma_wait3A_79 : memref<120x128xf32, #tpu.memory_space<vmem_shared>>)
      tpu.yield
    }) : () -> ()
    %dma_wait3A = arith.constant 0 : i32
    %dma_wait3A_30 = arith.constant 0 : i32
    %dma_wait3A_31 = tpu.memref_slice %arg4[%arg1, %dma_wait3A, %dma_wait3A_30] : memref<16x80x128xi32, #tpu.memory_space<hbm>> -> memref<1x40x128xi32, #tpu.memory_space<hbm>>
    %dma_wait3A_32 = tpu.memref_squeeze %dma_wait3A_31 : memref<1x40x128xi32, #tpu.memory_space<hbm>> -> memref<40x128xi32, #tpu.memory_space<hbm>>
    %dma_wait3A_33 = arith.constant 0 : i32
    %dma_wait3A_34 = arith.constant 0 : i32
    %dma_wait3A_35 = tpu.memref_slice %arg4[%arg1, %dma_wait3A_33, %dma_wait3A_34] : memref<16x80x128xi32, #tpu.memory_space<hbm>> -> memref<1x40x128xi32, #tpu.memory_space<hbm>>
    %dma_wait3A_36 = tpu.memref_squeeze %dma_wait3A_35 : memref<1x40x128xi32, #tpu.memory_space<hbm>> -> memref<40x128xi32, #tpu.memory_space<hbm>>
    tpu.wait_dma2 semaphore(%arg13 : memref<!tpu.dma_semaphore, #tpu.memory_space<semaphore_mem>>) src(%dma_wait3A_36 : memref<40x128xi32, #tpu.memory_space<hbm>>) dst(%arg8 : memref<40x128xi32, #tpu.memory_space<vmem>>)
    %dma_wait3A_37 = arith.constant 0 : i32
    %dma_wait3A_38 = arith.constant 0 : i32
    %dma_wait3A_39 = tpu.memref_slice %arg5[%arg1, %dma_wait3A_37, %dma_wait3A_38] : memref<16x80x128xi32, #tpu.memory_space<hbm>> -> memref<1x40x128xi32, #tpu.memory_space<hbm>>
    %dma_wait3A_40 = tpu.memref_squeeze %dma_wait3A_39 : memref<1x40x128xi32, #tpu.memory_space<hbm>> -> memref<40x128xi32, #tpu.memory_space<hbm>>
    %dma_wait3A_41 = arith.constant 0 : i32
    %dma_wait3A_42 = arith.constant 0 : i32
    %dma_wait3A_43 = tpu.memref_slice %arg5[%arg1, %dma_wait3A_41, %dma_wait3A_42] : memref<16x80x128xi32, #tpu.memory_space<hbm>> -> memref<1x40x128xi32, #tpu.memory_space<hbm>>
    %dma_wait3A_44 = tpu.memref_squeeze %dma_wait3A_43 : memref<1x40x128xi32, #tpu.memory_space<hbm>> -> memref<40x128xi32, #tpu.memory_space<hbm>>
    tpu.wait_dma2 semaphore(%arg14 : memref<!tpu.dma_semaphore, #tpu.memory_space<semaphore_mem>>) src(%dma_wait3A_44 : memref<40x128xi32, #tpu.memory_space<hbm>>) dst(%arg9 : memref<40x128xi32, #tpu.memory_space<vmem>>)
    %barrier3A = arith.constant 0 : index
    tpu.barrier barrier_id(%barrier3A)
    %eq3A = arith.constant 0 : i32
    %eq3A_45 = arith.cmpi eq, %arg0, %eq3A : i32
    %convert_element_type3A = arith.extui %eq3A_45 : i1 to i32
    %cond3A = arith.constant 0 : i32
    %cond3A_46 = arith.cmpi ne, %convert_element_type3A, %cond3A : i32
    scf.if %cond3A_46 {
      %scan3A_63 = arith.constant 0 : i32
      %scan3A_64 = arith.constant 0 : i32
      %scan3A_65 = arith.constant 2 : i32
      %scan3A_66 = arith.addi %scan3A_64, %scan3A_65 : i32
      %scan3A_67 = arith.constant 1 : i32
      scf.for %scan3A_69 = %scan3A_64 to %scan3A_66 step %scan3A_67  : i32 {
        %gt3A = arith.constant 0 : i32
        %gt3A_70 = arith.cmpi sgt, %scan3A_69, %gt3A : i32
        %convert_element_type3A_71 = arith.extui %gt3A_70 : i1 to i32
        %cond3A_72 = arith.constant 0 : i32
        %cond3A_73 = arith.cmpi ne, %convert_element_type3A_71, %cond3A_72 : i32
        scf.if %cond3A_73 {
          %mul3A_87 = arith.constant 40 : i32
          %mul3A_88 = arith.muli %scan3A_69, %mul3A_87 : i32
          "tpu.region"() ({
            %run_scoped3A = tpu.sem_alloc : memref<!tpu.dma_semaphore, #tpu.memory_space<semaphore_mem>>
            %dma_start3A_91 = arith.constant 0 : i32
            %dma_start3A_92 = tpu.memref_slice %arg4[%arg1, %mul3A_88, %dma_start3A_91] : memref<16x80x128xi32, #tpu.memory_space<hbm>> -> memref<1x40x128xi32, #tpu.memory_space<hbm>>
            %dma_start3A_93 = tpu.memref_squeeze %dma_start3A_92 : memref<1x40x128xi32, #tpu.memory_space<hbm>> -> memref<40x128xi32, #tpu.memory_space<hbm>>
            %dma_start3A_94 = arith.constant 0 : i32
            %dma_start3A_95 = tpu.memref_slice %arg4[%arg1, %mul3A_88, %dma_start3A_94] : memref<16x80x128xi32, #tpu.memory_space<hbm>> -> memref<1x40x128xi32, #tpu.memory_space<hbm>>
            %dma_start3A_96 = tpu.memref_squeeze %dma_start3A_95 : memref<1x40x128xi32, #tpu.memory_space<hbm>> -> memref<40x128xi32, #tpu.memory_space<hbm>>
            tpu.enqueue_dma source(%dma_start3A_96 : memref<40x128xi32, #tpu.memory_space<hbm>>) target(%arg8 : memref<40x128xi32, #tpu.memory_space<vmem>>) target_semaphore(%run_scoped3A : memref<!tpu.dma_semaphore, #tpu.memory_space<semaphore_mem>>)
            %dma_wait3A_97 = arith.constant 0 : i32
            %dma_wait3A_98 = tpu.memref_slice %arg4[%arg1, %mul3A_88, %dma_wait3A_97] : memref<16x80x128xi32, #tpu.memory_space<hbm>> -> memref<1x40x128xi32, #tpu.memory_space<hbm>>
            %dma_wait3A_99 = tpu.memref_squeeze %dma_wait3A_98 : memref<1x40x128xi32, #tpu.memory_space<hbm>> -> memref<40x128xi32, #tpu.memory_space<hbm>>
            %dma_wait3A_100 = arith.constant 0 : i32
            %dma_wait3A_101 = tpu.memref_slice %arg4[%arg1, %mul3A_88, %dma_wait3A_100] : memref<16x80x128xi32, #tpu.memory_space<hbm>> -> memref<1x40x128xi32, #tpu.memory_space<hbm>>
            %dma_wait3A_102 = tpu.memref_squeeze %dma_wait3A_101 : memref<1x40x128xi32, #tpu.memory_space<hbm>> -> memref<40x128xi32, #tpu.memory_space<hbm>>
            tpu.wait_dma2 semaphore(%run_scoped3A : memref<!tpu.dma_semaphore, #tpu.memory_space<semaphore_mem>>) src(%dma_wait3A_102 : memref<40x128xi32, #tpu.memory_space<hbm>>) dst(%arg8 : memref<40x128xi32, #tpu.memory_space<vmem>>)
            tpu.yield
          }) : () -> ()
          %mul3A_89 = arith.constant 40 : i32
          %mul3A_90 = arith.muli %scan3A_69, %mul3A_89 : i32
          "tpu.region"() ({
            %run_scoped3A = tpu.sem_alloc : memref<!tpu.dma_semaphore, #tpu.memory_space<semaphore_mem>>
            %dma_start3A_91 = arith.constant 0 : i32
            %dma_start3A_92 = tpu.memref_slice %arg5[%arg1, %mul3A_90, %dma_start3A_91] : memref<16x80x128xi32, #tpu.memory_space<hbm>> -> memref<1x40x128xi32, #tpu.memory_space<hbm>>
            %dma_start3A_93 = tpu.memref_squeeze %dma_start3A_92 : memref<1x40x128xi32, #tpu.memory_space<hbm>> -> memref<40x128xi32, #tpu.memory_space<hbm>>
            %dma_start3A_94 = arith.constant 0 : i32
            %dma_start3A_95 = tpu.memref_slice %arg5[%arg1, %mul3A_90, %dma_start3A_94] : memref<16x80x128xi32, #tpu.memory_space<hbm>> -> memref<1x40x128xi32, #tpu.memory_space<hbm>>
            %dma_start3A_96 = tpu.memref_squeeze %dma_start3A_95 : memref<1x40x128xi32, #tpu.memory_space<hbm>> -> memref<40x128xi32, #tpu.memory_space<hbm>>
            tpu.enqueue_dma source(%dma_start3A_96 : memref<40x128xi32, #tpu.memory_space<hbm>>) target(%arg9 : memref<40x128xi32, #tpu.memory_space<vmem>>) target_semaphore(%run_scoped3A : memref<!tpu.dma_semaphore, #tpu.memory_space<semaphore_mem>>)
            %dma_wait3A_97 = arith.constant 0 : i32
            %dma_wait3A_98 = tpu.memref_slice %arg5[%arg1, %mul3A_90, %dma_wait3A_97] : memref<16x80x128xi32, #tpu.memory_space<hbm>> -> memref<1x40x128xi32, #tpu.memory_space<hbm>>
            %dma_wait3A_99 = tpu.memref_squeeze %dma_wait3A_98 : memref<1x40x128xi32, #tpu.memory_space<hbm>> -> memref<40x128xi32, #tpu.memory_space<hbm>>
            %dma_wait3A_100 = arith.constant 0 : i32
            %dma_wait3A_101 = tpu.memref_slice %arg5[%arg1, %mul3A_90, %dma_wait3A_100] : memref<16x80x128xi32, #tpu.memory_space<hbm>> -> memref<1x40x128xi32, #tpu.memory_space<hbm>>
            %dma_wait3A_102 = tpu.memref_squeeze %dma_wait3A_101 : memref<1x40x128xi32, #tpu.memory_space<hbm>> -> memref<40x128xi32, #tpu.memory_space<hbm>>
            tpu.wait_dma2 semaphore(%run_scoped3A : memref<!tpu.dma_semaphore, #tpu.memory_space<semaphore_mem>>) src(%dma_wait3A_102 : memref<40x128xi32, #tpu.memory_space<hbm>>) dst(%arg9 : memref<40x128xi32, #tpu.memory_space<vmem>>)
            tpu.yield
          }) : () -> ()
        } else {
        }
        %dma_start3A_74 = arith.constant 0 : i32
        %dma_start3A_75 = arith.constant 0 : i32
        %dma_start3A_76 = tpu.memref_slice %arg8[%dma_start3A_74, %dma_start3A_75] : memref<40x128xi32, #tpu.memory_space<vmem>> -> memref<1x128xi32, #tpu.memory_space<vmem>>
        %dma_start3A_77 = tpu.memref_squeeze %dma_start3A_76 : memref<1x128xi32, #tpu.memory_space<vmem>> -> memref<128xi32, #tpu.memory_space<vmem>>
        %dma_start3A_78 = arith.constant 0 : i32
        %dma_start3A_79 = arith.constant 0 : i32
        %dma_start3A_80 = tpu.memref_slice %arg2[%dma_start3A_78, %dma_start3A_79] : memref<10000x128xf32, #tpu.memory_space<hbm>> -> memref<10000x128xf32, #tpu.memory_space<hbm>>
        tpu.enqueue_indirect_dma source(%dma_start3A_80 : memref<10000x128xf32, #tpu.memory_space<hbm>>) target(%arg10 : memref<128x128xf32, #tpu.memory_space<vmem>>) offsets(%dma_start3A_77 : memref<128xi32, #tpu.memory_space<vmem>>) semaphore(%arg13 : memref<!tpu.dma_semaphore, #tpu.memory_space<semaphore_mem>>)
        %scan3A_81 = arith.constant 0 : i32
        %scan3A_82 = arith.constant 0 : i32
        %scan3A_83 = arith.constant 20 : i32
        %scan3A_84 = arith.addi %scan3A_82, %scan3A_83 : i32
        %scan3A_85 = arith.constant 1 : i32
        scf.for %scan3A_87 = %scan3A_82 to %scan3A_84 step %scan3A_85  : i32 {
          %mul3A_88 = arith.constant 2 : i32
          %mul3A_89 = arith.muli %mul3A_88, %scan3A_87 : i32
          %add3A_90 = arith.constant 1 : i32
          %add3A_91 = arith.addi %mul3A_89, %add3A_90 : i32
          %dma_start3A_92 = arith.constant 0 : i32
          %dma_start3A_93 = tpu.memref_slice %arg8[%add3A_91, %dma_start3A_92] : memref<40x128xi32, #tpu.memory_space<vmem>> -> memref<1x128xi32, #tpu.memory_space<vmem>>
          %dma_start3A_94 = tpu.memref_squeeze %dma_start3A_93 : memref<1x128xi32, #tpu.memory_space<vmem>> -> memref<128xi32, #tpu.memory_space<vmem>>
          %dma_start3A_95 = arith.constant 0 : i32
          %dma_start3A_96 = arith.constant 0 : i32
          %dma_start3A_97 = tpu.memref_slice %arg2[%dma_start3A_95, %dma_start3A_96] : memref<10000x128xf32, #tpu.memory_space<hbm>> -> memref<10000x128xf32, #tpu.memory_space<hbm>>
          tpu.enqueue_indirect_dma source(%dma_start3A_97 : memref<10000x128xf32, #tpu.memory_space<hbm>>) target(%arg11 : memref<128x128xf32, #tpu.memory_space<vmem>>) offsets(%dma_start3A_94 : memref<128xi32, #tpu.memory_space<vmem>>) semaphore(%arg14 : memref<!tpu.dma_semaphore, #tpu.memory_space<semaphore_mem>>)
          %dma_wait3A_98 = arith.constant 0 : i32
          %dma_wait3A_99 = tpu.memref_slice %arg8[%mul3A_89, %dma_wait3A_98] : memref<40x128xi32, #tpu.memory_space<vmem>> -> memref<1x128xi32, #tpu.memory_space<vmem>>
          %dma_wait3A_100 = tpu.memref_squeeze %dma_wait3A_99 : memref<1x128xi32, #tpu.memory_space<vmem>> -> memref<128xi32, #tpu.memory_space<vmem>>
          %dma_wait3A_101 = arith.constant 0 : i32
          %dma_wait3A_102 = arith.constant 0 : i32
          %dma_wait3A_103 = tpu.memref_slice %arg2[%dma_wait3A_101, %dma_wait3A_102] : memref<10000x128xf32, #tpu.memory_space<hbm>> -> memref<10000x128xf32, #tpu.memory_space<hbm>>
          tpu.wait_indirect_dma semaphore(%arg13 : memref<!tpu.dma_semaphore, #tpu.memory_space<semaphore_mem>>) src(%dma_wait3A_103 : memref<10000x128xf32, #tpu.memory_space<hbm>>) dst(%arg10 : memref<128x128xf32, #tpu.memory_space<vmem>>)
          "tpu.region"() ({
            %run_scoped3A = tpu.sem_alloc : memref<!tpu.dma_semaphore, #tpu.memory_space<semaphore_mem>>
            %dma_start3A_120 = arith.constant 0 : i32
            %dma_start3A_121 = tpu.memref_slice %arg9[%mul3A_89, %dma_start3A_120] : memref<40x128xi32, #tpu.memory_space<vmem>> -> memref<1x128xi32, #tpu.memory_space<vmem>>
            %dma_start3A_122 = tpu.memref_squeeze %dma_start3A_121 : memref<1x128xi32, #tpu.memory_space<vmem>> -> memref<128xi32, #tpu.memory_space<vmem>>
            %dma_start3A_123 = arith.constant 0 : i32
            %dma_start3A_124 = arith.constant 0 : i32
            %dma_start3A_125 = tpu.memref_slice %arg12[%dma_start3A_123, %dma_start3A_124] : memref<10112x128xf32, #tpu.memory_space<vmem_shared>> -> memref<10112x128xf32, #tpu.memory_space<vmem_shared>>
            tpu.enqueue_indirect_dma source(%arg10 : memref<128x128xf32, #tpu.memory_space<vmem>>) target(%dma_start3A_125 : memref<10112x128xf32, #tpu.memory_space<vmem_shared>>) offsets(%dma_start3A_122 : memref<128xi32, #tpu.memory_space<vmem>>) semaphore(%run_scoped3A : memref<!tpu.dma_semaphore, #tpu.memory_space<semaphore_mem>>) {add = true}
            %dma_wait3A_126 = arith.constant 0 : i32
            %dma_wait3A_127 = tpu.memref_slice %arg9[%mul3A_89, %dma_wait3A_126] : memref<40x128xi32, #tpu.memory_space<vmem>> -> memref<1x128xi32, #tpu.memory_space<vmem>>
            %dma_wait3A_128 = tpu.memref_squeeze %dma_wait3A_127 : memref<1x128xi32, #tpu.memory_space<vmem>> -> memref<128xi32, #tpu.memory_space<vmem>>
            %dma_wait3A_129 = arith.constant 0 : i32
            %dma_wait3A_130 = arith.constant 0 : i32
            %dma_wait3A_131 = tpu.memref_slice %arg12[%dma_wait3A_129, %dma_wait3A_130] : memref<10112x128xf32, #tpu.memory_space<vmem_shared>> -> memref<10112x128xf32, #tpu.memory_space<vmem_shared>>
            tpu.wait_indirect_dma semaphore(%run_scoped3A : memref<!tpu.dma_semaphore, #tpu.memory_space<semaphore_mem>>) src(%arg10 : memref<128x128xf32, #tpu.memory_space<vmem>>) dst(%dma_wait3A_131 : memref<10112x128xf32, #tpu.memory_space<vmem_shared>>)
            tpu.yield
          }) : () -> ()
          %add3A_104 = arith.constant 2 : i32
          %add3A_105 = arith.addi %mul3A_89, %add3A_104 : i32
          %lt3A = arith.constant 40 : i32
          %lt3A_106 = arith.cmpi slt, %add3A_105, %lt3A : i32
          %convert_element_type3A_107 = arith.extui %lt3A_106 : i1 to i32
          %cond3A_108 = arith.constant 0 : i32
          %cond3A_109 = arith.cmpi ne, %convert_element_type3A_107, %cond3A_108 : i32
          scf.if %cond3A_109 {
            %add3A_120 = arith.constant 2 : i32
            %add3A_121 = arith.addi %mul3A_89, %add3A_120 : i32
            %dma_start3A_122 = arith.constant 0 : i32
            %dma_start3A_123 = tpu.memref_slice %arg8[%add3A_121, %dma_start3A_122] : memref<40x128xi32, #tpu.memory_space<vmem>> -> memref<1x128xi32, #tpu.memory_space<vmem>>
            %dma_start3A_124 = tpu.memref_squeeze %dma_start3A_123 : memref<1x128xi32, #tpu.memory_space<vmem>> -> memref<128xi32, #tpu.memory_space<vmem>>
            %dma_start3A_125 = arith.constant 0 : i32
            %dma_start3A_126 = arith.constant 0 : i32
            %dma_start3A_127 = tpu.memref_slice %arg2[%dma_start3A_125, %dma_start3A_126] : memref<10000x128xf32, #tpu.memory_space<hbm>> -> memref<10000x128xf32, #tpu.memory_space<hbm>>
            tpu.enqueue_indirect_dma source(%dma_start3A_127 : memref<10000x128xf32, #tpu.memory_space<hbm>>) target(%arg10 : memref<128x128xf32, #tpu.memory_space<vmem>>) offsets(%dma_start3A_124 : memref<128xi32, #tpu.memory_space<vmem>>) semaphore(%arg13 : memref<!tpu.dma_semaphore, #tpu.memory_space<semaphore_mem>>)
          } else {
          }
          %add3A_110 = arith.constant 1 : i32
          %add3A_111 = arith.addi %mul3A_89, %add3A_110 : i32
          %dma_wait3A_112 = arith.constant 0 : i32
          %dma_wait3A_113 = tpu.memref_slice %arg8[%add3A_111, %dma_wait3A_112] : memref<40x128xi32, #tpu.memory_space<vmem>> -> memref<1x128xi32, #tpu.memory_space<vmem>>
          %dma_wait3A_114 = tpu.memref_squeeze %dma_wait3A_113 : memref<1x128xi32, #tpu.memory_space<vmem>> -> memref<128xi32, #tpu.memory_space<vmem>>
          %dma_wait3A_115 = arith.constant 0 : i32
          %dma_wait3A_116 = arith.constant 0 : i32
          %dma_wait3A_117 = tpu.memref_slice %arg2[%dma_wait3A_115, %dma_wait3A_116] : memref<10000x128xf32, #tpu.memory_space<hbm>> -> memref<10000x128xf32, #tpu.memory_space<hbm>>
          tpu.wait_indirect_dma semaphore(%arg14 : memref<!tpu.dma_semaphore, #tpu.memory_space<semaphore_mem>>) src(%dma_wait3A_117 : memref<10000x128xf32, #tpu.memory_space<hbm>>) dst(%arg11 : memref<128x128xf32, #tpu.memory_space<vmem>>)
          %add3A_118 = arith.constant 1 : i32
          %add3A_119 = arith.addi %mul3A_89, %add3A_118 : i32
          "tpu.region"() ({
            %run_scoped3A = tpu.sem_alloc : memref<!tpu.dma_semaphore, #tpu.memory_space<semaphore_mem>>
            %dma_start3A_120 = arith.constant 0 : i32
            %dma_start3A_121 = tpu.memref_slice %arg9[%add3A_119, %dma_start3A_120] : memref<40x128xi32, #tpu.memory_space<vmem>> -> memref<1x128xi32, #tpu.memory_space<vmem>>
            %dma_start3A_122 = tpu.memref_squeeze %dma_start3A_121 : memref<1x128xi32, #tpu.memory_space<vmem>> -> memref<128xi32, #tpu.memory_space<vmem>>
            %dma_start3A_123 = arith.constant 0 : i32
            %dma_start3A_124 = arith.constant 0 : i32
            %dma_start3A_125 = tpu.memref_slice %arg12[%dma_start3A_123, %dma_start3A_124] : memref<10112x128xf32, #tpu.memory_space<vmem_shared>> -> memref<10112x128xf32, #tpu.memory_space<vmem_shared>>
            tpu.enqueue_indirect_dma source(%arg11 : memref<128x128xf32, #tpu.memory_space<vmem>>) target(%dma_start3A_125 : memref<10112x128xf32, #tpu.memory_space<vmem_shared>>) offsets(%dma_start3A_122 : memref<128xi32, #tpu.memory_space<vmem>>) semaphore(%run_scoped3A : memref<!tpu.dma_semaphore, #tpu.memory_space<semaphore_mem>>) {add = true}
            %dma_wait3A_126 = arith.constant 0 : i32
            %dma_wait3A_127 = tpu.memref_slice %arg9[%add3A_119, %dma_wait3A_126] : memref<40x128xi32, #tpu.memory_space<vmem>> -> memref<1x128xi32, #tpu.memory_space<vmem>>
            %dma_wait3A_128 = tpu.memref_squeeze %dma_wait3A_127 : memref<1x128xi32, #tpu.memory_space<vmem>> -> memref<128xi32, #tpu.memory_space<vmem>>
            %dma_wait3A_129 = arith.constant 0 : i32
            %dma_wait3A_130 = arith.constant 0 : i32
            %dma_wait3A_131 = tpu.memref_slice %arg12[%dma_wait3A_129, %dma_wait3A_130] : memref<10112x128xf32, #tpu.memory_space<vmem_shared>> -> memref<10112x128xf32, #tpu.memory_space<vmem_shared>>
            tpu.wait_indirect_dma semaphore(%run_scoped3A : memref<!tpu.dma_semaphore, #tpu.memory_space<semaphore_mem>>) src(%arg11 : memref<128x128xf32, #tpu.memory_space<vmem>>) dst(%dma_wait3A_131 : memref<10112x128xf32, #tpu.memory_space<vmem_shared>>)
            tpu.yield
          }) : () -> ()
        }
        %scan3A_86 = arith.constant 20 : i32
      }
      %scan3A_68 = arith.constant 2 : i32
    } else {
    }
    %eq3A_47 = arith.constant 1 : i32
    %eq3A_48 = arith.cmpi eq, %arg0, %eq3A_47 : i32
    %convert_element_type3A_49 = arith.extui %eq3A_48 : i1 to i32
    %cond3A_50 = arith.constant 0 : i32
    %cond3A_51 = arith.cmpi ne, %convert_element_type3A_49, %cond3A_50 : i32
    scf.if %cond3A_51 {
      %scan3A_63 = arith.constant 0 : i32
      %scan3A_64 = arith.constant 0 : i32
      %scan3A_65 = arith.constant 2 : i32
      %scan3A_66 = arith.addi %scan3A_64, %scan3A_65 : i32
      %scan3A_67 = arith.constant 1 : i32
      scf.for %scan3A_69 = %scan3A_64 to %scan3A_66 step %scan3A_67  : i32 {
        %gt3A = arith.constant 0 : i32
        %gt3A_70 = arith.cmpi sgt, %scan3A_69, %gt3A : i32
        %convert_element_type3A_71 = arith.extui %gt3A_70 : i1 to i32
        %cond3A_72 = arith.constant 0 : i32
        %cond3A_73 = arith.cmpi ne, %convert_element_type3A_71, %cond3A_72 : i32
        scf.if %cond3A_73 {
          %mul3A_87 = arith.constant 40 : i32
          %mul3A_88 = arith.muli %scan3A_69, %mul3A_87 : i32
          "tpu.region"() ({
            %run_scoped3A = tpu.sem_alloc : memref<!tpu.dma_semaphore, #tpu.memory_space<semaphore_mem>>
            %dma_start3A_91 = arith.constant 0 : i32
            %dma_start3A_92 = tpu.memref_slice %arg4[%arg1, %mul3A_88, %dma_start3A_91] : memref<16x80x128xi32, #tpu.memory_space<hbm>> -> memref<1x40x128xi32, #tpu.memory_space<hbm>>
            %dma_start3A_93 = tpu.memref_squeeze %dma_start3A_92 : memref<1x40x128xi32, #tpu.memory_space<hbm>> -> memref<40x128xi32, #tpu.memory_space<hbm>>
            %dma_start3A_94 = arith.constant 0 : i32
            %dma_start3A_95 = tpu.memref_slice %arg4[%arg1, %mul3A_88, %dma_start3A_94] : memref<16x80x128xi32, #tpu.memory_space<hbm>> -> memref<1x40x128xi32, #tpu.memory_space<hbm>>
            %dma_start3A_96 = tpu.memref_squeeze %dma_start3A_95 : memref<1x40x128xi32, #tpu.memory_space<hbm>> -> memref<40x128xi32, #tpu.memory_space<hbm>>
            tpu.enqueue_dma source(%dma_start3A_96 : memref<40x128xi32, #tpu.memory_space<hbm>>) target(%arg8 : memref<40x128xi32, #tpu.memory_space<vmem>>) target_semaphore(%run_scoped3A : memref<!tpu.dma_semaphore, #tpu.memory_space<semaphore_mem>>)
            %dma_wait3A_97 = arith.constant 0 : i32
            %dma_wait3A_98 = tpu.memref_slice %arg4[%arg1, %mul3A_88, %dma_wait3A_97] : memref<16x80x128xi32, #tpu.memory_space<hbm>> -> memref<1x40x128xi32, #tpu.memory_space<hbm>>
            %dma_wait3A_99 = tpu.memref_squeeze %dma_wait3A_98 : memref<1x40x128xi32, #tpu.memory_space<hbm>> -> memref<40x128xi32, #tpu.memory_space<hbm>>
            %dma_wait3A_100 = arith.constant 0 : i32
            %dma_wait3A_101 = tpu.memref_slice %arg4[%arg1, %mul3A_88, %dma_wait3A_100] : memref<16x80x128xi32, #tpu.memory_space<hbm>> -> memref<1x40x128xi32, #tpu.memory_space<hbm>>
            %dma_wait3A_102 = tpu.memref_squeeze %dma_wait3A_101 : memref<1x40x128xi32, #tpu.memory_space<hbm>> -> memref<40x128xi32, #tpu.memory_space<hbm>>
            tpu.wait_dma2 semaphore(%run_scoped3A : memref<!tpu.dma_semaphore, #tpu.memory_space<semaphore_mem>>) src(%dma_wait3A_102 : memref<40x128xi32, #tpu.memory_space<hbm>>) dst(%arg8 : memref<40x128xi32, #tpu.memory_space<vmem>>)
            tpu.yield
          }) : () -> ()
          %mul3A_89 = arith.constant 40 : i32
          %mul3A_90 = arith.muli %scan3A_69, %mul3A_89 : i32
          "tpu.region"() ({
            %run_scoped3A = tpu.sem_alloc : memref<!tpu.dma_semaphore, #tpu.memory_space<semaphore_mem>>
            %dma_start3A_91 = arith.constant 0 : i32
            %dma_start3A_92 = tpu.memref_slice %arg5[%arg1, %mul3A_90, %dma_start3A_91] : memref<16x80x128xi32, #tpu.memory_space<hbm>> -> memref<1x40x128xi32, #tpu.memory_space<hbm>>
            %dma_start3A_93 = tpu.memref_squeeze %dma_start3A_92 : memref<1x40x128xi32, #tpu.memory_space<hbm>> -> memref<40x128xi32, #tpu.memory_space<hbm>>
            %dma_start3A_94 = arith.constant 0 : i32
            %dma_start3A_95 = tpu.memref_slice %arg5[%arg1, %mul3A_90, %dma_start3A_94] : memref<16x80x128xi32, #tpu.memory_space<hbm>> -> memref<1x40x128xi32, #tpu.memory_space<hbm>>
            %dma_start3A_96 = tpu.memref_squeeze %dma_start3A_95 : memref<1x40x128xi32, #tpu.memory_space<hbm>> -> memref<40x128xi32, #tpu.memory_space<hbm>>
            tpu.enqueue_dma source(%dma_start3A_96 : memref<40x128xi32, #tpu.memory_space<hbm>>) target(%arg9 : memref<40x128xi32, #tpu.memory_space<vmem>>) target_semaphore(%run_scoped3A : memref<!tpu.dma_semaphore, #tpu.memory_space<semaphore_mem>>)
            %dma_wait3A_97 = arith.constant 0 : i32
            %dma_wait3A_98 = tpu.memref_slice %arg5[%arg1, %mul3A_90, %dma_wait3A_97] : memref<16x80x128xi32, #tpu.memory_space<hbm>> -> memref<1x40x128xi32, #tpu.memory_space<hbm>>
            %dma_wait3A_99 = tpu.memref_squeeze %dma_wait3A_98 : memref<1x40x128xi32, #tpu.memory_space<hbm>> -> memref<40x128xi32, #tpu.memory_space<hbm>>
            %dma_wait3A_100 = arith.constant 0 : i32
            %dma_wait3A_101 = tpu.memref_slice %arg5[%arg1, %mul3A_90, %dma_wait3A_100] : memref<16x80x128xi32, #tpu.memory_space<hbm>> -> memref<1x40x128xi32, #tpu.memory_space<hbm>>
            %dma_wait3A_102 = tpu.memref_squeeze %dma_wait3A_101 : memref<1x40x128xi32, #tpu.memory_space<hbm>> -> memref<40x128xi32, #tpu.memory_space<hbm>>
            tpu.wait_dma2 semaphore(%run_scoped3A : memref<!tpu.dma_semaphore, #tpu.memory_space<semaphore_mem>>) src(%dma_wait3A_102 : memref<40x128xi32, #tpu.memory_space<hbm>>) dst(%arg9 : memref<40x128xi32, #tpu.memory_space<vmem>>)
            tpu.yield
          }) : () -> ()
        } else {
        }
        %dma_start3A_74 = arith.constant 0 : i32
        %dma_start3A_75 = arith.constant 0 : i32
        %dma_start3A_76 = tpu.memref_slice %arg8[%dma_start3A_74, %dma_start3A_75] : memref<40x128xi32, #tpu.memory_space<vmem>> -> memref<1x128xi32, #tpu.memory_space<vmem>>
        %dma_start3A_77 = tpu.memref_squeeze %dma_start3A_76 : memref<1x128xi32, #tpu.memory_space<vmem>> -> memref<128xi32, #tpu.memory_space<vmem>>
        %dma_start3A_78 = arith.constant 0 : i32
        %dma_start3A_79 = arith.constant 0 : i32
        %dma_start3A_80 = tpu.memref_slice %arg3[%dma_start3A_78, %dma_start3A_79] : memref<10000x128xf32, #tpu.memory_space<hbm>> -> memref<10000x128xf32, #tpu.memory_space<hbm>>
        tpu.enqueue_indirect_dma source(%dma_start3A_80 : memref<10000x128xf32, #tpu.memory_space<hbm>>) target(%arg10 : memref<128x128xf32, #tpu.memory_space<vmem>>) offsets(%dma_start3A_77 : memref<128xi32, #tpu.memory_space<vmem>>) semaphore(%arg13 : memref<!tpu.dma_semaphore, #tpu.memory_space<semaphore_mem>>)
        %scan3A_81 = arith.constant 0 : i32
        %scan3A_82 = arith.constant 0 : i32
        %scan3A_83 = arith.constant 20 : i32
        %scan3A_84 = arith.addi %scan3A_82, %scan3A_83 : i32
        %scan3A_85 = arith.constant 1 : i32
        scf.for %scan3A_87 = %scan3A_82 to %scan3A_84 step %scan3A_85  : i32 {
          %mul3A_88 = arith.constant 2 : i32
          %mul3A_89 = arith.muli %mul3A_88, %scan3A_87 : i32
          %add3A_90 = arith.constant 1 : i32
          %add3A_91 = arith.addi %mul3A_89, %add3A_90 : i32
          %dma_start3A_92 = arith.constant 0 : i32
          %dma_start3A_93 = tpu.memref_slice %arg8[%add3A_91, %dma_start3A_92] : memref<40x128xi32, #tpu.memory_space<vmem>> -> memref<1x128xi32, #tpu.memory_space<vmem>>
          %dma_start3A_94 = tpu.memref_squeeze %dma_start3A_93 : memref<1x128xi32, #tpu.memory_space<vmem>> -> memref<128xi32, #tpu.memory_space<vmem>>
          %dma_start3A_95 = arith.constant 0 : i32
          %dma_start3A_96 = arith.constant 0 : i32
          %dma_start3A_97 = tpu.memref_slice %arg3[%dma_start3A_95, %dma_start3A_96] : memref<10000x128xf32, #tpu.memory_space<hbm>> -> memref<10000x128xf32, #tpu.memory_space<hbm>>
          tpu.enqueue_indirect_dma source(%dma_start3A_97 : memref<10000x128xf32, #tpu.memory_space<hbm>>) target(%arg11 : memref<128x128xf32, #tpu.memory_space<vmem>>) offsets(%dma_start3A_94 : memref<128xi32, #tpu.memory_space<vmem>>) semaphore(%arg14 : memref<!tpu.dma_semaphore, #tpu.memory_space<semaphore_mem>>)
          %dma_wait3A_98 = arith.constant 0 : i32
          %dma_wait3A_99 = tpu.memref_slice %arg8[%mul3A_89, %dma_wait3A_98] : memref<40x128xi32, #tpu.memory_space<vmem>> -> memref<1x128xi32, #tpu.memory_space<vmem>>
          %dma_wait3A_100 = tpu.memref_squeeze %dma_wait3A_99 : memref<1x128xi32, #tpu.memory_space<vmem>> -> memref<128xi32, #tpu.memory_space<vmem>>
          %dma_wait3A_101 = arith.constant 0 : i32
          %dma_wait3A_102 = arith.constant 0 : i32
          %dma_wait3A_103 = tpu.memref_slice %arg3[%dma_wait3A_101, %dma_wait3A_102] : memref<10000x128xf32, #tpu.memory_space<hbm>> -> memref<10000x128xf32, #tpu.memory_space<hbm>>
          tpu.wait_indirect_dma semaphore(%arg13 : memref<!tpu.dma_semaphore, #tpu.memory_space<semaphore_mem>>) src(%dma_wait3A_103 : memref<10000x128xf32, #tpu.memory_space<hbm>>) dst(%arg10 : memref<128x128xf32, #tpu.memory_space<vmem>>)
          "tpu.region"() ({
            %run_scoped3A = tpu.sem_alloc : memref<!tpu.dma_semaphore, #tpu.memory_space<semaphore_mem>>
            %dma_start3A_120 = arith.constant 0 : i32
            %dma_start3A_121 = tpu.memref_slice %arg9[%mul3A_89, %dma_start3A_120] : memref<40x128xi32, #tpu.memory_space<vmem>> -> memref<1x128xi32, #tpu.memory_space<vmem>>
            %dma_start3A_122 = tpu.memref_squeeze %dma_start3A_121 : memref<1x128xi32, #tpu.memory_space<vmem>> -> memref<128xi32, #tpu.memory_space<vmem>>
            %dma_start3A_123 = arith.constant 0 : i32
            %dma_start3A_124 = arith.constant 0 : i32
            %dma_start3A_125 = tpu.memref_slice %arg12[%dma_start3A_123, %dma_start3A_124] : memref<10112x128xf32, #tpu.memory_space<vmem_shared>> -> memref<10112x128xf32, #tpu.memory_space<vmem_shared>>
            tpu.enqueue_indirect_dma source(%arg10 : memref<128x128xf32, #tpu.memory_space<vmem>>) target(%dma_start3A_125 : memref<10112x128xf32, #tpu.memory_space<vmem_shared>>) offsets(%dma_start3A_122 : memref<128xi32, #tpu.memory_space<vmem>>) semaphore(%run_scoped3A : memref<!tpu.dma_semaphore, #tpu.memory_space<semaphore_mem>>) {add = true}
            %dma_wait3A_126 = arith.constant 0 : i32
            %dma_wait3A_127 = tpu.memref_slice %arg9[%mul3A_89, %dma_wait3A_126] : memref<40x128xi32, #tpu.memory_space<vmem>> -> memref<1x128xi32, #tpu.memory_space<vmem>>
            %dma_wait3A_128 = tpu.memref_squeeze %dma_wait3A_127 : memref<1x128xi32, #tpu.memory_space<vmem>> -> memref<128xi32, #tpu.memory_space<vmem>>
            %dma_wait3A_129 = arith.constant 0 : i32
            %dma_wait3A_130 = arith.constant 0 : i32
            %dma_wait3A_131 = tpu.memref_slice %arg12[%dma_wait3A_129, %dma_wait3A_130] : memref<10112x128xf32, #tpu.memory_space<vmem_shared>> -> memref<10112x128xf32, #tpu.memory_space<vmem_shared>>
            tpu.wait_indirect_dma semaphore(%run_scoped3A : memref<!tpu.dma_semaphore, #tpu.memory_space<semaphore_mem>>) src(%arg10 : memref<128x128xf32, #tpu.memory_space<vmem>>) dst(%dma_wait3A_131 : memref<10112x128xf32, #tpu.memory_space<vmem_shared>>)
            tpu.yield
          }) : () -> ()
          %add3A_104 = arith.constant 2 : i32
          %add3A_105 = arith.addi %mul3A_89, %add3A_104 : i32
          %lt3A = arith.constant 40 : i32
          %lt3A_106 = arith.cmpi slt, %add3A_105, %lt3A : i32
          %convert_element_type3A_107 = arith.extui %lt3A_106 : i1 to i32
          %cond3A_108 = arith.constant 0 : i32
          %cond3A_109 = arith.cmpi ne, %convert_element_type3A_107, %cond3A_108 : i32
          scf.if %cond3A_109 {
            %add3A_120 = arith.constant 2 : i32
            %add3A_121 = arith.addi %mul3A_89, %add3A_120 : i32
            %dma_start3A_122 = arith.constant 0 : i32
            %dma_start3A_123 = tpu.memref_slice %arg8[%add3A_121, %dma_start3A_122] : memref<40x128xi32, #tpu.memory_space<vmem>> -> memref<1x128xi32, #tpu.memory_space<vmem>>
            %dma_start3A_124 = tpu.memref_squeeze %dma_start3A_123 : memref<1x128xi32, #tpu.memory_space<vmem>> -> memref<128xi32, #tpu.memory_space<vmem>>
            %dma_start3A_125 = arith.constant 0 : i32
            %dma_start3A_126 = arith.constant 0 : i32
            %dma_start3A_127 = tpu.memref_slice %arg3[%dma_start3A_125, %dma_start3A_126] : memref<10000x128xf32, #tpu.memory_space<hbm>> -> memref<10000x128xf32, #tpu.memory_space<hbm>>
            tpu.enqueue_indirect_dma source(%dma_start3A_127 : memref<10000x128xf32, #tpu.memory_space<hbm>>) target(%arg10 : memref<128x128xf32, #tpu.memory_space<vmem>>) offsets(%dma_start3A_124 : memref<128xi32, #tpu.memory_space<vmem>>) semaphore(%arg13 : memref<!tpu.dma_semaphore, #tpu.memory_space<semaphore_mem>>)
          } else {
          }
          %add3A_110 = arith.constant 1 : i32
          %add3A_111 = arith.addi %mul3A_89, %add3A_110 : i32
          %dma_wait3A_112 = arith.constant 0 : i32
          %dma_wait3A_113 = tpu.memref_slice %arg8[%add3A_111, %dma_wait3A_112] : memref<40x128xi32, #tpu.memory_space<vmem>> -> memref<1x128xi32, #tpu.memory_space<vmem>>
          %dma_wait3A_114 = tpu.memref_squeeze %dma_wait3A_113 : memref<1x128xi32, #tpu.memory_space<vmem>> -> memref<128xi32, #tpu.memory_space<vmem>>
          %dma_wait3A_115 = arith.constant 0 : i32
          %dma_wait3A_116 = arith.constant 0 : i32
          %dma_wait3A_117 = tpu.memref_slice %arg3[%dma_wait3A_115, %dma_wait3A_116] : memref<10000x128xf32, #tpu.memory_space<hbm>> -> memref<10000x128xf32, #tpu.memory_space<hbm>>
          tpu.wait_indirect_dma semaphore(%arg14 : memref<!tpu.dma_semaphore, #tpu.memory_space<semaphore_mem>>) src(%dma_wait3A_117 : memref<10000x128xf32, #tpu.memory_space<hbm>>) dst(%arg11 : memref<128x128xf32, #tpu.memory_space<vmem>>)
          %add3A_118 = arith.constant 1 : i32
          %add3A_119 = arith.addi %mul3A_89, %add3A_118 : i32
          "tpu.region"() ({
            %run_scoped3A = tpu.sem_alloc : memref<!tpu.dma_semaphore, #tpu.memory_space<semaphore_mem>>
            %dma_start3A_120 = arith.constant 0 : i32
            %dma_start3A_121 = tpu.memref_slice %arg9[%add3A_119, %dma_start3A_120] : memref<40x128xi32, #tpu.memory_space<vmem>> -> memref<1x128xi32, #tpu.memory_space<vmem>>
            %dma_start3A_122 = tpu.memref_squeeze %dma_start3A_121 : memref<1x128xi32, #tpu.memory_space<vmem>> -> memref<128xi32, #tpu.memory_space<vmem>>
            %dma_start3A_123 = arith.constant 0 : i32
            %dma_start3A_124 = arith.constant 0 : i32
            %dma_start3A_125 = tpu.memref_slice %arg12[%dma_start3A_123, %dma_start3A_124] : memref<10112x128xf32, #tpu.memory_space<vmem_shared>> -> memref<10112x128xf32, #tpu.memory_space<vmem_shared>>
            tpu.enqueue_indirect_dma source(%arg11 : memref<128x128xf32, #tpu.memory_space<vmem>>) target(%dma_start3A_125 : memref<10112x128xf32, #tpu.memory_space<vmem_shared>>) offsets(%dma_start3A_122 : memref<128xi32, #tpu.memory_space<vmem>>) semaphore(%run_scoped3A : memref<!tpu.dma_semaphore, #tpu.memory_space<semaphore_mem>>) {add = true}
            %dma_wait3A_126 = arith.constant 0 : i32
            %dma_wait3A_127 = tpu.memref_slice %arg9[%add3A_119, %dma_wait3A_126] : memref<40x128xi32, #tpu.memory_space<vmem>> -> memref<1x128xi32, #tpu.memory_space<vmem>>
            %dma_wait3A_128 = tpu.memref_squeeze %dma_wait3A_127 : memref<1x128xi32, #tpu.memory_space<vmem>> -> memref<128xi32, #tpu.memory_space<vmem>>
            %dma_wait3A_129 = arith.constant 0 : i32
            %dma_wait3A_130 = arith.constant 0 : i32
            %dma_wait3A_131 = tpu.memref_slice %arg12[%dma_wait3A_129, %dma_wait3A_130] : memref<10112x128xf32, #tpu.memory_space<vmem_shared>> -> memref<10112x128xf32, #tpu.memory_space<vmem_shared>>
            tpu.wait_indirect_dma semaphore(%run_scoped3A : memref<!tpu.dma_semaphore, #tpu.memory_space<semaphore_mem>>) src(%arg11 : memref<128x128xf32, #tpu.memory_space<vmem>>) dst(%dma_wait3A_131 : memref<10112x128xf32, #tpu.memory_space<vmem_shared>>)
            tpu.yield
          }) : () -> ()
        }
        %scan3A_86 = arith.constant 20 : i32
      }
      %scan3A_68 = arith.constant 2 : i32
    } else {
    }
    %barrier3A_52 = arith.constant 0 : index
    tpu.barrier barrier_id(%barrier3A_52)
    %eq3A_53 = arith.constant 0 : i32
    %eq3A_54 = arith.cmpi eq, %arg0, %eq3A_53 : i32
    %convert_element_type3A_55 = arith.extui %eq3A_54 : i1 to i32
    %cond3A_56 = arith.constant 0 : i32
    %cond3A_57 = arith.cmpi ne, %convert_element_type3A_55, %cond3A_56 : i32
    scf.if %cond3A_57 {
      %add3A_63 = arith.constant 0 : i32
      %add3A_64 = arith.addi %mul3A_0, %add3A_63 : i32
      "tpu.region"() ({
        %run_scoped3A = tpu.sem_alloc : memref<!tpu.dma_semaphore, #tpu.memory_space<semaphore_mem>>
        %dma_start3A_193 = arith.constant 0 : i32
        %dma_start3A_194 = arith.constant 0 : i32
        %dma_start3A_195 = tpu.memref_slice %arg10[%dma_start3A_193, %dma_start3A_194] : memref<128x128xf32, #tpu.memory_space<vmem>> -> memref<128x128xf32, #tpu.memory_space<vmem>>
        %dma_start3A_196 = arith.constant 0 : i32
        %dma_start3A_197 = tpu.memref_slice %arg12[%add3A_64, %dma_start3A_196] : memref<10112x128xf32, #tpu.memory_space<vmem_shared>> -> memref<128x128xf32, #tpu.memory_space<vmem_shared>>
        %dma_start3A_198 = arith.constant 0 : i32
        %dma_start3A_199 = arith.constant 0 : i32
        %dma_start3A_200 = tpu.memref_slice %arg10[%dma_start3A_198, %dma_start3A_199] : memref<128x128xf32, #tpu.memory_space<vmem>> -> memref<128x128xf32, #tpu.memory_space<vmem>>
        %dma_start3A_201 = arith.constant 0 : i32
        %dma_start3A_202 = tpu.memref_slice %arg12[%add3A_64, %dma_start3A_201] : memref<10112x128xf32, #tpu.memory_space<vmem_shared>> -> memref<128x128xf32, #tpu.memory_space<vmem_shared>>
        tpu.enqueue_dma source(%dma_start3A_202 : memref<128x128xf32, #tpu.memory_space<vmem_shared>>) target(%dma_start3A_200 : memref<128x128xf32, #tpu.memory_space<vmem>>) target_semaphore(%run_scoped3A : memref<!tpu.dma_semaphore, #tpu.memory_space<semaphore_mem>>)
        %dma_wait3A_203 = arith.constant 0 : i32
        %dma_wait3A_204 = arith.constant 0 : i32
        %dma_wait3A_205 = tpu.memref_slice %arg10[%dma_wait3A_203, %dma_wait3A_204] : memref<128x128xf32, #tpu.memory_space<vmem>> -> memref<128x128xf32, #tpu.memory_space<vmem>>
        %dma_wait3A_206 = arith.constant 0 : i32
        %dma_wait3A_207 = tpu.memref_slice %arg12[%add3A_64, %dma_wait3A_206] : memref<10112x128xf32, #tpu.memory_space<vmem_shared>> -> memref<128x128xf32, #tpu.memory_space<vmem_shared>>
        %dma_wait3A_208 = arith.constant 0 : i32
        %dma_wait3A_209 = arith.constant 0 : i32
        %dma_wait3A_210 = tpu.memref_slice %arg10[%dma_wait3A_208, %dma_wait3A_209] : memref<128x128xf32, #tpu.memory_space<vmem>> -> memref<128x128xf32, #tpu.memory_space<vmem>>
        %dma_wait3A_211 = arith.constant 0 : i32
        %dma_wait3A_212 = tpu.memref_slice %arg12[%add3A_64, %dma_wait3A_211] : memref<10112x128xf32, #tpu.memory_space<vmem_shared>> -> memref<128x128xf32, #tpu.memory_space<vmem_shared>>
        tpu.wait_dma2 semaphore(%run_scoped3A : memref<!tpu.dma_semaphore, #tpu.memory_space<semaphore_mem>>) src(%dma_wait3A_212 : memref<128x128xf32, #tpu.memory_space<vmem_shared>>) dst(%dma_wait3A_210 : memref<128x128xf32, #tpu.memory_space<vmem>>)
        tpu.yield
      }) : () -> ()
      %add3A_65 = arith.constant 0 : i32
      %add3A_66 = arith.addi %mul3A_0, %add3A_65 : i32
      %dma_start3A_67 = arith.constant 0 : i32
      %dma_start3A_68 = arith.constant 0 : i32
      %dma_start3A_69 = tpu.memref_slice %arg10[%dma_start3A_67, %dma_start3A_68] : memref<128x128xf32, #tpu.memory_space<vmem>> -> memref<128x128xf32, #tpu.memory_space<vmem>>
      %dma_start3A_70 = arith.constant 0 : i32
      %dma_start3A_71 = tpu.memref_slice %arg6[%add3A_66, %dma_start3A_70] : memref<10112x128xf32, #tpu.memory_space<hbm>> -> memref<128x128xf32, #tpu.memory_space<hbm>>
      %dma_start3A_72 = arith.constant 0 : i32
      %dma_start3A_73 = tpu.memref_slice %arg6[%add3A_66, %dma_start3A_72] : memref<10112x128xf32, #tpu.memory_space<hbm>> -> memref<128x128xf32, #tpu.memory_space<hbm>>
      %dma_start3A_74 = arith.constant 0 : i32
      %dma_start3A_75 = arith.constant 0 : i32
      %dma_start3A_76 = tpu.memref_slice %arg10[%dma_start3A_74, %dma_start3A_75] : memref<128x128xf32, #tpu.memory_space<vmem>> -> memref<128x128xf32, #tpu.memory_space<vmem>>
      tpu.enqueue_dma source(%dma_start3A_76 : memref<128x128xf32, #tpu.memory_space<vmem>>) target(%dma_start3A_73 : memref<128x128xf32, #tpu.memory_space<hbm>>) target_semaphore(%arg13 : memref<!tpu.dma_semaphore, #tpu.memory_space<semaphore_mem>>)
      %add3A_77 = arith.constant 0 : i32
      %add3A_78 = arith.addi %mul3A_0, %add3A_77 : i32
      %add3A_79 = arith.constant 128 : i32
      %add3A_80 = arith.addi %mul3A_0, %add3A_79 : i32
      "tpu.region"() ({
        %run_scoped3A = tpu.sem_alloc : memref<!tpu.dma_semaphore, #tpu.memory_space<semaphore_mem>>
        %dma_start3A_193 = arith.constant 0 : i32
        %dma_start3A_194 = arith.constant 0 : i32
        %dma_start3A_195 = tpu.memref_slice %arg11[%dma_start3A_193, %dma_start3A_194] : memref<128x128xf32, #tpu.memory_space<vmem>> -> memref<128x128xf32, #tpu.memory_space<vmem>>
        %dma_start3A_196 = arith.constant 0 : i32
        %dma_start3A_197 = tpu.memref_slice %arg12[%add3A_80, %dma_start3A_196] : memref<10112x128xf32, #tpu.memory_space<vmem_shared>> -> memref<128x128xf32, #tpu.memory_space<vmem_shared>>
        %dma_start3A_198 = arith.constant 0 : i32
        %dma_start3A_199 = arith.constant 0 : i32
        %dma_start3A_200 = tpu.memref_slice %arg11[%dma_start3A_198, %dma_start3A_199] : memref<128x128xf32, #tpu.memory_space<vmem>> -> memref<128x128xf32, #tpu.memory_space<vmem>>
        %dma_start3A_201 = arith.constant 0 : i32
        %dma_start3A_202 = tpu.memref_slice %arg12[%add3A_80, %dma_start3A_201] : memref<10112x128xf32, #tpu.memory_space<vmem_shared>> -> memref<128x128xf32, #tpu.memory_space<vmem_shared>>
        tpu.enqueue_dma source(%dma_start3A_202 : memref<128x128xf32, #tpu.memory_space<vmem_shared>>) target(%dma_start3A_200 : memref<128x128xf32, #tpu.memory_space<vmem>>) target_semaphore(%run_scoped3A : memref<!tpu.dma_semaphore, #tpu.memory_space<semaphore_mem>>)
        %dma_wait3A_203 = arith.constant 0 : i32
        %dma_wait3A_204 = arith.constant 0 : i32
        %dma_wait3A_205 = tpu.memref_slice %arg11[%dma_wait3A_203, %dma_wait3A_204] : memref<128x128xf32, #tpu.memory_space<vmem>> -> memref<128x128xf32, #tpu.memory_space<vmem>>
        %dma_wait3A_206 = arith.constant 0 : i32
        %dma_wait3A_207 = tpu.memref_slice %arg12[%add3A_80, %dma_wait3A_206] : memref<10112x128xf32, #tpu.memory_space<vmem_shared>> -> memref<128x128xf32, #tpu.memory_space<vmem_shared>>
        %dma_wait3A_208 = arith.constant 0 : i32
        %dma_wait3A_209 = arith.constant 0 : i32
        %dma_wait3A_210 = tpu.memref_slice %arg11[%dma_wait3A_208, %dma_wait3A_209] : memref<128x128xf32, #tpu.memory_space<vmem>> -> memref<128x128xf32, #tpu.memory_space<vmem>>
        %dma_wait3A_211 = arith.constant 0 : i32
        %dma_wait3A_212 = tpu.memref_slice %arg12[%add3A_80, %dma_wait3A_211] : memref<10112x128xf32, #tpu.memory_space<vmem_shared>> -> memref<128x128xf32, #tpu.memory_space<vmem_shared>>
        tpu.wait_dma2 semaphore(%run_scoped3A : memref<!tpu.dma_semaphore, #tpu.memory_space<semaphore_mem>>) src(%dma_wait3A_212 : memref<128x128xf32, #tpu.memory_space<vmem_shared>>) dst(%dma_wait3A_210 : memref<128x128xf32, #tpu.memory_space<vmem>>)
        tpu.yield
      }) : () -> ()
      %add3A_81 = arith.constant 128 : i32
      %add3A_82 = arith.addi %mul3A_0, %add3A_81 : i32
      %dma_start3A_83 = arith.constant 0 : i32
      %dma_start3A_84 = arith.constant 0 : i32
      %dma_start3A_85 = tpu.memref_slice %arg11[%dma_start3A_83, %dma_start3A_84] : memref<128x128xf32, #tpu.memory_space<vmem>> -> memref<128x128xf32, #tpu.memory_space<vmem>>
      %dma_start3A_86 = arith.constant 0 : i32
      %dma_start3A_87 = tpu.memref_slice %arg6[%add3A_82, %dma_start3A_86] : memref<10112x128xf32, #tpu.memory_space<hbm>> -> memref<128x128xf32, #tpu.memory_space<hbm>>
      %dma_start3A_88 = arith.constant 0 : i32
      %dma_start3A_89 = tpu.memref_slice %arg6[%add3A_82, %dma_start3A_88] : memref<10112x128xf32, #tpu.memory_space<hbm>> -> memref<128x128xf32, #tpu.memory_space<hbm>>
      %dma_start3A_90 = arith.constant 0 : i32
      %dma_start3A_91 = arith.constant 0 : i32
      %dma_start3A_92 = tpu.memref_slice %arg11[%dma_start3A_90, %dma_start3A_91] : memref<128x128xf32, #tpu.memory_space<vmem>> -> memref<128x128xf32, #tpu.memory_space<vmem>>
      tpu.enqueue_dma source(%dma_start3A_92 : memref<128x128xf32, #tpu.memory_space<vmem>>) target(%dma_start3A_89 : memref<128x128xf32, #tpu.memory_space<hbm>>) target_semaphore(%arg14 : memref<!tpu.dma_semaphore, #tpu.memory_space<semaphore_mem>>)
      %add3A_93 = arith.constant 128 : i32
      %add3A_94 = arith.addi %mul3A_0, %add3A_93 : i32
      %dma_wait3A_95 = arith.constant 0 : i32
      %dma_wait3A_96 = arith.constant 0 : i32
      %dma_wait3A_97 = tpu.memref_slice %arg10[%dma_wait3A_95, %dma_wait3A_96] : memref<128x128xf32, #tpu.memory_space<vmem>> -> memref<128x128xf32, #tpu.memory_space<vmem>>
      %dma_wait3A_98 = arith.constant 0 : i32
      %dma_wait3A_99 = tpu.memref_slice %arg6[%add3A_78, %dma_wait3A_98] : memref<10112x128xf32, #tpu.memory_space<hbm>> -> memref<128x128xf32, #tpu.memory_space<hbm>>
      %dma_wait3A_100 = arith.constant 0 : i32
      %dma_wait3A_101 = tpu.memref_slice %arg6[%add3A_78, %dma_wait3A_100] : memref<10112x128xf32, #tpu.memory_space<hbm>> -> memref<128x128xf32, #tpu.memory_space<hbm>>
      %dma_wait3A_102 = arith.constant 0 : i32
      %dma_wait3A_103 = arith.constant 0 : i32
      %dma_wait3A_104 = tpu.memref_slice %arg10[%dma_wait3A_102, %dma_wait3A_103] : memref<128x128xf32, #tpu.memory_space<vmem>> -> memref<128x128xf32, #tpu.memory_space<vmem>>
      tpu.wait_dma2 semaphore(%arg13 : memref<!tpu.dma_semaphore, #tpu.memory_space<semaphore_mem>>) src(%dma_wait3A_104 : memref<128x128xf32, #tpu.memory_space<vmem>>) dst(%dma_wait3A_101 : memref<128x128xf32, #tpu.memory_space<hbm>>)
      %add3A_105 = arith.constant 256 : i32
      %add3A_106 = arith.addi %mul3A_0, %add3A_105 : i32
      "tpu.region"() ({
        %run_scoped3A = tpu.sem_alloc : memref<!tpu.dma_semaphore, #tpu.memory_space<semaphore_mem>>
        %dma_start3A_193 = arith.constant 0 : i32
        %dma_start3A_194 = arith.constant 0 : i32
        %dma_start3A_195 = tpu.memref_slice %arg10[%dma_start3A_193, %dma_start3A_194] : memref<128x128xf32, #tpu.memory_space<vmem>> -> memref<128x128xf32, #tpu.memory_space<vmem>>
        %dma_start3A_196 = arith.constant 0 : i32
        %dma_start3A_197 = tpu.memref_slice %arg12[%add3A_106, %dma_start3A_196] : memref<10112x128xf32, #tpu.memory_space<vmem_shared>> -> memref<128x128xf32, #tpu.memory_space<vmem_shared>>
        %dma_start3A_198 = arith.constant 0 : i32
        %dma_start3A_199 = arith.constant 0 : i32
        %dma_start3A_200 = tpu.memref_slice %arg10[%dma_start3A_198, %dma_start3A_199] : memref<128x128xf32, #tpu.memory_space<vmem>> -> memref<128x128xf32, #tpu.memory_space<vmem>>
        %dma_start3A_201 = arith.constant 0 : i32
        %dma_start3A_202 = tpu.memref_slice %arg12[%add3A_106, %dma_start3A_201] : memref<10112x128xf32, #tpu.memory_space<vmem_shared>> -> memref<128x128xf32, #tpu.memory_space<vmem_shared>>
        tpu.enqueue_dma source(%dma_start3A_202 : memref<128x128xf32, #tpu.memory_space<vmem_shared>>) target(%dma_start3A_200 : memref<128x128xf32, #tpu.memory_space<vmem>>) target_semaphore(%run_scoped3A : memref<!tpu.dma_semaphore, #tpu.memory_space<semaphore_mem>>)
        %dma_wait3A_203 = arith.constant 0 : i32
        %dma_wait3A_204 = arith.constant 0 : i32
        %dma_wait3A_205 = tpu.memref_slice %arg10[%dma_wait3A_203, %dma_wait3A_204] : memref<128x128xf32, #tpu.memory_space<vmem>> -> memref<128x128xf32, #tpu.memory_space<vmem>>
        %dma_wait3A_206 = arith.constant 0 : i32
        %dma_wait3A_207 = tpu.memref_slice %arg12[%add3A_106, %dma_wait3A_206] : memref<10112x128xf32, #tpu.memory_space<vmem_shared>> -> memref<128x128xf32, #tpu.memory_space<vmem_shared>>
        %dma_wait3A_208 = arith.constant 0 : i32
        %dma_wait3A_209 = arith.constant 0 : i32
        %dma_wait3A_210 = tpu.memref_slice %arg10[%dma_wait3A_208, %dma_wait3A_209] : memref<128x128xf32, #tpu.memory_space<vmem>> -> memref<128x128xf32, #tpu.memory_space<vmem>>
        %dma_wait3A_211 = arith.constant 0 : i32
        %dma_wait3A_212 = tpu.memref_slice %arg12[%add3A_106, %dma_wait3A_211] : memref<10112x128xf32, #tpu.memory_space<vmem_shared>> -> memref<128x128xf32, #tpu.memory_space<vmem_shared>>
        tpu.wait_dma2 semaphore(%run_scoped3A : memref<!tpu.dma_semaphore, #tpu.memory_space<semaphore_mem>>) src(%dma_wait3A_212 : memref<128x128xf32, #tpu.memory_space<vmem_shared>>) dst(%dma_wait3A_210 : memref<128x128xf32, #tpu.memory_space<vmem>>)
        tpu.yield
      }) : () -> ()
      %add3A_107 = arith.constant 256 : i32
      %add3A_108 = arith.addi %mul3A_0, %add3A_107 : i32
      %dma_start3A_109 = arith.constant 0 : i32
      %dma_start3A_110 = arith.constant 0 : i32
      %dma_start3A_111 = tpu.memref_slice %arg10[%dma_start3A_109, %dma_start3A_110] : memref<128x128xf32, #tpu.memory_space<vmem>> -> memref<128x128xf32, #tpu.memory_space<vmem>>
      %dma_start3A_112 = arith.constant 0 : i32
      %dma_start3A_113 = tpu.memref_slice %arg6[%add3A_108, %dma_start3A_112] : memref<10112x128xf32, #tpu.memory_space<hbm>> -> memref<128x128xf32, #tpu.memory_space<hbm>>
      %dma_start3A_114 = arith.constant 0 : i32
      %dma_start3A_115 = tpu.memref_slice %arg6[%add3A_108, %dma_start3A_114] : memref<10112x128xf32, #tpu.memory_space<hbm>> -> memref<128x128xf32, #tpu.memory_space<hbm>>
      %dma_start3A_116 = arith.constant 0 : i32
      %dma_start3A_117 = arith.constant 0 : i32
      %dma_start3A_118 = tpu.memref_slice %arg10[%dma_start3A_116, %dma_start3A_117] : memref<128x128xf32, #tpu.memory_space<vmem>> -> memref<128x128xf32, #tpu.memory_space<vmem>>
      tpu.enqueue_dma source(%dma_start3A_118 : memref<128x128xf32, #tpu.memory_space<vmem>>) target(%dma_start3A_115 : memref<128x128xf32, #tpu.memory_space<hbm>>) target_semaphore(%arg13 : memref<!tpu.dma_semaphore, #tpu.memory_space<semaphore_mem>>)
      %add3A_119 = arith.constant 256 : i32
      %add3A_120 = arith.addi %mul3A_0, %add3A_119 : i32
      %dma_wait3A_121 = arith.constant 0 : i32
      %dma_wait3A_122 = arith.constant 0 : i32
      %dma_wait3A_123 = tpu.memref_slice %arg11[%dma_wait3A_121, %dma_wait3A_122] : memref<128x128xf32, #tpu.memory_space<vmem>> -> memref<128x128xf32, #tpu.memory_space<vmem>>
      %dma_wait3A_124 = arith.constant 0 : i32
      %dma_wait3A_125 = tpu.memref_slice %arg6[%add3A_94, %dma_wait3A_124] : memref<10112x128xf32, #tpu.memory_space<hbm>> -> memref<128x128xf32, #tpu.memory_space<hbm>>
      %dma_wait3A_126 = arith.constant 0 : i32
      %dma_wait3A_127 = tpu.memref_slice %arg6[%add3A_94, %dma_wait3A_126] : memref<10112x128xf32, #tpu.memory_space<hbm>> -> memref<128x128xf32, #tpu.memory_space<hbm>>
      %dma_wait3A_128 = arith.constant 0 : i32
      %dma_wait3A_129 = arith.constant 0 : i32
      %dma_wait3A_130 = tpu.memref_slice %arg11[%dma_wait3A_128, %dma_wait3A_129] : memref<128x128xf32, #tpu.memory_space<vmem>> -> memref<128x128xf32, #tpu.memory_space<vmem>>
      tpu.wait_dma2 semaphore(%arg14 : memref<!tpu.dma_semaphore, #tpu.memory_space<semaphore_mem>>) src(%dma_wait3A_130 : memref<128x128xf32, #tpu.memory_space<vmem>>) dst(%dma_wait3A_127 : memref<128x128xf32, #tpu.memory_space<hbm>>)
      %add3A_131 = arith.constant 384 : i32
      %add3A_132 = arith.addi %mul3A_0, %add3A_131 : i32
      "tpu.region"() ({
        %run_scoped3A = tpu.sem_alloc : memref<!tpu.dma_semaphore, #tpu.memory_space<semaphore_mem>>
        %dma_start3A_193 = arith.constant 0 : i32
        %dma_start3A_194 = arith.constant 0 : i32
        %dma_start3A_195 = tpu.memref_slice %arg11[%dma_start3A_193, %dma_start3A_194] : memref<128x128xf32, #tpu.memory_space<vmem>> -> memref<128x128xf32, #tpu.memory_space<vmem>>
        %dma_start3A_196 = arith.constant 0 : i32
        %dma_start3A_197 = tpu.memref_slice %arg12[%add3A_132, %dma_start3A_196] : memref<10112x128xf32, #tpu.memory_space<vmem_shared>> -> memref<128x128xf32, #tpu.memory_space<vmem_shared>>
        %dma_start3A_198 = arith.constant 0 : i32
        %dma_start3A_199 = arith.constant 0 : i32
        %dma_start3A_200 = tpu.memref_slice %arg11[%dma_start3A_198, %dma_start3A_199] : memref<128x128xf32, #tpu.memory_space<vmem>> -> memref<128x128xf32, #tpu.memory_space<vmem>>
        %dma_start3A_201 = arith.constant 0 : i32
        %dma_start3A_202 = tpu.memref_slice %arg12[%add3A_132, %dma_start3A_201] : memref<10112x128xf32, #tpu.memory_space<vmem_shared>> -> memref<128x128xf32, #tpu.memory_space<vmem_shared>>
        tpu.enqueue_dma source(%dma_start3A_202 : memref<128x128xf32, #tpu.memory_space<vmem_shared>>) target(%dma_start3A_200 : memref<128x128xf32, #tpu.memory_space<vmem>>) target_semaphore(%run_scoped3A : memref<!tpu.dma_semaphore, #tpu.memory_space<semaphore_mem>>)
        %dma_wait3A_203 = arith.constant 0 : i32
        %dma_wait3A_204 = arith.constant 0 : i32
        %dma_wait3A_205 = tpu.memref_slice %arg11[%dma_wait3A_203, %dma_wait3A_204] : memref<128x128xf32, #tpu.memory_space<vmem>> -> memref<128x128xf32, #tpu.memory_space<vmem>>
        %dma_wait3A_206 = arith.constant 0 : i32
        %dma_wait3A_207 = tpu.memref_slice %arg12[%add3A_132, %dma_wait3A_206] : memref<10112x128xf32, #tpu.memory_space<vmem_shared>> -> memref<128x128xf32, #tpu.memory_space<vmem_shared>>
        %dma_wait3A_208 = arith.constant 0 : i32
        %dma_wait3A_209 = arith.constant 0 : i32
        %dma_wait3A_210 = tpu.memref_slice %arg11[%dma_wait3A_208, %dma_wait3A_209] : memref<128x128xf32, #tpu.memory_space<vmem>> -> memref<128x128xf32, #tpu.memory_space<vmem>>
        %dma_wait3A_211 = arith.constant 0 : i32
        %dma_wait3A_212 = tpu.memref_slice %arg12[%add3A_132, %dma_wait3A_211] : memref<10112x128xf32, #tpu.memory_space<vmem_shared>> -> memref<128x128xf32, #tpu.memory_space<vmem_shared>>
        tpu.wait_dma2 semaphore(%run_scoped3A : memref<!tpu.dma_semaphore, #tpu.memory_space<semaphore_mem>>) src(%dma_wait3A_212 : memref<128x128xf32, #tpu.memory_space<vmem_shared>>) dst(%dma_wait3A_210 : memref<128x128xf32, #tpu.memory_space<vmem>>)
        tpu.yield
      }) : () -> ()
      %add3A_133 = arith.constant 384 : i32
      %add3A_134 = arith.addi %mul3A_0, %add3A_133 : i32
      %dma_start3A_135 = arith.constant 0 : i32
      %dma_start3A_136 = arith.constant 0 : i32
      %dma_start3A_137 = tpu.memref_slice %arg11[%dma_start3A_135, %dma_start3A_136] : memref<128x128xf32, #tpu.memory_space<vmem>> -> memref<128x128xf32, #tpu.memory_space<vmem>>
      %dma_start3A_138 = arith.constant 0 : i32
      %dma_start3A_139 = tpu.memref_slice %arg6[%add3A_134, %dma_start3A_138] : memref<10112x128xf32, #tpu.memory_space<hbm>> -> memref<128x128xf32, #tpu.memory_space<hbm>>
      %dma_start3A_140 = arith.constant 0 : i32
      %dma_start3A_141 = tpu.memref_slice %arg6[%add3A_134, %dma_start3A_140] : memref<10112x128xf32, #tpu.memory_space<hbm>> -> memref<128x128xf32, #tpu.memory_space<hbm>>
      %dma_start3A_142 = arith.constant 0 : i32
      %dma_start3A_143 = arith.constant 0 : i32
      %dma_start3A_144 = tpu.memref_slice %arg11[%dma_start3A_142, %dma_start3A_143] : memref<128x128xf32, #tpu.memory_space<vmem>> -> memref<128x128xf32, #tpu.memory_space<vmem>>
      tpu.enqueue_dma source(%dma_start3A_144 : memref<128x128xf32, #tpu.memory_space<vmem>>) target(%dma_start3A_141 : memref<128x128xf32, #tpu.memory_space<hbm>>) target_semaphore(%arg14 : memref<!tpu.dma_semaphore, #tpu.memory_space<semaphore_mem>>)
      %add3A_145 = arith.constant 384 : i32
      %add3A_146 = arith.addi %mul3A_0, %add3A_145 : i32
      %dma_wait3A_147 = arith.constant 0 : i32
      %dma_wait3A_148 = arith.constant 0 : i32
      %dma_wait3A_149 = tpu.memref_slice %arg10[%dma_wait3A_147, %dma_wait3A_148] : memref<128x128xf32, #tpu.memory_space<vmem>> -> memref<128x128xf32, #tpu.memory_space<vmem>>
      %dma_wait3A_150 = arith.constant 0 : i32
      %dma_wait3A_151 = tpu.memref_slice %arg6[%add3A_120, %dma_wait3A_150] : memref<10112x128xf32, #tpu.memory_space<hbm>> -> memref<128x128xf32, #tpu.memory_space<hbm>>
      %dma_wait3A_152 = arith.constant 0 : i32
      %dma_wait3A_153 = tpu.memref_slice %arg6[%add3A_120, %dma_wait3A_152] : memref<10112x128xf32, #tpu.memory_space<hbm>> -> memref<128x128xf32, #tpu.memory_space<hbm>>
      %dma_wait3A_154 = arith.constant 0 : i32
      %dma_wait3A_155 = arith.constant 0 : i32
      %dma_wait3A_156 = tpu.memref_slice %arg10[%dma_wait3A_154, %dma_wait3A_155] : memref<128x128xf32, #tpu.memory_space<vmem>> -> memref<128x128xf32, #tpu.memory_space<vmem>>
      tpu.wait_dma2 semaphore(%arg13 : memref<!tpu.dma_semaphore, #tpu.memory_space<semaphore_mem>>) src(%dma_wait3A_156 : memref<128x128xf32, #tpu.memory_space<vmem>>) dst(%dma_wait3A_153 : memref<128x128xf32, #tpu.memory_space<hbm>>)
      %add3A_157 = arith.constant 512 : i32
      %add3A_158 = arith.addi %mul3A_0, %add3A_157 : i32
      "tpu.region"() ({
        %run_scoped3A = tpu.sem_alloc : memref<!tpu.dma_semaphore, #tpu.memory_space<semaphore_mem>>
        %dma_start3A_193 = arith.constant 0 : i32
        %dma_start3A_194 = arith.constant 0 : i32
        %dma_start3A_195 = tpu.memref_slice %arg10[%dma_start3A_193, %dma_start3A_194] : memref<128x128xf32, #tpu.memory_space<vmem>> -> memref<120x128xf32, #tpu.memory_space<vmem>>
        %dma_start3A_196 = arith.constant 0 : i32
        %dma_start3A_197 = tpu.memref_slice %arg12[%add3A_158, %dma_start3A_196] : memref<10112x128xf32, #tpu.memory_space<vmem_shared>> -> memref<120x128xf32, #tpu.memory_space<vmem_shared>>
        %dma_start3A_198 = arith.constant 0 : i32
        %dma_start3A_199 = arith.constant 0 : i32
        %dma_start3A_200 = tpu.memref_slice %arg10[%dma_start3A_198, %dma_start3A_199] : memref<128x128xf32, #tpu.memory_space<vmem>> -> memref<120x128xf32, #tpu.memory_space<vmem>>
        %dma_start3A_201 = arith.constant 0 : i32
        %dma_start3A_202 = tpu.memref_slice %arg12[%add3A_158, %dma_start3A_201] : memref<10112x128xf32, #tpu.memory_space<vmem_shared>> -> memref<120x128xf32, #tpu.memory_space<vmem_shared>>
        tpu.enqueue_dma source(%dma_start3A_202 : memref<120x128xf32, #tpu.memory_space<vmem_shared>>) target(%dma_start3A_200 : memref<120x128xf32, #tpu.memory_space<vmem>>) target_semaphore(%run_scoped3A : memref<!tpu.dma_semaphore, #tpu.memory_space<semaphore_mem>>)
        %dma_wait3A_203 = arith.constant 0 : i32
        %dma_wait3A_204 = arith.constant 0 : i32
        %dma_wait3A_205 = tpu.memref_slice %arg10[%dma_wait3A_203, %dma_wait3A_204] : memref<128x128xf32, #tpu.memory_space<vmem>> -> memref<120x128xf32, #tpu.memory_space<vmem>>
        %dma_wait3A_206 = arith.constant 0 : i32
        %dma_wait3A_207 = tpu.memref_slice %arg12[%add3A_158, %dma_wait3A_206] : memref<10112x128xf32, #tpu.memory_space<vmem_shared>> -> memref<120x128xf32, #tpu.memory_space<vmem_shared>>
        %dma_wait3A_208 = arith.constant 0 : i32
        %dma_wait3A_209 = arith.constant 0 : i32
        %dma_wait3A_210 = tpu.memref_slice %arg10[%dma_wait3A_208, %dma_wait3A_209] : memref<128x128xf32, #tpu.memory_space<vmem>> -> memref<120x128xf32, #tpu.memory_space<vmem>>
        %dma_wait3A_211 = arith.constant 0 : i32
        %dma_wait3A_212 = tpu.memref_slice %arg12[%add3A_158, %dma_wait3A_211] : memref<10112x128xf32, #tpu.memory_space<vmem_shared>> -> memref<120x128xf32, #tpu.memory_space<vmem_shared>>
        tpu.wait_dma2 semaphore(%run_scoped3A : memref<!tpu.dma_semaphore, #tpu.memory_space<semaphore_mem>>) src(%dma_wait3A_212 : memref<120x128xf32, #tpu.memory_space<vmem_shared>>) dst(%dma_wait3A_210 : memref<120x128xf32, #tpu.memory_space<vmem>>)
        tpu.yield
      }) : () -> ()
      %add3A_159 = arith.constant 512 : i32
      %add3A_160 = arith.addi %mul3A_0, %add3A_159 : i32
      %dma_start3A_161 = arith.constant 0 : i32
      %dma_start3A_162 = arith.constant 0 : i32
      %dma_start3A_163 = tpu.memref_slice %arg10[%dma_start3A_161, %dma_start3A_162] : memref<128x128xf32, #tpu.memory_space<vmem>> -> memref<120x128xf32, #tpu.memory_space<vmem>>
      %dma_start3A_164 = arith.constant 0 : i32
      %dma_start3A_165 = tpu.memref_slice %arg6[%add3A_160, %dma_start3A_164] : memref<10112x128xf32, #tpu.memory_space<hbm>> -> memref<120x128xf32, #tpu.memory_space<hbm>>
      %dma_start3A_166 = arith.constant 0 : i32
      %dma_start3A_167 = tpu.memref_slice %arg6[%add3A_160, %dma_start3A_166] : memref<10112x128xf32, #tpu.memory_space<hbm>> -> memref<120x128xf32, #tpu.memory_space<hbm>>
      %dma_start3A_168 = arith.constant 0 : i32
      %dma_start3A_169 = arith.constant 0 : i32
      %dma_start3A_170 = tpu.memref_slice %arg10[%dma_start3A_168, %dma_start3A_169] : memref<128x128xf32, #tpu.memory_space<vmem>> -> memref<120x128xf32, #tpu.memory_space<vmem>>
      tpu.enqueue_dma source(%dma_start3A_170 : memref<120x128xf32, #tpu.memory_space<vmem>>) target(%dma_start3A_167 : memref<120x128xf32, #tpu.memory_space<hbm>>) target_semaphore(%arg13 : memref<!tpu.dma_semaphore, #tpu.memory_space<semaphore_mem>>)
      %add3A_171 = arith.constant 512 : i32
      %add3A_172 = arith.addi %mul3A_0, %add3A_171 : i32
      %dma_wait3A_173 = arith.constant 0 : i32
      %dma_wait3A_174 = arith.constant 0 : i32
      %dma_wait3A_175 = tpu.memref_slice %arg10[%dma_wait3A_173, %dma_wait3A_174] : memref<128x128xf32, #tpu.memory_space<vmem>> -> memref<120x128xf32, #tpu.memory_space<vmem>>
      %dma_wait3A_176 = arith.constant 0 : i32
      %dma_wait3A_177 = tpu.memref_slice %arg6[%add3A_172, %dma_wait3A_176] : memref<10112x128xf32, #tpu.memory_space<hbm>> -> memref<120x128xf32, #tpu.memory_space<hbm>>
      %dma_wait3A_178 = arith.constant 0 : i32
      %dma_wait3A_179 = tpu.memref_slice %arg6[%add3A_172, %dma_wait3A_178] : memref<10112x128xf32, #tpu.memory_space<hbm>> -> memref<120x128xf32, #tpu.memory_space<hbm>>
      %dma_wait3A_180 = arith.constant 0 : i32
      %dma_wait3A_181 = arith.constant 0 : i32
      %dma_wait3A_182 = tpu.memref_slice %arg10[%dma_wait3A_180, %dma_wait3A_181] : memref<128x128xf32, #tpu.memory_space<vmem>> -> memref<120x128xf32, #tpu.memory_space<vmem>>
      tpu.wait_dma2 semaphore(%arg13 : memref<!tpu.dma_semaphore, #tpu.memory_space<semaphore_mem>>) src(%dma_wait3A_182 : memref<120x128xf32, #tpu.memory_space<vmem>>) dst(%dma_wait3A_179 : memref<120x128xf32, #tpu.memory_space<hbm>>)
      %dma_wait3A_183 = arith.constant 0 : i32
      %dma_wait3A_184 = arith.constant 0 : i32
      %dma_wait3A_185 = tpu.memref_slice %arg11[%dma_wait3A_183, %dma_wait3A_184] : memref<128x128xf32, #tpu.memory_space<vmem>> -> memref<128x128xf32, #tpu.memory_space<vmem>>
      %dma_wait3A_186 = arith.constant 0 : i32
      %dma_wait3A_187 = tpu.memref_slice %arg6[%add3A_146, %dma_wait3A_186] : memref<10112x128xf32, #tpu.memory_space<hbm>> -> memref<128x128xf32, #tpu.memory_space<hbm>>
      %dma_wait3A_188 = arith.constant 0 : i32
      %dma_wait3A_189 = tpu.memref_slice %arg6[%add3A_146, %dma_wait3A_188] : memref<10112x128xf32, #tpu.memory_space<hbm>> -> memref<128x128xf32, #tpu.memory_space<hbm>>
      %dma_wait3A_190 = arith.constant 0 : i32
      %dma_wait3A_191 = arith.constant 0 : i32
      %dma_wait3A_192 = tpu.memref_slice %arg11[%dma_wait3A_190, %dma_wait3A_191] : memref<128x128xf32, #tpu.memory_space<vmem>> -> memref<128x128xf32, #tpu.memory_space<vmem>>
      tpu.wait_dma2 semaphore(%arg14 : memref<!tpu.dma_semaphore, #tpu.memory_space<semaphore_mem>>) src(%dma_wait3A_192 : memref<128x128xf32, #tpu.memory_space<vmem>>) dst(%dma_wait3A_189 : memref<128x128xf32, #tpu.memory_space<hbm>>)
    } else {
    }
    %eq3A_58 = arith.constant 1 : i32
    %eq3A_59 = arith.cmpi eq, %arg0, %eq3A_58 : i32
    %convert_element_type3A_60 = arith.extui %eq3A_59 : i1 to i32
    %cond3A_61 = arith.constant 0 : i32
    %cond3A_62 = arith.cmpi ne, %convert_element_type3A_60, %cond3A_61 : i32
    scf.if %cond3A_62 {
      %add3A_63 = arith.constant 0 : i32
      %add3A_64 = arith.addi %mul3A_0, %add3A_63 : i32
      "tpu.region"() ({
        %run_scoped3A = tpu.sem_alloc : memref<!tpu.dma_semaphore, #tpu.memory_space<semaphore_mem>>
        %dma_start3A_193 = arith.constant 0 : i32
        %dma_start3A_194 = arith.constant 0 : i32
        %dma_start3A_195 = tpu.memref_slice %arg10[%dma_start3A_193, %dma_start3A_194] : memref<128x128xf32, #tpu.memory_space<vmem>> -> memref<128x128xf32, #tpu.memory_space<vmem>>
        %dma_start3A_196 = arith.constant 0 : i32
        %dma_start3A_197 = tpu.memref_slice %arg12[%add3A_64, %dma_start3A_196] : memref<10112x128xf32, #tpu.memory_space<vmem_shared>> -> memref<128x128xf32, #tpu.memory_space<vmem_shared>>
        %dma_start3A_198 = arith.constant 0 : i32
        %dma_start3A_199 = arith.constant 0 : i32
        %dma_start3A_200 = tpu.memref_slice %arg10[%dma_start3A_198, %dma_start3A_199] : memref<128x128xf32, #tpu.memory_space<vmem>> -> memref<128x128xf32, #tpu.memory_space<vmem>>
        %dma_start3A_201 = arith.constant 0 : i32
        %dma_start3A_202 = tpu.memref_slice %arg12[%add3A_64, %dma_start3A_201] : memref<10112x128xf32, #tpu.memory_space<vmem_shared>> -> memref<128x128xf32, #tpu.memory_space<vmem_shared>>
        tpu.enqueue_dma source(%dma_start3A_202 : memref<128x128xf32, #tpu.memory_space<vmem_shared>>) target(%dma_start3A_200 : memref<128x128xf32, #tpu.memory_space<vmem>>) target_semaphore(%run_scoped3A : memref<!tpu.dma_semaphore, #tpu.memory_space<semaphore_mem>>)
        %dma_wait3A_203 = arith.constant 0 : i32
        %dma_wait3A_204 = arith.constant 0 : i32
        %dma_wait3A_205 = tpu.memref_slice %arg10[%dma_wait3A_203, %dma_wait3A_204] : memref<128x128xf32, #tpu.memory_space<vmem>> -> memref<128x128xf32, #tpu.memory_space<vmem>>
        %dma_wait3A_206 = arith.constant 0 : i32
        %dma_wait3A_207 = tpu.memref_slice %arg12[%add3A_64, %dma_wait3A_206] : memref<10112x128xf32, #tpu.memory_space<vmem_shared>> -> memref<128x128xf32, #tpu.memory_space<vmem_shared>>
        %dma_wait3A_208 = arith.constant 0 : i32
        %dma_wait3A_209 = arith.constant 0 : i32
        %dma_wait3A_210 = tpu.memref_slice %arg10[%dma_wait3A_208, %dma_wait3A_209] : memref<128x128xf32, #tpu.memory_space<vmem>> -> memref<128x128xf32, #tpu.memory_space<vmem>>
        %dma_wait3A_211 = arith.constant 0 : i32
        %dma_wait3A_212 = tpu.memref_slice %arg12[%add3A_64, %dma_wait3A_211] : memref<10112x128xf32, #tpu.memory_space<vmem_shared>> -> memref<128x128xf32, #tpu.memory_space<vmem_shared>>
        tpu.wait_dma2 semaphore(%run_scoped3A : memref<!tpu.dma_semaphore, #tpu.memory_space<semaphore_mem>>) src(%dma_wait3A_212 : memref<128x128xf32, #tpu.memory_space<vmem_shared>>) dst(%dma_wait3A_210 : memref<128x128xf32, #tpu.memory_space<vmem>>)
        tpu.yield
      }) : () -> ()
      %add3A_65 = arith.constant 0 : i32
      %add3A_66 = arith.addi %mul3A_0, %add3A_65 : i32
      %dma_start3A_67 = arith.constant 0 : i32
      %dma_start3A_68 = arith.constant 0 : i32
      %dma_start3A_69 = tpu.memref_slice %arg10[%dma_start3A_67, %dma_start3A_68] : memref<128x128xf32, #tpu.memory_space<vmem>> -> memref<128x128xf32, #tpu.memory_space<vmem>>
      %dma_start3A_70 = arith.constant 0 : i32
      %dma_start3A_71 = tpu.memref_slice %arg7[%add3A_66, %dma_start3A_70] : memref<10112x128xf32, #tpu.memory_space<hbm>> -> memref<128x128xf32, #tpu.memory_space<hbm>>
      %dma_start3A_72 = arith.constant 0 : i32
      %dma_start3A_73 = tpu.memref_slice %arg7[%add3A_66, %dma_start3A_72] : memref<10112x128xf32, #tpu.memory_space<hbm>> -> memref<128x128xf32, #tpu.memory_space<hbm>>
      %dma_start3A_74 = arith.constant 0 : i32
      %dma_start3A_75 = arith.constant 0 : i32
      %dma_start3A_76 = tpu.memref_slice %arg10[%dma_start3A_74, %dma_start3A_75] : memref<128x128xf32, #tpu.memory_space<vmem>> -> memref<128x128xf32, #tpu.memory_space<vmem>>
      tpu.enqueue_dma source(%dma_start3A_76 : memref<128x128xf32, #tpu.memory_space<vmem>>) target(%dma_start3A_73 : memref<128x128xf32, #tpu.memory_space<hbm>>) target_semaphore(%arg13 : memref<!tpu.dma_semaphore, #tpu.memory_space<semaphore_mem>>)
      %add3A_77 = arith.constant 0 : i32
      %add3A_78 = arith.addi %mul3A_0, %add3A_77 : i32
      %add3A_79 = arith.constant 128 : i32
      %add3A_80 = arith.addi %mul3A_0, %add3A_79 : i32
      "tpu.region"() ({
        %run_scoped3A = tpu.sem_alloc : memref<!tpu.dma_semaphore, #tpu.memory_space<semaphore_mem>>
        %dma_start3A_193 = arith.constant 0 : i32
        %dma_start3A_194 = arith.constant 0 : i32
        %dma_start3A_195 = tpu.memref_slice %arg11[%dma_start3A_193, %dma_start3A_194] : memref<128x128xf32, #tpu.memory_space<vmem>> -> memref<128x128xf32, #tpu.memory_space<vmem>>
        %dma_start3A_196 = arith.constant 0 : i32
        %dma_start3A_197 = tpu.memref_slice %arg12[%add3A_80, %dma_start3A_196] : memref<10112x128xf32, #tpu.memory_space<vmem_shared>> -> memref<128x128xf32, #tpu.memory_space<vmem_shared>>
        %dma_start3A_198 = arith.constant 0 : i32
        %dma_start3A_199 = arith.constant 0 : i32
        %dma_start3A_200 = tpu.memref_slice %arg11[%dma_start3A_198, %dma_start3A_199] : memref<128x128xf32, #tpu.memory_space<vmem>> -> memref<128x128xf32, #tpu.memory_space<vmem>>
        %dma_start3A_201 = arith.constant 0 : i32
        %dma_start3A_202 = tpu.memref_slice %arg12[%add3A_80, %dma_start3A_201] : memref<10112x128xf32, #tpu.memory_space<vmem_shared>> -> memref<128x128xf32, #tpu.memory_space<vmem_shared>>
        tpu.enqueue_dma source(%dma_start3A_202 : memref<128x128xf32, #tpu.memory_space<vmem_shared>>) target(%dma_start3A_200 : memref<128x128xf32, #tpu.memory_space<vmem>>) target_semaphore(%run_scoped3A : memref<!tpu.dma_semaphore, #tpu.memory_space<semaphore_mem>>)
        %dma_wait3A_203 = arith.constant 0 : i32
        %dma_wait3A_204 = arith.constant 0 : i32
        %dma_wait3A_205 = tpu.memref_slice %arg11[%dma_wait3A_203, %dma_wait3A_204] : memref<128x128xf32, #tpu.memory_space<vmem>> -> memref<128x128xf32, #tpu.memory_space<vmem>>
        %dma_wait3A_206 = arith.constant 0 : i32
        %dma_wait3A_207 = tpu.memref_slice %arg12[%add3A_80, %dma_wait3A_206] : memref<10112x128xf32, #tpu.memory_space<vmem_shared>> -> memref<128x128xf32, #tpu.memory_space<vmem_shared>>
        %dma_wait3A_208 = arith.constant 0 : i32
        %dma_wait3A_209 = arith.constant 0 : i32
        %dma_wait3A_210 = tpu.memref_slice %arg11[%dma_wait3A_208, %dma_wait3A_209] : memref<128x128xf32, #tpu.memory_space<vmem>> -> memref<128x128xf32, #tpu.memory_space<vmem>>
        %dma_wait3A_211 = arith.constant 0 : i32
        %dma_wait3A_212 = tpu.memref_slice %arg12[%add3A_80, %dma_wait3A_211] : memref<10112x128xf32, #tpu.memory_space<vmem_shared>> -> memref<128x128xf32, #tpu.memory_space<vmem_shared>>
        tpu.wait_dma2 semaphore(%run_scoped3A : memref<!tpu.dma_semaphore, #tpu.memory_space<semaphore_mem>>) src(%dma_wait3A_212 : memref<128x128xf32, #tpu.memory_space<vmem_shared>>) dst(%dma_wait3A_210 : memref<128x128xf32, #tpu.memory_space<vmem>>)
        tpu.yield
      }) : () -> ()
      %add3A_81 = arith.constant 128 : i32
      %add3A_82 = arith.addi %mul3A_0, %add3A_81 : i32
      %dma_start3A_83 = arith.constant 0 : i32
      %dma_start3A_84 = arith.constant 0 : i32
      %dma_start3A_85 = tpu.memref_slice %arg11[%dma_start3A_83, %dma_start3A_84] : memref<128x128xf32, #tpu.memory_space<vmem>> -> memref<128x128xf32, #tpu.memory_space<vmem>>
      %dma_start3A_86 = arith.constant 0 : i32
      %dma_start3A_87 = tpu.memref_slice %arg7[%add3A_82, %dma_start3A_86] : memref<10112x128xf32, #tpu.memory_space<hbm>> -> memref<128x128xf32, #tpu.memory_space<hbm>>
      %dma_start3A_88 = arith.constant 0 : i32
      %dma_start3A_89 = tpu.memref_slice %arg7[%add3A_82, %dma_start3A_88] : memref<10112x128xf32, #tpu.memory_space<hbm>> -> memref<128x128xf32, #tpu.memory_space<hbm>>
      %dma_start3A_90 = arith.constant 0 : i32
      %dma_start3A_91 = arith.constant 0 : i32
      %dma_start3A_92 = tpu.memref_slice %arg11[%dma_start3A_90, %dma_start3A_91] : memref<128x128xf32, #tpu.memory_space<vmem>> -> memref<128x128xf32, #tpu.memory_space<vmem>>
      tpu.enqueue_dma source(%dma_start3A_92 : memref<128x128xf32, #tpu.memory_space<vmem>>) target(%dma_start3A_89 : memref<128x128xf32, #tpu.memory_space<hbm>>) target_semaphore(%arg14 : memref<!tpu.dma_semaphore, #tpu.memory_space<semaphore_mem>>)
      %add3A_93 = arith.constant 128 : i32
      %add3A_94 = arith.addi %mul3A_0, %add3A_93 : i32
      %dma_wait3A_95 = arith.constant 0 : i32
      %dma_wait3A_96 = arith.constant 0 : i32
      %dma_wait3A_97 = tpu.memref_slice %arg10[%dma_wait3A_95, %dma_wait3A_96] : memref<128x128xf32, #tpu.memory_space<vmem>> -> memref<128x128xf32, #tpu.memory_space<vmem>>
      %dma_wait3A_98 = arith.constant 0 : i32
      %dma_wait3A_99 = tpu.memref_slice %arg7[%add3A_78, %dma_wait3A_98] : memref<10112x128xf32, #tpu.memory_space<hbm>> -> memref<128x128xf32, #tpu.memory_space<hbm>>
      %dma_wait3A_100 = arith.constant 0 : i32
      %dma_wait3A_101 = tpu.memref_slice %arg7[%add3A_78, %dma_wait3A_100] : memref<10112x128xf32, #tpu.memory_space<hbm>> -> memref<128x128xf32, #tpu.memory_space<hbm>>
      %dma_wait3A_102 = arith.constant 0 : i32
      %dma_wait3A_103 = arith.constant 0 : i32
      %dma_wait3A_104 = tpu.memref_slice %arg10[%dma_wait3A_102, %dma_wait3A_103] : memref<128x128xf32, #tpu.memory_space<vmem>> -> memref<128x128xf32, #tpu.memory_space<vmem>>
      tpu.wait_dma2 semaphore(%arg13 : memref<!tpu.dma_semaphore, #tpu.memory_space<semaphore_mem>>) src(%dma_wait3A_104 : memref<128x128xf32, #tpu.memory_space<vmem>>) dst(%dma_wait3A_101 : memref<128x128xf32, #tpu.memory_space<hbm>>)
      %add3A_105 = arith.constant 256 : i32
      %add3A_106 = arith.addi %mul3A_0, %add3A_105 : i32
      "tpu.region"() ({
        %run_scoped3A = tpu.sem_alloc : memref<!tpu.dma_semaphore, #tpu.memory_space<semaphore_mem>>
        %dma_start3A_193 = arith.constant 0 : i32
        %dma_start3A_194 = arith.constant 0 : i32
        %dma_start3A_195 = tpu.memref_slice %arg10[%dma_start3A_193, %dma_start3A_194] : memref<128x128xf32, #tpu.memory_space<vmem>> -> memref<128x128xf32, #tpu.memory_space<vmem>>
        %dma_start3A_196 = arith.constant 0 : i32
        %dma_start3A_197 = tpu.memref_slice %arg12[%add3A_106, %dma_start3A_196] : memref<10112x128xf32, #tpu.memory_space<vmem_shared>> -> memref<128x128xf32, #tpu.memory_space<vmem_shared>>
        %dma_start3A_198 = arith.constant 0 : i32
        %dma_start3A_199 = arith.constant 0 : i32
        %dma_start3A_200 = tpu.memref_slice %arg10[%dma_start3A_198, %dma_start3A_199] : memref<128x128xf32, #tpu.memory_space<vmem>> -> memref<128x128xf32, #tpu.memory_space<vmem>>
        %dma_start3A_201 = arith.constant 0 : i32
        %dma_start3A_202 = tpu.memref_slice %arg12[%add3A_106, %dma_start3A_201] : memref<10112x128xf32, #tpu.memory_space<vmem_shared>> -> memref<128x128xf32, #tpu.memory_space<vmem_shared>>
        tpu.enqueue_dma source(%dma_start3A_202 : memref<128x128xf32, #tpu.memory_space<vmem_shared>>) target(%dma_start3A_200 : memref<128x128xf32, #tpu.memory_space<vmem>>) target_semaphore(%run_scoped3A : memref<!tpu.dma_semaphore, #tpu.memory_space<semaphore_mem>>)
        %dma_wait3A_203 = arith.constant 0 : i32
        %dma_wait3A_204 = arith.constant 0 : i32
        %dma_wait3A_205 = tpu.memref_slice %arg10[%dma_wait3A_203, %dma_wait3A_204] : memref<128x128xf32, #tpu.memory_space<vmem>> -> memref<128x128xf32, #tpu.memory_space<vmem>>
        %dma_wait3A_206 = arith.constant 0 : i32
        %dma_wait3A_207 = tpu.memref_slice %arg12[%add3A_106, %dma_wait3A_206] : memref<10112x128xf32, #tpu.memory_space<vmem_shared>> -> memref<128x128xf32, #tpu.memory_space<vmem_shared>>
        %dma_wait3A_208 = arith.constant 0 : i32
        %dma_wait3A_209 = arith.constant 0 : i32
        %dma_wait3A_210 = tpu.memref_slice %arg10[%dma_wait3A_208, %dma_wait3A_209] : memref<128x128xf32, #tpu.memory_space<vmem>> -> memref<128x128xf32, #tpu.memory_space<vmem>>
        %dma_wait3A_211 = arith.constant 0 : i32
        %dma_wait3A_212 = tpu.memref_slice %arg12[%add3A_106, %dma_wait3A_211] : memref<10112x128xf32, #tpu.memory_space<vmem_shared>> -> memref<128x128xf32, #tpu.memory_space<vmem_shared>>
        tpu.wait_dma2 semaphore(%run_scoped3A : memref<!tpu.dma_semaphore, #tpu.memory_space<semaphore_mem>>) src(%dma_wait3A_212 : memref<128x128xf32, #tpu.memory_space<vmem_shared>>) dst(%dma_wait3A_210 : memref<128x128xf32, #tpu.memory_space<vmem>>)
        tpu.yield
      }) : () -> ()
      %add3A_107 = arith.constant 256 : i32
      %add3A_108 = arith.addi %mul3A_0, %add3A_107 : i32
      %dma_start3A_109 = arith.constant 0 : i32
      %dma_start3A_110 = arith.constant 0 : i32
      %dma_start3A_111 = tpu.memref_slice %arg10[%dma_start3A_109, %dma_start3A_110] : memref<128x128xf32, #tpu.memory_space<vmem>> -> memref<128x128xf32, #tpu.memory_space<vmem>>
      %dma_start3A_112 = arith.constant 0 : i32
      %dma_start3A_113 = tpu.memref_slice %arg7[%add3A_108, %dma_start3A_112] : memref<10112x128xf32, #tpu.memory_space<hbm>> -> memref<128x128xf32, #tpu.memory_space<hbm>>
      %dma_start3A_114 = arith.constant 0 : i32
      %dma_start3A_115 = tpu.memref_slice %arg7[%add3A_108, %dma_start3A_114] : memref<10112x128xf32, #tpu.memory_space<hbm>> -> memref<128x128xf32, #tpu.memory_space<hbm>>
      %dma_start3A_116 = arith.constant 0 : i32
      %dma_start3A_117 = arith.constant 0 : i32
      %dma_start3A_118 = tpu.memref_slice %arg10[%dma_start3A_116, %dma_start3A_117] : memref<128x128xf32, #tpu.memory_space<vmem>> -> memref<128x128xf32, #tpu.memory_space<vmem>>
      tpu.enqueue_dma source(%dma_start3A_118 : memref<128x128xf32, #tpu.memory_space<vmem>>) target(%dma_start3A_115 : memref<128x128xf32, #tpu.memory_space<hbm>>) target_semaphore(%arg13 : memref<!tpu.dma_semaphore, #tpu.memory_space<semaphore_mem>>)
      %add3A_119 = arith.constant 256 : i32
      %add3A_120 = arith.addi %mul3A_0, %add3A_119 : i32
      %dma_wait3A_121 = arith.constant 0 : i32
      %dma_wait3A_122 = arith.constant 0 : i32
      %dma_wait3A_123 = tpu.memref_slice %arg11[%dma_wait3A_121, %dma_wait3A_122] : memref<128x128xf32, #tpu.memory_space<vmem>> -> memref<128x128xf32, #tpu.memory_space<vmem>>
      %dma_wait3A_124 = arith.constant 0 : i32
      %dma_wait3A_125 = tpu.memref_slice %arg7[%add3A_94, %dma_wait3A_124] : memref<10112x128xf32, #tpu.memory_space<hbm>> -> memref<128x128xf32, #tpu.memory_space<hbm>>
      %dma_wait3A_126 = arith.constant 0 : i32
      %dma_wait3A_127 = tpu.memref_slice %arg7[%add3A_94, %dma_wait3A_126] : memref<10112x128xf32, #tpu.memory_space<hbm>> -> memref<128x128xf32, #tpu.memory_space<hbm>>
      %dma_wait3A_128 = arith.constant 0 : i32
      %dma_wait3A_129 = arith.constant 0 : i32
      %dma_wait3A_130 = tpu.memref_slice %arg11[%dma_wait3A_128, %dma_wait3A_129] : memref<128x128xf32, #tpu.memory_space<vmem>> -> memref<128x128xf32, #tpu.memory_space<vmem>>
      tpu.wait_dma2 semaphore(%arg14 : memref<!tpu.dma_semaphore, #tpu.memory_space<semaphore_mem>>) src(%dma_wait3A_130 : memref<128x128xf32, #tpu.memory_space<vmem>>) dst(%dma_wait3A_127 : memref<128x128xf32, #tpu.memory_space<hbm>>)
      %add3A_131 = arith.constant 384 : i32
      %add3A_132 = arith.addi %mul3A_0, %add3A_131 : i32
      "tpu.region"() ({
        %run_scoped3A = tpu.sem_alloc : memref<!tpu.dma_semaphore, #tpu.memory_space<semaphore_mem>>
        %dma_start3A_193 = arith.constant 0 : i32
        %dma_start3A_194 = arith.constant 0 : i32
        %dma_start3A_195 = tpu.memref_slice %arg11[%dma_start3A_193, %dma_start3A_194] : memref<128x128xf32, #tpu.memory_space<vmem>> -> memref<128x128xf32, #tpu.memory_space<vmem>>
        %dma_start3A_196 = arith.constant 0 : i32
        %dma_start3A_197 = tpu.memref_slice %arg12[%add3A_132, %dma_start3A_196] : memref<10112x128xf32, #tpu.memory_space<vmem_shared>> -> memref<128x128xf32, #tpu.memory_space<vmem_shared>>
        %dma_start3A_198 = arith.constant 0 : i32
        %dma_start3A_199 = arith.constant 0 : i32
        %dma_start3A_200 = tpu.memref_slice %arg11[%dma_start3A_198, %dma_start3A_199] : memref<128x128xf32, #tpu.memory_space<vmem>> -> memref<128x128xf32, #tpu.memory_space<vmem>>
        %dma_start3A_201 = arith.constant 0 : i32
        %dma_start3A_202 = tpu.memref_slice %arg12[%add3A_132, %dma_start3A_201] : memref<10112x128xf32, #tpu.memory_space<vmem_shared>> -> memref<128x128xf32, #tpu.memory_space<vmem_shared>>
        tpu.enqueue_dma source(%dma_start3A_202 : memref<128x128xf32, #tpu.memory_space<vmem_shared>>) target(%dma_start3A_200 : memref<128x128xf32, #tpu.memory_space<vmem>>) target_semaphore(%run_scoped3A : memref<!tpu.dma_semaphore, #tpu.memory_space<semaphore_mem>>)
        %dma_wait3A_203 = arith.constant 0 : i32
        %dma_wait3A_204 = arith.constant 0 : i32
        %dma_wait3A_205 = tpu.memref_slice %arg11[%dma_wait3A_203, %dma_wait3A_204] : memref<128x128xf32, #tpu.memory_space<vmem>> -> memref<128x128xf32, #tpu.memory_space<vmem>>
        %dma_wait3A_206 = arith.constant 0 : i32
        %dma_wait3A_207 = tpu.memref_slice %arg12[%add3A_132, %dma_wait3A_206] : memref<10112x128xf32, #tpu.memory_space<vmem_shared>> -> memref<128x128xf32, #tpu.memory_space<vmem_shared>>
        %dma_wait3A_208 = arith.constant 0 : i32
        %dma_wait3A_209 = arith.constant 0 : i32
        %dma_wait3A_210 = tpu.memref_slice %arg11[%dma_wait3A_208, %dma_wait3A_209] : memref<128x128xf32, #tpu.memory_space<vmem>> -> memref<128x128xf32, #tpu.memory_space<vmem>>
        %dma_wait3A_211 = arith.constant 0 : i32
        %dma_wait3A_212 = tpu.memref_slice %arg12[%add3A_132, %dma_wait3A_211] : memref<10112x128xf32, #tpu.memory_space<vmem_shared>> -> memref<128x128xf32, #tpu.memory_space<vmem_shared>>
        tpu.wait_dma2 semaphore(%run_scoped3A : memref<!tpu.dma_semaphore, #tpu.memory_space<semaphore_mem>>) src(%dma_wait3A_212 : memref<128x128xf32, #tpu.memory_space<vmem_shared>>) dst(%dma_wait3A_210 : memref<128x128xf32, #tpu.memory_space<vmem>>)
        tpu.yield
      }) : () -> ()
      %add3A_133 = arith.constant 384 : i32
      %add3A_134 = arith.addi %mul3A_0, %add3A_133 : i32
      %dma_start3A_135 = arith.constant 0 : i32
      %dma_start3A_136 = arith.constant 0 : i32
      %dma_start3A_137 = tpu.memref_slice %arg11[%dma_start3A_135, %dma_start3A_136] : memref<128x128xf32, #tpu.memory_space<vmem>> -> memref<128x128xf32, #tpu.memory_space<vmem>>
      %dma_start3A_138 = arith.constant 0 : i32
      %dma_start3A_139 = tpu.memref_slice %arg7[%add3A_134, %dma_start3A_138] : memref<10112x128xf32, #tpu.memory_space<hbm>> -> memref<128x128xf32, #tpu.memory_space<hbm>>
      %dma_start3A_140 = arith.constant 0 : i32
      %dma_start3A_141 = tpu.memref_slice %arg7[%add3A_134, %dma_start3A_140] : memref<10112x128xf32, #tpu.memory_space<hbm>> -> memref<128x128xf32, #tpu.memory_space<hbm>>
      %dma_start3A_142 = arith.constant 0 : i32
      %dma_start3A_143 = arith.constant 0 : i32
      %dma_start3A_144 = tpu.memref_slice %arg11[%dma_start3A_142, %dma_start3A_143] : memref<128x128xf32, #tpu.memory_space<vmem>> -> memref<128x128xf32, #tpu.memory_space<vmem>>
      tpu.enqueue_dma source(%dma_start3A_144 : memref<128x128xf32, #tpu.memory_space<vmem>>) target(%dma_start3A_141 : memref<128x128xf32, #tpu.memory_space<hbm>>) target_semaphore(%arg14 : memref<!tpu.dma_semaphore, #tpu.memory_space<semaphore_mem>>)
      %add3A_145 = arith.constant 384 : i32
      %add3A_146 = arith.addi %mul3A_0, %add3A_145 : i32
      %dma_wait3A_147 = arith.constant 0 : i32
      %dma_wait3A_148 = arith.constant 0 : i32
      %dma_wait3A_149 = tpu.memref_slice %arg10[%dma_wait3A_147, %dma_wait3A_148] : memref<128x128xf32, #tpu.memory_space<vmem>> -> memref<128x128xf32, #tpu.memory_space<vmem>>
      %dma_wait3A_150 = arith.constant 0 : i32
      %dma_wait3A_151 = tpu.memref_slice %arg7[%add3A_120, %dma_wait3A_150] : memref<10112x128xf32, #tpu.memory_space<hbm>> -> memref<128x128xf32, #tpu.memory_space<hbm>>
      %dma_wait3A_152 = arith.constant 0 : i32
      %dma_wait3A_153 = tpu.memref_slice %arg7[%add3A_120, %dma_wait3A_152] : memref<10112x128xf32, #tpu.memory_space<hbm>> -> memref<128x128xf32, #tpu.memory_space<hbm>>
      %dma_wait3A_154 = arith.constant 0 : i32
      %dma_wait3A_155 = arith.constant 0 : i32
      %dma_wait3A_156 = tpu.memref_slice %arg10[%dma_wait3A_154, %dma_wait3A_155] : memref<128x128xf32, #tpu.memory_space<vmem>> -> memref<128x128xf32, #tpu.memory_space<vmem>>
      tpu.wait_dma2 semaphore(%arg13 : memref<!tpu.dma_semaphore, #tpu.memory_space<semaphore_mem>>) src(%dma_wait3A_156 : memref<128x128xf32, #tpu.memory_space<vmem>>) dst(%dma_wait3A_153 : memref<128x128xf32, #tpu.memory_space<hbm>>)
      %add3A_157 = arith.constant 512 : i32
      %add3A_158 = arith.addi %mul3A_0, %add3A_157 : i32
      "tpu.region"() ({
        %run_scoped3A = tpu.sem_alloc : memref<!tpu.dma_semaphore, #tpu.memory_space<semaphore_mem>>
        %dma_start3A_193 = arith.constant 0 : i32
        %dma_start3A_194 = arith.constant 0 : i32
        %dma_start3A_195 = tpu.memref_slice %arg10[%dma_start3A_193, %dma_start3A_194] : memref<128x128xf32, #tpu.memory_space<vmem>> -> memref<120x128xf32, #tpu.memory_space<vmem>>
        %dma_start3A_196 = arith.constant 0 : i32
        %dma_start3A_197 = tpu.memref_slice %arg12[%add3A_158, %dma_start3A_196] : memref<10112x128xf32, #tpu.memory_space<vmem_shared>> -> memref<120x128xf32, #tpu.memory_space<vmem_shared>>
        %dma_start3A_198 = arith.constant 0 : i32
        %dma_start3A_199 = arith.constant 0 : i32
        %dma_start3A_200 = tpu.memref_slice %arg10[%dma_start3A_198, %dma_start3A_199] : memref<128x128xf32, #tpu.memory_space<vmem>> -> memref<120x128xf32, #tpu.memory_space<vmem>>
        %dma_start3A_201 = arith.constant 0 : i32
        %dma_start3A_202 = tpu.memref_slice %arg12[%add3A_158, %dma_start3A_201] : memref<10112x128xf32, #tpu.memory_space<vmem_shared>> -> memref<120x128xf32, #tpu.memory_space<vmem_shared>>
        tpu.enqueue_dma source(%dma_start3A_202 : memref<120x128xf32, #tpu.memory_space<vmem_shared>>) target(%dma_start3A_200 : memref<120x128xf32, #tpu.memory_space<vmem>>) target_semaphore(%run_scoped3A : memref<!tpu.dma_semaphore, #tpu.memory_space<semaphore_mem>>)
        %dma_wait3A_203 = arith.constant 0 : i32
        %dma_wait3A_204 = arith.constant 0 : i32
        %dma_wait3A_205 = tpu.memref_slice %arg10[%dma_wait3A_203, %dma_wait3A_204] : memref<128x128xf32, #tpu.memory_space<vmem>> -> memref<120x128xf32, #tpu.memory_space<vmem>>
        %dma_wait3A_206 = arith.constant 0 : i32
        %dma_wait3A_207 = tpu.memref_slice %arg12[%add3A_158, %dma_wait3A_206] : memref<10112x128xf32, #tpu.memory_space<vmem_shared>> -> memref<120x128xf32, #tpu.memory_space<vmem_shared>>
        %dma_wait3A_208 = arith.constant 0 : i32
        %dma_wait3A_209 = arith.constant 0 : i32
        %dma_wait3A_210 = tpu.memref_slice %arg10[%dma_wait3A_208, %dma_wait3A_209] : memref<128x128xf32, #tpu.memory_space<vmem>> -> memref<120x128xf32, #tpu.memory_space<vmem>>
        %dma_wait3A_211 = arith.constant 0 : i32
        %dma_wait3A_212 = tpu.memref_slice %arg12[%add3A_158, %dma_wait3A_211] : memref<10112x128xf32, #tpu.memory_space<vmem_shared>> -> memref<120x128xf32, #tpu.memory_space<vmem_shared>>
        tpu.wait_dma2 semaphore(%run_scoped3A : memref<!tpu.dma_semaphore, #tpu.memory_space<semaphore_mem>>) src(%dma_wait3A_212 : memref<120x128xf32, #tpu.memory_space<vmem_shared>>) dst(%dma_wait3A_210 : memref<120x128xf32, #tpu.memory_space<vmem>>)
        tpu.yield
      }) : () -> ()
      %add3A_159 = arith.constant 512 : i32
      %add3A_160 = arith.addi %mul3A_0, %add3A_159 : i32
      %dma_start3A_161 = arith.constant 0 : i32
      %dma_start3A_162 = arith.constant 0 : i32
      %dma_start3A_163 = tpu.memref_slice %arg10[%dma_start3A_161, %dma_start3A_162] : memref<128x128xf32, #tpu.memory_space<vmem>> -> memref<120x128xf32, #tpu.memory_space<vmem>>
      %dma_start3A_164 = arith.constant 0 : i32
      %dma_start3A_165 = tpu.memref_slice %arg7[%add3A_160, %dma_start3A_164] : memref<10112x128xf32, #tpu.memory_space<hbm>> -> memref<120x128xf32, #tpu.memory_space<hbm>>
      %dma_start3A_166 = arith.constant 0 : i32
      %dma_start3A_167 = tpu.memref_slice %arg7[%add3A_160, %dma_start3A_166] : memref<10112x128xf32, #tpu.memory_space<hbm>> -> memref<120x128xf32, #tpu.memory_space<hbm>>
      %dma_start3A_168 = arith.constant 0 : i32
      %dma_start3A_169 = arith.constant 0 : i32
      %dma_start3A_170 = tpu.memref_slice %arg10[%dma_start3A_168, %dma_start3A_169] : memref<128x128xf32, #tpu.memory_space<vmem>> -> memref<120x128xf32, #tpu.memory_space<vmem>>
      tpu.enqueue_dma source(%dma_start3A_170 : memref<120x128xf32, #tpu.memory_space<vmem>>) target(%dma_start3A_167 : memref<120x128xf32, #tpu.memory_space<hbm>>) target_semaphore(%arg13 : memref<!tpu.dma_semaphore, #tpu.memory_space<semaphore_mem>>)
      %add3A_171 = arith.constant 512 : i32
      %add3A_172 = arith.addi %mul3A_0, %add3A_171 : i32
      %dma_wait3A_173 = arith.constant 0 : i32
      %dma_wait3A_174 = arith.constant 0 : i32
      %dma_wait3A_175 = tpu.memref_slice %arg10[%dma_wait3A_173, %dma_wait3A_174] : memref<128x128xf32, #tpu.memory_space<vmem>> -> memref<120x128xf32, #tpu.memory_space<vmem>>
      %dma_wait3A_176 = arith.constant 0 : i32
      %dma_wait3A_177 = tpu.memref_slice %arg7[%add3A_172, %dma_wait3A_176] : memref<10112x128xf32, #tpu.memory_space<hbm>> -> memref<120x128xf32, #tpu.memory_space<hbm>>
      %dma_wait3A_178 = arith.constant 0 : i32
      %dma_wait3A_179 = tpu.memref_slice %arg7[%add3A_172, %dma_wait3A_178] : memref<10112x128xf32, #tpu.memory_space<hbm>> -> memref<120x128xf32, #tpu.memory_space<hbm>>
      %dma_wait3A_180 = arith.constant 0 : i32
      %dma_wait3A_181 = arith.constant 0 : i32
      %dma_wait3A_182 = tpu.memref_slice %arg10[%dma_wait3A_180, %dma_wait3A_181] : memref<128x128xf32, #tpu.memory_space<vmem>> -> memref<120x128xf32, #tpu.memory_space<vmem>>
      tpu.wait_dma2 semaphore(%arg13 : memref<!tpu.dma_semaphore, #tpu.memory_space<semaphore_mem>>) src(%dma_wait3A_182 : memref<120x128xf32, #tpu.memory_space<vmem>>) dst(%dma_wait3A_179 : memref<120x128xf32, #tpu.memory_space<hbm>>)
      %dma_wait3A_183 = arith.constant 0 : i32
      %dma_wait3A_184 = arith.constant 0 : i32
      %dma_wait3A_185 = tpu.memref_slice %arg11[%dma_wait3A_183, %dma_wait3A_184] : memref<128x128xf32, #tpu.memory_space<vmem>> -> memref<128x128xf32, #tpu.memory_space<vmem>>
      %dma_wait3A_186 = arith.constant 0 : i32
      %dma_wait3A_187 = tpu.memref_slice %arg7[%add3A_146, %dma_wait3A_186] : memref<10112x128xf32, #tpu.memory_space<hbm>> -> memref<128x128xf32, #tpu.memory_space<hbm>>
      %dma_wait3A_188 = arith.constant 0 : i32
      %dma_wait3A_189 = tpu.memref_slice %arg7[%add3A_146, %dma_wait3A_188] : memref<10112x128xf32, #tpu.memory_space<hbm>> -> memref<128x128xf32, #tpu.memory_space<hbm>>
      %dma_wait3A_190 = arith.constant 0 : i32
      %dma_wait3A_191 = arith.constant 0 : i32
      %dma_wait3A_192 = tpu.memref_slice %arg11[%dma_wait3A_190, %dma_wait3A_191] : memref<128x128xf32, #tpu.memory_space<vmem>> -> memref<128x128xf32, #tpu.memory_space<vmem>>
      tpu.wait_dma2 semaphore(%arg14 : memref<!tpu.dma_semaphore, #tpu.memory_space<semaphore_mem>>) src(%dma_wait3A_192 : memref<128x128xf32, #tpu.memory_space<vmem>>) dst(%dma_wait3A_189 : memref<128x128xf32, #tpu.memory_space<hbm>>)
    } else {
    }
    return
  }
}

module attributes {stable_mosaic.version = 14 : i64} {
  func.func @_b0_body(%arg0: i32, %arg1: memref<2000x256xf32, #tpu.memory_space<vmem>>, %arg2: memref<256x256xf32, #tpu.memory_space<vmem>>, %arg3: memref<2000x1xf32, #tpu.memory_space<vmem>>, %arg4: memref<2000x128xf32, #tpu.memory_space<vmem>>, %arg5: memref<2000x128xf32, #tpu.memory_space<vmem>>) attributes {dimension_semantics = [#tpu.dimension_semantics<arbitrary>], iteration_bounds = array<i64: 5>, scalar_prefetch = 0 : i64, scratch_operands = 0 : i64, tpu.core_type = #tpu.core_type<tc>, window_params = [{transform_indices = @transform_0, window_bounds = array<i64: 2000, 256>}, {pipeline_mode = #tpu.pipeline_mode<synchronous>, transform_indices = @transform_1, window_bounds = array<i64: 256, 256>}, {transform_indices = @transform_2, window_bounds = array<i64: 2000, 1>}, {transform_indices = @transform_3, window_bounds = array<i64: 2000, 128>}, {transform_indices = @transform_4, window_bounds = array<i64: 2000, 128>}]} {
    %get3A = arith.constant 0 : index
    %get3A_0 = arith.constant 0 : index
    %get3A_1 = vector.load %arg3[%get3A, %get3A_0] : memref<2000x1xf32, #tpu.memory_space<vmem>>, vector<2000x1xf32>
    %rsqrt3A = math.rsqrt %get3A_1 : vector<2000x1xf32>
    %get3A_2 = arith.constant 0 : index
    %get3A_3 = arith.constant 0 : index
    %get3A_4 = vector.load %arg1[%get3A_2, %get3A_3] : memref<2000x256xf32, #tpu.memory_space<vmem>>, vector<2000x256xf32>
    %get3A_5 = arith.constant 0 : index
    %get3A_6 = arith.constant 0 : index
    %get3A_7 = vector.load %arg2[%get3A_5, %get3A_6] : memref<256x256xf32, #tpu.memory_space<vmem>>, vector<256x256xf32>
    %dot_general3A = arith.constant dense<0.000000e+00> : vector<2000x256xf32>
    %dot_general3A_8 = tpu.matmul %get3A_4, %get3A_7, %dot_general3A {dimension_numbers = #tpu.dot_dimension_numbers<[1], [0], [0], [1], [0, 0, 1, 1], [], []>, transpose_lhs_hint = false} : vector<2000x256xf32>, vector<256x256xf32>, vector<2000x256xf32> -> vector<2000x256xf32>
    %mul3A = vector.broadcast %rsqrt3A : vector<2000x1xf32> to vector<2000x256xf32>
    %mul3A_9 = arith.mulf %dot_general3A_8, %mul3A : vector<2000x256xf32>
    %slice3A = vector.extract_strided_slice %mul3A_9 {offsets = [0, 0], sizes = [2000, 128], strides = [1, 1]} : vector<2000x256xf32> to vector<2000x128xf32>
    %swap3A = arith.constant 0 : index
    %swap3A_10 = arith.constant 0 : index
    %swap3A_11 = vector.load %arg4[%swap3A, %swap3A_10] : memref<2000x128xf32, #tpu.memory_space<vmem>>, vector<2000x128xf32>
    tpu.vector_store %arg4[%swap3A, %swap3A_10], %slice3A {strides = array<i32>} : memref<2000x128xf32, #tpu.memory_space<vmem>>, vector<2000x128xf32>,
    %slice3A_12 = vector.extract_strided_slice %mul3A_9 {offsets = [0, 128], sizes = [2000, 128], strides = [1, 1]} : vector<2000x256xf32> to vector<2000x128xf32>
    %swap3A_13 = arith.constant 0 : index
    %swap3A_14 = arith.constant 0 : index
    %swap3A_15 = vector.load %arg5[%swap3A_13, %swap3A_14] : memref<2000x128xf32, #tpu.memory_space<vmem>>, vector<2000x128xf32>
    tpu.vector_store %arg5[%swap3A_13, %swap3A_14], %slice3A_12 {strides = array<i32>} : memref<2000x128xf32, #tpu.memory_space<vmem>>, vector<2000x128xf32>,
    return
  }
  func.func @transform_0(%arg0: i32) -> (i32, i32) {
    %c0_i32 = arith.constant 0 : i32
    %c0_i32_0 = arith.constant 0 : i32
    return %arg0, %c0_i32 : i32, i32
  }
  func.func @transform_1(%arg0: i32) -> (i32, i32) {
    %c0_i32 = arith.constant 0 : i32
    %c0_i32_0 = arith.constant 0 : i32
    %c0_i32_1 = arith.constant 0 : i32
    return %c0_i32, %c0_i32_0 : i32, i32
  }
  func.func @transform_2(%arg0: i32) -> (i32, i32) {
    %c0_i32 = arith.constant 0 : i32
    %c0_i32_0 = arith.constant 0 : i32
    return %arg0, %c0_i32 : i32, i32
  }
  func.func @transform_3(%arg0: i32) -> (i32, i32) {
    %c0_i32 = arith.constant 0 : i32
    %c0_i32_0 = arith.constant 0 : i32
    return %arg0, %c0_i32 : i32, i32
  }
  func.func @transform_4(%arg0: i32) -> (i32, i32) {
    %c0_i32 = arith.constant 0 : i32
    %c0_i32_0 = arith.constant 0 : i32
    return %arg0, %c0_i32 : i32, i32
  }
}

module attributes {stable_mosaic.version = 14 : i64} {
  func.func @_b1_body(%arg0: i32, %arg1: memref<2000x128xf32, #tpu.memory_space<vmem>>, %arg2: memref<2000x128xf32, #tpu.memory_space<vmem>>, %arg3: memref<2000x128xf32, #tpu.memory_space<vmem>>, %arg4: memref<2000x128xf32, #tpu.memory_space<vmem>>, %arg5: memref<2000x1xf32, #tpu.memory_space<vmem>>, %arg6: memref<1x256xf32, #tpu.memory_space<vmem>>, %arg7: memref<256x256xf32, #tpu.memory_space<vmem>>, %arg8: memref<2000x1xf32, #tpu.memory_space<vmem>>, %arg9: memref<2000x128xf32, #tpu.memory_space<vmem>>, %arg10: memref<2000x128xf32, #tpu.memory_space<vmem>>) attributes {dimension_semantics = [#tpu.dimension_semantics<arbitrary>], iteration_bounds = array<i64: 5>, scalar_prefetch = 0 : i64, scratch_operands = 0 : i64, tpu.core_type = #tpu.core_type<tc>, window_params = [{transform_indices = @transform_0, window_bounds = array<i64: 2000, 128>}, {transform_indices = @transform_1, window_bounds = array<i64: 2000, 128>}, {transform_indices = @transform_2, window_bounds = array<i64: 2000, 128>}, {transform_indices = @transform_3, window_bounds = array<i64: 2000, 128>}, {transform_indices = @transform_4, window_bounds = array<i64: 2000, 1>}, {pipeline_mode = #tpu.pipeline_mode<synchronous>, transform_indices = @transform_5, window_bounds = array<i64: 1, 256>}, {pipeline_mode = #tpu.pipeline_mode<synchronous>, transform_indices = @transform_6, window_bounds = array<i64: 256, 256>}, {transform_indices = @transform_7, window_bounds = array<i64: 2000, 1>}, {transform_indices = @transform_8, window_bounds = array<i64: 2000, 128>}, {transform_indices = @transform_9, window_bounds = array<i64: 2000, 128>}]} {
    %get3A = arith.constant 0 : index
    %get3A_0 = arith.constant 0 : index
    %get3A_1 = vector.load %arg5[%get3A, %get3A_0] : memref<2000x1xf32, #tpu.memory_space<vmem>>, vector<2000x1xf32>
    %rsqrt3A = math.rsqrt %get3A_1 : vector<2000x1xf32>
    %get3A_2 = arith.constant 0 : index
    %get3A_3 = arith.constant 0 : index
    %get3A_4 = vector.load %arg1[%get3A_2, %get3A_3] : memref<2000x128xf32, #tpu.memory_space<vmem>>, vector<2000x128xf32>
    %get3A_5 = arith.constant 0 : index
    %get3A_6 = arith.constant 0 : index
    %get3A_7 = vector.load %arg2[%get3A_5, %get3A_6] : memref<2000x128xf32, #tpu.memory_space<vmem>>, vector<2000x128xf32>
    %concatenate3A = tpu.concatenate %get3A_4, %get3A_7 in 1 : vector<2000x128xf32>, vector<2000x128xf32> -> vector<2000x256xf32>
    %get3A_8 = arith.constant 0 : index
    %get3A_9 = arith.constant 0 : index
    %get3A_10 = vector.load %arg3[%get3A_8, %get3A_9] : memref<2000x128xf32, #tpu.memory_space<vmem>>, vector<2000x128xf32>
    %get3A_11 = arith.constant 0 : index
    %get3A_12 = arith.constant 0 : index
    %get3A_13 = vector.load %arg4[%get3A_11, %get3A_12] : memref<2000x128xf32, #tpu.memory_space<vmem>>, vector<2000x128xf32>
    %concatenate3A_14 = tpu.concatenate %get3A_10, %get3A_13 in 1 : vector<2000x128xf32>, vector<2000x128xf32> -> vector<2000x256xf32>
    %add3A = arith.addf %concatenate3A, %concatenate3A_14 : vector<2000x256xf32>
    %mul3A = vector.broadcast %rsqrt3A : vector<2000x1xf32> to vector<2000x256xf32>
    %mul3A_15 = arith.mulf %mul3A, %add3A : vector<2000x256xf32>
    %get3A_16 = arith.constant 0 : index
    %get3A_17 = arith.constant 0 : index
    %get3A_18 = vector.load %arg6[%get3A_16, %get3A_17] : memref<1x256xf32, #tpu.memory_space<vmem>>, vector<1x256xf32>
    %add3A_19 = vector.broadcast %get3A_18 : vector<1x256xf32> to vector<2000x256xf32>
    %add3A_20 = arith.addf %mul3A_15, %add3A_19 : vector<2000x256xf32>
    %max3A = arith.constant 0.000000e+00 : f32
    %max3A_21 = vector.broadcast %max3A : f32 to vector<2000x256xf32>
    %max3A_22 = arith.maximumf %add3A_20, %max3A_21 : vector<2000x256xf32>
    %get3A_23 = arith.constant 0 : index
    %get3A_24 = arith.constant 0 : index
    %get3A_25 = vector.load %arg7[%get3A_23, %get3A_24] : memref<256x256xf32, #tpu.memory_space<vmem>>, vector<256x256xf32>
    %dot_general3A = arith.constant dense<0.000000e+00> : vector<2000x256xf32>
    %dot_general3A_26 = tpu.matmul %max3A_22, %get3A_25, %dot_general3A {dimension_numbers = #tpu.dot_dimension_numbers<[1], [0], [0], [1], [0, 0, 1, 1], [], []>, transpose_lhs_hint = false} : vector<2000x256xf32>, vector<256x256xf32>, vector<2000x256xf32> -> vector<2000x256xf32>
    %get3A_27 = arith.constant 0 : index
    %get3A_28 = arith.constant 0 : index
    %get3A_29 = vector.load %arg8[%get3A_27, %get3A_28] : memref<2000x1xf32, #tpu.memory_space<vmem>>, vector<2000x1xf32>
    %rsqrt3A_30 = math.rsqrt %get3A_29 : vector<2000x1xf32>
    %mul3A_31 = vector.broadcast %rsqrt3A_30 : vector<2000x1xf32> to vector<2000x256xf32>
    %mul3A_32 = arith.mulf %dot_general3A_26, %mul3A_31 : vector<2000x256xf32>
    %slice3A = vector.extract_strided_slice %mul3A_32 {offsets = [0, 0], sizes = [2000, 128], strides = [1, 1]} : vector<2000x256xf32> to vector<2000x128xf32>
    %swap3A = arith.constant 0 : index
    %swap3A_33 = arith.constant 0 : index
    %swap3A_34 = vector.load %arg9[%swap3A, %swap3A_33] : memref<2000x128xf32, #tpu.memory_space<vmem>>, vector<2000x128xf32>
    tpu.vector_store %arg9[%swap3A, %swap3A_33], %slice3A {strides = array<i32>} : memref<2000x128xf32, #tpu.memory_space<vmem>>, vector<2000x128xf32>,
    %slice3A_35 = vector.extract_strided_slice %mul3A_32 {offsets = [0, 128], sizes = [2000, 128], strides = [1, 1]} : vector<2000x256xf32> to vector<2000x128xf32>
    %swap3A_36 = arith.constant 0 : index
    %swap3A_37 = arith.constant 0 : index
    %swap3A_38 = vector.load %arg10[%swap3A_36, %swap3A_37] : memref<2000x128xf32, #tpu.memory_space<vmem>>, vector<2000x128xf32>
    tpu.vector_store %arg10[%swap3A_36, %swap3A_37], %slice3A_35 {strides = array<i32>} : memref<2000x128xf32, #tpu.memory_space<vmem>>, vector<2000x128xf32>,
    return
  }
  func.func @transform_0(%arg0: i32) -> (i32, i32) {
    %c0_i32 = arith.constant 0 : i32
    %c0_i32_0 = arith.constant 0 : i32
    return %arg0, %c0_i32 : i32, i32
  }
  func.func @transform_1(%arg0: i32) -> (i32, i32) {
    %c0_i32 = arith.constant 0 : i32
    %c0_i32_0 = arith.constant 0 : i32
    return %arg0, %c0_i32 : i32, i32
  }
  func.func @transform_2(%arg0: i32) -> (i32, i32) {
    %c0_i32 = arith.constant 0 : i32
    %c0_i32_0 = arith.constant 0 : i32
    return %arg0, %c0_i32 : i32, i32
  }
  func.func @transform_3(%arg0: i32) -> (i32, i32) {
    %c0_i32 = arith.constant 0 : i32
    %c0_i32_0 = arith.constant 0 : i32
    return %arg0, %c0_i32 : i32, i32
  }
  func.func @transform_4(%arg0: i32) -> (i32, i32) {
    %c0_i32 = arith.constant 0 : i32
    %c0_i32_0 = arith.constant 0 : i32
    return %arg0, %c0_i32 : i32, i32
  }
  func.func @transform_5(%arg0: i32) -> (i32, i32) {
    %c0_i32 = arith.constant 0 : i32
    %c0_i32_0 = arith.constant 0 : i32
    %c0_i32_1 = arith.constant 0 : i32
    return %c0_i32, %c0_i32_0 : i32, i32
  }
  func.func @transform_6(%arg0: i32) -> (i32, i32) {
    %c0_i32 = arith.constant 0 : i32
    %c0_i32_0 = arith.constant 0 : i32
    %c0_i32_1 = arith.constant 0 : i32
    return %c0_i32, %c0_i32_0 : i32, i32
  }
  func.func @transform_7(%arg0: i32) -> (i32, i32) {
    %c0_i32 = arith.constant 0 : i32
    %c0_i32_0 = arith.constant 0 : i32
    return %arg0, %c0_i32 : i32, i32
  }
  func.func @transform_8(%arg0: i32) -> (i32, i32) {
    %c0_i32 = arith.constant 0 : i32
    %c0_i32_0 = arith.constant 0 : i32
    return %arg0, %c0_i32 : i32, i32
  }
  func.func @transform_9(%arg0: i32) -> (i32, i32) {
    %c0_i32 = arith.constant 0 : i32
    %c0_i32_0 = arith.constant 0 : i32
    return %arg0, %c0_i32 : i32, i32
  }
}

module attributes {stable_mosaic.version = 14 : i64} {
  func.func @_b2_body(%arg0: i32, %arg1: memref<2000x128xf32, #tpu.memory_space<vmem>>, %arg2: memref<2000x128xf32, #tpu.memory_space<vmem>>, %arg3: memref<2000x128xf32, #tpu.memory_space<vmem>>, %arg4: memref<2000x128xf32, #tpu.memory_space<vmem>>, %arg5: memref<2000x1xf32, #tpu.memory_space<vmem>>, %arg6: memref<1x256xf32, #tpu.memory_space<vmem>>, %arg7: memref<2000x256xf32, #tpu.memory_space<vmem>>) attributes {dimension_semantics = [#tpu.dimension_semantics<arbitrary>], iteration_bounds = array<i64: 5>, scalar_prefetch = 0 : i64, scratch_operands = 0 : i64, tpu.core_type = #tpu.core_type<tc>, window_params = [{transform_indices = @transform_0, window_bounds = array<i64: 2000, 128>}, {transform_indices = @transform_1, window_bounds = array<i64: 2000, 128>}, {transform_indices = @transform_2, window_bounds = array<i64: 2000, 128>}, {transform_indices = @transform_3, window_bounds = array<i64: 2000, 128>}, {transform_indices = @transform_4, window_bounds = array<i64: 2000, 1>}, {pipeline_mode = #tpu.pipeline_mode<synchronous>, transform_indices = @transform_5, window_bounds = array<i64: 1, 256>}, {transform_indices = @transform_6, window_bounds = array<i64: 2000, 256>}]} {
    %get3A = arith.constant 0 : index
    %get3A_0 = arith.constant 0 : index
    %get3A_1 = vector.load %arg5[%get3A, %get3A_0] : memref<2000x1xf32, #tpu.memory_space<vmem>>, vector<2000x1xf32>
    %rsqrt3A = math.rsqrt %get3A_1 : vector<2000x1xf32>
    %get3A_2 = arith.constant 0 : index
    %get3A_3 = arith.constant 0 : index
    %get3A_4 = vector.load %arg1[%get3A_2, %get3A_3] : memref<2000x128xf32, #tpu.memory_space<vmem>>, vector<2000x128xf32>
    %get3A_5 = arith.constant 0 : index
    %get3A_6 = arith.constant 0 : index
    %get3A_7 = vector.load %arg2[%get3A_5, %get3A_6] : memref<2000x128xf32, #tpu.memory_space<vmem>>, vector<2000x128xf32>
    %concatenate3A = tpu.concatenate %get3A_4, %get3A_7 in 1 : vector<2000x128xf32>, vector<2000x128xf32> -> vector<2000x256xf32>
    %get3A_8 = arith.constant 0 : index
    %get3A_9 = arith.constant 0 : index
    %get3A_10 = vector.load %arg3[%get3A_8, %get3A_9] : memref<2000x128xf32, #tpu.memory_space<vmem>>, vector<2000x128xf32>
    %get3A_11 = arith.constant 0 : index
    %get3A_12 = arith.constant 0 : index
    %get3A_13 = vector.load %arg4[%get3A_11, %get3A_12] : memref<2000x128xf32, #tpu.memory_space<vmem>>, vector<2000x128xf32>
    %concatenate3A_14 = tpu.concatenate %get3A_10, %get3A_13 in 1 : vector<2000x128xf32>, vector<2000x128xf32> -> vector<2000x256xf32>
    %add3A = arith.addf %concatenate3A, %concatenate3A_14 : vector<2000x256xf32>
    %mul3A = vector.broadcast %rsqrt3A : vector<2000x1xf32> to vector<2000x256xf32>
    %mul3A_15 = arith.mulf %mul3A, %add3A : vector<2000x256xf32>
    %get3A_16 = arith.constant 0 : index
    %get3A_17 = arith.constant 0 : index
    %get3A_18 = vector.load %arg6[%get3A_16, %get3A_17] : memref<1x256xf32, #tpu.memory_space<vmem>>, vector<1x256xf32>
    %add3A_19 = vector.broadcast %get3A_18 : vector<1x256xf32> to vector<2000x256xf32>
    %add3A_20 = arith.addf %mul3A_15, %add3A_19 : vector<2000x256xf32>
    %swap3A = arith.constant 0 : index
    %swap3A_21 = arith.constant 0 : index
    %swap3A_22 = vector.load %arg7[%swap3A, %swap3A_21] : memref<2000x256xf32, #tpu.memory_space<vmem>>, vector<2000x256xf32>
    tpu.vector_store %arg7[%swap3A, %swap3A_21], %add3A_20 {strides = array<i32>} : memref<2000x256xf32, #tpu.memory_space<vmem>>, vector<2000x256xf32>,
    return
  }
  func.func @transform_0(%arg0: i32) -> (i32, i32) {
    %c0_i32 = arith.constant 0 : i32
    %c0_i32_0 = arith.constant 0 : i32
    return %arg0, %c0_i32 : i32, i32
  }
  func.func @transform_1(%arg0: i32) -> (i32, i32) {
    %c0_i32 = arith.constant 0 : i32
    %c0_i32_0 = arith.constant 0 : i32
    return %arg0, %c0_i32 : i32, i32
  }
  func.func @transform_2(%arg0: i32) -> (i32, i32) {
    %c0_i32 = arith.constant 0 : i32
    %c0_i32_0 = arith.constant 0 : i32
    return %arg0, %c0_i32 : i32, i32
  }
  func.func @transform_3(%arg0: i32) -> (i32, i32) {
    %c0_i32 = arith.constant 0 : i32
    %c0_i32_0 = arith.constant 0 : i32
    return %arg0, %c0_i32 : i32, i32
  }
  func.func @transform_4(%arg0: i32) -> (i32, i32) {
    %c0_i32 = arith.constant 0 : i32
    %c0_i32_0 = arith.constant 0 : i32
    return %arg0, %c0_i32 : i32, i32
  }
  func.func @transform_5(%arg0: i32) -> (i32, i32) {
    %c0_i32 = arith.constant 0 : i32
    %c0_i32_0 = arith.constant 0 : i32
    %c0_i32_1 = arith.constant 0 : i32
    return %c0_i32, %c0_i32_0 : i32, i32
  }
  func.func @transform_6(%arg0: i32) -> (i32, i32) {
    %c0_i32 = arith.constant 0 : i32
    %c0_i32_0 = arith.constant 0 : i32
    return %arg0, %c0_i32 : i32, i32
  }
}

</mosaic_0001>

<sc_bundles>
// kernel: kernel.11.cloned.1.call-start
scs
__scs_entry_jumppad:
0x0: {  	(pc) =	sbr.rel $0x88, $3  }
0x1: {  	(tag) =	ssettag $0x0;
	lr =	simm.s32 $0x1  }
0x2: {  	[smem:$0x3F9B] =	sst lr;
	_ =	strace $0xD0000000  }
0x3: {  	_ = 	snop  }
0x4: {  	_ = 	snop  }
0x5: {  	_ = 	snop  }
0x6: {  	_ = 	snop  }
0x7: {  	_ = 	snop  }
__scs_overlays_trampoline_lowered:
0x8: {  	[smem:$0x3FAA] =	sst s0  }
0x9: {  	[smem:$0x3FAB] =	sst s1  }
0xa: {  	[smem:$0x3FAC] =	sst s2  }
0xb: {  	[smem:$0x3FAD] =	sst s3  }
0xc: {  	[smem:$0x3FAE] =	sst s4  }
0xd: {  	[smem:$0x3FAF] =	sst s5  }
0xe: {  	[smem:$0x3FB0] =	sst s6  }
0xf: {  	[smem:$0x3FB1] =	sst s7  }
0x10: {  	[smem:$0x3FB2] =	sst s8  }
0x11: {  	[smem:$0x3FB3] =	sst s9;
	s0 =	simm.s32 @!p0 $0x0  }
0x12: {  	s1 =	sld [smem:$0x3F99];
	s0 =	simm.s32 @p0 $0x1  }
0x13: {  	[smem:$0x3FB4] =	sst s0;
	s0 =	simm.s32 @!p1 $0x0  }
0x14: {  	s2 =	sld [smem:$0x3F98];
	s0 =	simm.s32 @p1 $0x1  }
0x15: {  	[smem:$0x3FB5] =	sst s0;
	s0 =	simm.s32 @!p2 $0x0  }
0x16: {  	s3 =	sld [smem:$0x3FDB];
	s0 =	simm.s32 @p2 $0x1  }
0x17: {  	s4 =	simm.s32 $0x1BF5;
	[smem:$0x3FB7] =	sst s0  }
0x18: {  	s0 =	sld [smem:$0x3F9A];
	_ =	swait.ge [sflag:s4], $0x0  }
0x19: {  	s7 =	sld [smem:$0x3F9B]  }
0x1a: {  	s8 =	sadd.s32 $0xFFFFE003, lr  }
0x1b: {  	s9 =	sadd.s32 $0xFFFFFEF7, lr;
	s5 =	simm.s32 $0xFFFFFFFF;
	p2 =	slt.u32 s8, $0xFFFFF086  }
0x1c: {  	p1 =	slt.u32 s9, $0xF7A;
	s5 =	simm.s32 @!p2 $0x0  }
0x1d: {  	s5 =	simm.s32 @p1 $0x1;
	p0 =	seq.s32 s7, s2  }
0x1e: {  	s7 =	smul.u32 @!p0 $0xF7A, s2;
	p2 =	seq.s32 @!p0 s5, $0x0  }
0x1f: {  	s9 =	smul.u32 $0xF7A, s1;
	s8 =	simm.s32 @!p0 $0x1BF5;
	p2 =	por !p2, p0  }
0x20: {  	[sflag:s8] =	ssyncset.s32 @!p0 $0xFFFFF086;
	s6 =	sadd.s32 @!p0 s3, s7;
	s7 =	simm.s32 @!p0 $0x108  }
0x21: {  	s3 =	sadd.s32 s3, s9;
	s6 =	sadd.s32 @!p0 $0x88, s6;
	s7 =	simm.s32 @p2 $0x1082  }
0x22: {  	[simem:s7], [sflag:s8] =	dma.local @!p0 [hbm:s6], $0xF7A  }
0x23: {  	s9 =	sor.u32 $0xD0000000, s2;
	s6 =	simm.s32 $0x108;
	_ =	swait.ge @!p0 [sflag:s8], $0x0  }
0x24: {  	s3 =	sadd.s32 $0x88, s3;
	s6 =	simm.s32 @!p1 $0x1082;
	[sflag:s4] =	ssyncset.s32 $0xFFFFF086  }
0x25: {  	[simem:s6], [sflag:s4] =	dma.local [hbm:s3], $0xF7A  }
0x26: {  	[smem:$0x3F9B] =	sst s1;
	(tag) =	ssettag s2;
	_ =	strace s9  }
0x27: {  	s1 =	sld [smem:$0x3FAB]  }
0x28: {  	s2 =	sld [smem:$0x3FAC]  }
0x29: {  	s4 =	sld [smem:$0x3FAE]  }
0x2a: {  	p0 =	seq.s32 s5, $0x0;
	s5 =	sld [smem:$0x3FAF]  }
0x2b: {  	s6 =	sld [smem:$0x3FB0]  }
0x2c: {  	s7 =	sld [smem:$0x3FB1]  }
0x2d: {  	s3 =	simm.s32 $0x108;
	s8 =	sld [smem:$0x3FB2]  }
0x2e: {  	s3 =	simm.s32 @!p0 $0x1082;
	s9 =	sld [smem:$0x3FB3]  }
0x2f: {  	lr =	sadd.s32 s0, s3;
	s0 =	sld [smem:$0x3FAA]  }
0x30: {  	s3 =	sld [smem:$0x3FAD]  }
0x31: {  	[smem:$0x3FB6] =	sst s10  }
0x32: {  	s10 =	sld [smem:$0x3FB4];
	_ =	sdelay $0x3  }
0x33: {  	p0 =	seq.s32 s10, $0x1;
	s10 =	sld [smem:$0x3FB6];
	_ =	sdelay $0x3  }
0x34: {  	[smem:$0x3FB6] =	sst s10  }
0x35: {  	s10 =	sld [smem:$0x3FB5];
	_ =	sdelay $0x3  }
0x36: {  	p1 =	seq.s32 s10, $0x1;
	s10 =	sld [smem:$0x3FB6];
	_ =	sdelay $0x3  }
0x37: {  	[smem:$0x3FB6] =	sst s10  }
0x38: {  	s10 =	sld [smem:$0x3FB7]  }
0x39: {  	_ = 	snop;
	(pc) =	sbr.ind lr, $3  }
0x3a: {  	_ = 	snop  }
0x3b: {  	_ = 	snop  }
0x3c: {  	p2 =	seq.s32 s10, $0x1;
	s10 =	sld [smem:$0x3FB6]  }
0x3d: {  	_ =	shalt  }
0x3e: {  	_ =	shalt  }
0x3f: {  	_ =	shalt  }
0x40: {  	_ =	shalt  }
0x41: {  	_ =	shalt  }
0x42: {  	_ =	shalt  }
0x43: {  	_ =	shalt  }
0x44: {  	_ =	shalt  }
0x45: {  	_ =	shalt  }
0x46: {  	_ =	shalt  }
0x47: {  	_ =	shalt  }
0x48: {  	_ =	shalt  }
0x49: {  	_ =	shalt  }
0x4a: {  	_ =	shalt  }
0x4b: {  	_ =	shalt  }
0x4c: {  	_ =	shalt  }
0x4d: {  	_ =	shalt  }
0x4e: {  	_ =	shalt  }
0x4f: {  	_ =	shalt  }
0x50: {  	_ =	shalt  }
0x51: {  	_ =	shalt  }
0x52: {  	_ =	shalt  }
0x53: {  	_ =	shalt  }
0x54: {  	_ =	shalt  }
0x55: {  	_ =	shalt  }
0x56: {  	_ =	shalt  }
0x57: {  	_ =	shalt  }
0x58: {  	_ =	shalt  }
0x59: {  	_ =	shalt  }
0x5a: {  	_ =	shalt  }
0x5b: {  	_ =	shalt  }
0x5c: {  	_ =	shalt  }
0x5d: {  	_ =	shalt  }
0x5e: {  	_ =	shalt  }
0x5f: {  	_ =	shalt  }
0x60: {  	_ =	shalt  }
0x61: {  	_ =	shalt  }
0x62: {  	_ =	shalt  }
0x63: {  	_ =	shalt  }
0x64: {  	_ =	shalt  }
0x65: {  	_ =	shalt  }
0x66: {  	_ =	shalt  }
0x67: {  	_ =	shalt  }
0x68: {  	_ =	shalt  }
0x69: {  	_ =	shalt  }
0x6a: {  	_ =	shalt  }
0x6b: {  	_ =	shalt  }
0x6c: {  	_ =	shalt  }
0x6d: {  	_ =	shalt  }
0x6e: {  	_ =	shalt  }
0x6f: {  	_ =	shalt  }
0x70: {  	_ =	shalt  }
0x71: {  	_ =	shalt  }
0x72: {  	_ =	shalt  }
0x73: {  	_ =	shalt  }
0x74: {  	_ =	shalt  }
0x75: {  	_ =	shalt  }
0x76: {  	_ =	shalt  }
0x77: {  	_ =	shalt  }
0x78: {  	_ =	shalt  }
0x79: {  	_ =	shalt  }
0x7a: {  	_ =	shalt  }
0x7b: {  	_ =	shalt  }
0x7c: {  	_ =	shalt  }
0x7d: {  	_ =	shalt  }
0x7e: {  	_ =	shalt  }
0x7f: {  	_ =	shalt  }
0x80: {  	_ =	shalt  }
0x81: {  	_ =	shalt  }
0x82: {  	_ =	shalt  }
0x83: {  	_ =	shalt  }
0x84: {  	_ =	shalt  }
0x85: {  	_ =	shalt  }
0x86: {  	_ =	shalt  }
0x87: {  	_ =	shalt  }
.Lfunc_end0:
.L_simem_size_0:
called_computation.1_lowered:
.L_overlay_start_0:
0x88: {  	s2 =	sld [smem:$0x3FD9]  }
0x89: {  	s3 =	sld [smem:$0x3FFE];
	_ =	sdelay $0x1  }
0x8a: {  	s1 =	srdreg.scid  }
0x8b: {  	s0 =	sand.u32 $0x1, s1  }
0x8c: {  	s16 =	sshll.u32 s0, $0xA;
	s2 =	sadd.s32 s3, s2  }
0x8d: {  	s2 =	sadd.s32 s2, s16  }
0x8e: {  	[smem:$0x3FC2] =	sst s2  }
0x8f: {  	_ = 	snop  }
0x90: {  	(tm) =	ssettm $0x1  }
0x91: {  	s17 =	sld [smem:$0x3FFB];
	_ =	sdelay $0x3  }
0x92: {  	_ =	strace s17  }
0x93: {  	s2 =	sld [smem:$0x3FFC];
	_ =	sdelay $0x3  }
0x94: {  	_ =	strace s2  }
0x95: {  	s2 =	sld [smem:$0x3FFD];
	_ =	sdelay $0x3  }
0x96: {  	_ =	strace s2  }
0x97: {  	_ =	strace $0x8FFFFFFF  }
0x98: {  	s18 =	sld [smem:$0x3FDB];
	_ =	sdelay $0x1  }
0x99: {  	s19 =	simm.s32 $_scs_section_size  }
0x9a: {  	s4 =	simm.s32 $_size__tile_overlayer_lowered;
	s5 =	simm.s32 $_tile_overlayer_lowered  }
0x9b: {  	s22 =	simm.s32 $0x1BFF;
	s21 =	sshll.u32 s5, $0x1;
	s2 =	sadd.s32 s19, s18  }
0x9c: {  	s6 =	simm.s32 $0x0;
	s20 =	sshll.u32 s4, $0x1;
	s4 =	sadd.s32 s21, s2  }
0x9d: {  	[timem:s6], [sflag:s22] =	dma.local [hbm:s4], s20  }
0x9e: {  	_ =	swait.ge [sflag:s22], s20  }
0x9f: {  	s3 =	ssub.s32 $0x0, s20;
	[sflag:s22] =	ssyncset.done $0x0  }
0xa0: {  	[sflag:s22] =	ssyncadd.s32 s3;
	_ =	sdelay $0x1  }
0xa1: {  	s23 =	simm.s32 $0x1B8B  }
0xa2: {  	_ =	swait.ge [sflag:s23], $0x1  }
0xa3: {  	[sflag:s23] =	ssyncset.done $0x0  }
0xa4: {  	s25 =	simm.s32 $0x1B8E;
	s24 =	sld [smem:$0x3FFE];
	[sflag:s23] =	ssyncadd.s32 $0xFFFFFFFF  }
0xa5: {  	s26 =	simm.s32 $execute0_lowered;
	[smem:$0x3FD2] =	sst s25  }
0xa6: {  	s4 =	sshll.u32 s26, $0x1;
	_ =	strace $0x80000049;
	[dreg:$0x1] =	wrdreg $0xFFFFFFFF  }
0xa7: {  	s28 =	simm.s32 $_size_execute0_lowered;
	s2 =	sadd.s32 s2, s4;
	[dreg:$0x0] =	wrdreg $0x0  }
0xa8: {  	s4 =	sshll.u32 s28, $0x1;
	[dreg:$0x2] =	wrdreg s2  }
0xa9: {  	[dreg:$0x3] =	wrdreg s4  }
0xaa: {  	[dreg:$0x4] =	wrdreg $0xC0  }
0xab: {  	_ =	task [dreg:s6], $0x5FFFF  }
0xac: {  	[dreg:$0x1] =	wrdreg $0xFFFFFFFF  }
0xad: {  	[dreg:$0x0] =	wrdreg $0x60  }
0xae: {  	[dreg:$0x2] =	wrdreg s24  }
0xaf: {  	[dreg:$0x3] =	wrdreg $0xA8000  }
0xb0: {  	[dreg:$0x4] =	wrdreg $0x9  }
0xb1: {  	_ =	task.clear_ibuf [dreg:s6], $0x5FFFF;
	_ =	strace $0x90000049  }
0xb2: {  	s29 =	simm.s32 $0x9;
	_ =	strace $0x8000004B  }
0xb3: {  	_ =	swait.ge [sflag:s29], $0x1  }
0xb4: {  	[sflag:s29] =	ssyncadd.s32 $0xFFFFFFFF  }
0xb5: {  	_ =	strace $0x9000004B  }
0xb6: {  	_ =	sfence  }
0xb7: {  	s30 =	sld [smem:$0x0];
	_ =	sdelay $0x2  }
0xb8: {  	s31 =	sshll.u32 s1, $0xD;
	s1 =	sshrl.u32 s1, $0x2  }
0xb9: {  	s3 =	sand.u32 $0x4000, s31;
	s1 =	sadd.s32 s1, s30  }
0xba: {  	s0 =	sor.u32 s3, s0;
	s1 =	sshll.u32 s1, $0x11  }
0xbb: {  	s0 =	sor.u32 s1, s0  }
0xbc: {  	s0 =	sadd.s32 $0x8F2B, s0  }
0xbd: {  	[sflag:s0] =	ssyncadd.remote.s32 $0x1  }
0xbe: {  	_ =	sfence.sel $0xFFFF  }
0xbf: {  	[dreg:$0x0] =	wrdreg $0xFFFFFFFF;
	(pc) =	sbr.abs _section_cstart, $3  }
0xc0: {  	[dreg:$0x1] =	wrdreg $0xFFFFFFFF  }
0xc1: {  	_ =	task.clear_ibuf [dreg:s6], $0x2FFFF;
	_ =	strace $0x9FFFFFFF  }
0xc2: {  	(tm) =	ssettm $0x7FFFFFFF  }
0xc3: {  	_ =	shalt  }
tec
execute0_lowered:
.L_overlay_start_1:
0x0: {  	(tag) =	ssettag $0x1  }
0x1: {  	s0 =	rddreg [dreg:$0x0]  }
0x2: {  	s1 =	rddreg [dreg:$0x1];
	s2 =	simm.s32 $0x0  }
0x3: {  	s6 =	srdreg.scid;
	s15 =	stileid.u32;
	s28 =	simm.s32 $0x2  }
0x4: {  	s29 =	simm.s32 $0x80;
	s30 =	simm.s32 $0x6800;
	s31 =	simm.s32 $0x1380  }
0x5: {  	[smem:$0x7FF] =	sst s2;
	s4 =	sadd.s32 $0x12C00, s0;
	s8 =	smul.u32 $0x2800, s15  }
0x6: {  	s5 =	sadd.s32 $0x39E00, s0;
	s3 =	sadd.s32 $0xDC00, s0;
	s13 =	smul.u32 $0x278, s15  }
0x7: {  	s7 =	sadd.s32 $0x8600, s0;
	s6 =	sand.u32 $0x1, s6;
	s11 =	smul.u32 $0x4F000, s15  }
0x8: {  	s9 =	sadd.s32 $0x61000, s0;
	s0 =	sadd.s32 $0x88800, s0;
	s17 =	smul.u32 $0x2780, s15  }
0x9: {  	_ =	strace $0x8000004A;
	[dreg:$0x3] =	wrdreg s9;
	s21 =	ssub.s32 $0x2, s6  }
0xa: {  	[dreg:$0x4] =	wrdreg s0;
	p0 =	sne.s32 s6, $0x0;
	s6 =	simm.s32 $0x0  }
0xb: {  	s10 =	sshrl.u32 s21, $0x1;
	s8 =	sshrl.u32 s8, $0x3;
	s24 =	sshrl.u32 s11, $0x2  }
0xc: {  	s18 =	sadd.s32 $0x80, s13;
	s19 =	sadd.s32 $0x100, s13;
	s20 =	sadd.s32 $0x180, s13  }
0xd: {  	s0 =	ssub.s32 s21, s10;
	s22 =	sadd.s32 s3, s8;
	s23 =	sadd.s32 s7, s8  }
0xe: {  	s10 =	sadd.s32 s24, s1;
	s25 =	sshll.u32 s18, $0x7;
	s12 =	sshll.u32 s19, $0x7  }
0xf: {  	s14 =	sshll.u32 s20, $0x7;
	s21 =	sadd.s32 $0x200, s13;
	s8 =	sadd.s32 $0x280, s8  }
0x10: {  	s18 =	sshll.u32 s18, $0x4;
	s19 =	sshll.u32 s19, $0x4;
	[dreg:$0x5] =	wrdreg s22  }
0x11: {  	s20 =	sshll.u32 s20, $0x4;
	s24 =	simm.s32 $0x2800;
	[dreg:$0x6] =	wrdreg s23  }
.Ltmp0:
0x12: {  	s11 =	sadd.s32 s25, s1;
	s12 =	sadd.s32 s12, s1;
	(pc) =	sbr.rel .LBB2_1-.Ltmp0, $4  }
0x13: {  	s13 =	sadd.s32 s14, s1;
	s26 =	sshll.u32 s21, $0x7;
	s3 =	sadd.s32 s3, s8  }
0x14: {  	s16 =	sadd.s32 s7, s8;
	s21 =	sshll.u32 s21, $0x4;
	s22 =	smax.u32 s0, $0x1  }
0x15: {  	s25 =	simm.s32 $0x3;
	s0 =	simm.s32 $0x2700;
	s14 =	sadd.s32 s26, s1  }
0x16: {  	v0 =	vimm.f32 $0.0e+00;
	[dreg:$0x7] =	wrdreg s3;
	s26 =	simm.s32 $0x1;
	s3 =	simm.s32 $0x2780  }
.LBB2_13:
0x17: {  	s8 =	sadd.s32 $0x80, s7;
	[sflag:s25] =	ssyncadd.s32 $0xFFFFC000  }
0x18: {  	[tilespmem:s30], [sflag:$0x2] =	stream.indirect.gather [hbm4b:s5+s29], $0x80, s8, s29, $0xb8;
	[tilespmem:$0x1E400] =	vst v63  }
0x19: {  	_ =	swait.ge [sflag:s26], $0x4000  }
0x1a: {  	[sflag:s26] =	ssyncset.done $0x0  }
0x1b: {  	s9 =	sadd.s32 $0x1400, s7;
	[sflag:s26] =	ssyncadd.s32 $0xFFFFC000  }
0x1c: {  	[spmem:s1] =	stream.indirect.scatter.add.f32 [tilespmem:s24], [sflag:$0x3], $0x80, s9, s29, $0xb8;
	[tilespmem:$0x1E400] =	vst v63  }
0x1d: {  	_ =	swait.ge [sflag:s25], $0x4000  }
0x1e: {  	[sflag:s25] =	ssyncset.done $0x0  }
0x1f: {  	s15 =	sadd.s32 $0x100, s7;
	[sflag:s25] =	ssyncadd.s32 $0xFFFFC000  }
0x20: {  	[tilespmem:s24], [sflag:$0x1] =	stream.indirect.gather [hbm4b:s5+s29], $0x80, s15, s29, $0xb8;
	[tilespmem:$0x1E400] =	vst v63  }
0x21: {  	_ =	swait.ge [sflag:s28], $0x4000  }
0x22: {  	[sflag:s28] =	ssyncset.done $0x0  }
0x23: {  	s23 =	sadd.s32 $0x1480, s7;
	[sflag:s28] =	ssyncadd.s32 $0xFFFFC000  }
0x24: {  	[spmem:s1] =	stream.indirect.scatter.add.f32 [tilespmem:s30], [sflag:$0x3], $0x80, s23, s29, $0xb8;
	[tilespmem:$0x1E400] =	vst v63  }
0x25: {  	_ =	swait.ge [sflag:s25], $0x4000  }
0x26: {  	[sflag:s25] =	ssyncset.done $0x0  }
0x27: {  	[sflag:s25] =	ssyncadd.s32 $0xFFFFC000  }
0x28: {  	[tilespmem:s30], [sflag:$0x2] =	stream.indirect.gather [hbm4b:s5+s29], $0x80, s31, s29, $0xb8;
	[tilespmem:$0x1E400] =	vst v63  }
0x29: {  	_ =	swait.ge [sflag:s26], $0x4000  }
0x2a: {  	[sflag:s26] =	ssyncset.done $0x0  }
0x2b: {  	[sflag:s26] =	ssyncadd.s32 $0xFFFFC000  }
0x2c: {  	[spmem:s1] =	stream.indirect.scatter.add.f32 [tilespmem:s24], [sflag:$0x3], $0x80, s0, s29, $0xb8;
	[tilespmem:$0x1E400] =	vst v63  }
0x2d: {  	_ =	swait.ge [sflag:s25], $0x4000  }
0x2e: {  	[sflag:s25] =	ssyncset.done $0x0  }
0x2f: {  	[sflag:s25] =	ssyncadd.s32 $0xFFFFC000  }
0x30: {  	_ =	swait.ge [sflag:s28], $0x4000  }
0x31: {  	[sflag:s28] =	ssyncset.done $0x0  }
0x32: {  	[sflag:s28] =	ssyncadd.s32 $0xFFFFC000  }
0x33: {  	[spmem:s1] =	stream.indirect.scatter.add.f32 [tilespmem:s30], [sflag:$0x3], $0x80, s3, s29, $0xb8;
	[tilespmem:$0x1E400] =	vst v63  }
0x34: {  	_ =	swait.ge [sflag:s25], $0x4000  }
0x35: {  	[sflag:s25] =	ssyncset.done $0x0  }
0x36: {  	s7 =	rddreg [dreg:$0x4];
	[sflag:s25] =	ssyncadd.s32 $0xFFFFC000  }
.LBB2_14:
0x37: {  	[bflag:$0x0] =	sbarrier.arrive $0xFFFF  }
0x38: {  	[tilespmem:s24], [sflag:$0x3] =	stream.linear.gather [spmem:s10], $0x4000, $0x38;
	[tilespmem:$0x1E400] =	vst v63  }
0x39: {  	_ =	swait.ge [sflag:s25], $0x4000  }
0x3a: {  	[sflag:s25] =	ssyncset.done $0x0  }
0x3b: {  	s8 =	sadd.s32 s7, s17;
	[sflag:s25] =	ssyncadd.s32 $0xFFFFC000  }
0x3c: {  	[hbm4b:s8+s2] =	stream.linear.scatter [tilespmem:s24], [sflag:$0x1], $0x4000, $0x38;
	[tilespmem:$0x1E400] =	vst v63  }
0x3d: {  	_ = 	snop  }
0x3e: {  	[tilespmem:s30], [sflag:$0x3] =	stream.linear.gather [spmem:s11], $0x4000, $0x38;
	[tilespmem:$0x1E400] =	vst v63  }
0x3f: {  	_ =	swait.ge [sflag:s25], $0x4000  }
0x40: {  	[sflag:s25] =	ssyncset.done $0x0  }
0x41: {  	s23 =	sadd.s32 s7, s18;
	[sflag:s25] =	ssyncadd.s32 $0xFFFFC000  }
0x42: {  	[hbm4b:s23+s2] =	stream.linear.scatter [tilespmem:s30], [sflag:$0x2], $0x4000, $0x38;
	[tilespmem:$0x1E400] =	vst v63  }
0x43: {  	_ =	swait.ge [sflag:s26], $0x4000  }
0x44: {  	[sflag:s26] =	ssyncset.done $0x0  }
0x45: {  	[sflag:s26] =	ssyncadd.s32 $0xFFFFC000  }
0x46: {  	[tilespmem:s24], [sflag:$0x3] =	stream.linear.gather [spmem:s12], $0x4000, $0x38;
	[tilespmem:$0x1E400] =	vst v63  }
0x47: {  	_ =	swait.ge [sflag:s25], $0x4000  }
0x48: {  	[sflag:s25] =	ssyncset.done $0x0  }
0x49: {  	s9 =	sadd.s32 s7, s19;
	[sflag:s25] =	ssyncadd.s32 $0xFFFFC000  }
0x4a: {  	[hbm4b:s9+s2] =	stream.linear.scatter [tilespmem:s24], [sflag:$0x1], $0x4000, $0x38;
	[tilespmem:$0x1E400] =	vst v63  }
0x4b: {  	_ =	swait.ge [sflag:s28], $0x4000  }
0x4c: {  	[sflag:s28] =	ssyncset.done $0x0  }
0x4d: {  	[sflag:s28] =	ssyncadd.s32 $0xFFFFC000  }
0x4e: {  	[tilespmem:s30], [sflag:$0x3] =	stream.linear.gather [spmem:s13], $0x4000, $0x38;
	[tilespmem:$0x1E400] =	vst v63  }
0x4f: {  	_ =	swait.ge [sflag:s25], $0x4000  }
0x50: {  	[sflag:s25] =	ssyncset.done $0x0  }
0x51: {  	s15 =	sadd.s32 s7, s20;
	[sflag:s25] =	ssyncadd.s32 $0xFFFFC000  }
0x52: {  	[hbm4b:s15+s2] =	stream.linear.scatter [tilespmem:s30], [sflag:$0x2], $0x4000, $0x38;
	[tilespmem:$0x1E400] =	vst v63  }
0x53: {  	_ =	swait.ge [sflag:s26], $0x4000  }
0x54: {  	[sflag:s26] =	ssyncset.done $0x0  }
0x55: {  	[sflag:s26] =	ssyncadd.s32 $0xFFFFC000  }
0x56: {  	[tilespmem:s24], [sflag:$0x3] =	stream.linear.gather [spmem:s14], $0x3C00, $0x38;
	[tilespmem:$0x1E400] =	vst v63  }
0x57: {  	_ =	swait.ge [sflag:s25], $0x3C00  }
0x58: {  	[sflag:s25] =	ssyncset.done $0x0  }
0x59: {  	s6 =	sadd.s32 $0x1, s6;
	s23 =	sadd.s32 s7, s21;
	[sflag:s25] =	ssyncadd.s32 $0xFFFFC400  }
0x5a: {  	[hbm4b:s23+s2] =	stream.linear.scatter [tilespmem:s24], [sflag:$0x1], $0x3C00, $0x38;
	[tilespmem:$0x1E400] =	vst v63  }
0x5b: {  	p1 =	sne.s32 s6, s22;
	_ =	swait.ge [sflag:s26], $0x3C00  }
.Ltmp1:
0x5c: {  	[sflag:s26] =	ssyncset.done $0x0;
	(pc) =	sbr.rel @!p1 .LBB2_15-.Ltmp1, $4  }
0x5d: {  	[sflag:s26] =	ssyncadd.s32 $0xFFFFC400  }
0x5e: {  	_ =	swait.ge [sflag:s28], $0x4000  }
0x5f: {  	[sflag:s28] =	ssyncset.done $0x0  }
0x60: {  	[sflag:s28] =	ssyncadd.s32 $0xFFFFC000  }
.LBB2_1:
0x61: {  	s7 =	rddreg [dreg:$0x5]  }
0x62: {  	[tilespmem:s2], [sflag:$0x1] =	stream.linear.gather [hbm4b:s7+s2], $0x1400, $0x38;
	[tilespmem:$0x1E400] =	vst v63  }
0x63: {  	s23 =	rddreg [dreg:$0x6];
	s8 =	simm.s32 $0x1400  }
0x64: {  	[tilespmem:s8], [sflag:$0x2] =	stream.linear.gather [hbm4b:s23+s2], $0x1400, $0x38;
	[tilespmem:$0x1E400] =	vst v63  }
0x65: {  	s7 =	simm.s32 $0x0;
	s8 =	simm.s32 $0x200  }
.LBB2_2:
0x66: {  	p1 =	sne.s32 s8, $0xFE00;
	[tilespmem:s7+$0x2870] =	vst v0  }
0x67: {  	[tilespmem:s7+$0x2800] =	vst v0  }
0x68: {  	[tilespmem:s7+$0x2810] =	vst v0  }
.Ltmp2:
0x69: {  	[tilespmem:s7+$0x2820] =	vst v0;
	(pc) =	sbr.rel @p1 .LBB2_2-.Ltmp2, $4  }
0x6a: {  	[tilespmem:s7+$0x2830] =	vst v0  }
0x6b: {  	[tilespmem:s7+$0x2840] =	vst v0  }
0x6c: {  	[tilespmem:s7+$0x2850] =	vst v0  }
0x6d: {  	[tilespmem:s7+$0x2860] =	vst v0;
	s7 =	sshra.s32 s8, $0x2;
	s8 =	sadd.s32 $0x200, s8  }
0x6e: {  	[tilespmem:s7+$0x2870] =	vst v0  }
0x6f: {  	[tilespmem:s7+$0x2800] =	vst v0  }
0x70: {  	[tilespmem:s7+$0x2810] =	vst v0  }
0x71: {  	[tilespmem:s7+$0x2820] =	vst v0  }
0x72: {  	[tilespmem:s7+$0x2830] =	vst v0  }
0x73: {  	[tilespmem:s7+$0x2840] =	vst v0  }
0x74: {  	[tilespmem:s7+$0x2850] =	vst v0  }
0x75: {  	[tilespmem:s7+$0x2860] =	vst v0  }
0x76: {  	[spmem:s10] =	stream.linear.scatter [tilespmem:s24], [sflag:$0x3], $0x4000, $0x38;
	[tilespmem:$0x1E400] =	vst v63  }
0x77: {  	_ =	swait.ge [sflag:s25], $0x4000  }
0x78: {  	[sflag:s25] =	ssyncset.done $0x0  }
0x79: {  	[sflag:s25] =	ssyncadd.s32 $0xFFFFC000  }
0x7a: {  	[spmem:s11] =	stream.linear.scatter [tilespmem:s24], [sflag:$0x3], $0x4000, $0x38;
	[tilespmem:$0x1E400] =	vst v63  }
0x7b: {  	_ =	swait.ge [sflag:s25], $0x4000  }
0x7c: {  	[sflag:s25] =	ssyncset.done $0x0  }
0x7d: {  	[sflag:s25] =	ssyncadd.s32 $0xFFFFC000  }
0x7e: {  	[spmem:s12] =	stream.linear.scatter [tilespmem:s24], [sflag:$0x3], $0x4000, $0x38;
	[tilespmem:$0x1E400] =	vst v63  }
0x7f: {  	_ =	swait.ge [sflag:s25], $0x4000  }
0x80: {  	[sflag:s25] =	ssyncset.done $0x0  }
0x81: {  	[sflag:s25] =	ssyncadd.s32 $0xFFFFC000  }
0x82: {  	[spmem:s13] =	stream.linear.scatter [tilespmem:s24], [sflag:$0x3], $0x4000, $0x38;
	[tilespmem:$0x1E400] =	vst v63  }
0x83: {  	_ =	swait.ge [sflag:s25], $0x4000  }
0x84: {  	[sflag:s25] =	ssyncset.done $0x0  }
0x85: {  	[sflag:s25] =	ssyncadd.s32 $0xFFFFC000  }
0x86: {  	[spmem:s14] =	stream.linear.scatter [tilespmem:s24], [sflag:$0x3], $0x3C00, $0x38;
	[tilespmem:$0x1E400] =	vst v63  }
0x87: {  	_ =	swait.ge [sflag:s25], $0x3C00  }
0x88: {  	[sflag:s25] =	ssyncset.done $0x0  }
0x89: {  	[sflag:s25] =	ssyncadd.s32 $0xFFFFC400  }
0x8a: {  	_ =	swait.ge [sflag:s26], $0x1400  }
0x8b: {  	[sflag:s26] =	ssyncset.done $0x0  }
0x8c: {  	[sflag:s26] =	ssyncadd.s32 $0xFFFFEC00  }
.Ltmp3:
0x8d: {  	_ =	swait.ge [sflag:s28], $0x1400;
	(pc) =	sbr.rel @p0 .LBB2_9-.Ltmp3, $4  }
0x8e: {  	[sflag:s28] =	ssyncset.done $0x0  }
0x8f: {  	[sflag:s28] =	ssyncadd.s32 $0xFFFFEC00  }
0x90: {  	[bflag:$0x0] =	sbarrier.arrive $0xFFFF  }
0x91: {  	s7 =	simm.s32 $0x0  }
0x92: {  	[tilespmem:s24], [sflag:$0x1] =	stream.indirect.gather [hbm4b:s4+s29], $0x80, s7, s29, $0xb8;
	[tilespmem:$0x1E400] =	vst v63  }
0x93: {  	s8 =	simm.s32 $0x80  }
0x94: {  	[tilespmem:s30], [sflag:$0x2] =	stream.indirect.gather [hbm4b:s4+s29], $0x80, s8, s29, $0xb8;
	[tilespmem:$0x1E400] =	vst v63  }
0x95: {  	_ =	swait.ge [sflag:s26], $0x4000  }
0x96: {  	[sflag:s26] =	ssyncset.done $0x0  }
0x97: {  	s9 =	simm.s32 $0x1400;
	[sflag:s26] =	ssyncadd.s32 $0xFFFFC000  }
0x98: {  	[spmem:s1] =	stream.indirect.scatter.add.f32 [tilespmem:s24], [sflag:$0x3], $0x80, s9, s29, $0xb8;
	[tilespmem:$0x1E400] =	vst v63  }
0x99: {  	_ =	swait.ge [sflag:s25], $0x4000  }
0x9a: {  	[sflag:s25] =	ssyncset.done $0x0  }
0x9b: {  	s15 =	simm.s32 $0x100;
	[sflag:s25] =	ssyncadd.s32 $0xFFFFC000  }
0x9c: {  	[tilespmem:s24], [sflag:$0x1] =	stream.indirect.gather [hbm4b:s4+s29], $0x80, s15, s29, $0xb8;
	[tilespmem:$0x1E400] =	vst v63  }
0x9d: {  	_ =	swait.ge [sflag:s28], $0x4000  }
0x9e: {  	[sflag:s28] =	ssyncset.done $0x0  }
0x9f: {  	s23 =	simm.s32 $0x1480;
	[sflag:s28] =	ssyncadd.s32 $0xFFFFC000  }
0xa0: {  	[spmem:s1] =	stream.indirect.scatter.add.f32 [tilespmem:s30], [sflag:$0x3], $0x80, s23, s29, $0xb8;
	[tilespmem:$0x1E400] =	vst v63  }
0xa1: {  	_ =	swait.ge [sflag:s25], $0x4000  }
0xa2: {  	s7 =	simm.s32 $0x100;
	s8 =	simm.s32 $0x800;
	[sflag:s25] =	ssyncset.done $0x0  }
.LBB2_5:
0xa3: {  	s9 =	sadd.s32 $0x80, s7  }
0xa4: {  	[sflag:s25] =	ssyncadd.s32 $0xFFFFC000;
	s23 =	smov.u32 s8;
	s15 =	sadd.s32 $0x400, s8  }
0xa5: {  	[tilespmem:s30], [sflag:$0x2] =	stream.indirect.gather [hbm4b:s4+s29], $0x80, s9, s29, $0xb8;
	[tilespmem:$0x1E400] =	vst v63  }
0xa6: {  	p1 =	sne.s32 s8, $0x4800;
	_ =	swait.ge [sflag:s26], $0x4000  }
0xa7: {  	[sflag:s26] =	ssyncset.done $0x0  }
0xa8: {  	s8 =	sadd.s32 $0x1400, s7;
	[sflag:s26] =	ssyncadd.s32 $0xFFFFC000  }
0xa9: {  	[spmem:s1] =	stream.indirect.scatter.add.f32 [tilespmem:s24], [sflag:$0x3], $0x80, s8, s29, $0xb8;
	[tilespmem:$0x1E400] =	vst v63  }
0xaa: {  	_ =	swait.ge [sflag:s25], $0x4000  }
0xab: {  	[sflag:s25] =	ssyncset.done $0x0  }
0xac: {  	s8 =	sadd.s32 $0x100, s7;
	[sflag:s25] =	ssyncadd.s32 $0xFFFFC000  }
0xad: {  	[tilespmem:s24], [sflag:$0x1] =	stream.indirect.gather [hbm4b:s4+s29], $0x80, s8, s29, $0xb8;
	[tilespmem:$0x1E400] =	vst v63  }
0xae: {  	_ =	swait.ge [sflag:s28], $0x4000  }
.Ltmp4:
0xaf: {  	[sflag:s28] =	ssyncset.done $0x0;
	(pc) =	sbr.rel @p1 .LBB2_5-.Ltmp4, $4  }
0xb0: {  	s7 =	sadd.s32 $0x1480, s7;
	[sflag:s28] =	ssyncadd.s32 $0xFFFFC000  }
0xb1: {  	[spmem:s1] =	stream.indirect.scatter.add.f32 [tilespmem:s30], [sflag:$0x3], $0x80, s7, s29, $0xb8;
	[tilespmem:$0x1E400] =	vst v63  }
0xb2: {  	_ =	swait.ge [sflag:s25], $0x4000  }
0xb3: {  	s8 =	smov.u32 s15;
	s7 =	sshra.s32 s23, $0x2;
	[sflag:s25] =	ssyncset.done $0x0  }
0xb4: {  	s8 =	sadd.s32 $0x80, s7;
	[sflag:s25] =	ssyncadd.s32 $0xFFFFC000  }
0xb5: {  	[tilespmem:s30], [sflag:$0x2] =	stream.indirect.gather [hbm4b:s4+s29], $0x80, s8, s29, $0xb8;
	[tilespmem:$0x1E400] =	vst v63  }
0xb6: {  	_ =	swait.ge [sflag:s26], $0x4000  }
0xb7: {  	[sflag:s26] =	ssyncset.done $0x0  }
0xb8: {  	s15 =	sadd.s32 $0x1400, s7;
	[sflag:s26] =	ssyncadd.s32 $0xFFFFC000  }
0xb9: {  	[spmem:s1] =	stream.indirect.scatter.add.f32 [tilespmem:s24], [sflag:$0x3], $0x80, s15, s29, $0xb8;
	[tilespmem:$0x1E400] =	vst v63  }
0xba: {  	_ =	swait.ge [sflag:s25], $0x4000  }
0xbb: {  	[sflag:s25] =	ssyncset.done $0x0  }
0xbc: {  	s23 =	sadd.s32 $0x100, s7;
	[sflag:s25] =	ssyncadd.s32 $0xFFFFC000  }
0xbd: {  	[tilespmem:s24], [sflag:$0x1] =	stream.indirect.gather [hbm4b:s4+s29], $0x80, s23, s29, $0xb8;
	[tilespmem:$0x1E400] =	vst v63  }
0xbe: {  	_ =	swait.ge [sflag:s28], $0x4000  }
0xbf: {  	[sflag:s28] =	ssyncset.done $0x0  }
0xc0: {  	s8 =	sadd.s32 $0x1480, s7;
	[sflag:s28] =	ssyncadd.s32 $0xFFFFC000  }
0xc1: {  	[spmem:s1] =	stream.indirect.scatter.add.f32 [tilespmem:s30], [sflag:$0x3], $0x80, s8, s29, $0xb8;
	[tilespmem:$0x1E400] =	vst v63  }
0xc2: {  	_ =	swait.ge [sflag:s25], $0x4000  }
0xc3: {  	[sflag:s25] =	ssyncset.done $0x0  }
0xc4: {  	[sflag:s25] =	ssyncadd.s32 $0xFFFFC000  }
0xc5: {  	[tilespmem:s30], [sflag:$0x2] =	stream.indirect.gather [hbm4b:s4+s29], $0x80, s31, s29, $0xb8;
	[tilespmem:$0x1E400] =	vst v63  }
0xc6: {  	_ =	swait.ge [sflag:s26], $0x4000  }
0xc7: {  	[sflag:s26] =	ssyncset.done $0x0  }
0xc8: {  	[sflag:s26] =	ssyncadd.s32 $0xFFFFC000  }
0xc9: {  	[spmem:s1] =	stream.indirect.scatter.add.f32 [tilespmem:s24], [sflag:$0x3], $0x80, s0, s29, $0xb8;
	[tilespmem:$0x1E400] =	vst v63  }
0xca: {  	_ =	swait.ge [sflag:s25], $0x4000  }
0xcb: {  	[sflag:s25] =	ssyncset.done $0x0  }
0xcc: {  	[sflag:s25] =	ssyncadd.s32 $0xFFFFC000  }
0xcd: {  	_ =	swait.ge [sflag:s28], $0x4000  }
0xce: {  	[sflag:s28] =	ssyncset.done $0x0  }
0xcf: {  	[sflag:s28] =	ssyncadd.s32 $0xFFFFC000  }
0xd0: {  	[spmem:s1] =	stream.indirect.scatter.add.f32 [tilespmem:s30], [sflag:$0x3], $0x80, s3, s29, $0xb8;
	[tilespmem:$0x1E400] =	vst v63  }
0xd1: {  	_ =	swait.ge [sflag:s25], $0x4000  }
0xd2: {  	[sflag:s25] =	ssyncset.done $0x0  }
0xd3: {  	s9 =	simm.s32 $0x0;
	s15 =	rddreg [dreg:$0x7];
	[sflag:s25] =	ssyncadd.s32 $0xFFFFC000  }
0xd4: {  	[tilespmem:s9], [sflag:$0x3] =	stream.linear.gather [hbm4b:s15+s9], $0x1400, $0x38;
	[tilespmem:$0x1E400] =	vst v63  }
0xd5: {  	_ =	swait.ge [sflag:s25], $0x1400  }
0xd6: {  	[sflag:s25] =	ssyncset.done $0x0  }
0xd7: {  	s23 =	simm.s32 $0x1400;
	[sflag:s25] =	ssyncadd.s32 $0xFFFFEC00  }
0xd8: {  	[tilespmem:s23], [sflag:$0x3] =	stream.linear.gather [hbm4b:s16+s9], $0x1400, $0x38;
	[tilespmem:$0x1E400] =	vst v63  }
0xd9: {  	_ =	swait.ge [sflag:s25], $0x1400  }
0xda: {  	[sflag:s25] =	ssyncset.done $0x0  }
0xdb: {  	[sflag:s25] =	ssyncadd.s32 $0xFFFFEC00  }
0xdc: {  	[tilespmem:s24], [sflag:$0x1] =	stream.indirect.gather [hbm4b:s4+s29], $0x80, s9, s29, $0xb8;
	[tilespmem:$0x1E400] =	vst v63  }
0xdd: {  	s8 =	simm.s32 $0x80  }
0xde: {  	[tilespmem:s30], [sflag:$0x2] =	stream.indirect.gather [hbm4b:s4+s29], $0x80, s8, s29, $0xb8;
	[tilespmem:$0x1E400] =	vst v63  }
0xdf: {  	_ =	swait.ge [sflag:s26], $0x4000  }
0xe0: {  	[sflag:s26] =	ssyncset.done $0x0  }
0xe1: {  	s9 =	simm.s32 $0x1400;
	[sflag:s26] =	ssyncadd.s32 $0xFFFFC000  }
0xe2: {  	[spmem:s1] =	stream.indirect.scatter.add.f32 [tilespmem:s24], [sflag:$0x3], $0x80, s9, s29, $0xb8;
	[tilespmem:$0x1E400] =	vst v63  }
0xe3: {  	_ =	swait.ge [sflag:s25], $0x4000  }
0xe4: {  	[sflag:s25] =	ssyncset.done $0x0  }
0xe5: {  	s15 =	simm.s32 $0x100;
	[sflag:s25] =	ssyncadd.s32 $0xFFFFC000  }
0xe6: {  	[tilespmem:s24], [sflag:$0x1] =	stream.indirect.gather [hbm4b:s4+s29], $0x80, s15, s29, $0xb8;
	[tilespmem:$0x1E400] =	vst v63  }
0xe7: {  	_ =	swait.ge [sflag:s28], $0x4000  }
0xe8: {  	[sflag:s28] =	ssyncset.done $0x0  }
0xe9: {  	s23 =	simm.s32 $0x1480;
	[sflag:s28] =	ssyncadd.s32 $0xFFFFC000  }
0xea: {  	[spmem:s1] =	stream.indirect.scatter.add.f32 [tilespmem:s30], [sflag:$0x3], $0x80, s23, s29, $0xb8;
	[tilespmem:$0x1E400] =	vst v63  }
0xeb: {  	_ =	swait.ge [sflag:s25], $0x4000  }
0xec: {  	s7 =	simm.s32 $0x100;
	s8 =	simm.s32 $0x800;
	[sflag:s25] =	ssyncset.done $0x0  }
.LBB2_7:
0xed: {  	s9 =	sadd.s32 $0x80, s7  }
0xee: {  	[sflag:s25] =	ssyncadd.s32 $0xFFFFC000;
	s15 =	smov.u32 s8;
	s23 =	sadd.s32 $0x400, s8  }
0xef: {  	[tilespmem:s30], [sflag:$0x2] =	stream.indirect.gather [hbm4b:s4+s29], $0x80, s9, s29, $0xb8;
	[tilespmem:$0x1E400] =	vst v63  }
0xf0: {  	p1 =	sne.s32 s8, $0x4800;
	_ =	swait.ge [sflag:s26], $0x4000  }
0xf1: {  	[sflag:s26] =	ssyncset.done $0x0  }
0xf2: {  	s8 =	sadd.s32 $0x1400, s7;
	[sflag:s26] =	ssyncadd.s32 $0xFFFFC000  }
0xf3: {  	[spmem:s1] =	stream.indirect.scatter.add.f32 [tilespmem:s24], [sflag:$0x3], $0x80, s8, s29, $0xb8;
	[tilespmem:$0x1E400] =	vst v63  }
0xf4: {  	_ =	swait.ge [sflag:s25], $0x4000  }
0xf5: {  	[sflag:s25] =	ssyncset.done $0x0  }
0xf6: {  	s8 =	sadd.s32 $0x100, s7;
	[sflag:s25] =	ssyncadd.s32 $0xFFFFC000  }
0xf7: {  	[tilespmem:s24], [sflag:$0x1] =	stream.indirect.gather [hbm4b:s4+s29], $0x80, s8, s29, $0xb8;
	[tilespmem:$0x1E400] =	vst v63  }
0xf8: {  	_ =	swait.ge [sflag:s28], $0x4000  }
.Ltmp5:
0xf9: {  	[sflag:s28] =	ssyncset.done $0x0;
	(pc) =	sbr.rel @p1 .LBB2_7-.Ltmp5, $4  }
0xfa: {  	s7 =	sadd.s32 $0x1480, s7;
	[sflag:s28] =	ssyncadd.s32 $0xFFFFC000  }
0xfb: {  	[spmem:s1] =	stream.indirect.scatter.add.f32 [tilespmem:s30], [sflag:$0x3], $0x80, s7, s29, $0xb8;
	[tilespmem:$0x1E400] =	vst v63  }
0xfc: {  	_ =	swait.ge [sflag:s25], $0x4000  }
0xfd: {  	s8 =	smov.u32 s23;
	s7 =	sshra.s32 s15, $0x2;
	[sflag:s25] =	ssyncset.done $0x0  }
0xfe: {  	s8 =	sadd.s32 $0x80, s7;
	[sflag:s25] =	ssyncadd.s32 $0xFFFFC000  }
0xff: {  	[tilespmem:s30], [sflag:$0x2] =	stream.indirect.gather [hbm4b:s4+s29], $0x80, s8, s29, $0xb8;
	[tilespmem:$0x1E400] =	vst v63  }
0x100: {  	_ =	swait.ge [sflag:s26], $0x4000  }
0x101: {  	[sflag:s26] =	ssyncset.done $0x0  }
0x102: {  	s9 =	sadd.s32 $0x1400, s7;
	[sflag:s26] =	ssyncadd.s32 $0xFFFFC000  }
0x103: {  	[spmem:s1] =	stream.indirect.scatter.add.f32 [tilespmem:s24], [sflag:$0x3], $0x80, s9, s29, $0xb8;
	[tilespmem:$0x1E400] =	vst v63  }
0x104: {  	_ =	swait.ge [sflag:s25], $0x4000  }
0x105: {  	[sflag:s25] =	ssyncset.done $0x0  }
0x106: {  	s15 =	sadd.s32 $0x100, s7;
	[sflag:s25] =	ssyncadd.s32 $0xFFFFC000  }
0x107: {  	[tilespmem:s24], [sflag:$0x1] =	stream.indirect.gather [hbm4b:s4+s29], $0x80, s15, s29, $0xb8;
	[tilespmem:$0x1E400] =	vst v63  }
0x108: {  	_ =	swait.ge [sflag:s28], $0x4000  }
0x109: {  	[sflag:s28] =	ssyncset.done $0x0  }
0x10a: {  	s23 =	sadd.s32 $0x1480, s7;
	[sflag:s28] =	ssyncadd.s32 $0xFFFFC000  }
0x10b: {  	[spmem:s1] =	stream.indirect.scatter.add.f32 [tilespmem:s30], [sflag:$0x3], $0x80, s23, s29, $0xb8;
	[tilespmem:$0x1E400] =	vst v63  }
0x10c: {  	_ =	swait.ge [sflag:s25], $0x4000  }
0x10d: {  	[sflag:s25] =	ssyncset.done $0x0  }
0x10e: {  	[sflag:s25] =	ssyncadd.s32 $0xFFFFC000  }
0x10f: {  	[tilespmem:s30], [sflag:$0x2] =	stream.indirect.gather [hbm4b:s4+s29], $0x80, s31, s29, $0xb8;
	[tilespmem:$0x1E400] =	vst v63  }
0x110: {  	_ =	swait.ge [sflag:s26], $0x4000  }
0x111: {  	[sflag:s26] =	ssyncset.done $0x0  }
0x112: {  	[sflag:s26] =	ssyncadd.s32 $0xFFFFC000  }
0x113: {  	[spmem:s1] =	stream.indirect.scatter.add.f32 [tilespmem:s24], [sflag:$0x3], $0x80, s0, s29, $0xb8;
	[tilespmem:$0x1E400] =	vst v63  }
0x114: {  	_ =	swait.ge [sflag:s25], $0x4000  }
0x115: {  	[sflag:s25] =	ssyncset.done $0x0  }
0x116: {  	[sflag:s25] =	ssyncadd.s32 $0xFFFFC000  }
0x117: {  	_ =	swait.ge [sflag:s28], $0x4000  }
0x118: {  	[sflag:s28] =	ssyncset.done $0x0  }
.Ltmp6:
0x119: {  	[sflag:s28] =	ssyncadd.s32 $0xFFFFC000;
	(pc) =	sbr.rel .LBB2_14-.Ltmp6, $4  }
0x11a: {  	[spmem:s1] =	stream.indirect.scatter.add.f32 [tilespmem:s30], [sflag:$0x3], $0x80, s3, s29, $0xb8;
	[tilespmem:$0x1E400] =	vst v63  }
0x11b: {  	_ =	swait.ge [sflag:s25], $0x4000  }
0x11c: {  	[sflag:s25] =	ssyncset.done $0x0  }
0x11d: {  	s7 =	rddreg [dreg:$0x3];
	[sflag:s25] =	ssyncadd.s32 $0xFFFFC000  }
.LBB2_9:
0x11e: {  	[tilespmem:s24], [sflag:$0x1] =	stream.indirect.gather [hbm4b:s5+s29], $0x80, s7, s29, $0xb8;
	[tilespmem:$0x1E400] =	vst v63  }
0x11f: {  	s8 =	simm.s32 $0x80  }
0x120: {  	[tilespmem:s30], [sflag:$0x2] =	stream.indirect.gather [hbm4b:s5+s29], $0x80, s8, s29, $0xb8;
	[tilespmem:$0x1E400] =	vst v63  }
0x121: {  	_ =	swait.ge [sflag:s26], $0x4000  }
0x122: {  	[sflag:s26] =	ssyncset.done $0x0  }
0x123: {  	s9 =	simm.s32 $0x1400;
	[sflag:s26] =	ssyncadd.s32 $0xFFFFC000  }
0x124: {  	[spmem:s1] =	stream.indirect.scatter.add.f32 [tilespmem:s24], [sflag:$0x3], $0x80, s9, s29, $0xb8;
	[tilespmem:$0x1E400] =	vst v63  }
0x125: {  	_ =	swait.ge [sflag:s25], $0x4000  }
0x126: {  	[sflag:s25] =	ssyncset.done $0x0  }
0x127: {  	s15 =	simm.s32 $0x100;
	[sflag:s25] =	ssyncadd.s32 $0xFFFFC000  }
0x128: {  	[tilespmem:s24], [sflag:$0x1] =	stream.indirect.gather [hbm4b:s5+s29], $0x80, s15, s29, $0xb8;
	[tilespmem:$0x1E400] =	vst v63  }
0x129: {  	_ =	swait.ge [sflag:s28], $0x4000  }
0x12a: {  	[sflag:s28] =	ssyncset.done $0x0  }
0x12b: {  	s23 =	simm.s32 $0x1480;
	[sflag:s28] =	ssyncadd.s32 $0xFFFFC000  }
0x12c: {  	[spmem:s1] =	stream.indirect.scatter.add.f32 [tilespmem:s30], [sflag:$0x3], $0x80, s23, s29, $0xb8;
	[tilespmem:$0x1E400] =	vst v63  }
0x12d: {  	_ =	swait.ge [sflag:s25], $0x4000  }
0x12e: {  	s7 =	simm.s32 $0x100;
	s8 =	simm.s32 $0x800;
	[sflag:s25] =	ssyncset.done $0x0  }
.LBB2_10:
0x12f: {  	s9 =	sadd.s32 $0x80, s7  }
0x130: {  	[sflag:s25] =	ssyncadd.s32 $0xFFFFC000;
	s15 =	smov.u32 s8;
	s23 =	sadd.s32 $0x400, s8  }
0x131: {  	[tilespmem:s30], [sflag:$0x2] =	stream.indirect.gather [hbm4b:s5+s29], $0x80, s9, s29, $0xb8;
	[tilespmem:$0x1E400] =	vst v63  }
0x132: {  	p1 =	sne.s32 s8, $0x4800;
	_ =	swait.ge [sflag:s26], $0x4000  }
0x133: {  	[sflag:s26] =	ssyncset.done $0x0  }
0x134: {  	s8 =	sadd.s32 $0x1400, s7;
	[sflag:s26] =	ssyncadd.s32 $0xFFFFC000  }
0x135: {  	[spmem:s1] =	stream.indirect.scatter.add.f32 [tilespmem:s24], [sflag:$0x3], $0x80, s8, s29, $0xb8;
	[tilespmem:$0x1E400] =	vst v63  }
0x136: {  	_ =	swait.ge [sflag:s25], $0x4000  }
0x137: {  	[sflag:s25] =	ssyncset.done $0x0  }
0x138: {  	s8 =	sadd.s32 $0x100, s7;
	[sflag:s25] =	ssyncadd.s32 $0xFFFFC000  }
0x139: {  	[tilespmem:s24], [sflag:$0x1] =	stream.indirect.gather [hbm4b:s5+s29], $0x80, s8, s29, $0xb8;
	[tilespmem:$0x1E400] =	vst v63  }
0x13a: {  	_ =	swait.ge [sflag:s28], $0x4000  }
.Ltmp7:
0x13b: {  	[sflag:s28] =	ssyncset.done $0x0;
	(pc) =	sbr.rel @p1 .LBB2_10-.Ltmp7, $4  }
0x13c: {  	s7 =	sadd.s32 $0x1480, s7;
	[sflag:s28] =	ssyncadd.s32 $0xFFFFC000  }
0x13d: {  	[spmem:s1] =	stream.indirect.scatter.add.f32 [tilespmem:s30], [sflag:$0x3], $0x80, s7, s29, $0xb8;
	[tilespmem:$0x1E400] =	vst v63  }
0x13e: {  	_ =	swait.ge [sflag:s25], $0x4000  }
0x13f: {  	s8 =	smov.u32 s23;
	s7 =	sshra.s32 s15, $0x2;
	[sflag:s25] =	ssyncset.done $0x0  }
0x140: {  	s8 =	sadd.s32 $0x80, s7;
	[sflag:s25] =	ssyncadd.s32 $0xFFFFC000  }
0x141: {  	[tilespmem:s30], [sflag:$0x2] =	stream.indirect.gather [hbm4b:s5+s29], $0x80, s8, s29, $0xb8;
	[tilespmem:$0x1E400] =	vst v63  }
0x142: {  	_ =	swait.ge [sflag:s26], $0x4000  }
0x143: {  	[sflag:s26] =	ssyncset.done $0x0  }
0x144: {  	s15 =	sadd.s32 $0x1400, s7;
	[sflag:s26] =	ssyncadd.s32 $0xFFFFC000  }
0x145: {  	[spmem:s1] =	stream.indirect.scatter.add.f32 [tilespmem:s24], [sflag:$0x3], $0x80, s15, s29, $0xb8;
	[tilespmem:$0x1E400] =	vst v63  }
0x146: {  	_ =	swait.ge [sflag:s25], $0x4000  }
0x147: {  	[sflag:s25] =	ssyncset.done $0x0  }
0x148: {  	s23 =	sadd.s32 $0x100, s7;
	[sflag:s25] =	ssyncadd.s32 $0xFFFFC000  }
0x149: {  	[tilespmem:s24], [sflag:$0x1] =	stream.indirect.gather [hbm4b:s5+s29], $0x80, s23, s29, $0xb8;
	[tilespmem:$0x1E400] =	vst v63  }
0x14a: {  	_ =	swait.ge [sflag:s28], $0x4000  }
0x14b: {  	[sflag:s28] =	ssyncset.done $0x0  }
0x14c: {  	s8 =	sadd.s32 $0x1480, s7;
	[sflag:s28] =	ssyncadd.s32 $0xFFFFC000  }
0x14d: {  	[spmem:s1] =	stream.indirect.scatter.add.f32 [tilespmem:s30], [sflag:$0x3], $0x80, s8, s29, $0xb8;
	[tilespmem:$0x1E400] =	vst v63  }
0x14e: {  	_ =	swait.ge [sflag:s25], $0x4000  }
0x14f: {  	[sflag:s25] =	ssyncset.done $0x0  }
0x150: {  	[sflag:s25] =	ssyncadd.s32 $0xFFFFC000  }
0x151: {  	[tilespmem:s30], [sflag:$0x2] =	stream.indirect.gather [hbm4b:s5+s29], $0x80, s31, s29, $0xb8;
	[tilespmem:$0x1E400] =	vst v63  }
0x152: {  	_ =	swait.ge [sflag:s26], $0x4000  }
0x153: {  	[sflag:s26] =	ssyncset.done $0x0  }
0x154: {  	[sflag:s26] =	ssyncadd.s32 $0xFFFFC000  }
0x155: {  	[spmem:s1] =	stream.indirect.scatter.add.f32 [tilespmem:s24], [sflag:$0x3], $0x80, s0, s29, $0xb8;
	[tilespmem:$0x1E400] =	vst v63  }
0x156: {  	_ =	swait.ge [sflag:s25], $0x4000  }
0x157: {  	[sflag:s25] =	ssyncset.done $0x0  }
0x158: {  	[sflag:s25] =	ssyncadd.s32 $0xFFFFC000  }
0x159: {  	_ =	swait.ge [sflag:s28], $0x4000  }
0x15a: {  	[sflag:s28] =	ssyncset.done $0x0  }
0x15b: {  	[sflag:s28] =	ssyncadd.s32 $0xFFFFC000  }
0x15c: {  	[spmem:s1] =	stream.indirect.scatter.add.f32 [tilespmem:s30], [sflag:$0x3], $0x80, s3, s29, $0xb8;
	[tilespmem:$0x1E400] =	vst v63  }
0x15d: {  	_ =	swait.ge [sflag:s25], $0x4000  }
0x15e: {  	[sflag:s25] =	ssyncset.done $0x0  }
0x15f: {  	s9 =	simm.s32 $0x0;
	s15 =	rddreg [dreg:$0x7];
	[sflag:s25] =	ssyncadd.s32 $0xFFFFC000  }
0x160: {  	[tilespmem:s9], [sflag:$0x3] =	stream.linear.gather [hbm4b:s15+s9], $0x1400, $0x38;
	[tilespmem:$0x1E400] =	vst v63  }
0x161: {  	_ =	swait.ge [sflag:s25], $0x1400  }
0x162: {  	[sflag:s25] =	ssyncset.done $0x0  }
0x163: {  	s23 =	simm.s32 $0x1400;
	[sflag:s25] =	ssyncadd.s32 $0xFFFFEC00  }
0x164: {  	[tilespmem:s23], [sflag:$0x3] =	stream.linear.gather [hbm4b:s16+s9], $0x1400, $0x38;
	[tilespmem:$0x1E400] =	vst v63  }
0x165: {  	_ =	swait.ge [sflag:s25], $0x1400  }
0x166: {  	[sflag:s25] =	ssyncset.done $0x0  }
0x167: {  	[sflag:s25] =	ssyncadd.s32 $0xFFFFEC00  }
0x168: {  	[tilespmem:s24], [sflag:$0x1] =	stream.indirect.gather [hbm4b:s5+s29], $0x80, s9, s29, $0xb8;
	[tilespmem:$0x1E400] =	vst v63  }
0x169: {  	s8 =	simm.s32 $0x80  }
0x16a: {  	[tilespmem:s30], [sflag:$0x2] =	stream.indirect.gather [hbm4b:s5+s29], $0x80, s8, s29, $0xb8;
	[tilespmem:$0x1E400] =	vst v63  }
0x16b: {  	_ =	swait.ge [sflag:s26], $0x4000  }
0x16c: {  	[sflag:s26] =	ssyncset.done $0x0  }
0x16d: {  	s9 =	simm.s32 $0x1400;
	[sflag:s26] =	ssyncadd.s32 $0xFFFFC000  }
0x16e: {  	[spmem:s1] =	stream.indirect.scatter.add.f32 [tilespmem:s24], [sflag:$0x3], $0x80, s9, s29, $0xb8;
	[tilespmem:$0x1E400] =	vst v63  }
0x16f: {  	_ =	swait.ge [sflag:s25], $0x4000  }
0x170: {  	[sflag:s25] =	ssyncset.done $0x0  }
0x171: {  	s15 =	simm.s32 $0x100;
	[sflag:s25] =	ssyncadd.s32 $0xFFFFC000  }
0x172: {  	[tilespmem:s24], [sflag:$0x1] =	stream.indirect.gather [hbm4b:s5+s29], $0x80, s15, s29, $0xb8;
	[tilespmem:$0x1E400] =	vst v63  }
0x173: {  	_ =	swait.ge [sflag:s28], $0x4000  }
0x174: {  	[sflag:s28] =	ssyncset.done $0x0  }
0x175: {  	s23 =	simm.s32 $0x1480;
	[sflag:s28] =	ssyncadd.s32 $0xFFFFC000  }
0x176: {  	[spmem:s1] =	stream.indirect.scatter.add.f32 [tilespmem:s30], [sflag:$0x3], $0x80, s23, s29, $0xb8;
	[tilespmem:$0x1E400] =	vst v63  }
0x177: {  	_ =	swait.ge [sflag:s25], $0x4000  }
0x178: {  	s7 =	simm.s32 $0x100;
	s8 =	simm.s32 $0x800;
	[sflag:s25] =	ssyncset.done $0x0  }
.LBB2_12:
0x179: {  	s9 =	sadd.s32 $0x80, s7  }
0x17a: {  	[sflag:s25] =	ssyncadd.s32 $0xFFFFC000;
	s15 =	smov.u32 s8;
	s23 =	sadd.s32 $0x400, s8  }
0x17b: {  	[tilespmem:s30], [sflag:$0x2] =	stream.indirect.gather [hbm4b:s5+s29], $0x80, s9, s29, $0xb8;
	[tilespmem:$0x1E400] =	vst v63  }
0x17c: {  	p1 =	sne.s32 s8, $0x4800;
	_ =	swait.ge [sflag:s26], $0x4000  }
0x17d: {  	[sflag:s26] =	ssyncset.done $0x0  }
0x17e: {  	s8 =	sadd.s32 $0x1400, s7;
	[sflag:s26] =	ssyncadd.s32 $0xFFFFC000  }
0x17f: {  	[spmem:s1] =	stream.indirect.scatter.add.f32 [tilespmem:s24], [sflag:$0x3], $0x80, s8, s29, $0xb8;
	[tilespmem:$0x1E400] =	vst v63  }
0x180: {  	_ =	swait.ge [sflag:s25], $0x4000  }
0x181: {  	[sflag:s25] =	ssyncset.done $0x0  }
0x182: {  	s8 =	sadd.s32 $0x100, s7;
	[sflag:s25] =	ssyncadd.s32 $0xFFFFC000  }
0x183: {  	[tilespmem:s24], [sflag:$0x1] =	stream.indirect.gather [hbm4b:s5+s29], $0x80, s8, s29, $0xb8;
	[tilespmem:$0x1E400] =	vst v63  }
0x184: {  	_ =	swait.ge [sflag:s28], $0x4000  }
.Ltmp8:
0x185: {  	[sflag:s28] =	ssyncset.done $0x0;
	(pc) =	sbr.rel @p1 .LBB2_12-.Ltmp8, $4  }
0x186: {  	s7 =	sadd.s32 $0x1480, s7;
	[sflag:s28] =	ssyncadd.s32 $0xFFFFC000  }
0x187: {  	[spmem:s1] =	stream.indirect.scatter.add.f32 [tilespmem:s30], [sflag:$0x3], $0x80, s7, s29, $0xb8;
	[tilespmem:$0x1E400] =	vst v63  }
0x188: {  	_ =	swait.ge [sflag:s25], $0x4000  }
0x189: {  	s8 =	smov.u32 s23;
	s7 =	sshra.s32 s15, $0x2;
	[sflag:s25] =	ssyncset.done $0x0  }
.Ltmp9:
0x18a: {  	_ = 	snop;
	(pc) =	sbr.rel .LBB2_13-.Ltmp9, $1  }
0x18b: {  	_ =	sdelay $0x3  }
.LBB2_15:
0x18c: {  	_ =	sfence.sel $0x180000  }
0x18d: {  	[bflag:$0x0] =	sbarrier.arrive $0xFFFF  }
0x18e: {  	_ =	strace $0x9000004A  }
0x18f: {  	s0 =	stileid.u32;
	[bflag:$0x2] =	sbarrier.arrive $0xFFFF  }
0x190: {  	p0 =	sne.s32 s0, $0x0;
	s0 =	rddreg [dreg:$0x2]  }
0x191: {  	s0 =	sadd.s32 @!p0 $0x100000, s0  }
0x192: {  	[sflag:s0] =	ssyncadd.tile.s32 @!p0 $0x1;
	_ =	shalt  }
.Lfunc_end2:
_tile_overlayer_lowered:
.L_overlay_start_2:
0x193: {  	(tag) =	ssettag $0x2  }
0x194: {  	s0 =	rddreg [dreg:$0x0];
	s2 =	stileid.u32  }
0x195: {  	s1 =	rddreg [dreg:$0x1];
	p0 =	sne.s32 s2, $0x0  }
0x196: {  	s3 =	rddreg [dreg:$0x2];
	[bflag:$0x3] =	sbarrier.arrive $0xFFFF;
	s2 =	simm.s32 @!p0 $0x1C03  }
0x197: {  	[timem:s3], [sflag:s2] =	dma.local @!p0 [hbm:s0], s1  }
0x198: {  	s0 =	simm.s32 @!p0 $0x3  }
0x199: {  	_ =	swait.ge @!p0 [sflag:s0], s1  }
0x19a: {  	s1 =	ssub.s32 @!p0 $0x0, s1;
	[sflag:s0] =	ssyncset.done @!p0 $0x0  }
0x19b: {  	[sflag:s0] =	ssyncadd.s32 @!p0 s1  }
0x19c: {  	[bflag:$0x3] =	sbarrier.arrive $0xFFFF  }
0x19d: {  	_ =	shalt  }

// kernel: kernel.14.cloned.1.call-start
scs
__scs_entry_jumppad:
0x0: {  	(pc) =	sbr.rel $0x88, $3  }
0x1: {  	(tag) =	ssettag $0x0;
	lr =	simm.s32 $0x1  }
0x2: {  	[smem:$0x3F9B] =	sst lr;
	_ =	strace $0xD0000000  }
0x3: {  	_ = 	snop  }
0x4: {  	_ = 	snop  }
0x5: {  	_ = 	snop  }
0x6: {  	_ = 	snop  }
0x7: {  	_ = 	snop  }
__scs_overlays_trampoline_lowered:
0x8: {  	[smem:$0x3FAA] =	sst s0  }
0x9: {  	[smem:$0x3FAB] =	sst s1  }
0xa: {  	[smem:$0x3FAC] =	sst s2  }
0xb: {  	[smem:$0x3FAD] =	sst s3  }
0xc: {  	[smem:$0x3FAE] =	sst s4  }
0xd: {  	[smem:$0x3FAF] =	sst s5  }
0xe: {  	[smem:$0x3FB0] =	sst s6  }
0xf: {  	[smem:$0x3FB1] =	sst s7  }
0x10: {  	[smem:$0x3FB2] =	sst s8  }
0x11: {  	[smem:$0x3FB3] =	sst s9;
	s0 =	simm.s32 @!p0 $0x0  }
0x12: {  	s1 =	sld [smem:$0x3F99];
	s0 =	simm.s32 @p0 $0x1  }
0x13: {  	[smem:$0x3FB4] =	sst s0;
	s0 =	simm.s32 @!p1 $0x0  }
0x14: {  	s2 =	sld [smem:$0x3F98];
	s0 =	simm.s32 @p1 $0x1  }
0x15: {  	[smem:$0x3FB5] =	sst s0;
	s0 =	simm.s32 @!p2 $0x0  }
0x16: {  	s3 =	sld [smem:$0x3FDB];
	s0 =	simm.s32 @p2 $0x1  }
0x17: {  	s4 =	simm.s32 $0x1BF5;
	[smem:$0x3FB7] =	sst s0  }
0x18: {  	s0 =	sld [smem:$0x3F9A];
	_ =	swait.ge [sflag:s4], $0x0  }
0x19: {  	s7 =	sld [smem:$0x3F9B]  }
0x1a: {  	s8 =	sadd.s32 $0xFFFFE003, lr  }
0x1b: {  	s9 =	sadd.s32 $0xFFFFFEF7, lr;
	s5 =	simm.s32 $0xFFFFFFFF;
	p2 =	slt.u32 s8, $0xFFFFF086  }
0x1c: {  	p1 =	slt.u32 s9, $0xF7A;
	s5 =	simm.s32 @!p2 $0x0  }
0x1d: {  	s5 =	simm.s32 @p1 $0x1;
	p0 =	seq.s32 s7, s2  }
0x1e: {  	s7 =	smul.u32 @!p0 $0xF7A, s2;
	p2 =	seq.s32 @!p0 s5, $0x0  }
0x1f: {  	s9 =	smul.u32 $0xF7A, s1;
	s8 =	simm.s32 @!p0 $0x1BF5;
	p2 =	por !p2, p0  }
0x20: {  	[sflag:s8] =	ssyncset.s32 @!p0 $0xFFFFF086;
	s6 =	sadd.s32 @!p0 s3, s7;
	s7 =	simm.s32 @!p0 $0x108  }
0x21: {  	s3 =	sadd.s32 s3, s9;
	s6 =	sadd.s32 @!p0 $0x88, s6;
	s7 =	simm.s32 @p2 $0x1082  }
0x22: {  	[simem:s7], [sflag:s8] =	dma.local @!p0 [hbm:s6], $0xF7A  }
0x23: {  	s9 =	sor.u32 $0xD0000000, s2;
	s6 =	simm.s32 $0x108;
	_ =	swait.ge @!p0 [sflag:s8], $0x0  }
0x24: {  	s3 =	sadd.s32 $0x88, s3;
	s6 =	simm.s32 @!p1 $0x1082;
	[sflag:s4] =	ssyncset.s32 $0xFFFFF086  }
0x25: {  	[simem:s6], [sflag:s4] =	dma.local [hbm:s3], $0xF7A  }
0x26: {  	[smem:$0x3F9B] =	sst s1;
	(tag) =	ssettag s2;
	_ =	strace s9  }
0x27: {  	s1 =	sld [smem:$0x3FAB]  }
0x28: {  	s2 =	sld [smem:$0x3FAC]  }
0x29: {  	s4 =	sld [smem:$0x3FAE]  }
0x2a: {  	p0 =	seq.s32 s5, $0x0;
	s5 =	sld [smem:$0x3FAF]  }
0x2b: {  	s6 =	sld [smem:$0x3FB0]  }
0x2c: {  	s7 =	sld [smem:$0x3FB1]  }
0x2d: {  	s3 =	simm.s32 $0x108;
	s8 =	sld [smem:$0x3FB2]  }
0x2e: {  	s3 =	simm.s32 @!p0 $0x1082;
	s9 =	sld [smem:$0x3FB3]  }
0x2f: {  	lr =	sadd.s32 s0, s3;
	s0 =	sld [smem:$0x3FAA]  }
0x30: {  	s3 =	sld [smem:$0x3FAD]  }
0x31: {  	[smem:$0x3FB6] =	sst s10  }
0x32: {  	s10 =	sld [smem:$0x3FB4];
	_ =	sdelay $0x3  }
0x33: {  	p0 =	seq.s32 s10, $0x1;
	s10 =	sld [smem:$0x3FB6];
	_ =	sdelay $0x3  }
0x34: {  	[smem:$0x3FB6] =	sst s10  }
0x35: {  	s10 =	sld [smem:$0x3FB5];
	_ =	sdelay $0x3  }
0x36: {  	p1 =	seq.s32 s10, $0x1;
	s10 =	sld [smem:$0x3FB6];
	_ =	sdelay $0x3  }
0x37: {  	[smem:$0x3FB6] =	sst s10  }
0x38: {  	s10 =	sld [smem:$0x3FB7]  }
0x39: {  	_ = 	snop;
	(pc) =	sbr.ind lr, $3  }
0x3a: {  	_ = 	snop  }
0x3b: {  	_ = 	snop  }
0x3c: {  	p2 =	seq.s32 s10, $0x1;
	s10 =	sld [smem:$0x3FB6]  }
0x3d: {  	_ =	shalt  }
0x3e: {  	_ =	shalt  }
0x3f: {  	_ =	shalt  }
0x40: {  	_ =	shalt  }
0x41: {  	_ =	shalt  }
0x42: {  	_ =	shalt  }
0x43: {  	_ =	shalt  }
0x44: {  	_ =	shalt  }
0x45: {  	_ =	shalt  }
0x46: {  	_ =	shalt  }
0x47: {  	_ =	shalt  }
0x48: {  	_ =	shalt  }
0x49: {  	_ =	shalt  }
0x4a: {  	_ =	shalt  }
0x4b: {  	_ =	shalt  }
0x4c: {  	_ =	shalt  }
0x4d: {  	_ =	shalt  }
0x4e: {  	_ =	shalt  }
0x4f: {  	_ =	shalt  }
0x50: {  	_ =	shalt  }
0x51: {  	_ =	shalt  }
0x52: {  	_ =	shalt  }
0x53: {  	_ =	shalt  }
0x54: {  	_ =	shalt  }
0x55: {  	_ =	shalt  }
0x56: {  	_ =	shalt  }
0x57: {  	_ =	shalt  }
0x58: {  	_ =	shalt  }
0x59: {  	_ =	shalt  }
0x5a: {  	_ =	shalt  }
0x5b: {  	_ =	shalt  }
0x5c: {  	_ =	shalt  }
0x5d: {  	_ =	shalt  }
0x5e: {  	_ =	shalt  }
0x5f: {  	_ =	shalt  }
0x60: {  	_ =	shalt  }
0x61: {  	_ =	shalt  }
0x62: {  	_ =	shalt  }
0x63: {  	_ =	shalt  }
0x64: {  	_ =	shalt  }
0x65: {  	_ =	shalt  }
0x66: {  	_ =	shalt  }
0x67: {  	_ =	shalt  }
0x68: {  	_ =	shalt  }
0x69: {  	_ =	shalt  }
0x6a: {  	_ =	shalt  }
0x6b: {  	_ =	shalt  }
0x6c: {  	_ =	shalt  }
0x6d: {  	_ =	shalt  }
0x6e: {  	_ =	shalt  }
0x6f: {  	_ =	shalt  }
0x70: {  	_ =	shalt  }
0x71: {  	_ =	shalt  }
0x72: {  	_ =	shalt  }
0x73: {  	_ =	shalt  }
0x74: {  	_ =	shalt  }
0x75: {  	_ =	shalt  }
0x76: {  	_ =	shalt  }
0x77: {  	_ =	shalt  }
0x78: {  	_ =	shalt  }
0x79: {  	_ =	shalt  }
0x7a: {  	_ =	shalt  }
0x7b: {  	_ =	shalt  }
0x7c: {  	_ =	shalt  }
0x7d: {  	_ =	shalt  }
0x7e: {  	_ =	shalt  }
0x7f: {  	_ =	shalt  }
0x80: {  	_ =	shalt  }
0x81: {  	_ =	shalt  }
0x82: {  	_ =	shalt  }
0x83: {  	_ =	shalt  }
0x84: {  	_ =	shalt  }
0x85: {  	_ =	shalt  }
0x86: {  	_ =	shalt  }
0x87: {  	_ =	shalt  }
.Lfunc_end0:
.L_simem_size_0:
called_computation.2_lowered:
.L_overlay_start_0:
0x88: {  	s2 =	sld [smem:$0x3FD9]  }
0x89: {  	s3 =	sld [smem:$0x3FFE];
	_ =	sdelay $0x1  }
0x8a: {  	s1 =	srdreg.scid  }
0x8b: {  	s0 =	sand.u32 $0x1, s1  }
0x8c: {  	s17 =	sshll.u32 s0, $0xA;
	s2 =	sadd.s32 s3, s2  }
0x8d: {  	s2 =	sadd.s32 s2, s17  }
0x8e: {  	[smem:$0x3FC2] =	sst s2  }
0x8f: {  	_ = 	snop  }
0x90: {  	s2 =	sld [smem:$0x3FD0];
	(tm) =	ssettm $0x1  }
0x91: {  	s18 =	sld [smem:$0x3FFB];
	_ =	sdelay $0x3  }
0x92: {  	_ =	strace s18  }
0x93: {  	s3 =	sld [smem:$0x3FFC];
	_ =	sdelay $0x3  }
0x94: {  	_ =	strace s3  }
0x95: {  	s3 =	sld [smem:$0x3FFD];
	_ =	sdelay $0x3  }
0x96: {  	_ =	strace s3  }
0x97: {  	_ =	strace $0x8FFFFFFF  }
0x98: {  	s19 =	sld [smem:$0x3FDB];
	_ =	sdelay $0x1  }
0x99: {  	s4 =	simm.s32 $_scs_section_size  }
0x9a: {  	s5 =	simm.s32 $_size__tile_overlayer_lowered;
	s6 =	simm.s32 $_tile_overlayer_lowered  }
0x9b: {  	s22 =	simm.s32 $0x1BFF;
	s21 =	sshll.u32 s6, $0x1;
	s3 =	sadd.s32 s4, s19  }
0x9c: {  	s7 =	simm.s32 $0x0;
	s20 =	sshll.u32 s5, $0x1;
	s5 =	sadd.s32 s21, s3  }
0x9d: {  	[timem:s7], [sflag:s22] =	dma.local [hbm:s5], s20  }
0x9e: {  	_ =	swait.ge [sflag:s22], s20  }
0x9f: {  	s4 =	ssub.s32 $0x0, s20;
	[sflag:s22] =	ssyncset.done $0x0  }
0xa0: {  	[sflag:s22] =	ssyncadd.s32 s4;
	_ =	sdelay $0x1  }
0xa1: {  	s23 =	simm.s32 $0x1B8B  }
0xa2: {  	_ =	swait.ge [sflag:s23], $0x1  }
0xa3: {  	[sflag:s23] =	ssyncset.done $0x0  }
0xa4: {  	s25 =	simm.s32 $0x1B8E;
	s24 =	sld [smem:$0x3FFE];
	[sflag:s23] =	ssyncadd.s32 $0xFFFFFFFF  }
0xa5: {  	s26 =	simm.s32 $execute0_lowered;
	[smem:$0x3FD2] =	sst s25  }
0xa6: {  	s5 =	sshll.u32 s26, $0x1;
	_ =	strace $0x8000004C;
	[dreg:$0x1] =	wrdreg $0xFFFFFFFF  }
0xa7: {  	s28 =	simm.s32 $_size_execute0_lowered;
	s3 =	sadd.s32 s3, s5;
	[dreg:$0x0] =	wrdreg $0x0  }
0xa8: {  	s5 =	sshll.u32 s28, $0x1;
	[dreg:$0x2] =	wrdreg s3  }
0xa9: {  	[dreg:$0x3] =	wrdreg s5  }
0xaa: {  	[dreg:$0x4] =	wrdreg $0xC0  }
0xab: {  	_ =	task [dreg:s7], $0x5FFFF  }
0xac: {  	[dreg:$0x1] =	wrdreg $0xFFFFFFFF  }
0xad: {  	[dreg:$0x0] =	wrdreg $0x60  }
0xae: {  	[dreg:$0x2] =	wrdreg s24  }
0xaf: {  	[dreg:$0x3] =	wrdreg s2  }
0xb0: {  	[dreg:$0x4] =	wrdreg $0xA8000  }
0xb1: {  	[dreg:$0x5] =	wrdreg $0x9  }
0xb2: {  	_ =	task.clear_ibuf [dreg:s7], $0x6FFFF;
	_ =	strace $0x9000004C  }
0xb3: {  	s29 =	simm.s32 $0x9;
	_ =	strace $0x8000004E  }
0xb4: {  	_ =	swait.ge [sflag:s29], $0x1  }
0xb5: {  	[sflag:s29] =	ssyncadd.s32 $0xFFFFFFFF  }
0xb6: {  	_ =	strace $0x9000004E  }
0xb7: {  	_ =	sfence  }
0xb8: {  	s30 =	sld [smem:$0x0];
	_ =	sdelay $0x2  }
0xb9: {  	s31 =	sshll.u32 s1, $0xD;
	s1 =	sshrl.u32 s1, $0x2  }
0xba: {  	s3 =	sand.u32 $0x4000, s31;
	s1 =	sadd.s32 s1, s30  }
0xbb: {  	s0 =	sor.u32 s3, s0;
	s1 =	sshll.u32 s1, $0x11  }
0xbc: {  	s0 =	sor.u32 s1, s0  }
0xbd: {  	s0 =	sadd.s32 $0x8F2B, s0  }
0xbe: {  	[sflag:s0] =	ssyncadd.remote.s32 $0x1  }
0xbf: {  	_ =	sfence.sel $0xFFFF  }
0xc0: {  	[dreg:$0x0] =	wrdreg $0xFFFFFFFF;
	(pc) =	sbr.abs _section_cstart, $3  }
0xc1: {  	[dreg:$0x1] =	wrdreg $0xFFFFFFFF  }
0xc2: {  	_ =	task.clear_ibuf [dreg:s7], $0x2FFFF;
	_ =	strace $0x9FFFFFFF  }
0xc3: {  	(tm) =	ssettm $0x7FFFFFFF  }
tec
execute0_lowered:
.L_overlay_start_1:
0x0: {  	(tag) =	ssettag $0x1  }
0x1: {  	s0 =	rddreg [dreg:$0x0]  }
0x2: {  	s2 =	rddreg [dreg:$0x2];
	s3 =	simm.s32 $0x0;
	s1 =	srdreg.scid  }
0x3: {  	s15 =	stileid.u32;
	s28 =	simm.s32 $0x2;
	s29 =	simm.s32 $0x80  }
0x4: {  	s30 =	simm.s32 $0x6800;
	s31 =	simm.s32 $0x1380;
	[smem:$0x7FF] =	sst s3  }
0x5: {  	s5 =	sadd.s32 $0x8600, s0;
	s6 =	sadd.s32 $0x2F800, s0;
	s7 =	smul.u32 $0x2800, s15  }
0x6: {  	s4 =	sadd.s32 $0xB0000, s0;
	s1 =	sand.u32 $0x1, s1;
	s13 =	smul.u32 $0x278, s15  }
0x7: {  	s8 =	sadd.s32 $0x3600, s0;
	s11 =	smul.u32 $0x4F000, s15;
	s0 =	sadd.s32 $0x56A00, s0  }
0x8: {  	s17 =	smul.u32 $0x2780, s15;
	_ =	strace $0x8000004D;
	s9 =	ssub.s32 $0x2, s1  }
0x9: {  	[dreg:$0x4] =	wrdreg s0;
	p0 =	sne.s32 s1, $0x0;
	s1 =	simm.s32 $0x0  }
0xa: {  	s10 =	sshrl.u32 s9, $0x1;
	s7 =	sshrl.u32 s7, $0x3;
	s24 =	sshrl.u32 s11, $0x2  }
0xb: {  	s18 =	sadd.s32 $0x80, s13;
	s19 =	sadd.s32 $0x100, s13;
	s20 =	sadd.s32 $0x180, s13  }
0xc: {  	s21 =	sadd.s32 $0x200, s13;
	s0 =	ssub.s32 s9, s10;
	s22 =	sadd.s32 s4, s7  }
0xd: {  	s23 =	sadd.s32 s8, s7;
	s10 =	sadd.s32 s24, s2;
	s25 =	sshll.u32 s18, $0x7  }
0xe: {  	s12 =	sshll.u32 s19, $0x7;
	s14 =	sshll.u32 s20, $0x7;
	s26 =	sshll.u32 s21, $0x7  }
0xf: {  	s7 =	sadd.s32 $0x280, s7;
	s18 =	sshll.u32 s18, $0x4;
	s19 =	sshll.u32 s19, $0x4  }
0x10: {  	s20 =	sshll.u32 s20, $0x4;
	s21 =	sshll.u32 s21, $0x4;
	[dreg:$0x5] =	wrdreg s22  }
.Ltmp0:
0x11: {  	s24 =	simm.s32 $0x2800;
	[dreg:$0x6] =	wrdreg s23;
	(pc) =	sbr.rel .LBB2_1-.Ltmp0, $4  }
0x12: {  	s11 =	sadd.s32 s25, s2;
	s12 =	sadd.s32 s12, s2;
	s13 =	sadd.s32 s14, s2  }
0x13: {  	s14 =	sadd.s32 s26, s2;
	s4 =	sadd.s32 s4, s7;
	s16 =	sadd.s32 s8, s7  }
0x14: {  	s22 =	smax.u32 s0, $0x1;
	s25 =	simm.s32 $0x3;
	s26 =	simm.s32 $0x1  }
0x15: {  	v0 =	vimm.f32 $0.0e+00;
	s0 =	simm.s32 $0x2700;
	[dreg:$0x7] =	wrdreg s4;
	s4 =	simm.s32 $0x2780  }
.LBB2_13:
0x16: {  	s8 =	sadd.s32 $0x80, s7;
	[sflag:s25] =	ssyncadd.s32 $0xFFFFC000  }
0x17: {  	[tilespmem:s30], [sflag:$0x2] =	stream.indirect.gather [hbm4b:s6+s29], $0x80, s8, s29, $0xb8;
	[tilespmem:$0x1E400] =	vst v63  }
0x18: {  	_ =	swait.ge [sflag:s26], $0x4000  }
0x19: {  	[sflag:s26] =	ssyncset.done $0x0  }
0x1a: {  	s9 =	sadd.s32 $0x1400, s7;
	[sflag:s26] =	ssyncadd.s32 $0xFFFFC000  }
0x1b: {  	[spmem:s2] =	stream.indirect.scatter.add.f32 [tilespmem:s24], [sflag:$0x3], $0x80, s9, s29, $0xb8;
	[tilespmem:$0x1E400] =	vst v63  }
0x1c: {  	_ =	swait.ge [sflag:s25], $0x4000  }
0x1d: {  	[sflag:s25] =	ssyncset.done $0x0  }
0x1e: {  	s15 =	sadd.s32 $0x100, s7;
	[sflag:s25] =	ssyncadd.s32 $0xFFFFC000  }
0x1f: {  	[tilespmem:s24], [sflag:$0x1] =	stream.indirect.gather [hbm4b:s6+s29], $0x80, s15, s29, $0xb8;
	[tilespmem:$0x1E400] =	vst v63  }
0x20: {  	_ =	swait.ge [sflag:s28], $0x4000  }
0x21: {  	[sflag:s28] =	ssyncset.done $0x0  }
0x22: {  	s23 =	sadd.s32 $0x1480, s7;
	[sflag:s28] =	ssyncadd.s32 $0xFFFFC000  }
0x23: {  	[spmem:s2] =	stream.indirect.scatter.add.f32 [tilespmem:s30], [sflag:$0x3], $0x80, s23, s29, $0xb8;
	[tilespmem:$0x1E400] =	vst v63  }
0x24: {  	_ =	swait.ge [sflag:s25], $0x4000  }
0x25: {  	[sflag:s25] =	ssyncset.done $0x0  }
0x26: {  	[sflag:s25] =	ssyncadd.s32 $0xFFFFC000  }
0x27: {  	[tilespmem:s30], [sflag:$0x2] =	stream.indirect.gather [hbm4b:s6+s29], $0x80, s31, s29, $0xb8;
	[tilespmem:$0x1E400] =	vst v63  }
0x28: {  	_ =	swait.ge [sflag:s26], $0x4000  }
0x29: {  	[sflag:s26] =	ssyncset.done $0x0  }
0x2a: {  	[sflag:s26] =	ssyncadd.s32 $0xFFFFC000  }
0x2b: {  	[spmem:s2] =	stream.indirect.scatter.add.f32 [tilespmem:s24], [sflag:$0x3], $0x80, s0, s29, $0xb8;
	[tilespmem:$0x1E400] =	vst v63  }
0x2c: {  	_ =	swait.ge [sflag:s25], $0x4000  }
0x2d: {  	[sflag:s25] =	ssyncset.done $0x0  }
0x2e: {  	[sflag:s25] =	ssyncadd.s32 $0xFFFFC000  }
0x2f: {  	_ =	swait.ge [sflag:s28], $0x4000  }
0x30: {  	[sflag:s28] =	ssyncset.done $0x0  }
0x31: {  	[sflag:s28] =	ssyncadd.s32 $0xFFFFC000  }
0x32: {  	[spmem:s2] =	stream.indirect.scatter.add.f32 [tilespmem:s30], [sflag:$0x3], $0x80, s4, s29, $0xb8;
	[tilespmem:$0x1E400] =	vst v63  }
0x33: {  	_ =	swait.ge [sflag:s25], $0x4000  }
0x34: {  	[sflag:s25] =	ssyncset.done $0x0  }
0x35: {  	s7 =	rddreg [dreg:$0x4];
	[sflag:s25] =	ssyncadd.s32 $0xFFFFC000  }
.LBB2_14:
0x36: {  	[bflag:$0x0] =	sbarrier.arrive $0xFFFF  }
0x37: {  	[tilespmem:s24], [sflag:$0x3] =	stream.linear.gather [spmem:s10], $0x4000, $0x38;
	[tilespmem:$0x1E400] =	vst v63  }
0x38: {  	_ =	swait.ge [sflag:s25], $0x4000  }
0x39: {  	[sflag:s25] =	ssyncset.done $0x0  }
0x3a: {  	s8 =	sadd.s32 s7, s17;
	[sflag:s25] =	ssyncadd.s32 $0xFFFFC000  }
0x3b: {  	[hbm4b:s8+s3] =	stream.linear.scatter [tilespmem:s24], [sflag:$0x1], $0x4000, $0x38;
	[tilespmem:$0x1E400] =	vst v63  }
0x3c: {  	_ = 	snop  }
0x3d: {  	[tilespmem:s30], [sflag:$0x3] =	stream.linear.gather [spmem:s11], $0x4000, $0x38;
	[tilespmem:$0x1E400] =	vst v63  }
0x3e: {  	_ =	swait.ge [sflag:s25], $0x4000  }
0x3f: {  	[sflag:s25] =	ssyncset.done $0x0  }
0x40: {  	s23 =	sadd.s32 s7, s18;
	[sflag:s25] =	ssyncadd.s32 $0xFFFFC000  }
0x41: {  	[hbm4b:s23+s3] =	stream.linear.scatter [tilespmem:s30], [sflag:$0x2], $0x4000, $0x38;
	[tilespmem:$0x1E400] =	vst v63  }
0x42: {  	_ =	swait.ge [sflag:s26], $0x4000  }
0x43: {  	[sflag:s26] =	ssyncset.done $0x0  }
0x44: {  	[sflag:s26] =	ssyncadd.s32 $0xFFFFC000  }
0x45: {  	[tilespmem:s24], [sflag:$0x3] =	stream.linear.gather [spmem:s12], $0x4000, $0x38;
	[tilespmem:$0x1E400] =	vst v63  }
0x46: {  	_ =	swait.ge [sflag:s25], $0x4000  }
0x47: {  	[sflag:s25] =	ssyncset.done $0x0  }
0x48: {  	s9 =	sadd.s32 s7, s19;
	[sflag:s25] =	ssyncadd.s32 $0xFFFFC000  }
0x49: {  	[hbm4b:s9+s3] =	stream.linear.scatter [tilespmem:s24], [sflag:$0x1], $0x4000, $0x38;
	[tilespmem:$0x1E400] =	vst v63  }
0x4a: {  	_ =	swait.ge [sflag:s28], $0x4000  }
0x4b: {  	[sflag:s28] =	ssyncset.done $0x0  }
0x4c: {  	[sflag:s28] =	ssyncadd.s32 $0xFFFFC000  }
0x4d: {  	[tilespmem:s30], [sflag:$0x3] =	stream.linear.gather [spmem:s13], $0x4000, $0x38;
	[tilespmem:$0x1E400] =	vst v63  }
0x4e: {  	_ =	swait.ge [sflag:s25], $0x4000  }
0x4f: {  	[sflag:s25] =	ssyncset.done $0x0  }
0x50: {  	s15 =	sadd.s32 s7, s20;
	[sflag:s25] =	ssyncadd.s32 $0xFFFFC000  }
0x51: {  	[hbm4b:s15+s3] =	stream.linear.scatter [tilespmem:s30], [sflag:$0x2], $0x4000, $0x38;
	[tilespmem:$0x1E400] =	vst v63  }
0x52: {  	_ =	swait.ge [sflag:s26], $0x4000  }
0x53: {  	[sflag:s26] =	ssyncset.done $0x0  }
0x54: {  	[sflag:s26] =	ssyncadd.s32 $0xFFFFC000  }
0x55: {  	[tilespmem:s24], [sflag:$0x3] =	stream.linear.gather [spmem:s14], $0x3C00, $0x38;
	[tilespmem:$0x1E400] =	vst v63  }
0x56: {  	_ =	swait.ge [sflag:s25], $0x3C00  }
0x57: {  	[sflag:s25] =	ssyncset.done $0x0  }
0x58: {  	s1 =	sadd.s32 $0x1, s1;
	s23 =	sadd.s32 s7, s21;
	[sflag:s25] =	ssyncadd.s32 $0xFFFFC400  }
0x59: {  	[hbm4b:s23+s3] =	stream.linear.scatter [tilespmem:s24], [sflag:$0x1], $0x3C00, $0x38;
	[tilespmem:$0x1E400] =	vst v63  }
0x5a: {  	p1 =	sne.s32 s1, s22;
	_ =	swait.ge [sflag:s26], $0x3C00  }
.Ltmp1:
0x5b: {  	[sflag:s26] =	ssyncset.done $0x0;
	(pc) =	sbr.rel @!p1 .LBB2_15-.Ltmp1, $4  }
0x5c: {  	[sflag:s26] =	ssyncadd.s32 $0xFFFFC400  }
0x5d: {  	_ =	swait.ge [sflag:s28], $0x4000  }
0x5e: {  	[sflag:s28] =	ssyncset.done $0x0  }
0x5f: {  	[sflag:s28] =	ssyncadd.s32 $0xFFFFC000  }
.LBB2_1:
0x60: {  	s7 =	rddreg [dreg:$0x5]  }
0x61: {  	[tilespmem:s3], [sflag:$0x1] =	stream.linear.gather [hbm4b:s7+s3], $0x1400, $0x38;
	[tilespmem:$0x1E400] =	vst v63  }
0x62: {  	s23 =	rddreg [dreg:$0x6];
	s8 =	simm.s32 $0x1400  }
0x63: {  	[tilespmem:s8], [sflag:$0x2] =	stream.linear.gather [hbm4b:s23+s3], $0x1400, $0x38;
	[tilespmem:$0x1E400] =	vst v63  }
0x64: {  	s7 =	simm.s32 $0x0;
	s8 =	simm.s32 $0x200  }
.LBB2_2:
0x65: {  	p1 =	sne.s32 s8, $0xFE00;
	[tilespmem:s7+$0x2870] =	vst v0  }
0x66: {  	[tilespmem:s7+$0x2800] =	vst v0  }
0x67: {  	[tilespmem:s7+$0x2810] =	vst v0  }
.Ltmp2:
0x68: {  	[tilespmem:s7+$0x2820] =	vst v0;
	(pc) =	sbr.rel @p1 .LBB2_2-.Ltmp2, $4  }
0x69: {  	[tilespmem:s7+$0x2830] =	vst v0  }
0x6a: {  	[tilespmem:s7+$0x2840] =	vst v0  }
0x6b: {  	[tilespmem:s7+$0x2850] =	vst v0  }
0x6c: {  	[tilespmem:s7+$0x2860] =	vst v0;
	s7 =	sshra.s32 s8, $0x2;
	s8 =	sadd.s32 $0x200, s8  }
0x6d: {  	[tilespmem:s7+$0x2870] =	vst v0  }
0x6e: {  	[tilespmem:s7+$0x2800] =	vst v0  }
0x6f: {  	[tilespmem:s7+$0x2810] =	vst v0  }
0x70: {  	[tilespmem:s7+$0x2820] =	vst v0  }
0x71: {  	[tilespmem:s7+$0x2830] =	vst v0  }
0x72: {  	[tilespmem:s7+$0x2840] =	vst v0  }
0x73: {  	[tilespmem:s7+$0x2850] =	vst v0  }
0x74: {  	[tilespmem:s7+$0x2860] =	vst v0  }
0x75: {  	[spmem:s10] =	stream.linear.scatter [tilespmem:s24], [sflag:$0x3], $0x4000, $0x38;
	[tilespmem:$0x1E400] =	vst v63  }
0x76: {  	_ =	swait.ge [sflag:s25], $0x4000  }
0x77: {  	[sflag:s25] =	ssyncset.done $0x0  }
0x78: {  	[sflag:s25] =	ssyncadd.s32 $0xFFFFC000  }
0x79: {  	[spmem:s11] =	stream.linear.scatter [tilespmem:s24], [sflag:$0x3], $0x4000, $0x38;
	[tilespmem:$0x1E400] =	vst v63  }
0x7a: {  	_ =	swait.ge [sflag:s25], $0x4000  }
0x7b: {  	[sflag:s25] =	ssyncset.done $0x0  }
0x7c: {  	[sflag:s25] =	ssyncadd.s32 $0xFFFFC000  }
0x7d: {  	[spmem:s12] =	stream.linear.scatter [tilespmem:s24], [sflag:$0x3], $0x4000, $0x38;
	[tilespmem:$0x1E400] =	vst v63  }
0x7e: {  	_ =	swait.ge [sflag:s25], $0x4000  }
0x7f: {  	[sflag:s25] =	ssyncset.done $0x0  }
0x80: {  	[sflag:s25] =	ssyncadd.s32 $0xFFFFC000  }
0x81: {  	[spmem:s13] =	stream.linear.scatter [tilespmem:s24], [sflag:$0x3], $0x4000, $0x38;
	[tilespmem:$0x1E400] =	vst v63  }
0x82: {  	_ =	swait.ge [sflag:s25], $0x4000  }
0x83: {  	[sflag:s25] =	ssyncset.done $0x0  }
0x84: {  	[sflag:s25] =	ssyncadd.s32 $0xFFFFC000  }
0x85: {  	[spmem:s14] =	stream.linear.scatter [tilespmem:s24], [sflag:$0x3], $0x3C00, $0x38;
	[tilespmem:$0x1E400] =	vst v63  }
0x86: {  	_ =	swait.ge [sflag:s25], $0x3C00  }
0x87: {  	[sflag:s25] =	ssyncset.done $0x0  }
0x88: {  	[sflag:s25] =	ssyncadd.s32 $0xFFFFC400  }
0x89: {  	_ =	swait.ge [sflag:s26], $0x1400  }
0x8a: {  	[sflag:s26] =	ssyncset.done $0x0  }
0x8b: {  	[sflag:s26] =	ssyncadd.s32 $0xFFFFEC00  }
.Ltmp3:
0x8c: {  	_ =	swait.ge [sflag:s28], $0x1400;
	(pc) =	sbr.rel @p0 .LBB2_9-.Ltmp3, $4  }
0x8d: {  	[sflag:s28] =	ssyncset.done $0x0  }
0x8e: {  	[sflag:s28] =	ssyncadd.s32 $0xFFFFEC00  }
0x8f: {  	[bflag:$0x0] =	sbarrier.arrive $0xFFFF  }
0x90: {  	s7 =	simm.s32 $0x0  }
0x91: {  	[tilespmem:s24], [sflag:$0x1] =	stream.indirect.gather [hbm4b:s5+s29], $0x80, s7, s29, $0xb8;
	[tilespmem:$0x1E400] =	vst v63  }
0x92: {  	s8 =	simm.s32 $0x80  }
0x93: {  	[tilespmem:s30], [sflag:$0x2] =	stream.indirect.gather [hbm4b:s5+s29], $0x80, s8, s29, $0xb8;
	[tilespmem:$0x1E400] =	vst v63  }
0x94: {  	_ =	swait.ge [sflag:s26], $0x4000  }
0x95: {  	[sflag:s26] =	ssyncset.done $0x0  }
0x96: {  	s9 =	simm.s32 $0x1400;
	[sflag:s26] =	ssyncadd.s32 $0xFFFFC000  }
0x97: {  	[spmem:s2] =	stream.indirect.scatter.add.f32 [tilespmem:s24], [sflag:$0x3], $0x80, s9, s29, $0xb8;
	[tilespmem:$0x1E400] =	vst v63  }
0x98: {  	_ =	swait.ge [sflag:s25], $0x4000  }
0x99: {  	[sflag:s25] =	ssyncset.done $0x0  }
0x9a: {  	s15 =	simm.s32 $0x100;
	[sflag:s25] =	ssyncadd.s32 $0xFFFFC000  }
0x9b: {  	[tilespmem:s24], [sflag:$0x1] =	stream.indirect.gather [hbm4b:s5+s29], $0x80, s15, s29, $0xb8;
	[tilespmem:$0x1E400] =	vst v63  }
0x9c: {  	_ =	swait.ge [sflag:s28], $0x4000  }
0x9d: {  	[sflag:s28] =	ssyncset.done $0x0  }
0x9e: {  	s23 =	simm.s32 $0x1480;
	[sflag:s28] =	ssyncadd.s32 $0xFFFFC000  }
0x9f: {  	[spmem:s2] =	stream.indirect.scatter.add.f32 [tilespmem:s30], [sflag:$0x3], $0x80, s23, s29, $0xb8;
	[tilespmem:$0x1E400] =	vst v63  }
0xa0: {  	_ =	swait.ge [sflag:s25], $0x4000  }
0xa1: {  	s7 =	simm.s32 $0x100;
	s8 =	simm.s32 $0x800;
	[sflag:s25] =	ssyncset.done $0x0  }
.LBB2_5:
0xa2: {  	s9 =	sadd.s32 $0x80, s7  }
0xa3: {  	[sflag:s25] =	ssyncadd.s32 $0xFFFFC000;
	s23 =	smov.u32 s8;
	s15 =	sadd.s32 $0x400, s8  }
0xa4: {  	[tilespmem:s30], [sflag:$0x2] =	stream.indirect.gather [hbm4b:s5+s29], $0x80, s9, s29, $0xb8;
	[tilespmem:$0x1E400] =	vst v63  }
0xa5: {  	p1 =	sne.s32 s8, $0x4800;
	_ =	swait.ge [sflag:s26], $0x4000  }
0xa6: {  	[sflag:s26] =	ssyncset.done $0x0  }
0xa7: {  	s8 =	sadd.s32 $0x1400, s7;
	[sflag:s26] =	ssyncadd.s32 $0xFFFFC000  }
0xa8: {  	[spmem:s2] =	stream.indirect.scatter.add.f32 [tilespmem:s24], [sflag:$0x3], $0x80, s8, s29, $0xb8;
	[tilespmem:$0x1E400] =	vst v63  }
0xa9: {  	_ =	swait.ge [sflag:s25], $0x4000  }
0xaa: {  	[sflag:s25] =	ssyncset.done $0x0  }
0xab: {  	s8 =	sadd.s32 $0x100, s7;
	[sflag:s25] =	ssyncadd.s32 $0xFFFFC000  }
0xac: {  	[tilespmem:s24], [sflag:$0x1] =	stream.indirect.gather [hbm4b:s5+s29], $0x80, s8, s29, $0xb8;
	[tilespmem:$0x1E400] =	vst v63  }
0xad: {  	_ =	swait.ge [sflag:s28], $0x4000  }
.Ltmp4:
0xae: {  	[sflag:s28] =	ssyncset.done $0x0;
	(pc) =	sbr.rel @p1 .LBB2_5-.Ltmp4, $4  }
0xaf: {  	s7 =	sadd.s32 $0x1480, s7;
	[sflag:s28] =	ssyncadd.s32 $0xFFFFC000  }
0xb0: {  	[spmem:s2] =	stream.indirect.scatter.add.f32 [tilespmem:s30], [sflag:$0x3], $0x80, s7, s29, $0xb8;
	[tilespmem:$0x1E400] =	vst v63  }
0xb1: {  	_ =	swait.ge [sflag:s25], $0x4000  }
0xb2: {  	s8 =	smov.u32 s15;
	s7 =	sshra.s32 s23, $0x2;
	[sflag:s25] =	ssyncset.done $0x0  }
0xb3: {  	s8 =	sadd.s32 $0x80, s7;
	[sflag:s25] =	ssyncadd.s32 $0xFFFFC000  }
0xb4: {  	[tilespmem:s30], [sflag:$0x2] =	stream.indirect.gather [hbm4b:s5+s29], $0x80, s8, s29, $0xb8;
	[tilespmem:$0x1E400] =	vst v63  }
0xb5: {  	_ =	swait.ge [sflag:s26], $0x4000  }
0xb6: {  	[sflag:s26] =	ssyncset.done $0x0  }
0xb7: {  	s15 =	sadd.s32 $0x1400, s7;
	[sflag:s26] =	ssyncadd.s32 $0xFFFFC000  }
0xb8: {  	[spmem:s2] =	stream.indirect.scatter.add.f32 [tilespmem:s24], [sflag:$0x3], $0x80, s15, s29, $0xb8;
	[tilespmem:$0x1E400] =	vst v63  }
0xb9: {  	_ =	swait.ge [sflag:s25], $0x4000  }
0xba: {  	[sflag:s25] =	ssyncset.done $0x0  }
0xbb: {  	s23 =	sadd.s32 $0x100, s7;
	[sflag:s25] =	ssyncadd.s32 $0xFFFFC000  }
0xbc: {  	[tilespmem:s24], [sflag:$0x1] =	stream.indirect.gather [hbm4b:s5+s29], $0x80, s23, s29, $0xb8;
	[tilespmem:$0x1E400] =	vst v63  }
0xbd: {  	_ =	swait.ge [sflag:s28], $0x4000  }
0xbe: {  	[sflag:s28] =	ssyncset.done $0x0  }
0xbf: {  	s8 =	sadd.s32 $0x1480, s7;
	[sflag:s28] =	ssyncadd.s32 $0xFFFFC000  }
0xc0: {  	[spmem:s2] =	stream.indirect.scatter.add.f32 [tilespmem:s30], [sflag:$0x3], $0x80, s8, s29, $0xb8;
	[tilespmem:$0x1E400] =	vst v63  }
0xc1: {  	_ =	swait.ge [sflag:s25], $0x4000  }
0xc2: {  	[sflag:s25] =	ssyncset.done $0x0  }
0xc3: {  	[sflag:s25] =	ssyncadd.s32 $0xFFFFC000  }
0xc4: {  	[tilespmem:s30], [sflag:$0x2] =	stream.indirect.gather [hbm4b:s5+s29], $0x80, s31, s29, $0xb8;
	[tilespmem:$0x1E400] =	vst v63  }
0xc5: {  	_ =	swait.ge [sflag:s26], $0x4000  }
0xc6: {  	[sflag:s26] =	ssyncset.done $0x0  }
0xc7: {  	[sflag:s26] =	ssyncadd.s32 $0xFFFFC000  }
0xc8: {  	[spmem:s2] =	stream.indirect.scatter.add.f32 [tilespmem:s24], [sflag:$0x3], $0x80, s0, s29, $0xb8;
	[tilespmem:$0x1E400] =	vst v63  }
0xc9: {  	_ =	swait.ge [sflag:s25], $0x4000  }
0xca: {  	[sflag:s25] =	ssyncset.done $0x0  }
0xcb: {  	[sflag:s25] =	ssyncadd.s32 $0xFFFFC000  }
0xcc: {  	_ =	swait.ge [sflag:s28], $0x4000  }
0xcd: {  	[sflag:s28] =	ssyncset.done $0x0  }
0xce: {  	[sflag:s28] =	ssyncadd.s32 $0xFFFFC000  }
0xcf: {  	[spmem:s2] =	stream.indirect.scatter.add.f32 [tilespmem:s30], [sflag:$0x3], $0x80, s4, s29, $0xb8;
	[tilespmem:$0x1E400] =	vst v63  }
0xd0: {  	_ =	swait.ge [sflag:s25], $0x4000  }
0xd1: {  	[sflag:s25] =	ssyncset.done $0x0  }
0xd2: {  	s9 =	simm.s32 $0x0;
	s15 =	rddreg [dreg:$0x7];
	[sflag:s25] =	ssyncadd.s32 $0xFFFFC000  }
0xd3: {  	[tilespmem:s9], [sflag:$0x3] =	stream.linear.gather [hbm4b:s15+s9], $0x1400, $0x38;
	[tilespmem:$0x1E400] =	vst v63  }
0xd4: {  	_ =	swait.ge [sflag:s25], $0x1400  }
0xd5: {  	[sflag:s25] =	ssyncset.done $0x0  }
0xd6: {  	s23 =	simm.s32 $0x1400;
	[sflag:s25] =	ssyncadd.s32 $0xFFFFEC00  }
0xd7: {  	[tilespmem:s23], [sflag:$0x3] =	stream.linear.gather [hbm4b:s16+s9], $0x1400, $0x38;
	[tilespmem:$0x1E400] =	vst v63  }
0xd8: {  	_ =	swait.ge [sflag:s25], $0x1400  }
0xd9: {  	[sflag:s25] =	ssyncset.done $0x0  }
0xda: {  	[sflag:s25] =	ssyncadd.s32 $0xFFFFEC00  }
0xdb: {  	[tilespmem:s24], [sflag:$0x1] =	stream.indirect.gather [hbm4b:s5+s29], $0x80, s9, s29, $0xb8;
	[tilespmem:$0x1E400] =	vst v63  }
0xdc: {  	s8 =	simm.s32 $0x80  }
0xdd: {  	[tilespmem:s30], [sflag:$0x2] =	stream.indirect.gather [hbm4b:s5+s29], $0x80, s8, s29, $0xb8;
	[tilespmem:$0x1E400] =	vst v63  }
0xde: {  	_ =	swait.ge [sflag:s26], $0x4000  }
0xdf: {  	[sflag:s26] =	ssyncset.done $0x0  }
0xe0: {  	s9 =	simm.s32 $0x1400;
	[sflag:s26] =	ssyncadd.s32 $0xFFFFC000  }
0xe1: {  	[spmem:s2] =	stream.indirect.scatter.add.f32 [tilespmem:s24], [sflag:$0x3], $0x80, s9, s29, $0xb8;
	[tilespmem:$0x1E400] =	vst v63  }
0xe2: {  	_ =	swait.ge [sflag:s25], $0x4000  }
0xe3: {  	[sflag:s25] =	ssyncset.done $0x0  }
0xe4: {  	s15 =	simm.s32 $0x100;
	[sflag:s25] =	ssyncadd.s32 $0xFFFFC000  }
0xe5: {  	[tilespmem:s24], [sflag:$0x1] =	stream.indirect.gather [hbm4b:s5+s29], $0x80, s15, s29, $0xb8;
	[tilespmem:$0x1E400] =	vst v63  }
0xe6: {  	_ =	swait.ge [sflag:s28], $0x4000  }
0xe7: {  	[sflag:s28] =	ssyncset.done $0x0  }
0xe8: {  	s23 =	simm.s32 $0x1480;
	[sflag:s28] =	ssyncadd.s32 $0xFFFFC000  }
0xe9: {  	[spmem:s2] =	stream.indirect.scatter.add.f32 [tilespmem:s30], [sflag:$0x3], $0x80, s23, s29, $0xb8;
	[tilespmem:$0x1E400] =	vst v63  }
0xea: {  	_ =	swait.ge [sflag:s25], $0x4000  }
0xeb: {  	s7 =	simm.s32 $0x100;
	s8 =	simm.s32 $0x800;
	[sflag:s25] =	ssyncset.done $0x0  }
.LBB2_7:
0xec: {  	s9 =	sadd.s32 $0x80, s7  }
0xed: {  	[sflag:s25] =	ssyncadd.s32 $0xFFFFC000;
	s15 =	smov.u32 s8;
	s23 =	sadd.s32 $0x400, s8  }
0xee: {  	[tilespmem:s30], [sflag:$0x2] =	stream.indirect.gather [hbm4b:s5+s29], $0x80, s9, s29, $0xb8;
	[tilespmem:$0x1E400] =	vst v63  }
0xef: {  	p1 =	sne.s32 s8, $0x4800;
	_ =	swait.ge [sflag:s26], $0x4000  }
0xf0: {  	[sflag:s26] =	ssyncset.done $0x0  }
0xf1: {  	s8 =	sadd.s32 $0x1400, s7;
	[sflag:s26] =	ssyncadd.s32 $0xFFFFC000  }
0xf2: {  	[spmem:s2] =	stream.indirect.scatter.add.f32 [tilespmem:s24], [sflag:$0x3], $0x80, s8, s29, $0xb8;
	[tilespmem:$0x1E400] =	vst v63  }
0xf3: {  	_ =	swait.ge [sflag:s25], $0x4000  }
0xf4: {  	[sflag:s25] =	ssyncset.done $0x0  }
0xf5: {  	s8 =	sadd.s32 $0x100, s7;
	[sflag:s25] =	ssyncadd.s32 $0xFFFFC000  }
0xf6: {  	[tilespmem:s24], [sflag:$0x1] =	stream.indirect.gather [hbm4b:s5+s29], $0x80, s8, s29, $0xb8;
	[tilespmem:$0x1E400] =	vst v63  }
0xf7: {  	_ =	swait.ge [sflag:s28], $0x4000  }
.Ltmp5:
0xf8: {  	[sflag:s28] =	ssyncset.done $0x0;
	(pc) =	sbr.rel @p1 .LBB2_7-.Ltmp5, $4  }
0xf9: {  	s7 =	sadd.s32 $0x1480, s7;
	[sflag:s28] =	ssyncadd.s32 $0xFFFFC000  }
0xfa: {  	[spmem:s2] =	stream.indirect.scatter.add.f32 [tilespmem:s30], [sflag:$0x3], $0x80, s7, s29, $0xb8;
	[tilespmem:$0x1E400] =	vst v63  }
0xfb: {  	_ =	swait.ge [sflag:s25], $0x4000  }
0xfc: {  	s8 =	smov.u32 s23;
	s7 =	sshra.s32 s15, $0x2;
	[sflag:s25] =	ssyncset.done $0x0  }
0xfd: {  	s8 =	sadd.s32 $0x80, s7;
	[sflag:s25] =	ssyncadd.s32 $0xFFFFC000  }
0xfe: {  	[tilespmem:s30], [sflag:$0x2] =	stream.indirect.gather [hbm4b:s5+s29], $0x80, s8, s29, $0xb8;
	[tilespmem:$0x1E400] =	vst v63  }
0xff: {  	_ =	swait.ge [sflag:s26], $0x4000  }
0x100: {  	[sflag:s26] =	ssyncset.done $0x0  }
0x101: {  	s9 =	sadd.s32 $0x1400, s7;
	[sflag:s26] =	ssyncadd.s32 $0xFFFFC000  }
0x102: {  	[spmem:s2] =	stream.indirect.scatter.add.f32 [tilespmem:s24], [sflag:$0x3], $0x80, s9, s29, $0xb8;
	[tilespmem:$0x1E400] =	vst v63  }
0x103: {  	_ =	swait.ge [sflag:s25], $0x4000  }
0x104: {  	[sflag:s25] =	ssyncset.done $0x0  }
0x105: {  	s15 =	sadd.s32 $0x100, s7;
	[sflag:s25] =	ssyncadd.s32 $0xFFFFC000  }
0x106: {  	[tilespmem:s24], [sflag:$0x1] =	stream.indirect.gather [hbm4b:s5+s29], $0x80, s15, s29, $0xb8;
	[tilespmem:$0x1E400] =	vst v63  }
0x107: {  	_ =	swait.ge [sflag:s28], $0x4000  }
0x108: {  	[sflag:s28] =	ssyncset.done $0x0  }
0x109: {  	s23 =	sadd.s32 $0x1480, s7;
	[sflag:s28] =	ssyncadd.s32 $0xFFFFC000  }
0x10a: {  	[spmem:s2] =	stream.indirect.scatter.add.f32 [tilespmem:s30], [sflag:$0x3], $0x80, s23, s29, $0xb8;
	[tilespmem:$0x1E400] =	vst v63  }
0x10b: {  	_ =	swait.ge [sflag:s25], $0x4000  }
0x10c: {  	[sflag:s25] =	ssyncset.done $0x0  }
0x10d: {  	[sflag:s25] =	ssyncadd.s32 $0xFFFFC000  }
0x10e: {  	[tilespmem:s30], [sflag:$0x2] =	stream.indirect.gather [hbm4b:s5+s29], $0x80, s31, s29, $0xb8;
	[tilespmem:$0x1E400] =	vst v63  }
0x10f: {  	_ =	swait.ge [sflag:s26], $0x4000  }
0x110: {  	[sflag:s26] =	ssyncset.done $0x0  }
0x111: {  	[sflag:s26] =	ssyncadd.s32 $0xFFFFC000  }
0x112: {  	[spmem:s2] =	stream.indirect.scatter.add.f32 [tilespmem:s24], [sflag:$0x3], $0x80, s0, s29, $0xb8;
	[tilespmem:$0x1E400] =	vst v63  }
0x113: {  	_ =	swait.ge [sflag:s25], $0x4000  }
0x114: {  	[sflag:s25] =	ssyncset.done $0x0  }
0x115: {  	[sflag:s25] =	ssyncadd.s32 $0xFFFFC000  }
0x116: {  	_ =	swait.ge [sflag:s28], $0x4000  }
0x117: {  	[sflag:s28] =	ssyncset.done $0x0  }
0x118: {  	[sflag:s28] =	ssyncadd.s32 $0xFFFFC000  }
0x119: {  	[spmem:s2] =	stream.indirect.scatter.add.f32 [tilespmem:s30], [sflag:$0x3], $0x80, s4, s29, $0xb8;
	[tilespmem:$0x1E400] =	vst v63  }
.Ltmp6:
0x11a: {  	_ = 	snop;
	(pc) =	sbr.rel .LBB2_14-.Ltmp6, $4  }
0x11b: {  	_ =	swait.ge [sflag:s25], $0x4000  }
0x11c: {  	[sflag:s25] =	ssyncset.done $0x0  }
0x11d: {  	[sflag:s25] =	ssyncadd.s32 $0xFFFFC000  }
0x11e: {  	s7 =	rddreg [dreg:$0x1]  }
.LBB2_9:
0x11f: {  	[tilespmem:s24], [sflag:$0x1] =	stream.indirect.gather [hbm4b:s6+s29], $0x80, s7, s29, $0xb8;
	[tilespmem:$0x1E400] =	vst v63  }
0x120: {  	s8 =	simm.s32 $0x80  }
0x121: {  	[tilespmem:s30], [sflag:$0x2] =	stream.indirect.gather [hbm4b:s6+s29], $0x80, s8, s29, $0xb8;
	[tilespmem:$0x1E400] =	vst v63  }
0x122: {  	_ =	swait.ge [sflag:s26], $0x4000  }
0x123: {  	[sflag:s26] =	ssyncset.done $0x0  }
0x124: {  	s9 =	simm.s32 $0x1400;
	[sflag:s26] =	ssyncadd.s32 $0xFFFFC000  }
0x125: {  	[spmem:s2] =	stream.indirect.scatter.add.f32 [tilespmem:s24], [sflag:$0x3], $0x80, s9, s29, $0xb8;
	[tilespmem:$0x1E400] =	vst v63  }
0x126: {  	_ =	swait.ge [sflag:s25], $0x4000  }
0x127: {  	[sflag:s25] =	ssyncset.done $0x0  }
0x128: {  	s15 =	simm.s32 $0x100;
	[sflag:s25] =	ssyncadd.s32 $0xFFFFC000  }
0x129: {  	[tilespmem:s24], [sflag:$0x1] =	stream.indirect.gather [hbm4b:s6+s29], $0x80, s15, s29, $0xb8;
	[tilespmem:$0x1E400] =	vst v63  }
0x12a: {  	_ =	swait.ge [sflag:s28], $0x4000  }
0x12b: {  	[sflag:s28] =	ssyncset.done $0x0  }
0x12c: {  	s23 =	simm.s32 $0x1480;
	[sflag:s28] =	ssyncadd.s32 $0xFFFFC000  }
0x12d: {  	[spmem:s2] =	stream.indirect.scatter.add.f32 [tilespmem:s30], [sflag:$0x3], $0x80, s23, s29, $0xb8;
	[tilespmem:$0x1E400] =	vst v63  }
0x12e: {  	_ =	swait.ge [sflag:s25], $0x4000  }
0x12f: {  	s7 =	simm.s32 $0x100;
	s8 =	simm.s32 $0x800;
	[sflag:s25] =	ssyncset.done $0x0  }
.LBB2_10:
0x130: {  	s9 =	sadd.s32 $0x80, s7  }
0x131: {  	[sflag:s25] =	ssyncadd.s32 $0xFFFFC000;
	s15 =	smov.u32 s8;
	s23 =	sadd.s32 $0x400, s8  }
0x132: {  	[tilespmem:s30], [sflag:$0x2] =	stream.indirect.gather [hbm4b:s6+s29], $0x80, s9, s29, $0xb8;
	[tilespmem:$0x1E400] =	vst v63  }
0x133: {  	p1 =	sne.s32 s8, $0x4800;
	_ =	swait.ge [sflag:s26], $0x4000  }
0x134: {  	[sflag:s26] =	ssyncset.done $0x0  }
0x135: {  	s8 =	sadd.s32 $0x1400, s7;
	[sflag:s26] =	ssyncadd.s32 $0xFFFFC000  }
0x136: {  	[spmem:s2] =	stream.indirect.scatter.add.f32 [tilespmem:s24], [sflag:$0x3], $0x80, s8, s29, $0xb8;
	[tilespmem:$0x1E400] =	vst v63  }
0x137: {  	_ =	swait.ge [sflag:s25], $0x4000  }
0x138: {  	[sflag:s25] =	ssyncset.done $0x0  }
0x139: {  	s8 =	sadd.s32 $0x100, s7;
	[sflag:s25] =	ssyncadd.s32 $0xFFFFC000  }
0x13a: {  	[tilespmem:s24], [sflag:$0x1] =	stream.indirect.gather [hbm4b:s6+s29], $0x80, s8, s29, $0xb8;
	[tilespmem:$0x1E400] =	vst v63  }
0x13b: {  	_ =	swait.ge [sflag:s28], $0x4000  }
.Ltmp7:
0x13c: {  	[sflag:s28] =	ssyncset.done $0x0;
	(pc) =	sbr.rel @p1 .LBB2_10-.Ltmp7, $4  }
0x13d: {  	s7 =	sadd.s32 $0x1480, s7;
	[sflag:s28] =	ssyncadd.s32 $0xFFFFC000  }
0x13e: {  	[spmem:s2] =	stream.indirect.scatter.add.f32 [tilespmem:s30], [sflag:$0x3], $0x80, s7, s29, $0xb8;
	[tilespmem:$0x1E400] =	vst v63  }
0x13f: {  	_ =	swait.ge [sflag:s25], $0x4000  }
0x140: {  	s8 =	smov.u32 s23;
	s7 =	sshra.s32 s15, $0x2;
	[sflag:s25] =	ssyncset.done $0x0  }
0x141: {  	s8 =	sadd.s32 $0x80, s7;
	[sflag:s25] =	ssyncadd.s32 $0xFFFFC000  }
0x142: {  	[tilespmem:s30], [sflag:$0x2] =	stream.indirect.gather [hbm4b:s6+s29], $0x80, s8, s29, $0xb8;
	[tilespmem:$0x1E400] =	vst v63  }
0x143: {  	_ =	swait.ge [sflag:s26], $0x4000  }
0x144: {  	[sflag:s26] =	ssyncset.done $0x0  }
0x145: {  	s15 =	sadd.s32 $0x1400, s7;
	[sflag:s26] =	ssyncadd.s32 $0xFFFFC000  }
0x146: {  	[spmem:s2] =	stream.indirect.scatter.add.f32 [tilespmem:s24], [sflag:$0x3], $0x80, s15, s29, $0xb8;
	[tilespmem:$0x1E400] =	vst v63  }
0x147: {  	_ =	swait.ge [sflag:s25], $0x4000  }
0x148: {  	[sflag:s25] =	ssyncset.done $0x0  }
0x149: {  	s23 =	sadd.s32 $0x100, s7;
	[sflag:s25] =	ssyncadd.s32 $0xFFFFC000  }
0x14a: {  	[tilespmem:s24], [sflag:$0x1] =	stream.indirect.gather [hbm4b:s6+s29], $0x80, s23, s29, $0xb8;
	[tilespmem:$0x1E400] =	vst v63  }
0x14b: {  	_ =	swait.ge [sflag:s28], $0x4000  }
0x14c: {  	[sflag:s28] =	ssyncset.done $0x0  }
0x14d: {  	s8 =	sadd.s32 $0x1480, s7;
	[sflag:s28] =	ssyncadd.s32 $0xFFFFC000  }
0x14e: {  	[spmem:s2] =	stream.indirect.scatter.add.f32 [tilespmem:s30], [sflag:$0x3], $0x80, s8, s29, $0xb8;
	[tilespmem:$0x1E400] =	vst v63  }
0x14f: {  	_ =	swait.ge [sflag:s25], $0x4000  }
0x150: {  	[sflag:s25] =	ssyncset.done $0x0  }
0x151: {  	[sflag:s25] =	ssyncadd.s32 $0xFFFFC000  }
0x152: {  	[tilespmem:s30], [sflag:$0x2] =	stream.indirect.gather [hbm4b:s6+s29], $0x80, s31, s29, $0xb8;
	[tilespmem:$0x1E400] =	vst v63  }
0x153: {  	_ =	swait.ge [sflag:s26], $0x4000  }
0x154: {  	[sflag:s26] =	ssyncset.done $0x0  }
0x155: {  	[sflag:s26] =	ssyncadd.s32 $0xFFFFC000  }
0x156: {  	[spmem:s2] =	stream.indirect.scatter.add.f32 [tilespmem:s24], [sflag:$0x3], $0x80, s0, s29, $0xb8;
	[tilespmem:$0x1E400] =	vst v63  }
0x157: {  	_ =	swait.ge [sflag:s25], $0x4000  }
0x158: {  	[sflag:s25] =	ssyncset.done $0x0  }
0x159: {  	[sflag:s25] =	ssyncadd.s32 $0xFFFFC000  }
0x15a: {  	_ =	swait.ge [sflag:s28], $0x4000  }
0x15b: {  	[sflag:s28] =	ssyncset.done $0x0  }
0x15c: {  	[sflag:s28] =	ssyncadd.s32 $0xFFFFC000  }
0x15d: {  	[spmem:s2] =	stream.indirect.scatter.add.f32 [tilespmem:s30], [sflag:$0x3], $0x80, s4, s29, $0xb8;
	[tilespmem:$0x1E400] =	vst v63  }
0x15e: {  	_ =	swait.ge [sflag:s25], $0x4000  }
0x15f: {  	[sflag:s25] =	ssyncset.done $0x0  }
0x160: {  	s9 =	simm.s32 $0x0;
	s15 =	rddreg [dreg:$0x7];
	[sflag:s25] =	ssyncadd.s32 $0xFFFFC000  }
0x161: {  	[tilespmem:s9], [sflag:$0x3] =	stream.linear.gather [hbm4b:s15+s9], $0x1400, $0x38;
	[tilespmem:$0x1E400] =	vst v63  }
0x162: {  	_ =	swait.ge [sflag:s25], $0x1400  }
0x163: {  	[sflag:s25] =	ssyncset.done $0x0  }
0x164: {  	s23 =	simm.s32 $0x1400;
	[sflag:s25] =	ssyncadd.s32 $0xFFFFEC00  }
0x165: {  	[tilespmem:s23], [sflag:$0x3] =	stream.linear.gather [hbm4b:s16+s9], $0x1400, $0x38;
	[tilespmem:$0x1E400] =	vst v63  }
0x166: {  	_ =	swait.ge [sflag:s25], $0x1400  }
0x167: {  	[sflag:s25] =	ssyncset.done $0x0  }
0x168: {  	[sflag:s25] =	ssyncadd.s32 $0xFFFFEC00  }
0x169: {  	[tilespmem:s24], [sflag:$0x1] =	stream.indirect.gather [hbm4b:s6+s29], $0x80, s9, s29, $0xb8;
	[tilespmem:$0x1E400] =	vst v63  }
0x16a: {  	s8 =	simm.s32 $0x80  }
0x16b: {  	[tilespmem:s30], [sflag:$0x2] =	stream.indirect.gather [hbm4b:s6+s29], $0x80, s8, s29, $0xb8;
	[tilespmem:$0x1E400] =	vst v63  }
0x16c: {  	_ =	swait.ge [sflag:s26], $0x4000  }
0x16d: {  	[sflag:s26] =	ssyncset.done $0x0  }
0x16e: {  	s9 =	simm.s32 $0x1400;
	[sflag:s26] =	ssyncadd.s32 $0xFFFFC000  }
0x16f: {  	[spmem:s2] =	stream.indirect.scatter.add.f32 [tilespmem:s24], [sflag:$0x3], $0x80, s9, s29, $0xb8;
	[tilespmem:$0x1E400] =	vst v63  }
0x170: {  	_ =	swait.ge [sflag:s25], $0x4000  }
0x171: {  	[sflag:s25] =	ssyncset.done $0x0  }
0x172: {  	s15 =	simm.s32 $0x100;
	[sflag:s25] =	ssyncadd.s32 $0xFFFFC000  }
0x173: {  	[tilespmem:s24], [sflag:$0x1] =	stream.indirect.gather [hbm4b:s6+s29], $0x80, s15, s29, $0xb8;
	[tilespmem:$0x1E400] =	vst v63  }
0x174: {  	_ =	swait.ge [sflag:s28], $0x4000  }
0x175: {  	[sflag:s28] =	ssyncset.done $0x0  }
0x176: {  	s23 =	simm.s32 $0x1480;
	[sflag:s28] =	ssyncadd.s32 $0xFFFFC000  }
0x177: {  	[spmem:s2] =	stream.indirect.scatter.add.f32 [tilespmem:s30], [sflag:$0x3], $0x80, s23, s29, $0xb8;
	[tilespmem:$0x1E400] =	vst v63  }
0x178: {  	_ =	swait.ge [sflag:s25], $0x4000  }
0x179: {  	s7 =	simm.s32 $0x100;
	s8 =	simm.s32 $0x800;
	[sflag:s25] =	ssyncset.done $0x0  }
.LBB2_12:
0x17a: {  	s9 =	sadd.s32 $0x80, s7  }
0x17b: {  	[sflag:s25] =	ssyncadd.s32 $0xFFFFC000;
	s15 =	smov.u32 s8;
	s23 =	sadd.s32 $0x400, s8  }
0x17c: {  	[tilespmem:s30], [sflag:$0x2] =	stream.indirect.gather [hbm4b:s6+s29], $0x80, s9, s29, $0xb8;
	[tilespmem:$0x1E400] =	vst v63  }
0x17d: {  	p1 =	sne.s32 s8, $0x4800;
	_ =	swait.ge [sflag:s26], $0x4000  }
0x17e: {  	[sflag:s26] =	ssyncset.done $0x0  }
0x17f: {  	s8 =	sadd.s32 $0x1400, s7;
	[sflag:s26] =	ssyncadd.s32 $0xFFFFC000  }
0x180: {  	[spmem:s2] =	stream.indirect.scatter.add.f32 [tilespmem:s24], [sflag:$0x3], $0x80, s8, s29, $0xb8;
	[tilespmem:$0x1E400] =	vst v63  }
0x181: {  	_ =	swait.ge [sflag:s25], $0x4000  }
0x182: {  	[sflag:s25] =	ssyncset.done $0x0  }
0x183: {  	s8 =	sadd.s32 $0x100, s7;
	[sflag:s25] =	ssyncadd.s32 $0xFFFFC000  }
0x184: {  	[tilespmem:s24], [sflag:$0x1] =	stream.indirect.gather [hbm4b:s6+s29], $0x80, s8, s29, $0xb8;
	[tilespmem:$0x1E400] =	vst v63  }
0x185: {  	_ =	swait.ge [sflag:s28], $0x4000  }
.Ltmp8:
0x186: {  	[sflag:s28] =	ssyncset.done $0x0;
	(pc) =	sbr.rel @p1 .LBB2_12-.Ltmp8, $4  }
0x187: {  	s7 =	sadd.s32 $0x1480, s7;
	[sflag:s28] =	ssyncadd.s32 $0xFFFFC000  }
0x188: {  	[spmem:s2] =	stream.indirect.scatter.add.f32 [tilespmem:s30], [sflag:$0x3], $0x80, s7, s29, $0xb8;
	[tilespmem:$0x1E400] =	vst v63  }
0x189: {  	_ =	swait.ge [sflag:s25], $0x4000  }
0x18a: {  	s8 =	smov.u32 s23;
	s7 =	sshra.s32 s15, $0x2;
	[sflag:s25] =	ssyncset.done $0x0  }
.Ltmp9:
0x18b: {  	_ = 	snop;
	(pc) =	sbr.rel .LBB2_13-.Ltmp9, $1  }
0x18c: {  	_ =	sdelay $0x3  }
.LBB2_15:
0x18d: {  	_ =	sfence.sel $0x180000  }
0x18e: {  	[bflag:$0x0] =	sbarrier.arrive $0xFFFF  }
0x18f: {  	_ =	strace $0x9000004D  }
0x190: {  	s0 =	stileid.u32;
	[bflag:$0x2] =	sbarrier.arrive $0xFFFF  }
0x191: {  	p0 =	sne.s32 s0, $0x0;
	s0 =	rddreg [dreg:$0x3]  }
0x192: {  	s0 =	sadd.s32 @!p0 $0x100000, s0  }
0x193: {  	[sflag:s0] =	ssyncadd.tile.s32 @!p0 $0x1;
	_ =	shalt  }
.Lfunc_end2:
_tile_overlayer_lowered:
.L_overlay_start_2:
0x194: {  	(tag) =	ssettag $0x2  }
0x195: {  	s0 =	rddreg [dreg:$0x0];
	s2 =	stileid.u32  }
0x196: {  	s1 =	rddreg [dreg:$0x1];
	p0 =	sne.s32 s2, $0x0  }
0x197: {  	s3 =	rddreg [dreg:$0x2];
	[bflag:$0x3] =	sbarrier.arrive $0xFFFF;
	s2 =	simm.s32 @!p0 $0x1C03  }
0x198: {  	[timem:s3], [sflag:s2] =	dma.local @!p0 [hbm:s0], s1  }
0x199: {  	s0 =	simm.s32 @!p0 $0x3  }
0x19a: {  	_ =	swait.ge @!p0 [sflag:s0], s1  }
0x19b: {  	s1 =	ssub.s32 @!p0 $0x0, s1;
	[sflag:s0] =	ssyncset.done @!p0 $0x0  }
0x19c: {  	[sflag:s0] =	ssyncadd.s32 @!p0 s1  }
0x19d: {  	[bflag:$0x3] =	sbarrier.arrive $0xFFFF  }
0x19e: {  	_ =	shalt  }

// kernel: kernel.8.cloned.1.call-start
scs
__scs_entry_jumppad:
0x0: {  	(pc) =	sbr.rel $0x88, $3  }
0x1: {  	(tag) =	ssettag $0x0;
	lr =	simm.s32 $0x1  }
0x2: {  	[smem:$0x3F9B] =	sst lr;
	_ =	strace $0xD0000000  }
0x3: {  	_ = 	snop  }
0x4: {  	_ = 	snop  }
0x5: {  	_ = 	snop  }
0x6: {  	_ = 	snop  }
0x7: {  	_ = 	snop  }
__scs_overlays_trampoline_lowered:
0x8: {  	[smem:$0x3FAA] =	sst s0  }
0x9: {  	[smem:$0x3FAB] =	sst s1  }
0xa: {  	[smem:$0x3FAC] =	sst s2  }
0xb: {  	[smem:$0x3FAD] =	sst s3  }
0xc: {  	[smem:$0x3FAE] =	sst s4  }
0xd: {  	[smem:$0x3FAF] =	sst s5  }
0xe: {  	[smem:$0x3FB0] =	sst s6  }
0xf: {  	[smem:$0x3FB1] =	sst s7  }
0x10: {  	[smem:$0x3FB2] =	sst s8  }
0x11: {  	[smem:$0x3FB3] =	sst s9;
	s0 =	simm.s32 @!p0 $0x0  }
0x12: {  	s1 =	sld [smem:$0x3F99];
	s0 =	simm.s32 @p0 $0x1  }
0x13: {  	[smem:$0x3FB4] =	sst s0;
	s0 =	simm.s32 @!p1 $0x0  }
0x14: {  	s2 =	sld [smem:$0x3F98];
	s0 =	simm.s32 @p1 $0x1  }
0x15: {  	[smem:$0x3FB5] =	sst s0;
	s0 =	simm.s32 @!p2 $0x0  }
0x16: {  	s3 =	sld [smem:$0x3FDB];
	s0 =	simm.s32 @p2 $0x1  }
0x17: {  	s4 =	simm.s32 $0x1BF5;
	[smem:$0x3FB7] =	sst s0  }
0x18: {  	s0 =	sld [smem:$0x3F9A];
	_ =	swait.ge [sflag:s4], $0x0  }
0x19: {  	s7 =	sld [smem:$0x3F9B]  }
0x1a: {  	s8 =	sadd.s32 $0xFFFFE003, lr  }
0x1b: {  	s9 =	sadd.s32 $0xFFFFFEF7, lr;
	s5 =	simm.s32 $0xFFFFFFFF;
	p2 =	slt.u32 s8, $0xFFFFF086  }
0x1c: {  	p1 =	slt.u32 s9, $0xF7A;
	s5 =	simm.s32 @!p2 $0x0  }
0x1d: {  	s5 =	simm.s32 @p1 $0x1;
	p0 =	seq.s32 s7, s2  }
0x1e: {  	s7 =	smul.u32 @!p0 $0xF7A, s2;
	p2 =	seq.s32 @!p0 s5, $0x0  }
0x1f: {  	s9 =	smul.u32 $0xF7A, s1;
	s8 =	simm.s32 @!p0 $0x1BF5;
	p2 =	por !p2, p0  }
0x20: {  	[sflag:s8] =	ssyncset.s32 @!p0 $0xFFFFF086;
	s6 =	sadd.s32 @!p0 s3, s7;
	s7 =	simm.s32 @!p0 $0x108  }
0x21: {  	s3 =	sadd.s32 s3, s9;
	s6 =	sadd.s32 @!p0 $0x88, s6;
	s7 =	simm.s32 @p2 $0x1082  }
0x22: {  	[simem:s7], [sflag:s8] =	dma.local @!p0 [hbm:s6], $0xF7A  }
0x23: {  	s9 =	sor.u32 $0xD0000000, s2;
	s6 =	simm.s32 $0x108;
	_ =	swait.ge @!p0 [sflag:s8], $0x0  }
0x24: {  	s3 =	sadd.s32 $0x88, s3;
	s6 =	simm.s32 @!p1 $0x1082;
	[sflag:s4] =	ssyncset.s32 $0xFFFFF086  }
0x25: {  	[simem:s6], [sflag:s4] =	dma.local [hbm:s3], $0xF7A  }
0x26: {  	[smem:$0x3F9B] =	sst s1;
	(tag) =	ssettag s2;
	_ =	strace s9  }
0x27: {  	s1 =	sld [smem:$0x3FAB]  }
0x28: {  	s2 =	sld [smem:$0x3FAC]  }
0x29: {  	s4 =	sld [smem:$0x3FAE]  }
0x2a: {  	p0 =	seq.s32 s5, $0x0;
	s5 =	sld [smem:$0x3FAF]  }
0x2b: {  	s6 =	sld [smem:$0x3FB0]  }
0x2c: {  	s7 =	sld [smem:$0x3FB1]  }
0x2d: {  	s3 =	simm.s32 $0x108;
	s8 =	sld [smem:$0x3FB2]  }
0x2e: {  	s3 =	simm.s32 @!p0 $0x1082;
	s9 =	sld [smem:$0x3FB3]  }
0x2f: {  	lr =	sadd.s32 s0, s3;
	s0 =	sld [smem:$0x3FAA]  }
0x30: {  	s3 =	sld [smem:$0x3FAD]  }
0x31: {  	[smem:$0x3FB6] =	sst s10  }
0x32: {  	s10 =	sld [smem:$0x3FB4];
	_ =	sdelay $0x3  }
0x33: {  	p0 =	seq.s32 s10, $0x1;
	s10 =	sld [smem:$0x3FB6];
	_ =	sdelay $0x3  }
0x34: {  	[smem:$0x3FB6] =	sst s10  }
0x35: {  	s10 =	sld [smem:$0x3FB5];
	_ =	sdelay $0x3  }
0x36: {  	p1 =	seq.s32 s10, $0x1;
	s10 =	sld [smem:$0x3FB6];
	_ =	sdelay $0x3  }
0x37: {  	[smem:$0x3FB6] =	sst s10  }
0x38: {  	s10 =	sld [smem:$0x3FB7]  }
0x39: {  	_ = 	snop;
	(pc) =	sbr.ind lr, $3  }
0x3a: {  	_ = 	snop  }
0x3b: {  	_ = 	snop  }
0x3c: {  	p2 =	seq.s32 s10, $0x1;
	s10 =	sld [smem:$0x3FB6]  }
0x3d: {  	_ =	shalt  }
0x3e: {  	_ =	shalt  }
0x3f: {  	_ =	shalt  }
0x40: {  	_ =	shalt  }
0x41: {  	_ =	shalt  }
0x42: {  	_ =	shalt  }
0x43: {  	_ =	shalt  }
0x44: {  	_ =	shalt  }
0x45: {  	_ =	shalt  }
0x46: {  	_ =	shalt  }
0x47: {  	_ =	shalt  }
0x48: {  	_ =	shalt  }
0x49: {  	_ =	shalt  }
0x4a: {  	_ =	shalt  }
0x4b: {  	_ =	shalt  }
0x4c: {  	_ =	shalt  }
0x4d: {  	_ =	shalt  }
0x4e: {  	_ =	shalt  }
0x4f: {  	_ =	shalt  }
0x50: {  	_ =	shalt  }
0x51: {  	_ =	shalt  }
0x52: {  	_ =	shalt  }
0x53: {  	_ =	shalt  }
0x54: {  	_ =	shalt  }
0x55: {  	_ =	shalt  }
0x56: {  	_ =	shalt  }
0x57: {  	_ =	shalt  }
0x58: {  	_ =	shalt  }
0x59: {  	_ =	shalt  }
0x5a: {  	_ =	shalt  }
0x5b: {  	_ =	shalt  }
0x5c: {  	_ =	shalt  }
0x5d: {  	_ =	shalt  }
0x5e: {  	_ =	shalt  }
0x5f: {  	_ =	shalt  }
0x60: {  	_ =	shalt  }
0x61: {  	_ =	shalt  }
0x62: {  	_ =	shalt  }
0x63: {  	_ =	shalt  }
0x64: {  	_ =	shalt  }
0x65: {  	_ =	shalt  }
0x66: {  	_ =	shalt  }
0x67: {  	_ =	shalt  }
0x68: {  	_ =	shalt  }
0x69: {  	_ =	shalt  }
0x6a: {  	_ =	shalt  }
0x6b: {  	_ =	shalt  }
0x6c: {  	_ =	shalt  }
0x6d: {  	_ =	shalt  }
0x6e: {  	_ =	shalt  }
0x6f: {  	_ =	shalt  }
0x70: {  	_ =	shalt  }
0x71: {  	_ =	shalt  }
0x72: {  	_ =	shalt  }
0x73: {  	_ =	shalt  }
0x74: {  	_ =	shalt  }
0x75: {  	_ =	shalt  }
0x76: {  	_ =	shalt  }
0x77: {  	_ =	shalt  }
0x78: {  	_ =	shalt  }
0x79: {  	_ =	shalt  }
0x7a: {  	_ =	shalt  }
0x7b: {  	_ =	shalt  }
0x7c: {  	_ =	shalt  }
0x7d: {  	_ =	shalt  }
0x7e: {  	_ =	shalt  }
0x7f: {  	_ =	shalt  }
0x80: {  	_ =	shalt  }
0x81: {  	_ =	shalt  }
0x82: {  	_ =	shalt  }
0x83: {  	_ =	shalt  }
0x84: {  	_ =	shalt  }
0x85: {  	_ =	shalt  }
0x86: {  	_ =	shalt  }
0x87: {  	_ =	shalt  }
.Lfunc_end0:
.L_simem_size_0:
called_computation_lowered:
.L_overlay_start_0:
0x88: {  	s2 =	sld [smem:$0x3FD9]  }
0x89: {  	s3 =	sld [smem:$0x3FFE];
	_ =	sdelay $0x1  }
0x8a: {  	s1 =	srdreg.scid  }
0x8b: {  	s0 =	sand.u32 $0x1, s1  }
0x8c: {  	s17 =	sshll.u32 s0, $0xA;
	s2 =	sadd.s32 s3, s2  }
0x8d: {  	s2 =	sadd.s32 s2, s17  }
0x8e: {  	[smem:$0x3FC2] =	sst s2  }
0x8f: {  	_ = 	snop  }
0x90: {  	s2 =	sld [smem:$0x3FD0];
	(tm) =	ssettm $0x1  }
0x91: {  	s18 =	sld [smem:$0x3FFB];
	_ =	sdelay $0x3  }
0x92: {  	_ =	strace s18  }
0x93: {  	s3 =	sld [smem:$0x3FFC];
	_ =	sdelay $0x3  }
0x94: {  	_ =	strace s3  }
0x95: {  	s3 =	sld [smem:$0x3FFD];
	_ =	sdelay $0x3  }
0x96: {  	_ =	strace s3  }
0x97: {  	_ =	strace $0x8FFFFFFF  }
0x98: {  	s19 =	sld [smem:$0x3FDB];
	_ =	sdelay $0x1  }
0x99: {  	s4 =	simm.s32 $_scs_section_size  }
0x9a: {  	s5 =	simm.s32 $_size__tile_overlayer_lowered;
	s6 =	simm.s32 $_tile_overlayer_lowered  }
0x9b: {  	s22 =	simm.s32 $0x1BFF;
	s21 =	sshll.u32 s6, $0x1;
	s3 =	sadd.s32 s4, s19  }
0x9c: {  	s7 =	simm.s32 $0x0;
	s20 =	sshll.u32 s5, $0x1;
	s5 =	sadd.s32 s21, s3  }
0x9d: {  	[timem:s7], [sflag:s22] =	dma.local [hbm:s5], s20  }
0x9e: {  	_ =	swait.ge [sflag:s22], s20  }
0x9f: {  	s4 =	ssub.s32 $0x0, s20;
	[sflag:s22] =	ssyncset.done $0x0  }
0xa0: {  	[sflag:s22] =	ssyncadd.s32 s4;
	_ =	sdelay $0x1  }
0xa1: {  	s23 =	simm.s32 $0x1B8B  }
0xa2: {  	_ =	swait.ge [sflag:s23], $0x1  }
0xa3: {  	[sflag:s23] =	ssyncset.done $0x0  }
0xa4: {  	s25 =	simm.s32 $0x1B8E;
	s24 =	sld [smem:$0x3FFE];
	[sflag:s23] =	ssyncadd.s32 $0xFFFFFFFF  }
0xa5: {  	s26 =	simm.s32 $execute0_lowered;
	[smem:$0x3FD2] =	sst s25  }
0xa6: {  	s5 =	sshll.u32 s26, $0x1;
	_ =	strace $0x80000046;
	[dreg:$0x1] =	wrdreg $0xFFFFFFFF  }
0xa7: {  	s28 =	simm.s32 $_size_execute0_lowered;
	s3 =	sadd.s32 s3, s5;
	[dreg:$0x0] =	wrdreg $0x0  }
0xa8: {  	s5 =	sshll.u32 s28, $0x1;
	[dreg:$0x2] =	wrdreg s3  }
0xa9: {  	[dreg:$0x3] =	wrdreg s5  }
0xaa: {  	[dreg:$0x4] =	wrdreg $0xC0  }
0xab: {  	_ =	task [dreg:s7], $0x5FFFF  }
0xac: {  	[dreg:$0x1] =	wrdreg $0xFFFFFFFF  }
0xad: {  	[dreg:$0x0] =	wrdreg $0x60  }
0xae: {  	[dreg:$0x2] =	wrdreg s24  }
0xaf: {  	[dreg:$0x3] =	wrdreg s2  }
0xb0: {  	[dreg:$0x4] =	wrdreg $0x52800  }
0xb1: {  	[dreg:$0x5] =	wrdreg $0x9  }
0xb2: {  	_ =	task.clear_ibuf [dreg:s7], $0x6FFFF;
	_ =	strace $0x90000046  }
0xb3: {  	s29 =	simm.s32 $0x9;
	_ =	strace $0x80000048  }
0xb4: {  	_ =	swait.ge [sflag:s29], $0x1  }
0xb5: {  	[sflag:s29] =	ssyncadd.s32 $0xFFFFFFFF  }
0xb6: {  	_ =	strace $0x90000048  }
0xb7: {  	_ =	sfence  }
0xb8: {  	s30 =	sld [smem:$0x0];
	_ =	sdelay $0x2  }
0xb9: {  	s31 =	sshll.u32 s1, $0xD;
	s1 =	sshrl.u32 s1, $0x2  }
0xba: {  	s3 =	sand.u32 $0x4000, s31;
	s1 =	sadd.s32 s1, s30  }
0xbb: {  	s0 =	sor.u32 s3, s0;
	s1 =	sshll.u32 s1, $0x11  }
0xbc: {  	s0 =	sor.u32 s1, s0  }
0xbd: {  	s0 =	sadd.s32 $0x8F2B, s0  }
0xbe: {  	[sflag:s0] =	ssyncadd.remote.s32 $0x1  }
0xbf: {  	_ =	sfence.sel $0xFFFF  }
0xc0: {  	[dreg:$0x0] =	wrdreg $0xFFFFFFFF;
	(pc) =	sbr.abs _section_cstart, $3  }
0xc1: {  	[dreg:$0x1] =	wrdreg $0xFFFFFFFF  }
0xc2: {  	_ =	task.clear_ibuf [dreg:s7], $0x2FFFF;
	_ =	strace $0x9FFFFFFF  }
0xc3: {  	(tm) =	ssettm $0x7FFFFFFF  }
tec
execute0_lowered:
.L_overlay_start_1:
0x0: {  	(tag) =	ssettag $0x1  }
0x1: {  	s5 =	rddreg [dreg:$0x0]  }
0x2: {  	s2 =	rddreg [dreg:$0x1]  }
0x3: {  	s3 =	rddreg [dreg:$0x2]  }
0x4: {  	s0 =	rddreg [dreg:$0x3];
	s1 =	stileid.u32;
	s4 =	simm.s32 $0x0  }
0x5: {  	s7 =	srdreg.scid;
	s16 =	simm.s32 $0x1;
	s17 =	simm.s32 $0x80  }
0x6: {  	s18 =	simm.s32 $0x5000;
	s19 =	simm.s32 $0x0;
	s6 =	smul.u32 $0x500, s1  }
0x7: {  	[smem:$0x7FF] =	sst s4;
	s15 =	sand.u32 $0x1, s7;
	s12 =	smul.u32 $0x278, s1  }
0x8: {  	_ =	strace $0x80000047;
	s7 =	ssub.s32 $0x2, s15;
	p0 =	sne.s32 s15, $0x0  }
.Ltmp0:
0x9: {  	s15 =	simm.s32 $0x2800;
	s13 =	sadd.s32 s6, s5;
	(pc) =	sbr.rel .LBB2_1-.Ltmp0, $4  }
0xa: {  	s5 =	sadd.s32 $0xD600, s5;
	s8 =	sshrl.u32 s7, $0x1;
	s6 =	sadd.s32 s12, s3  }
0xb: {  	s12 =	sshrl.u32 s12, $0x3;
	s14 =	ssub.s32 s7, s8;
	s7 =	sadd.s32 $0x80, s6  }
0xc: {  	s8 =	sadd.s32 $0x100, s6;
	s9 =	sadd.s32 $0x180, s6;
	s10 =	sadd.s32 $0x200, s6  }
0xd: {  	v0 =	vimm.f32 $1.000000000e+00;
	s11 =	sadd.s32 $0x3600, s13;
	s13 =	sadd.s32 $0x8600, s13;
	s14 =	smax.u32 s14, $0x1  }
.LBB2_9:
0xe: {  	[sflag:s16] =	ssyncset.done $0x0  }
0xf: {  	s20 =	smov.u32 s5;
	[sflag:s16] =	ssyncadd.s32 $0xFFFFFF80  }
.LBB2_10:
0x10: {  	[bflag:$0x0] =	sbarrier.arrive $0xFFFF  }
0x11: {  	[tilespmem:s18], [sflag:$0x1] =	stream.linear.gather [spmem:s6], $0x278, $0x38;
	[tilespmem:$0x54F8] =	vst v63  }
0x12: {  	s19 =	sadd.s32 $0x1, s19;
	_ =	swait.ge [sflag:s16], $0x278  }
0x13: {  	p1 =	sne.s32 s19, s14;
	[sflag:s16] =	ssyncset.done $0x0  }
.Ltmp1:
0x14: {  	s20 =	sadd.s32 s20, s12;
	[sflag:s16] =	ssyncadd.s32 $0xFFFFFD88;
	(pc) =	sbr.rel @!p1 .LBB2_11-.Ltmp1, $4  }
0x15: {  	[hbm4b:s20+s4] =	stream.linear.scatter [tilespmem:s18], [sflag:$0x1], $0x278, $0x38;
	[tilespmem:$0x54F8] =	vst v63  }
0x16: {  	_ =	swait.ge [sflag:s16], $0x278  }
0x17: {  	[sflag:s16] =	ssyncset.done $0x0  }
0x18: {  	[sflag:s16] =	ssyncadd.s32 $0xFFFFFD88  }
.LBB2_1:
0x19: {  	s20 =	simm.s32 $0x0;
	s21 =	simm.s32 $0x200  }
.LBB2_2:
0x1a: {  	p1 =	sne.s32 s21, $0x9E00;
	[tilespmem:s20+$0x2870] =	vst v0  }
0x1b: {  	[tilespmem:s20+$0x2800] =	vst v0  }
0x1c: {  	[tilespmem:s20+$0x2810] =	vst v0  }
.Ltmp2:
0x1d: {  	[tilespmem:s20+$0x2820] =	vst v0;
	(pc) =	sbr.rel @p1 .LBB2_2-.Ltmp2, $4  }
0x1e: {  	[tilespmem:s20+$0x2830] =	vst v0  }
0x1f: {  	[tilespmem:s20+$0x2840] =	vst v0  }
0x20: {  	[tilespmem:s20+$0x2850] =	vst v0  }
0x21: {  	[tilespmem:s20+$0x2860] =	vst v0;
	s20 =	sshra.s32 s21, $0x2;
	s21 =	sadd.s32 $0x200, s21  }
0x22: {  	[tilespmem:s20+$0x2870] =	vst v0  }
0x23: {  	[tilespmem:s20+$0x2800] =	vst v0  }
0x24: {  	[tilespmem:s20+$0x2810] =	vst v0  }
0x25: {  	[tilespmem:s20+$0x2820] =	vst v0  }
0x26: {  	[tilespmem:s20+$0x2830] =	vst v0  }
0x27: {  	[tilespmem:s20+$0x2840] =	vst v0  }
0x28: {  	[tilespmem:s20+$0x2850] =	vst v0  }
0x29: {  	[tilespmem:s20+$0x2860] =	vst v0  }
0x2a: {  	[spmem:s6] =	stream.linear.scatter [tilespmem:s15], [sflag:$0x1], $0x80, $0x38;
	[tilespmem:$0x54F8] =	vst v63  }
0x2b: {  	_ =	swait.ge [sflag:s16], $0x80  }
0x2c: {  	[sflag:s16] =	ssyncset.done $0x0  }
0x2d: {  	[sflag:s16] =	ssyncadd.s32 $0xFFFFFF80  }
0x2e: {  	[spmem:s7] =	stream.linear.scatter [tilespmem:s15], [sflag:$0x1], $0x80, $0x38;
	[tilespmem:$0x54F8] =	vst v63  }
0x2f: {  	_ =	swait.ge [sflag:s16], $0x80  }
0x30: {  	[sflag:s16] =	ssyncset.done $0x0  }
0x31: {  	[sflag:s16] =	ssyncadd.s32 $0xFFFFFF80  }
0x32: {  	[spmem:s8] =	stream.linear.scatter [tilespmem:s15], [sflag:$0x1], $0x80, $0x38;
	[tilespmem:$0x54F8] =	vst v63  }
0x33: {  	_ =	swait.ge [sflag:s16], $0x80  }
0x34: {  	[sflag:s16] =	ssyncset.done $0x0  }
0x35: {  	[sflag:s16] =	ssyncadd.s32 $0xFFFFFF80  }
0x36: {  	[spmem:s9] =	stream.linear.scatter [tilespmem:s15], [sflag:$0x1], $0x80, $0x38;
	[tilespmem:$0x54F8] =	vst v63  }
0x37: {  	_ =	swait.ge [sflag:s16], $0x80  }
0x38: {  	[sflag:s16] =	ssyncset.done $0x0  }
0x39: {  	[sflag:s16] =	ssyncadd.s32 $0xFFFFFF80  }
0x3a: {  	[spmem:s10] =	stream.linear.scatter [tilespmem:s15], [sflag:$0x1], $0x78, $0x38;
	[tilespmem:$0x54F8] =	vst v63  }
.Ltmp3:
0x3b: {  	_ =	swait.ge [sflag:s16], $0x78;
	(pc) =	sbr.rel @p0 .LBB2_7-.Ltmp3, $4  }
0x3c: {  	[sflag:s16] =	ssyncset.done $0x0  }
0x3d: {  	[sflag:s16] =	ssyncadd.s32 $0xFFFFFF88  }
0x3e: {  	[bflag:$0x0] =	sbarrier.arrive $0xFFFF  }
0x3f: {  	s20 =	simm.s32 $0x0  }
0x40: {  	[tilespmem:s20], [sflag:$0x1] =	stream.linear.gather [hbm4b:s13+s20], $0x2800, $0x38;
	[tilespmem:$0x54F8] =	vst v63  }
0x41: {  	_ =	swait.ge [sflag:s16], $0x2800  }
0x42: {  	[sflag:s16] =	ssyncset.done $0x0  }
0x43: {  	s31 =	simm.s32 $0x0;
	s21 =	simm.s32 $0x2800;
	[sflag:s16] =	ssyncadd.s32 $0xFFFFD800  }
0x44: {  	[spmem:s3] =	stream.indirect.scatter.add.f32 [tilespmem:s21], [sflag:$0x1], $0x1, s31, s17, $0xb8;
	[tilespmem:$0x54F8] =	vst v63  }
0x45: {  	s20 =	simm.s32 $0x200;
	_ =	swait.ge [sflag:s16], $0x80  }
.LBB2_5:
0x46: {  	s21 =	sshra.s32 s20, $0x2;
	[sflag:s16] =	ssyncset.done $0x0;
	p1 =	seq.s32 s20, $0x9E00  }
.Ltmp4:
0x47: {  	s22 =	sadd.s32 $0x2800, s21;
	[sflag:s16] =	ssyncadd.s32 $0xFFFFFF80;
	(pc) =	sbr.rel @!p1 .LBB2_5-.Ltmp4, $3  }
0x48: {  	[spmem:s3] =	stream.indirect.scatter.add.f32 [tilespmem:s22], [sflag:$0x1], $0x1, s21, s17, $0xb8;
	[tilespmem:$0x54F8] =	vst v63  }
0x49: {  	s20 =	sadd.s32 $0x200, s20;
	_ =	sdelay $0x1  }
0x4a: {  	_ =	swait.ge [sflag:s16], $0x80  }
.Ltmp5:
0x4b: {  	(pc) =	sbr.rel .LBB2_10-.Ltmp5, $3  }
0x4c: {  	_ =	sdelay $0x1  }
0x4d: {  	[sflag:s16] =	ssyncset.done $0x0  }
0x4e: {  	s20 =	smov.u32 s2;
	[sflag:s16] =	ssyncadd.s32 $0xFFFFFF80  }
.LBB2_7:
0x4f: {  	[tilespmem:s20], [sflag:$0x1] =	stream.linear.gather [hbm4b:s11+s20], $0x2800, $0x38;
	[tilespmem:$0x54F8] =	vst v63  }
0x50: {  	_ =	swait.ge [sflag:s16], $0x2800  }
0x51: {  	[sflag:s16] =	ssyncset.done $0x0  }
0x52: {  	s31 =	simm.s32 $0x0;
	s21 =	simm.s32 $0x2800;
	[sflag:s16] =	ssyncadd.s32 $0xFFFFD800  }
0x53: {  	[spmem:s3] =	stream.indirect.scatter.add.f32 [tilespmem:s21], [sflag:$0x1], $0x1, s31, s17, $0xb8;
	[tilespmem:$0x54F8] =	vst v63  }
0x54: {  	s20 =	simm.s32 $0x200;
	_ =	swait.ge [sflag:s16], $0x80  }
.LBB2_8:
0x55: {  	s21 =	sshra.s32 s20, $0x2;
	[sflag:s16] =	ssyncset.done $0x0;
	p1 =	sne.s32 s20, $0x9E00  }
.Ltmp6:
0x56: {  	s22 =	sadd.s32 $0x2800, s21;
	[sflag:s16] =	ssyncadd.s32 $0xFFFFFF80;
	(pc) =	sbr.rel @p1 .LBB2_8-.Ltmp6, $3  }
0x57: {  	[spmem:s3] =	stream.indirect.scatter.add.f32 [tilespmem:s22], [sflag:$0x1], $0x1, s21, s17, $0xb8;
	[tilespmem:$0x54F8] =	vst v63  }
0x58: {  	s20 =	sadd.s32 $0x200, s20;
	_ =	sdelay $0x1  }
0x59: {  	_ =	swait.ge [sflag:s16], $0x80  }
.Ltmp7:
0x5a: {  	_ = 	snop;
	(pc) =	sbr.rel .LBB2_9-.Ltmp7, $1  }
0x5b: {  	_ =	sdelay $0x3  }
.LBB2_11:
0x5c: {  	_ =	sfence.sel $0x180000  }
0x5d: {  	[bflag:$0x0] =	sbarrier.arrive $0xFFFF  }
0x5e: {  	p0 =	sne.s32 s1, $0x0;
	_ =	strace $0x90000047  }
0x5f: {  	s0 =	sadd.s32 @!p0 $0x100000, s0;
	[bflag:$0x2] =	sbarrier.arrive $0xFFFF  }
0x60: {  	[sflag:s0] =	ssyncadd.tile.s32 @!p0 $0x1;
	_ =	shalt  }
.Lfunc_end2:
_tile_overlayer_lowered:
.L_overlay_start_2:
0x61: {  	(tag) =	ssettag $0x2  }
0x62: {  	s0 =	rddreg [dreg:$0x0];
	s2 =	stileid.u32  }
0x63: {  	s1 =	rddreg [dreg:$0x1];
	p0 =	sne.s32 s2, $0x0  }
0x64: {  	s3 =	rddreg [dreg:$0x2];
	[bflag:$0x3] =	sbarrier.arrive $0xFFFF;
	s2 =	simm.s32 @!p0 $0x1C01  }
0x65: {  	[timem:s3], [sflag:s2] =	dma.local @!p0 [hbm:s0], s1  }
0x66: {  	s0 =	simm.s32 @!p0 $0x1  }
0x67: {  	_ =	swait.ge @!p0 [sflag:s0], s1  }
0x68: {  	s1 =	ssub.s32 @!p0 $0x0, s1;
	[sflag:s0] =	ssyncset.done @!p0 $0x0  }
0x69: {  	[sflag:s0] =	ssyncadd.s32 @!p0 s1  }
0x6a: {  	[bflag:$0x3] =	sbarrier.arrive $0xFFFF  }
0x6b: {  	_ =	shalt  }

</sc_bundles>
